<compile_context>
chip_gen: v7x
topology: tpu7x:2x2x1
jax: 0.10.2.dev20260603
libtpu: 0.0.44.dev20260713+nightly
codegen_flags: <defaults>
</compile_context>

<pallas_src>
import functools

import jax
import jax.numpy as jnp
import numpy as np
from jax import lax
from jax.experimental import pallas as pl
from jax.experimental.pallas import tpu as pltpu
from jax.experimental.pallas import tpu_sc as plsc

N_NODES = 10000
N_EDGES = 320000
HID = 128
RAD = 16

BN = 1000
BE = 2560

_S3 = float(np.sqrt(3.0))


def _silu(x):
    return x / (1.0 + jnp.exp(-x))



def _pq_body(nf_ref, w1a_ref, w1b_ref, p_ref, q_ref):
    x = nf_ref[...]
    p_ref[...] = jnp.dot(x, w1a_ref[...], preferred_element_type=jnp.float32)
    q_ref[...] = jnp.dot(x, w1b_ref[...], preferred_element_type=jnp.float32)


def _node_proj(node_feat, w1a, w1b):
    grid = N_NODES // BN
    return pl.pallas_call(
        _pq_body,
        grid=(grid,),
        in_specs=[
            pl.BlockSpec((BN, HID), lambda i: (i, 0)),
            pl.BlockSpec((HID, HID), lambda i: (0, 0)),
            pl.BlockSpec((HID, HID), lambda i: (0, 0)),
        ],
        out_specs=[
            pl.BlockSpec((BN, HID), lambda i: (i, 0)),
            pl.BlockSpec((BN, HID), lambda i: (i, 0)),
        ],
        out_shape=[
            jax.ShapeDtypeStruct((N_NODES, HID), jnp.float32),
            jax.ShapeDtypeStruct((N_NODES, HID), jnp.float32),
        ],
    )(node_feat, w1a, w1b)



NC = 2
NS = 16
NW = NC * NS
EPW = N_EDGES // NW
GC = 80
NCHUNK = EPW // GC


NBUF = 5
NGRP = NCHUNK // NBUF


def _gather_body(p_hbm, q_hbm, row_hbm, col_hbm, g_hbm, *scr):
    idxr = scr[0:NBUF]
    idxc = scr[NBUF:2 * NBUF]
    bufp = scr[2 * NBUF:3 * NBUF]
    bufq = scr[3 * NBUF:4 * NBUF]
    sem_i, sem_g, sem_w = scr[4 * NBUF:4 * NBUF + 3]
    c = lax.axis_index("c")
    s = lax.axis_index("s")
    wid = s * NC + c
    base = wid * EPW

    def fire_idx(g):
        for b in range(NBUF):
            off = base + (g * NBUF + b) * GC
            pltpu.async_copy(row_hbm.at[pl.ds(off, GC)], idxr[b], sem_i)
            pltpu.async_copy(col_hbm.at[pl.ds(off, GC)], idxc[b], sem_i)

    fire_idx(0)

    def group(g, carry):
        for b in range(NBUF):
            pltpu.make_async_copy(row_hbm.at[pl.ds(base, GC)], idxr[b], sem_i).wait()
            pltpu.make_async_copy(col_hbm.at[pl.ds(base, GC)], idxc[b], sem_i).wait()

        @pl.when(g > 0)
        def _():
            for b in range(NBUF):
                pltpu.make_async_copy(bufp[b], g_hbm.at[pl.ds(base, GC)], sem_w).wait()

        handles = []
        for b in range(NBUF):
            handles.append(pltpu.async_copy(p_hbm.at[idxr[b]], bufp[b], sem_g))
            handles.append(pltpu.async_copy(q_hbm.at[idxc[b]], bufq[b], sem_g))

        for b in range(NBUF):
            handles[2 * b].wait()
            handles[2 * b + 1].wait()
            if b == NBUF - 1:
                @pl.when(g + 1 < NGRP)
                def _():
                    fire_idx(g + 1)
            bp = bufp[b]
            bq = bufq[b]

            def addrow(i, carry2, bp=bp, bq=bq):
                for l in range(8):
                    plsc.addupdate(bp.at[i, pl.ds(l * 16, 16)],
                                   bq[i, pl.ds(l * 16, 16)])
                return carry2

            lax.fori_loop(0, GC, addrow, 0, unroll=4)
            off = base + (g * NBUF + b) * GC
            pltpu.async_copy(bp, g_hbm.at[pl.ds(off, GC)], sem_w)
        return carry

    lax.fori_loop(0, NGRP, group, 0)
    for b in range(NBUF):
        pltpu.make_async_copy(bufp[b], g_hbm.at[pl.ds(base, GC)], sem_w).wait()


def _sc_gather_add(p, q, row, col):
    mesh = plsc.VectorSubcoreMesh(core_axis_name="c", subcore_axis_name="s")
    fn = functools.partial(
        pl.kernel,
        mesh=mesh,
        out_type=jax.ShapeDtypeStruct((N_EDGES, HID), jnp.float32),
        scratch_types=(
            [pltpu.VMEM((GC,), jnp.int32)] * (2 * NBUF)
            + [pltpu.VMEM((GC, HID), jnp.float32)] * (2 * NBUF)
            + [pltpu.SemaphoreType.DMA] * 3
        ),
    )(_gather_body)
    return fn(p, q, row, col)



WOUT = 128
N_ACC = 10240
NPW = N_ACC // NS
SCC = 80
SK = 5
NSUPER = NCHUNK // SK
NZP = NPW // SCC


def _scatter_body(oute_hbm, row_hbm, acc_hbm, *scr):
    idx_v = scr[0:2]
    rows_v = scr[2:4]
    zrow_v, shared, sem_l, sem_a = scr[4:8]
    c = lax.axis_index("c")
    s = lax.axis_index("s")
    wid = s * NC + c
    base = wid * EPW

    def z1(t, carry):
        i = t // 8
        l = (t % 8) * 16
        zrow_v[i, pl.ds(l, 16)] = jnp.zeros((16,), jnp.float32)
        return carry

    lax.fori_loop(0, SCC * 8, z1, 0)

    def zpiece(i, carry):
        pltpu.sync_copy(zrow_v, shared.at[pl.ds(s * NPW + i * SCC, SCC)])
        return carry

    lax.fori_loop(0, NZP, zpiece, 0)
    plsc.subcore_barrier()

    def fire_loads(k, b):
        e0 = base + k * SCC
        pltpu.async_copy(row_hbm.at[pl.ds(e0, SCC)], idx_v[b], sem_l)
        pltpu.async_copy(oute_hbm.at[pl.ds(e0, SCC)], rows_v[b], sem_l)

    def wait_loads(b):
        pltpu.make_async_copy(row_hbm.at[pl.ds(base, SCC)], idx_v[b], sem_l).wait()
        pltpu.make_async_copy(oute_hbm.at[pl.ds(base, SCC)], rows_v[b], sem_l).wait()

    def wait_add(b):
        pltpu.make_async_copy(rows_v[b], shared.at[idx_v[b]], sem_a).wait()

    fire_loads(0, 0)

    def pair(gg, carry):
        for b in range(2):
            k = gg * 2 + b

            @pl.when(k > 0)
            def _(b=b):
                wait_add(1 - b)

            fire_loads(k + 1, 1 - b)
            wait_loads(b)
            pltpu.async_copy(rows_v[b], shared.at[idx_v[b]], sem_a, add=True)
        return carry

    lax.fori_loop(0, NCHUNK // 2, pair, 0)
    wait_add(1)
    wait_loads(0)
    pltpu.async_copy(rows_v[0], shared.at[idx_v[0]], sem_a, add=True)
    wait_add(0)
    plsc.subcore_barrier()

    def wpiece(i, carry):
        off = s * NPW + i * SCC
        pltpu.sync_copy(shared.at[pl.ds(off, SCC)], zrow_v)
        pltpu.sync_copy(zrow_v, acc_hbm.at[c].at[pl.ds(off, SCC)])
        return carry

    lax.fori_loop(0, NZP, wpiece, 0)


def _sc_scatter(out_e, row):
    mesh = plsc.VectorSubcoreMesh(core_axis_name="c", subcore_axis_name="s")
    fn = functools.partial(
        pl.kernel,
        mesh=mesh,
        out_type=jax.ShapeDtypeStruct((NC, N_ACC, WOUT), jnp.float32),
        scratch_types=[
            pltpu.VMEM((SCC,), jnp.int32),
            pltpu.VMEM((SCC,), jnp.int32),
            pltpu.VMEM((SCC, WOUT), jnp.float32),
            pltpu.VMEM((SCC, WOUT), jnp.float32),
            pltpu.VMEM((SCC, WOUT), jnp.float32),
            pltpu.VMEM_SHARED((N_ACC, WOUT), jnp.float32),
            pltpu.SemaphoreType.DMA,
            pltpu.SemaphoreType.DMA,
        ],
    )(_scatter_body)
    return fn(out_e, row)



def _edge_body(g_ref, rad_ref, dpt_ref, w1c_ref, b1_ref, w2p_ref, b2p_ref, out_ref):
    g = g_ref[...]
    rad = rad_ref[...]
    pre = g + jnp.dot(rad, w1c_ref[...], preferred_element_type=jnp.float32) + b1_ref[...]
    h = _silu(pre)
    wt = _silu(
        lax.dot_general(w2p_ref[...], h, (((0,), (1,)), ((), ())),
                        preferred_element_type=jnp.float32) + b2p_ref[...])
    d = dpt_ref[...]
    rinv = lax.rsqrt(jnp.sum(d * d, axis=0, keepdims=True))
    v = d * rinv
    vx, vy, vz = v[0:1], v[1:2], v[2:3]
    w0, w1_, w2_ = wt[0:1], wt[1:2], wt[2:3]
    one = jnp.ones_like(vx)
    zero = jnp.zeros_like(vx)
    rows = [
        w0,
        w1_ * vx, w1_ * vy, w1_ * vz,
        w2_ * (_S3 * vx * vz),
        w2_ * (_S3 * vx * vy),
        w2_ * (vy * vy - 0.5 * (vx * vx + vz * vz)),
        w2_ * (_S3 * vy * vz),
        w2_ * (0.5 * _S3 * (vz * vz - vx * vx)),
        one,
        zero, zero, zero, zero, zero, zero,
    ]
    out_t = jnp.concatenate(rows, axis=0)
    eye = jnp.eye(16, WOUT, dtype=jnp.float32)
    out_ref[...] = lax.dot_general(out_t, eye, (((0,), (0,)), ((), ())),
                                   preferred_element_type=jnp.float32)


def _edge_compute(g, radial, dpt8, w1c, b1r, w2p, b2p):
    grid = N_EDGES // BE
    return pl.pallas_call(
        _edge_body,
        grid=(grid,),
        in_specs=[
            pl.BlockSpec((BE, HID), lambda i: (i, 0)),
            pl.BlockSpec((BE, RAD), lambda i: (i, 0)),
            pl.BlockSpec((8, BE), lambda i: (0, i)),
            pl.BlockSpec((RAD, HID), lambda i: (0, 0)),
            pl.BlockSpec((1, HID), lambda i: (0, 0)),
            pl.BlockSpec((HID, 8), lambda i: (0, 0)),
            pl.BlockSpec((8, 1), lambda i: (0, 0)),
        ],
        out_specs=pl.BlockSpec((BE, WOUT), lambda i: (i, 0)),
        out_shape=jax.ShapeDtypeStruct((N_EDGES, WOUT), jnp.float32),
    )(g, radial, dpt8, w1c, b1r, w2p, b2p)



def _fin_body(s_ref, out_ref):
    s = s_ref[0, :N_NODES, :16] + s_ref[1, :N_NODES, :16]
    cnt = jnp.maximum(s[:, 9:10], 1.0)
    out_ref[...] = s[:, 0:9] / cnt


def _finalize(partials):
    return pl.pallas_call(
        _fin_body,
        out_shape=jax.ShapeDtypeStruct((N_NODES, 9), jnp.float32),
    )(partials)



def kernel(node_feat, diff_pos, edge_index, radial, W1, b1, W2, b2):
    row = edge_index[0]
    col = edge_index[1]
    w1a = W1[:HID]
    w1b = W1[HID:2 * HID]
    w1c = W1[2 * HID:]
    p, q = _node_proj(node_feat, w1a, w1b)

    g = _sc_gather_add(p, q, row, col)

    dpt8 = jnp.concatenate(
        [diff_pos.T, jnp.zeros((5, N_EDGES), jnp.float32)], axis=0)
    w2p = jnp.concatenate([W2, jnp.zeros((HID, 5), jnp.float32)], axis=1)
    b2p = jnp.concatenate([b2, jnp.zeros((5,), jnp.float32)]).reshape(8, 1)
    out_e = _edge_compute(g, radial, dpt8, w1c, b1.reshape(1, HID), w2p, b2p)

    partials = _sc_scatter(out_e, row)

    return _finalize(partials)

# --- scband reference (transcript-rebuilt; emitter-appended) ---
"""Pipeline reference for scband-sh-init-27384711479758 (READ-ONLY COPY).

The authoritative reference and input builder live on the scoring server;
editing this copy changes nothing except your own understanding.
"""

import jax, jax.numpy as jnp
import numpy as np

N_NODES = 10000
N_EDGES = 320000
HID = 128
RAD = 16
SH_DIM = 9  # (max_ell+1)^2 with max_ell=2
W_NUMEL = 3  # one path weight per l in {0,1,2}


def _spherical_harmonics_l2_norm(diff):
    # e3nn SphericalHarmonics(normalize=True, normalization='norm'), lmax=2.
    # Raw e3nn _spherical_harmonics of the normalized vector is exactly 'norm'
    # normalized (||Y_l(unit)|| = 1 per l block).
    r = jnp.sqrt(jnp.sum(diff * diff, axis=-1, keepdims=True))
    v = diff / r
    x, y, z = v[..., 0], v[..., 1], v[..., 2]
    s3 = np.sqrt(3.0)
    sh0 = jnp.ones_like(x)
    sh1_0, sh1_1, sh1_2 = x, y, z
    sh2_0 = s3 * x * z
    sh2_1 = s3 * x * y
    sh2_2 = y * y - 0.5 * (x * x + z * z)
    sh2_3 = s3 * y * z
    sh2_4 = (s3 / 2.0) * (z * z - x * x)
    return jnp.stack([sh0, sh1_0, sh1_1, sh1_2, sh2_0, sh2_1, sh2_2, sh2_3, sh2_4], axis=-1)


def setup_inputs(seed: int = 0) -> dict:
    key = jax.random.key(seed)
    ks = jax.random.split(key, 8)
    node_feat = jax.random.normal(ks[0], (N_NODES, HID), dtype=jnp.float32)
    diff_pos = jax.random.normal(ks[1], (N_EDGES, 3), dtype=jnp.float32)
    edge_index = jax.random.randint(ks[2], (2, N_EDGES), 0, N_NODES)
    radial = jax.random.normal(ks[3], (N_EDGES, RAD), dtype=jnp.float32)
    in_dim = 2 * HID + RAD
    W1 = jax.random.normal(ks[4], (in_dim, HID), dtype=jnp.float32) / np.sqrt(in_dim)
    b1 = jnp.zeros((HID,), dtype=jnp.float32)
    W2 = jax.random.normal(ks[5], (HID, W_NUMEL), dtype=jnp.float32) / np.sqrt(HID)
    b2 = jnp.zeros((W_NUMEL,), dtype=jnp.float32)
    return {"node_feat": node_feat, "diff_pos": diff_pos, "edge_index": edge_index,
            "radial": radial, "W1": W1, "b1": b1, "W2": W2, "b2": b2}


def reference(node_feat, diff_pos, edge_index, radial, W1, b1, W2, b2):
    row = edge_index[0]
    col = edge_index[1]
    # message MLP: cat(src, dst, radial) -> SiLU(Linear) -> SiLU(Linear) (last_act=True)
    msg = jnp.concatenate([node_feat[row], node_feat[col], radial], axis=-1)
    h = jax.nn.silu(msg @ W1 + b1)
    w = jax.nn.silu(h @ W2 + b2)  # (E, 3) per-edge TP weights
    # spherical harmonics of normalized relative positions, detached
    diff_sh = jax.lax.stop_gradient(_spherical_harmonics_l2_norm(diff_pos))
    # FullyConnectedTensorProduct(sh_irreps, '1x0e', sh_irreps, shared_weights=False):
    # each l-block is scaled by its per-edge path weight; path_weight sqrt(2l+1)
    # cancels the 1/sqrt(2l+1) in w3j(l,0,l), giving coefficient exactly 1.
    coeff = jnp.concatenate([w[:, 0:1],
                             jnp.repeat(w[:, 1:2], 3, axis=1),
                             jnp.repeat(w[:, 2:3], 5, axis=1)], axis=-1)
    out = diff_sh * coeff  # (E, 9)
    # scatter mean over row index, dim_size = N_NODES
    sums = jax.ops.segment_sum(out, row, num_segments=node_feat.shape[0])
    cnt = jax.ops.segment_sum(jnp.ones((out.shape[0],), out.dtype), row,
                              num_segments=node_feat.shape[0])
    node_sh = sums / jnp.clip(cnt, 1.0)[:, None]
    return node_sh

if __name__ == "__main__":
    import jax
    _d = setup_inputs()
    print(jax.jit(kernel)(*tuple(_d.values())))

</pallas_src>

<mosaic_0001>
#map = affine_map<(d0, d1) -> (0, 0)>
#map1 = affine_map<(d0, d1) -> (0)>
#map2 = affine_map<(d0, d1) -> (0, 0, 0)>
module attributes {stable_mosaic.version = 14 : i64} {
  func.func @_scatter_body(%arg0: i32, %arg1: i32, %arg2: memref<320000x128xf32, #tpu.memory_space<hbm>>, %arg3: memref<320000xi32, #tpu.memory_space<hbm>>, %arg4: memref<2x10240x128xf32, #tpu.memory_space<hbm>>, %arg5: memref<80xi32, #tpu.memory_space<vmem>>, %arg6: memref<80xi32, #tpu.memory_space<vmem>>, %arg7: memref<80x128xf32, #tpu.memory_space<vmem>>, %arg8: memref<80x128xf32, #tpu.memory_space<vmem>>, %arg9: memref<80x128xf32, #tpu.memory_space<vmem>>, %arg10: memref<10240x128xf32, #tpu.memory_space<vmem_shared>>, %arg11: memref<!tpu.dma_semaphore, #tpu.memory_space<semaphore_mem>>, %arg12: memref<!tpu.dma_semaphore, #tpu.memory_space<semaphore_mem>>) attributes {dimension_semantics = [#tpu.dimension_semantics<core_parallel>, #tpu.dimension_semantics<subcore_parallel>], iteration_bounds = array<i64: 2, 16>, scalar_prefetch = 0 : i64, scratch_operands = 8 : i64, tpu.core_type = #tpu.core_type<sc_vector_subcore>, window_params = [{transform_indices = #map}, {transform_indices = #map1}, {transform_indices = #map2}]} {
    %mul3A = arith.constant 2 : i32
    %mul3A_0 = arith.muli %arg1, %mul3A : i32
    %add3A = arith.addi %mul3A_0, %arg0 : i32
    %mul3A_1 = arith.constant 10000 : i32
    %mul3A_2 = arith.muli %add3A, %mul3A_1 : i32
    %scan3A = arith.constant 0 : i32
    %scan3A_3 = arith.constant 0 : i32
    %scan3A_4 = arith.constant 640 : i32
    %scan3A_5 = arith.addi %scan3A_3, %scan3A_4 : i32
    %scan3A_6 = arith.constant 1 : i32
    scf.for %scan3A_48 = %scan3A_3 to %scan3A_5 step %scan3A_6  : i32 {
      %jit3A = arith.constant 8 : i32
      %div3A = arith.divsi %scan3A_48, %jit3A : i32
      %sign3A = arith.constant 0 : i32
      %sign3A_49 = arith.cmpi sgt, %scan3A_48, %sign3A : i32
      %sign3A_50 = arith.extui %sign3A_49 : i1 to i32
      %sign3A_51 = arith.constant 0 : i32
      %sign3A_52 = arith.cmpi slt, %scan3A_48, %sign3A_51 : i32
      %sign3A_53 = arith.extui %sign3A_52 : i1 to i32
      %sign3A_54 = arith.subi %sign3A_50, %sign3A_53 : i32
      %sign3A_55 = arith.constant 0 : i32
      %sign3A_56 = arith.cmpi sgt, %jit3A, %sign3A_55 : i32
      %sign3A_57 = arith.extui %sign3A_56 : i1 to i32
      %sign3A_58 = arith.constant 0 : i32
      %sign3A_59 = arith.cmpi slt, %jit3A, %sign3A_58 : i32
      %sign3A_60 = arith.extui %sign3A_59 : i1 to i32
      %sign3A_61 = arith.subi %sign3A_57, %sign3A_60 : i32
      %ne3A = arith.cmpi ne, %sign3A_54, %sign3A_61 : i32
      %rem3A = arith.remsi %scan3A_48, %jit3A : i32
      %ne3A_62 = arith.constant 0 : i32
      %ne3A_63 = arith.cmpi ne, %rem3A, %ne3A_62 : i32
      %and3A = arith.andi %ne3A, %ne3A_63 : i1
      %sub3A = arith.constant 1 : i32
      %sub3A_64 = arith.subi %div3A, %sub3A : i32
      %select_n3A = arith.select %and3A, %sub3A_64, %div3A : i32
      %jit3A_65 = arith.constant 8 : i32
      %eq3A = arith.constant 0 : i32
      %eq3A_66 = arith.cmpi eq, %jit3A_65, %eq3A : i32
      %jit3A_67 = arith.constant 1 : i32
      %select_n3A_68 = arith.select %eq3A_66, %jit3A_67, %jit3A_65 : i32
      %rem3A_69 = arith.remsi %scan3A_48, %select_n3A_68 : i32
      %ne3A_70 = arith.constant 0 : i32
      %ne3A_71 = arith.cmpi ne, %rem3A_69, %ne3A_70 : i32
      %lt3A = arith.constant 0 : i32
      %lt3A_72 = arith.cmpi slt, %rem3A_69, %lt3A : i32
      %lt3A_73 = arith.constant 0 : i32
      %lt3A_74 = arith.cmpi slt, %select_n3A_68, %lt3A_73 : i32
      %ne3A_75 = arith.xori %lt3A_72, %lt3A_74 : i1
      %and3A_76 = arith.andi %ne3A_75, %ne3A_71 : i1
      %add3A_77 = arith.addi %rem3A_69, %select_n3A_68 : i32
      %select_n3A_78 = arith.select %and3A_76, %add3A_77, %rem3A_69 : i32
      %mul3A_79 = arith.constant 16 : i32
      %mul3A_80 = arith.muli %select_n3A_78, %mul3A_79 : i32
      %broadcast_in_dim3A = arith.constant 0.000000e+00 : f32
      %broadcast_in_dim3A_81 = vector.broadcast %broadcast_in_dim3A : f32 to vector<16xf32>
      %swap3A = arith.index_cast %select_n3A : i32 to index
      %swap3A_82 = arith.index_cast %mul3A_80 : i32 to index
      %swap3A_83 = tpu.vector_load %arg9[%swap3A, %swap3A_82] {strides = array<i32>} : memref<80x128xf32, #tpu.memory_space<vmem>>, vector<1x16xf32>,
      %swap3A_84 = vector.shape_cast %swap3A_83 : vector<1x16xf32> to vector<16xf32>
      %swap3A_85 = vector.shape_cast %broadcast_in_dim3A_81 : vector<16xf32> to vector<1x16xf32>
      tpu.vector_store %arg9[%swap3A, %swap3A_82], %swap3A_85 {strides = array<i32>} : memref<80x128xf32, #tpu.memory_space<vmem>>, vector<1x16xf32>,
    }
    %scan3A_7 = arith.constant 640 : i32
    %scan3A_8 = arith.constant 0 : i32
    %scan3A_9 = arith.constant 0 : i32
    %scan3A_10 = arith.constant 8 : i32
    %scan3A_11 = arith.addi %scan3A_9, %scan3A_10 : i32
    %scan3A_12 = arith.constant 1 : i32
    scf.for %scan3A_48 = %scan3A_9 to %scan3A_11 step %scan3A_12  : i32 {
      %mul3A_49 = arith.constant 640 : i32
      %mul3A_50 = arith.muli %arg1, %mul3A_49 : i32
      %mul3A_51 = arith.constant 80 : i32
      %mul3A_52 = arith.muli %scan3A_48, %mul3A_51 : i32
      %add3A_53 = arith.addi %mul3A_50, %mul3A_52 : i32
      "tpu.region"() ({
        %run_scoped3A = tpu.sem_alloc : memref<!tpu.dma_semaphore, #tpu.memory_space<semaphore_mem>>
        %dma_start3A_54 = arith.constant 0 : i32
        %dma_start3A_55 = tpu.memref_slice %arg10[%add3A_53, %dma_start3A_54] : memref<10240x128xf32, #tpu.memory_space<vmem_shared>> -> memref<80x128xf32, #tpu.memory_space<vmem_shared>>
        %dma_start3A_56 = arith.constant 0 : i32
        %dma_start3A_57 = tpu.memref_slice %arg10[%add3A_53, %dma_start3A_56] : memref<10240x128xf32, #tpu.memory_space<vmem_shared>> -> memref<80x128xf32, #tpu.memory_space<vmem_shared>>
        tpu.enqueue_dma source(%arg9 : memref<80x128xf32, #tpu.memory_space<vmem>>) target(%dma_start3A_57 : memref<80x128xf32, #tpu.memory_space<vmem_shared>>) target_semaphore(%run_scoped3A : memref<!tpu.dma_semaphore, #tpu.memory_space<semaphore_mem>>)
        %dma_wait3A_58 = arith.constant 0 : i32
        %dma_wait3A_59 = tpu.memref_slice %arg10[%add3A_53, %dma_wait3A_58] : memref<10240x128xf32, #tpu.memory_space<vmem_shared>> -> memref<80x128xf32, #tpu.memory_space<vmem_shared>>
        %dma_wait3A_60 = arith.constant 0 : i32
        %dma_wait3A_61 = tpu.memref_slice %arg10[%add3A_53, %dma_wait3A_60] : memref<10240x128xf32, #tpu.memory_space<vmem_shared>> -> memref<80x128xf32, #tpu.memory_space<vmem_shared>>
        tpu.wait_dma2 semaphore(%run_scoped3A : memref<!tpu.dma_semaphore, #tpu.memory_space<semaphore_mem>>) src(%arg9 : memref<80x128xf32, #tpu.memory_space<vmem>>) dst(%dma_wait3A_61 : memref<80x128xf32, #tpu.memory_space<vmem_shared>>)
        tpu.yield
      }) : () -> ()
    }
    %scan3A_13 = arith.constant 8 : i32
    %barrier3A = arith.constant 0 : index
    tpu.barrier barrier_id(%barrier3A)
    %add3A_14 = arith.constant 0 : i32
    %add3A_15 = arith.addi %mul3A_2, %add3A_14 : i32
    %dma_start3A = tpu.memref_slice %arg3[%add3A_15] : memref<320000xi32, #tpu.memory_space<hbm>> -> memref<80xi32, #tpu.memory_space<hbm>>
    %dma_start3A_16 = tpu.memref_slice %arg3[%add3A_15] : memref<320000xi32, #tpu.memory_space<hbm>> -> memref<80xi32, #tpu.memory_space<hbm>>
    tpu.enqueue_dma source(%dma_start3A_16 : memref<80xi32, #tpu.memory_space<hbm>>) target(%arg5 : memref<80xi32, #tpu.memory_space<vmem>>) target_semaphore(%arg11 : memref<!tpu.dma_semaphore, #tpu.memory_space<semaphore_mem>>)
    %dma_start3A_17 = arith.constant 0 : i32
    %dma_start3A_18 = tpu.memref_slice %arg2[%add3A_15, %dma_start3A_17] : memref<320000x128xf32, #tpu.memory_space<hbm>> -> memref<80x128xf32, #tpu.memory_space<hbm>>
    %dma_start3A_19 = arith.constant 0 : i32
    %dma_start3A_20 = tpu.memref_slice %arg2[%add3A_15, %dma_start3A_19] : memref<320000x128xf32, #tpu.memory_space<hbm>> -> memref<80x128xf32, #tpu.memory_space<hbm>>
    tpu.enqueue_dma source(%dma_start3A_20 : memref<80x128xf32, #tpu.memory_space<hbm>>) target(%arg7 : memref<80x128xf32, #tpu.memory_space<vmem>>) target_semaphore(%arg11 : memref<!tpu.dma_semaphore, #tpu.memory_space<semaphore_mem>>)
    %scan3A_21 = arith.constant 0 : i32
    %scan3A_22 = arith.constant 0 : i32
    %scan3A_23 = arith.constant 62 : i32
    %scan3A_24 = arith.addi %scan3A_22, %scan3A_23 : i32
    %scan3A_25 = arith.constant 1 : i32
    scf.for %scan3A_48 = %scan3A_22 to %scan3A_24 step %scan3A_25  : i32 {
      %mul3A_49 = arith.constant 2 : i32
      %mul3A_50 = arith.muli %scan3A_48, %mul3A_49 : i32
      %add3A_51 = arith.constant 0 : i32
      %add3A_52 = arith.addi %mul3A_50, %add3A_51 : i32
      %gt3A = arith.constant 0 : i32
      %gt3A_53 = arith.cmpi sgt, %add3A_52, %gt3A : i32
      %convert_element_type3A = arith.extui %gt3A_53 : i1 to i32
      %cond3A = arith.constant 0 : i32
      %cond3A_54 = arith.cmpi ne, %convert_element_type3A, %cond3A : i32
      scf.if %cond3A_54 {
        %dma_wait3A_104 = arith.constant 0 : i32
        %dma_wait3A_105 = arith.constant 0 : i32
        %dma_wait3A_106 = tpu.memref_slice %arg10[%dma_wait3A_104, %dma_wait3A_105] : memref<10240x128xf32, #tpu.memory_space<vmem_shared>> -> memref<10240x128xf32, #tpu.memory_space<vmem_shared>>
        tpu.wait_indirect_dma semaphore(%arg12 : memref<!tpu.dma_semaphore, #tpu.memory_space<semaphore_mem>>) src(%arg8 : memref<80x128xf32, #tpu.memory_space<vmem>>) dst(%dma_wait3A_106 : memref<10240x128xf32, #tpu.memory_space<vmem_shared>>)
      } else {
      }
      %add3A_55 = arith.constant 1 : i32
      %add3A_56 = arith.addi %add3A_52, %add3A_55 : i32
      %mul3A_57 = arith.constant 80 : i32
      %mul3A_58 = arith.muli %add3A_56, %mul3A_57 : i32
      %add3A_59 = arith.addi %mul3A_2, %mul3A_58 : i32
      %dma_start3A_60 = tpu.memref_slice %arg3[%add3A_59] : memref<320000xi32, #tpu.memory_space<hbm>> -> memref<80xi32, #tpu.memory_space<hbm>>
      %dma_start3A_61 = tpu.memref_slice %arg3[%add3A_59] : memref<320000xi32, #tpu.memory_space<hbm>> -> memref<80xi32, #tpu.memory_space<hbm>>
      tpu.enqueue_dma source(%dma_start3A_61 : memref<80xi32, #tpu.memory_space<hbm>>) target(%arg6 : memref<80xi32, #tpu.memory_space<vmem>>) target_semaphore(%arg11 : memref<!tpu.dma_semaphore, #tpu.memory_space<semaphore_mem>>)
      %dma_start3A_62 = arith.constant 0 : i32
      %dma_start3A_63 = tpu.memref_slice %arg2[%add3A_59, %dma_start3A_62] : memref<320000x128xf32, #tpu.memory_space<hbm>> -> memref<80x128xf32, #tpu.memory_space<hbm>>
      %dma_start3A_64 = arith.constant 0 : i32
      %dma_start3A_65 = tpu.memref_slice %arg2[%add3A_59, %dma_start3A_64] : memref<320000x128xf32, #tpu.memory_space<hbm>> -> memref<80x128xf32, #tpu.memory_space<hbm>>
      tpu.enqueue_dma source(%dma_start3A_65 : memref<80x128xf32, #tpu.memory_space<hbm>>) target(%arg8 : memref<80x128xf32, #tpu.memory_space<vmem>>) target_semaphore(%arg11 : memref<!tpu.dma_semaphore, #tpu.memory_space<semaphore_mem>>)
      %dma_wait3A_66 = tpu.memref_slice %arg3[%mul3A_2] : memref<320000xi32, #tpu.memory_space<hbm>> -> memref<80xi32, #tpu.memory_space<hbm>>
      %dma_wait3A_67 = tpu.memref_slice %arg3[%mul3A_2] : memref<320000xi32, #tpu.memory_space<hbm>> -> memref<80xi32, #tpu.memory_space<hbm>>
      tpu.wait_dma2 semaphore(%arg11 : memref<!tpu.dma_semaphore, #tpu.memory_space<semaphore_mem>>) src(%dma_wait3A_67 : memref<80xi32, #tpu.memory_space<hbm>>) dst(%arg5 : memref<80xi32, #tpu.memory_space<vmem>>)
      %dma_wait3A_68 = arith.constant 0 : i32
      %dma_wait3A_69 = tpu.memref_slice %arg2[%mul3A_2, %dma_wait3A_68] : memref<320000x128xf32, #tpu.memory_space<hbm>> -> memref<80x128xf32, #tpu.memory_space<hbm>>
      %dma_wait3A_70 = arith.constant 0 : i32
      %dma_wait3A_71 = tpu.memref_slice %arg2[%mul3A_2, %dma_wait3A_70] : memref<320000x128xf32, #tpu.memory_space<hbm>> -> memref<80x128xf32, #tpu.memory_space<hbm>>
      tpu.wait_dma2 semaphore(%arg11 : memref<!tpu.dma_semaphore, #tpu.memory_space<semaphore_mem>>) src(%dma_wait3A_71 : memref<80x128xf32, #tpu.memory_space<hbm>>) dst(%arg7 : memref<80x128xf32, #tpu.memory_space<vmem>>)
      %dma_start3A_72 = arith.constant 0 : i32
      %dma_start3A_73 = arith.constant 0 : i32
      %dma_start3A_74 = tpu.memref_slice %arg10[%dma_start3A_72, %dma_start3A_73] : memref<10240x128xf32, #tpu.memory_space<vmem_shared>> -> memref<10240x128xf32, #tpu.memory_space<vmem_shared>>
      tpu.enqueue_indirect_dma source(%arg7 : memref<80x128xf32, #tpu.memory_space<vmem>>) target(%dma_start3A_74 : memref<10240x128xf32, #tpu.memory_space<vmem_shared>>) offsets(%arg5 : memref<80xi32, #tpu.memory_space<vmem>>) semaphore(%arg12 : memref<!tpu.dma_semaphore, #tpu.memory_space<semaphore_mem>>) {add = true}
      %mul3A_75 = arith.constant 2 : i32
      %mul3A_76 = arith.muli %scan3A_48, %mul3A_75 : i32
      %add3A_77 = arith.constant 1 : i32
      %add3A_78 = arith.addi %mul3A_76, %add3A_77 : i32
      %gt3A_79 = arith.constant 0 : i32
      %gt3A_80 = arith.cmpi sgt, %add3A_78, %gt3A_79 : i32
      %convert_element_type3A_81 = arith.extui %gt3A_80 : i1 to i32
      %cond3A_82 = arith.constant 0 : i32
      %cond3A_83 = arith.cmpi ne, %convert_element_type3A_81, %cond3A_82 : i32
      scf.if %cond3A_83 {
        %dma_wait3A_104 = arith.constant 0 : i32
        %dma_wait3A_105 = arith.constant 0 : i32
        %dma_wait3A_106 = tpu.memref_slice %arg10[%dma_wait3A_104, %dma_wait3A_105] : memref<10240x128xf32, #tpu.memory_space<vmem_shared>> -> memref<10240x128xf32, #tpu.memory_space<vmem_shared>>
        tpu.wait_indirect_dma semaphore(%arg12 : memref<!tpu.dma_semaphore, #tpu.memory_space<semaphore_mem>>) src(%arg7 : memref<80x128xf32, #tpu.memory_space<vmem>>) dst(%dma_wait3A_106 : memref<10240x128xf32, #tpu.memory_space<vmem_shared>>)
      } else {
      }
      %add3A_84 = arith.constant 1 : i32
      %add3A_85 = arith.addi %add3A_78, %add3A_84 : i32
      %mul3A_86 = arith.constant 80 : i32
      %mul3A_87 = arith.muli %add3A_85, %mul3A_86 : i32
      %add3A_88 = arith.addi %mul3A_2, %mul3A_87 : i32
      %dma_start3A_89 = tpu.memref_slice %arg3[%add3A_88] : memref<320000xi32, #tpu.memory_space<hbm>> -> memref<80xi32, #tpu.memory_space<hbm>>
      %dma_start3A_90 = tpu.memref_slice %arg3[%add3A_88] : memref<320000xi32, #tpu.memory_space<hbm>> -> memref<80xi32, #tpu.memory_space<hbm>>
      tpu.enqueue_dma source(%dma_start3A_90 : memref<80xi32, #tpu.memory_space<hbm>>) target(%arg5 : memref<80xi32, #tpu.memory_space<vmem>>) target_semaphore(%arg11 : memref<!tpu.dma_semaphore, #tpu.memory_space<semaphore_mem>>)
      %dma_start3A_91 = arith.constant 0 : i32
      %dma_start3A_92 = tpu.memref_slice %arg2[%add3A_88, %dma_start3A_91] : memref<320000x128xf32, #tpu.memory_space<hbm>> -> memref<80x128xf32, #tpu.memory_space<hbm>>
      %dma_start3A_93 = arith.constant 0 : i32
      %dma_start3A_94 = tpu.memref_slice %arg2[%add3A_88, %dma_start3A_93] : memref<320000x128xf32, #tpu.memory_space<hbm>> -> memref<80x128xf32, #tpu.memory_space<hbm>>
      tpu.enqueue_dma source(%dma_start3A_94 : memref<80x128xf32, #tpu.memory_space<hbm>>) target(%arg7 : memref<80x128xf32, #tpu.memory_space<vmem>>) target_semaphore(%arg11 : memref<!tpu.dma_semaphore, #tpu.memory_space<semaphore_mem>>)
      %dma_wait3A_95 = tpu.memref_slice %arg3[%mul3A_2] : memref<320000xi32, #tpu.memory_space<hbm>> -> memref<80xi32, #tpu.memory_space<hbm>>
      %dma_wait3A_96 = tpu.memref_slice %arg3[%mul3A_2] : memref<320000xi32, #tpu.memory_space<hbm>> -> memref<80xi32, #tpu.memory_space<hbm>>
      tpu.wait_dma2 semaphore(%arg11 : memref<!tpu.dma_semaphore, #tpu.memory_space<semaphore_mem>>) src(%dma_wait3A_96 : memref<80xi32, #tpu.memory_space<hbm>>) dst(%arg6 : memref<80xi32, #tpu.memory_space<vmem>>)
      %dma_wait3A_97 = arith.constant 0 : i32
      %dma_wait3A_98 = tpu.memref_slice %arg2[%mul3A_2, %dma_wait3A_97] : memref<320000x128xf32, #tpu.memory_space<hbm>> -> memref<80x128xf32, #tpu.memory_space<hbm>>
      %dma_wait3A_99 = arith.constant 0 : i32
      %dma_wait3A_100 = tpu.memref_slice %arg2[%mul3A_2, %dma_wait3A_99] : memref<320000x128xf32, #tpu.memory_space<hbm>> -> memref<80x128xf32, #tpu.memory_space<hbm>>
      tpu.wait_dma2 semaphore(%arg11 : memref<!tpu.dma_semaphore, #tpu.memory_space<semaphore_mem>>) src(%dma_wait3A_100 : memref<80x128xf32, #tpu.memory_space<hbm>>) dst(%arg8 : memref<80x128xf32, #tpu.memory_space<vmem>>)
      %dma_start3A_101 = arith.constant 0 : i32
      %dma_start3A_102 = arith.constant 0 : i32
      %dma_start3A_103 = tpu.memref_slice %arg10[%dma_start3A_101, %dma_start3A_102] : memref<10240x128xf32, #tpu.memory_space<vmem_shared>> -> memref<10240x128xf32, #tpu.memory_space<vmem_shared>>
      tpu.enqueue_indirect_dma source(%arg8 : memref<80x128xf32, #tpu.memory_space<vmem>>) target(%dma_start3A_103 : memref<10240x128xf32, #tpu.memory_space<vmem_shared>>) offsets(%arg6 : memref<80xi32, #tpu.memory_space<vmem>>) semaphore(%arg12 : memref<!tpu.dma_semaphore, #tpu.memory_space<semaphore_mem>>) {add = true}
    }
    %scan3A_26 = arith.constant 62 : i32
    %dma_wait3A = arith.constant 0 : i32
    %dma_wait3A_27 = arith.constant 0 : i32
    %dma_wait3A_28 = tpu.memref_slice %arg10[%dma_wait3A, %dma_wait3A_27] : memref<10240x128xf32, #tpu.memory_space<vmem_shared>> -> memref<10240x128xf32, #tpu.memory_space<vmem_shared>>
    tpu.wait_indirect_dma semaphore(%arg12 : memref<!tpu.dma_semaphore, #tpu.memory_space<semaphore_mem>>) src(%arg8 : memref<80x128xf32, #tpu.memory_space<vmem>>) dst(%dma_wait3A_28 : memref<10240x128xf32, #tpu.memory_space<vmem_shared>>)
    %dma_wait3A_29 = tpu.memref_slice %arg3[%mul3A_2] : memref<320000xi32, #tpu.memory_space<hbm>> -> memref<80xi32, #tpu.memory_space<hbm>>
    %dma_wait3A_30 = tpu.memref_slice %arg3[%mul3A_2] : memref<320000xi32, #tpu.memory_space<hbm>> -> memref<80xi32, #tpu.memory_space<hbm>>
    tpu.wait_dma2 semaphore(%arg11 : memref<!tpu.dma_semaphore, #tpu.memory_space<semaphore_mem>>) src(%dma_wait3A_30 : memref<80xi32, #tpu.memory_space<hbm>>) dst(%arg5 : memref<80xi32, #tpu.memory_space<vmem>>)
    %dma_wait3A_31 = arith.constant 0 : i32
    %dma_wait3A_32 = tpu.memref_slice %arg2[%mul3A_2, %dma_wait3A_31] : memref<320000x128xf32, #tpu.memory_space<hbm>> -> memref<80x128xf32, #tpu.memory_space<hbm>>
    %dma_wait3A_33 = arith.constant 0 : i32
    %dma_wait3A_34 = tpu.memref_slice %arg2[%mul3A_2, %dma_wait3A_33] : memref<320000x128xf32, #tpu.memory_space<hbm>> -> memref<80x128xf32, #tpu.memory_space<hbm>>
    tpu.wait_dma2 semaphore(%arg11 : memref<!tpu.dma_semaphore, #tpu.memory_space<semaphore_mem>>) src(%dma_wait3A_34 : memref<80x128xf32, #tpu.memory_space<hbm>>) dst(%arg7 : memref<80x128xf32, #tpu.memory_space<vmem>>)
    %dma_start3A_35 = arith.constant 0 : i32
    %dma_start3A_36 = arith.constant 0 : i32
    %dma_start3A_37 = tpu.memref_slice %arg10[%dma_start3A_35, %dma_start3A_36] : memref<10240x128xf32, #tpu.memory_space<vmem_shared>> -> memref<10240x128xf32, #tpu.memory_space<vmem_shared>>
    tpu.enqueue_indirect_dma source(%arg7 : memref<80x128xf32, #tpu.memory_space<vmem>>) target(%dma_start3A_37 : memref<10240x128xf32, #tpu.memory_space<vmem_shared>>) offsets(%arg5 : memref<80xi32, #tpu.memory_space<vmem>>) semaphore(%arg12 : memref<!tpu.dma_semaphore, #tpu.memory_space<semaphore_mem>>) {add = true}
    %dma_wait3A_38 = arith.constant 0 : i32
    %dma_wait3A_39 = arith.constant 0 : i32
    %dma_wait3A_40 = tpu.memref_slice %arg10[%dma_wait3A_38, %dma_wait3A_39] : memref<10240x128xf32, #tpu.memory_space<vmem_shared>> -> memref<10240x128xf32, #tpu.memory_space<vmem_shared>>
    tpu.wait_indirect_dma semaphore(%arg12 : memref<!tpu.dma_semaphore, #tpu.memory_space<semaphore_mem>>) src(%arg7 : memref<80x128xf32, #tpu.memory_space<vmem>>) dst(%dma_wait3A_40 : memref<10240x128xf32, #tpu.memory_space<vmem_shared>>)
    %barrier3A_41 = arith.constant 0 : index
    tpu.barrier barrier_id(%barrier3A_41)
    %scan3A_42 = arith.constant 0 : i32
    %scan3A_43 = arith.constant 0 : i32
    %scan3A_44 = arith.constant 8 : i32
    %scan3A_45 = arith.addi %scan3A_43, %scan3A_44 : i32
    %scan3A_46 = arith.constant 1 : i32
    scf.for %scan3A_48 = %scan3A_43 to %scan3A_45 step %scan3A_46  : i32 {
      %mul3A_49 = arith.constant 640 : i32
      %mul3A_50 = arith.muli %arg1, %mul3A_49 : i32
      %mul3A_51 = arith.constant 80 : i32
      %mul3A_52 = arith.muli %scan3A_48, %mul3A_51 : i32
      %add3A_53 = arith.addi %mul3A_50, %mul3A_52 : i32
      "tpu.region"() ({
        %run_scoped3A = tpu.sem_alloc : memref<!tpu.dma_semaphore, #tpu.memory_space<semaphore_mem>>
        %dma_start3A_54 = arith.constant 0 : i32
        %dma_start3A_55 = tpu.memref_slice %arg10[%add3A_53, %dma_start3A_54] : memref<10240x128xf32, #tpu.memory_space<vmem_shared>> -> memref<80x128xf32, #tpu.memory_space<vmem_shared>>
        %dma_start3A_56 = arith.constant 0 : i32
        %dma_start3A_57 = tpu.memref_slice %arg10[%add3A_53, %dma_start3A_56] : memref<10240x128xf32, #tpu.memory_space<vmem_shared>> -> memref<80x128xf32, #tpu.memory_space<vmem_shared>>
        tpu.enqueue_dma source(%dma_start3A_57 : memref<80x128xf32, #tpu.memory_space<vmem_shared>>) target(%arg9 : memref<80x128xf32, #tpu.memory_space<vmem>>) target_semaphore(%run_scoped3A : memref<!tpu.dma_semaphore, #tpu.memory_space<semaphore_mem>>)
        %dma_wait3A_58 = arith.constant 0 : i32
        %dma_wait3A_59 = tpu.memref_slice %arg10[%add3A_53, %dma_wait3A_58] : memref<10240x128xf32, #tpu.memory_space<vmem_shared>> -> memref<80x128xf32, #tpu.memory_space<vmem_shared>>
        %dma_wait3A_60 = arith.constant 0 : i32
        %dma_wait3A_61 = tpu.memref_slice %arg10[%add3A_53, %dma_wait3A_60] : memref<10240x128xf32, #tpu.memory_space<vmem_shared>> -> memref<80x128xf32, #tpu.memory_space<vmem_shared>>
        tpu.wait_dma2 semaphore(%run_scoped3A : memref<!tpu.dma_semaphore, #tpu.memory_space<semaphore_mem>>) src(%dma_wait3A_61 : memref<80x128xf32, #tpu.memory_space<vmem_shared>>) dst(%arg9 : memref<80x128xf32, #tpu.memory_space<vmem>>)
        tpu.yield
      }) : () -> ()
      "tpu.region"() ({
        %run_scoped3A = tpu.sem_alloc : memref<!tpu.dma_semaphore, #tpu.memory_space<semaphore_mem>>
        %dma_start3A_54 = arith.constant 0 : i32
        %dma_start3A_55 = arith.constant 0 : i32
        %dma_start3A_56 = tpu.memref_slice %arg4[%arg0, %dma_start3A_54, %dma_start3A_55] : memref<2x10240x128xf32, #tpu.memory_space<hbm>> -> memref<1x10240x128xf32, #tpu.memory_space<hbm>>
        %dma_start3A_57 = tpu.memref_squeeze %dma_start3A_56 : memref<1x10240x128xf32, #tpu.memory_space<hbm>> -> memref<10240x128xf32, #tpu.memory_space<hbm>>
        %dma_start3A_58 = arith.constant 0 : i32
        %dma_start3A_59 = tpu.memref_slice %dma_start3A_57[%add3A_53, %dma_start3A_58] : memref<10240x128xf32, #tpu.memory_space<hbm>> -> memref<80x128xf32, #tpu.memory_space<hbm>>
        %dma_start3A_60 = arith.constant 0 : i32
        %dma_start3A_61 = arith.constant 0 : i32
        %dma_start3A_62 = tpu.memref_slice %arg4[%arg0, %dma_start3A_60, %dma_start3A_61] : memref<2x10240x128xf32, #tpu.memory_space<hbm>> -> memref<1x10240x128xf32, #tpu.memory_space<hbm>>
        %dma_start3A_63 = tpu.memref_squeeze %dma_start3A_62 : memref<1x10240x128xf32, #tpu.memory_space<hbm>> -> memref<10240x128xf32, #tpu.memory_space<hbm>>
        %dma_start3A_64 = arith.constant 0 : i32
        %dma_start3A_65 = tpu.memref_slice %dma_start3A_63[%add3A_53, %dma_start3A_64] : memref<10240x128xf32, #tpu.memory_space<hbm>> -> memref<80x128xf32, #tpu.memory_space<hbm>>
        tpu.enqueue_dma source(%arg9 : memref<80x128xf32, #tpu.memory_space<vmem>>) target(%dma_start3A_65 : memref<80x128xf32, #tpu.memory_space<hbm>>) target_semaphore(%run_scoped3A : memref<!tpu.dma_semaphore, #tpu.memory_space<semaphore_mem>>)
        %dma_wait3A_66 = arith.constant 0 : i32
        %dma_wait3A_67 = arith.constant 0 : i32
        %dma_wait3A_68 = tpu.memref_slice %arg4[%arg0, %dma_wait3A_66, %dma_wait3A_67] : memref<2x10240x128xf32, #tpu.memory_space<hbm>> -> memref<1x10240x128xf32, #tpu.memory_space<hbm>>
        %dma_wait3A_69 = tpu.memref_squeeze %dma_wait3A_68 : memref<1x10240x128xf32, #tpu.memory_space<hbm>> -> memref<10240x128xf32, #tpu.memory_space<hbm>>
        %dma_wait3A_70 = arith.constant 0 : i32
        %dma_wait3A_71 = tpu.memref_slice %dma_wait3A_69[%add3A_53, %dma_wait3A_70] : memref<10240x128xf32, #tpu.memory_space<hbm>> -> memref<80x128xf32, #tpu.memory_space<hbm>>
        %dma_wait3A_72 = arith.constant 0 : i32
        %dma_wait3A_73 = arith.constant 0 : i32
        %dma_wait3A_74 = tpu.memref_slice %arg4[%arg0, %dma_wait3A_72, %dma_wait3A_73] : memref<2x10240x128xf32, #tpu.memory_space<hbm>> -> memref<1x10240x128xf32, #tpu.memory_space<hbm>>
        %dma_wait3A_75 = tpu.memref_squeeze %dma_wait3A_74 : memref<1x10240x128xf32, #tpu.memory_space<hbm>> -> memref<10240x128xf32, #tpu.memory_space<hbm>>
        %dma_wait3A_76 = arith.constant 0 : i32
        %dma_wait3A_77 = tpu.memref_slice %dma_wait3A_75[%add3A_53, %dma_wait3A_76] : memref<10240x128xf32, #tpu.memory_space<hbm>> -> memref<80x128xf32, #tpu.memory_space<hbm>>
        tpu.wait_dma2 semaphore(%run_scoped3A : memref<!tpu.dma_semaphore, #tpu.memory_space<semaphore_mem>>) src(%arg9 : memref<80x128xf32, #tpu.memory_space<vmem>>) dst(%dma_wait3A_77 : memref<80x128xf32, #tpu.memory_space<hbm>>)
        tpu.yield
      }) : () -> ()
    }
    %scan3A_47 = arith.constant 8 : i32
    return
  }
}

#map = affine_map<(d0, d1) -> (0, 0)>
#map1 = affine_map<(d0, d1) -> (0)>
module attributes {stable_mosaic.version = 14 : i64} {
  func.func @_gather_body(%arg0: i32, %arg1: i32, %arg2: memref<10000x128xf32, #tpu.memory_space<hbm>>, %arg3: memref<10000x128xf32, #tpu.memory_space<hbm>>, %arg4: memref<320000xi32, #tpu.memory_space<hbm>>, %arg5: memref<320000xi32, #tpu.memory_space<hbm>>, %arg6: memref<320000x128xf32, #tpu.memory_space<hbm>>, %arg7: memref<80xi32, #tpu.memory_space<vmem>>, %arg8: memref<80xi32, #tpu.memory_space<vmem>>, %arg9: memref<80xi32, #tpu.memory_space<vmem>>, %arg10: memref<80xi32, #tpu.memory_space<vmem>>, %arg11: memref<80xi32, #tpu.memory_space<vmem>>, %arg12: memref<80xi32, #tpu.memory_space<vmem>>, %arg13: memref<80xi32, #tpu.memory_space<vmem>>, %arg14: memref<80xi32, #tpu.memory_space<vmem>>, %arg15: memref<80xi32, #tpu.memory_space<vmem>>, %arg16: memref<80xi32, #tpu.memory_space<vmem>>, %arg17: memref<80x128xf32, #tpu.memory_space<vmem>>, %arg18: memref<80x128xf32, #tpu.memory_space<vmem>>, %arg19: memref<80x128xf32, #tpu.memory_space<vmem>>, %arg20: memref<80x128xf32, #tpu.memory_space<vmem>>, %arg21: memref<80x128xf32, #tpu.memory_space<vmem>>, %arg22: memref<80x128xf32, #tpu.memory_space<vmem>>, %arg23: memref<80x128xf32, #tpu.memory_space<vmem>>, %arg24: memref<80x128xf32, #tpu.memory_space<vmem>>, %arg25: memref<80x128xf32, #tpu.memory_space<vmem>>, %arg26: memref<80x128xf32, #tpu.memory_space<vmem>>, %arg27: memref<!tpu.dma_semaphore, #tpu.memory_space<semaphore_mem>>, %arg28: memref<!tpu.dma_semaphore, #tpu.memory_space<semaphore_mem>>, %arg29: memref<!tpu.dma_semaphore, #tpu.memory_space<semaphore_mem>>) attributes {dimension_semantics = [#tpu.dimension_semantics<core_parallel>, #tpu.dimension_semantics<subcore_parallel>], iteration_bounds = array<i64: 2, 16>, scalar_prefetch = 0 : i64, scratch_operands = 23 : i64, tpu.core_type = #tpu.core_type<sc_vector_subcore>, window_params = [{transform_indices = #map}, {transform_indices = #map}, {transform_indices = #map1}, {transform_indices = #map1}, {transform_indices = #map}]} {
    %mul3A = arith.constant 2 : i32
    %mul3A_0 = arith.muli %arg1, %mul3A : i32
    %add3A = arith.addi %mul3A_0, %arg0 : i32
    %mul3A_1 = arith.constant 10000 : i32
    %mul3A_2 = arith.muli %add3A, %mul3A_1 : i32
    %add3A_3 = arith.constant 0 : i32
    %add3A_4 = arith.addi %mul3A_2, %add3A_3 : i32
    %dma_start3A = tpu.memref_slice %arg4[%add3A_4] : memref<320000xi32, #tpu.memory_space<hbm>> -> memref<80xi32, #tpu.memory_space<hbm>>
    %dma_start3A_5 = tpu.memref_slice %arg4[%add3A_4] : memref<320000xi32, #tpu.memory_space<hbm>> -> memref<80xi32, #tpu.memory_space<hbm>>
    tpu.enqueue_dma source(%dma_start3A_5 : memref<80xi32, #tpu.memory_space<hbm>>) target(%arg7 : memref<80xi32, #tpu.memory_space<vmem>>) target_semaphore(%arg27 : memref<!tpu.dma_semaphore, #tpu.memory_space<semaphore_mem>>)
    %dma_start3A_6 = tpu.memref_slice %arg5[%add3A_4] : memref<320000xi32, #tpu.memory_space<hbm>> -> memref<80xi32, #tpu.memory_space<hbm>>
    %dma_start3A_7 = tpu.memref_slice %arg5[%add3A_4] : memref<320000xi32, #tpu.memory_space<hbm>> -> memref<80xi32, #tpu.memory_space<hbm>>
    tpu.enqueue_dma source(%dma_start3A_7 : memref<80xi32, #tpu.memory_space<hbm>>) target(%arg12 : memref<80xi32, #tpu.memory_space<vmem>>) target_semaphore(%arg27 : memref<!tpu.dma_semaphore, #tpu.memory_space<semaphore_mem>>)
    %add3A_8 = arith.constant 80 : i32
    %add3A_9 = arith.addi %mul3A_2, %add3A_8 : i32
    %dma_start3A_10 = tpu.memref_slice %arg4[%add3A_9] : memref<320000xi32, #tpu.memory_space<hbm>> -> memref<80xi32, #tpu.memory_space<hbm>>
    %dma_start3A_11 = tpu.memref_slice %arg4[%add3A_9] : memref<320000xi32, #tpu.memory_space<hbm>> -> memref<80xi32, #tpu.memory_space<hbm>>
    tpu.enqueue_dma source(%dma_start3A_11 : memref<80xi32, #tpu.memory_space<hbm>>) target(%arg8 : memref<80xi32, #tpu.memory_space<vmem>>) target_semaphore(%arg27 : memref<!tpu.dma_semaphore, #tpu.memory_space<semaphore_mem>>)
    %dma_start3A_12 = tpu.memref_slice %arg5[%add3A_9] : memref<320000xi32, #tpu.memory_space<hbm>> -> memref<80xi32, #tpu.memory_space<hbm>>
    %dma_start3A_13 = tpu.memref_slice %arg5[%add3A_9] : memref<320000xi32, #tpu.memory_space<hbm>> -> memref<80xi32, #tpu.memory_space<hbm>>
    tpu.enqueue_dma source(%dma_start3A_13 : memref<80xi32, #tpu.memory_space<hbm>>) target(%arg13 : memref<80xi32, #tpu.memory_space<vmem>>) target_semaphore(%arg27 : memref<!tpu.dma_semaphore, #tpu.memory_space<semaphore_mem>>)
    %add3A_14 = arith.constant 160 : i32
    %add3A_15 = arith.addi %mul3A_2, %add3A_14 : i32
    %dma_start3A_16 = tpu.memref_slice %arg4[%add3A_15] : memref<320000xi32, #tpu.memory_space<hbm>> -> memref<80xi32, #tpu.memory_space<hbm>>
    %dma_start3A_17 = tpu.memref_slice %arg4[%add3A_15] : memref<320000xi32, #tpu.memory_space<hbm>> -> memref<80xi32, #tpu.memory_space<hbm>>
    tpu.enqueue_dma source(%dma_start3A_17 : memref<80xi32, #tpu.memory_space<hbm>>) target(%arg9 : memref<80xi32, #tpu.memory_space<vmem>>) target_semaphore(%arg27 : memref<!tpu.dma_semaphore, #tpu.memory_space<semaphore_mem>>)
    %dma_start3A_18 = tpu.memref_slice %arg5[%add3A_15] : memref<320000xi32, #tpu.memory_space<hbm>> -> memref<80xi32, #tpu.memory_space<hbm>>
    %dma_start3A_19 = tpu.memref_slice %arg5[%add3A_15] : memref<320000xi32, #tpu.memory_space<hbm>> -> memref<80xi32, #tpu.memory_space<hbm>>
    tpu.enqueue_dma source(%dma_start3A_19 : memref<80xi32, #tpu.memory_space<hbm>>) target(%arg14 : memref<80xi32, #tpu.memory_space<vmem>>) target_semaphore(%arg27 : memref<!tpu.dma_semaphore, #tpu.memory_space<semaphore_mem>>)
    %add3A_20 = arith.constant 240 : i32
    %add3A_21 = arith.addi %mul3A_2, %add3A_20 : i32
    %dma_start3A_22 = tpu.memref_slice %arg4[%add3A_21] : memref<320000xi32, #tpu.memory_space<hbm>> -> memref<80xi32, #tpu.memory_space<hbm>>
    %dma_start3A_23 = tpu.memref_slice %arg4[%add3A_21] : memref<320000xi32, #tpu.memory_space<hbm>> -> memref<80xi32, #tpu.memory_space<hbm>>
    tpu.enqueue_dma source(%dma_start3A_23 : memref<80xi32, #tpu.memory_space<hbm>>) target(%arg10 : memref<80xi32, #tpu.memory_space<vmem>>) target_semaphore(%arg27 : memref<!tpu.dma_semaphore, #tpu.memory_space<semaphore_mem>>)
    %dma_start3A_24 = tpu.memref_slice %arg5[%add3A_21] : memref<320000xi32, #tpu.memory_space<hbm>> -> memref<80xi32, #tpu.memory_space<hbm>>
    %dma_start3A_25 = tpu.memref_slice %arg5[%add3A_21] : memref<320000xi32, #tpu.memory_space<hbm>> -> memref<80xi32, #tpu.memory_space<hbm>>
    tpu.enqueue_dma source(%dma_start3A_25 : memref<80xi32, #tpu.memory_space<hbm>>) target(%arg15 : memref<80xi32, #tpu.memory_space<vmem>>) target_semaphore(%arg27 : memref<!tpu.dma_semaphore, #tpu.memory_space<semaphore_mem>>)
    %add3A_26 = arith.constant 320 : i32
    %add3A_27 = arith.addi %mul3A_2, %add3A_26 : i32
    %dma_start3A_28 = tpu.memref_slice %arg4[%add3A_27] : memref<320000xi32, #tpu.memory_space<hbm>> -> memref<80xi32, #tpu.memory_space<hbm>>
    %dma_start3A_29 = tpu.memref_slice %arg4[%add3A_27] : memref<320000xi32, #tpu.memory_space<hbm>> -> memref<80xi32, #tpu.memory_space<hbm>>
    tpu.enqueue_dma source(%dma_start3A_29 : memref<80xi32, #tpu.memory_space<hbm>>) target(%arg11 : memref<80xi32, #tpu.memory_space<vmem>>) target_semaphore(%arg27 : memref<!tpu.dma_semaphore, #tpu.memory_space<semaphore_mem>>)
    %dma_start3A_30 = tpu.memref_slice %arg5[%add3A_27] : memref<320000xi32, #tpu.memory_space<hbm>> -> memref<80xi32, #tpu.memory_space<hbm>>
    %dma_start3A_31 = tpu.memref_slice %arg5[%add3A_27] : memref<320000xi32, #tpu.memory_space<hbm>> -> memref<80xi32, #tpu.memory_space<hbm>>
    tpu.enqueue_dma source(%dma_start3A_31 : memref<80xi32, #tpu.memory_space<hbm>>) target(%arg16 : memref<80xi32, #tpu.memory_space<vmem>>) target_semaphore(%arg27 : memref<!tpu.dma_semaphore, #tpu.memory_space<semaphore_mem>>)
    %scan3A = arith.constant 0 : i32
    %scan3A_32 = arith.constant 0 : i32
    %scan3A_33 = arith.constant 25 : i32
    %scan3A_34 = arith.addi %scan3A_32, %scan3A_33 : i32
    %scan3A_35 = arith.constant 1 : i32
    scf.for %scan3A_56 = %scan3A_32 to %scan3A_34 step %scan3A_35  : i32 {
      %dma_wait3A_57 = tpu.memref_slice %arg4[%mul3A_2] : memref<320000xi32, #tpu.memory_space<hbm>> -> memref<80xi32, #tpu.memory_space<hbm>>
      %dma_wait3A_58 = tpu.memref_slice %arg4[%mul3A_2] : memref<320000xi32, #tpu.memory_space<hbm>> -> memref<80xi32, #tpu.memory_space<hbm>>
      tpu.wait_dma2 semaphore(%arg27 : memref<!tpu.dma_semaphore, #tpu.memory_space<semaphore_mem>>) src(%dma_wait3A_58 : memref<80xi32, #tpu.memory_space<hbm>>) dst(%arg7 : memref<80xi32, #tpu.memory_space<vmem>>)
      %dma_wait3A_59 = tpu.memref_slice %arg5[%mul3A_2] : memref<320000xi32, #tpu.memory_space<hbm>> -> memref<80xi32, #tpu.memory_space<hbm>>
      %dma_wait3A_60 = tpu.memref_slice %arg5[%mul3A_2] : memref<320000xi32, #tpu.memory_space<hbm>> -> memref<80xi32, #tpu.memory_space<hbm>>
      tpu.wait_dma2 semaphore(%arg27 : memref<!tpu.dma_semaphore, #tpu.memory_space<semaphore_mem>>) src(%dma_wait3A_60 : memref<80xi32, #tpu.memory_space<hbm>>) dst(%arg12 : memref<80xi32, #tpu.memory_space<vmem>>)
      %dma_wait3A_61 = tpu.memref_slice %arg4[%mul3A_2] : memref<320000xi32, #tpu.memory_space<hbm>> -> memref<80xi32, #tpu.memory_space<hbm>>
      %dma_wait3A_62 = tpu.memref_slice %arg4[%mul3A_2] : memref<320000xi32, #tpu.memory_space<hbm>> -> memref<80xi32, #tpu.memory_space<hbm>>
      tpu.wait_dma2 semaphore(%arg27 : memref<!tpu.dma_semaphore, #tpu.memory_space<semaphore_mem>>) src(%dma_wait3A_62 : memref<80xi32, #tpu.memory_space<hbm>>) dst(%arg8 : memref<80xi32, #tpu.memory_space<vmem>>)
      %dma_wait3A_63 = tpu.memref_slice %arg5[%mul3A_2] : memref<320000xi32, #tpu.memory_space<hbm>> -> memref<80xi32, #tpu.memory_space<hbm>>
      %dma_wait3A_64 = tpu.memref_slice %arg5[%mul3A_2] : memref<320000xi32, #tpu.memory_space<hbm>> -> memref<80xi32, #tpu.memory_space<hbm>>
      tpu.wait_dma2 semaphore(%arg27 : memref<!tpu.dma_semaphore, #tpu.memory_space<semaphore_mem>>) src(%dma_wait3A_64 : memref<80xi32, #tpu.memory_space<hbm>>) dst(%arg13 : memref<80xi32, #tpu.memory_space<vmem>>)
      %dma_wait3A_65 = tpu.memref_slice %arg4[%mul3A_2] : memref<320000xi32, #tpu.memory_space<hbm>> -> memref<80xi32, #tpu.memory_space<hbm>>
      %dma_wait3A_66 = tpu.memref_slice %arg4[%mul3A_2] : memref<320000xi32, #tpu.memory_space<hbm>> -> memref<80xi32, #tpu.memory_space<hbm>>
      tpu.wait_dma2 semaphore(%arg27 : memref<!tpu.dma_semaphore, #tpu.memory_space<semaphore_mem>>) src(%dma_wait3A_66 : memref<80xi32, #tpu.memory_space<hbm>>) dst(%arg9 : memref<80xi32, #tpu.memory_space<vmem>>)
      %dma_wait3A_67 = tpu.memref_slice %arg5[%mul3A_2] : memref<320000xi32, #tpu.memory_space<hbm>> -> memref<80xi32, #tpu.memory_space<hbm>>
      %dma_wait3A_68 = tpu.memref_slice %arg5[%mul3A_2] : memref<320000xi32, #tpu.memory_space<hbm>> -> memref<80xi32, #tpu.memory_space<hbm>>
      tpu.wait_dma2 semaphore(%arg27 : memref<!tpu.dma_semaphore, #tpu.memory_space<semaphore_mem>>) src(%dma_wait3A_68 : memref<80xi32, #tpu.memory_space<hbm>>) dst(%arg14 : memref<80xi32, #tpu.memory_space<vmem>>)
      %dma_wait3A_69 = tpu.memref_slice %arg4[%mul3A_2] : memref<320000xi32, #tpu.memory_space<hbm>> -> memref<80xi32, #tpu.memory_space<hbm>>
      %dma_wait3A_70 = tpu.memref_slice %arg4[%mul3A_2] : memref<320000xi32, #tpu.memory_space<hbm>> -> memref<80xi32, #tpu.memory_space<hbm>>
      tpu.wait_dma2 semaphore(%arg27 : memref<!tpu.dma_semaphore, #tpu.memory_space<semaphore_mem>>) src(%dma_wait3A_70 : memref<80xi32, #tpu.memory_space<hbm>>) dst(%arg10 : memref<80xi32, #tpu.memory_space<vmem>>)
      %dma_wait3A_71 = tpu.memref_slice %arg5[%mul3A_2] : memref<320000xi32, #tpu.memory_space<hbm>> -> memref<80xi32, #tpu.memory_space<hbm>>
      %dma_wait3A_72 = tpu.memref_slice %arg5[%mul3A_2] : memref<320000xi32, #tpu.memory_space<hbm>> -> memref<80xi32, #tpu.memory_space<hbm>>
      tpu.wait_dma2 semaphore(%arg27 : memref<!tpu.dma_semaphore, #tpu.memory_space<semaphore_mem>>) src(%dma_wait3A_72 : memref<80xi32, #tpu.memory_space<hbm>>) dst(%arg15 : memref<80xi32, #tpu.memory_space<vmem>>)
      %dma_wait3A_73 = tpu.memref_slice %arg4[%mul3A_2] : memref<320000xi32, #tpu.memory_space<hbm>> -> memref<80xi32, #tpu.memory_space<hbm>>
      %dma_wait3A_74 = tpu.memref_slice %arg4[%mul3A_2] : memref<320000xi32, #tpu.memory_space<hbm>> -> memref<80xi32, #tpu.memory_space<hbm>>
      tpu.wait_dma2 semaphore(%arg27 : memref<!tpu.dma_semaphore, #tpu.memory_space<semaphore_mem>>) src(%dma_wait3A_74 : memref<80xi32, #tpu.memory_space<hbm>>) dst(%arg11 : memref<80xi32, #tpu.memory_space<vmem>>)
      %dma_wait3A_75 = tpu.memref_slice %arg5[%mul3A_2] : memref<320000xi32, #tpu.memory_space<hbm>> -> memref<80xi32, #tpu.memory_space<hbm>>
      %dma_wait3A_76 = tpu.memref_slice %arg5[%mul3A_2] : memref<320000xi32, #tpu.memory_space<hbm>> -> memref<80xi32, #tpu.memory_space<hbm>>
      tpu.wait_dma2 semaphore(%arg27 : memref<!tpu.dma_semaphore, #tpu.memory_space<semaphore_mem>>) src(%dma_wait3A_76 : memref<80xi32, #tpu.memory_space<hbm>>) dst(%arg16 : memref<80xi32, #tpu.memory_space<vmem>>)
      %gt3A = arith.constant 0 : i32
      %gt3A_77 = arith.cmpi sgt, %scan3A_56, %gt3A : i32
      %convert_element_type3A = arith.extui %gt3A_77 : i1 to i32
      %cond3A = arith.constant 0 : i32
      %cond3A_78 = arith.cmpi ne, %convert_element_type3A, %cond3A : i32
      scf.if %cond3A_78 {
        %dma_wait3A_230 = arith.constant 0 : i32
        %dma_wait3A_231 = tpu.memref_slice %arg6[%mul3A_2, %dma_wait3A_230] : memref<320000x128xf32, #tpu.memory_space<hbm>> -> memref<80x128xf32, #tpu.memory_space<hbm>>
        %dma_wait3A_232 = arith.constant 0 : i32
        %dma_wait3A_233 = tpu.memref_slice %arg6[%mul3A_2, %dma_wait3A_232] : memref<320000x128xf32, #tpu.memory_space<hbm>> -> memref<80x128xf32, #tpu.memory_space<hbm>>
        tpu.wait_dma2 semaphore(%arg29 : memref<!tpu.dma_semaphore, #tpu.memory_space<semaphore_mem>>) src(%arg17 : memref<80x128xf32, #tpu.memory_space<vmem>>) dst(%dma_wait3A_233 : memref<80x128xf32, #tpu.memory_space<hbm>>)
        %dma_wait3A_234 = arith.constant 0 : i32
        %dma_wait3A_235 = tpu.memref_slice %arg6[%mul3A_2, %dma_wait3A_234] : memref<320000x128xf32, #tpu.memory_space<hbm>> -> memref<80x128xf32, #tpu.memory_space<hbm>>
        %dma_wait3A_236 = arith.constant 0 : i32
        %dma_wait3A_237 = tpu.memref_slice %arg6[%mul3A_2, %dma_wait3A_236] : memref<320000x128xf32, #tpu.memory_space<hbm>> -> memref<80x128xf32, #tpu.memory_space<hbm>>
        tpu.wait_dma2 semaphore(%arg29 : memref<!tpu.dma_semaphore, #tpu.memory_space<semaphore_mem>>) src(%arg18 : memref<80x128xf32, #tpu.memory_space<vmem>>) dst(%dma_wait3A_237 : memref<80x128xf32, #tpu.memory_space<hbm>>)
        %dma_wait3A_238 = arith.constant 0 : i32
        %dma_wait3A_239 = tpu.memref_slice %arg6[%mul3A_2, %dma_wait3A_238] : memref<320000x128xf32, #tpu.memory_space<hbm>> -> memref<80x128xf32, #tpu.memory_space<hbm>>
        %dma_wait3A_240 = arith.constant 0 : i32
        %dma_wait3A_241 = tpu.memref_slice %arg6[%mul3A_2, %dma_wait3A_240] : memref<320000x128xf32, #tpu.memory_space<hbm>> -> memref<80x128xf32, #tpu.memory_space<hbm>>
        tpu.wait_dma2 semaphore(%arg29 : memref<!tpu.dma_semaphore, #tpu.memory_space<semaphore_mem>>) src(%arg19 : memref<80x128xf32, #tpu.memory_space<vmem>>) dst(%dma_wait3A_241 : memref<80x128xf32, #tpu.memory_space<hbm>>)
        %dma_wait3A_242 = arith.constant 0 : i32
        %dma_wait3A_243 = tpu.memref_slice %arg6[%mul3A_2, %dma_wait3A_242] : memref<320000x128xf32, #tpu.memory_space<hbm>> -> memref<80x128xf32, #tpu.memory_space<hbm>>
        %dma_wait3A_244 = arith.constant 0 : i32
        %dma_wait3A_245 = tpu.memref_slice %arg6[%mul3A_2, %dma_wait3A_244] : memref<320000x128xf32, #tpu.memory_space<hbm>> -> memref<80x128xf32, #tpu.memory_space<hbm>>
        tpu.wait_dma2 semaphore(%arg29 : memref<!tpu.dma_semaphore, #tpu.memory_space<semaphore_mem>>) src(%arg20 : memref<80x128xf32, #tpu.memory_space<vmem>>) dst(%dma_wait3A_245 : memref<80x128xf32, #tpu.memory_space<hbm>>)
        %dma_wait3A_246 = arith.constant 0 : i32
        %dma_wait3A_247 = tpu.memref_slice %arg6[%mul3A_2, %dma_wait3A_246] : memref<320000x128xf32, #tpu.memory_space<hbm>> -> memref<80x128xf32, #tpu.memory_space<hbm>>
        %dma_wait3A_248 = arith.constant 0 : i32
        %dma_wait3A_249 = tpu.memref_slice %arg6[%mul3A_2, %dma_wait3A_248] : memref<320000x128xf32, #tpu.memory_space<hbm>> -> memref<80x128xf32, #tpu.memory_space<hbm>>
        tpu.wait_dma2 semaphore(%arg29 : memref<!tpu.dma_semaphore, #tpu.memory_space<semaphore_mem>>) src(%arg21 : memref<80x128xf32, #tpu.memory_space<vmem>>) dst(%dma_wait3A_249 : memref<80x128xf32, #tpu.memory_space<hbm>>)
      } else {
      }
      %dma_start3A_79 = arith.constant 0 : i32
      %dma_start3A_80 = arith.constant 0 : i32
      %dma_start3A_81 = tpu.memref_slice %arg2[%dma_start3A_79, %dma_start3A_80] : memref<10000x128xf32, #tpu.memory_space<hbm>> -> memref<10000x128xf32, #tpu.memory_space<hbm>>
      tpu.enqueue_indirect_dma source(%dma_start3A_81 : memref<10000x128xf32, #tpu.memory_space<hbm>>) target(%arg17 : memref<80x128xf32, #tpu.memory_space<vmem>>) offsets(%arg7 : memref<80xi32, #tpu.memory_space<vmem>>) semaphore(%arg28 : memref<!tpu.dma_semaphore, #tpu.memory_space<semaphore_mem>>)
      %dma_start3A_82 = arith.constant 0 : i32
      %dma_start3A_83 = arith.constant 0 : i32
      %dma_start3A_84 = tpu.memref_slice %arg3[%dma_start3A_82, %dma_start3A_83] : memref<10000x128xf32, #tpu.memory_space<hbm>> -> memref<10000x128xf32, #tpu.memory_space<hbm>>
      tpu.enqueue_indirect_dma source(%dma_start3A_84 : memref<10000x128xf32, #tpu.memory_space<hbm>>) target(%arg22 : memref<80x128xf32, #tpu.memory_space<vmem>>) offsets(%arg12 : memref<80xi32, #tpu.memory_space<vmem>>) semaphore(%arg28 : memref<!tpu.dma_semaphore, #tpu.memory_space<semaphore_mem>>)
      %dma_start3A_85 = arith.constant 0 : i32
      %dma_start3A_86 = arith.constant 0 : i32
      %dma_start3A_87 = tpu.memref_slice %arg2[%dma_start3A_85, %dma_start3A_86] : memref<10000x128xf32, #tpu.memory_space<hbm>> -> memref<10000x128xf32, #tpu.memory_space<hbm>>
      tpu.enqueue_indirect_dma source(%dma_start3A_87 : memref<10000x128xf32, #tpu.memory_space<hbm>>) target(%arg18 : memref<80x128xf32, #tpu.memory_space<vmem>>) offsets(%arg8 : memref<80xi32, #tpu.memory_space<vmem>>) semaphore(%arg28 : memref<!tpu.dma_semaphore, #tpu.memory_space<semaphore_mem>>)
      %dma_start3A_88 = arith.constant 0 : i32
      %dma_start3A_89 = arith.constant 0 : i32
      %dma_start3A_90 = tpu.memref_slice %arg3[%dma_start3A_88, %dma_start3A_89] : memref<10000x128xf32, #tpu.memory_space<hbm>> -> memref<10000x128xf32, #tpu.memory_space<hbm>>
      tpu.enqueue_indirect_dma source(%dma_start3A_90 : memref<10000x128xf32, #tpu.memory_space<hbm>>) target(%arg23 : memref<80x128xf32, #tpu.memory_space<vmem>>) offsets(%arg13 : memref<80xi32, #tpu.memory_space<vmem>>) semaphore(%arg28 : memref<!tpu.dma_semaphore, #tpu.memory_space<semaphore_mem>>)
      %dma_start3A_91 = arith.constant 0 : i32
      %dma_start3A_92 = arith.constant 0 : i32
      %dma_start3A_93 = tpu.memref_slice %arg2[%dma_start3A_91, %dma_start3A_92] : memref<10000x128xf32, #tpu.memory_space<hbm>> -> memref<10000x128xf32, #tpu.memory_space<hbm>>
      tpu.enqueue_indirect_dma source(%dma_start3A_93 : memref<10000x128xf32, #tpu.memory_space<hbm>>) target(%arg19 : memref<80x128xf32, #tpu.memory_space<vmem>>) offsets(%arg9 : memref<80xi32, #tpu.memory_space<vmem>>) semaphore(%arg28 : memref<!tpu.dma_semaphore, #tpu.memory_space<semaphore_mem>>)
      %dma_start3A_94 = arith.constant 0 : i32
      %dma_start3A_95 = arith.constant 0 : i32
      %dma_start3A_96 = tpu.memref_slice %arg3[%dma_start3A_94, %dma_start3A_95] : memref<10000x128xf32, #tpu.memory_space<hbm>> -> memref<10000x128xf32, #tpu.memory_space<hbm>>
      tpu.enqueue_indirect_dma source(%dma_start3A_96 : memref<10000x128xf32, #tpu.memory_space<hbm>>) target(%arg24 : memref<80x128xf32, #tpu.memory_space<vmem>>) offsets(%arg14 : memref<80xi32, #tpu.memory_space<vmem>>) semaphore(%arg28 : memref<!tpu.dma_semaphore, #tpu.memory_space<semaphore_mem>>)
      %dma_start3A_97 = arith.constant 0 : i32
      %dma_start3A_98 = arith.constant 0 : i32
      %dma_start3A_99 = tpu.memref_slice %arg2[%dma_start3A_97, %dma_start3A_98] : memref<10000x128xf32, #tpu.memory_space<hbm>> -> memref<10000x128xf32, #tpu.memory_space<hbm>>
      tpu.enqueue_indirect_dma source(%dma_start3A_99 : memref<10000x128xf32, #tpu.memory_space<hbm>>) target(%arg20 : memref<80x128xf32, #tpu.memory_space<vmem>>) offsets(%arg10 : memref<80xi32, #tpu.memory_space<vmem>>) semaphore(%arg28 : memref<!tpu.dma_semaphore, #tpu.memory_space<semaphore_mem>>)
      %dma_start3A_100 = arith.constant 0 : i32
      %dma_start3A_101 = arith.constant 0 : i32
      %dma_start3A_102 = tpu.memref_slice %arg3[%dma_start3A_100, %dma_start3A_101] : memref<10000x128xf32, #tpu.memory_space<hbm>> -> memref<10000x128xf32, #tpu.memory_space<hbm>>
      tpu.enqueue_indirect_dma source(%dma_start3A_102 : memref<10000x128xf32, #tpu.memory_space<hbm>>) target(%arg25 : memref<80x128xf32, #tpu.memory_space<vmem>>) offsets(%arg15 : memref<80xi32, #tpu.memory_space<vmem>>) semaphore(%arg28 : memref<!tpu.dma_semaphore, #tpu.memory_space<semaphore_mem>>)
      %dma_start3A_103 = arith.constant 0 : i32
      %dma_start3A_104 = arith.constant 0 : i32
      %dma_start3A_105 = tpu.memref_slice %arg2[%dma_start3A_103, %dma_start3A_104] : memref<10000x128xf32, #tpu.memory_space<hbm>> -> memref<10000x128xf32, #tpu.memory_space<hbm>>
      tpu.enqueue_indirect_dma source(%dma_start3A_105 : memref<10000x128xf32, #tpu.memory_space<hbm>>) target(%arg21 : memref<80x128xf32, #tpu.memory_space<vmem>>) offsets(%arg11 : memref<80xi32, #tpu.memory_space<vmem>>) semaphore(%arg28 : memref<!tpu.dma_semaphore, #tpu.memory_space<semaphore_mem>>)
      %dma_start3A_106 = arith.constant 0 : i32
      %dma_start3A_107 = arith.constant 0 : i32
      %dma_start3A_108 = tpu.memref_slice %arg3[%dma_start3A_106, %dma_start3A_107] : memref<10000x128xf32, #tpu.memory_space<hbm>> -> memref<10000x128xf32, #tpu.memory_space<hbm>>
      tpu.enqueue_indirect_dma source(%dma_start3A_108 : memref<10000x128xf32, #tpu.memory_space<hbm>>) target(%arg26 : memref<80x128xf32, #tpu.memory_space<vmem>>) offsets(%arg16 : memref<80xi32, #tpu.memory_space<vmem>>) semaphore(%arg28 : memref<!tpu.dma_semaphore, #tpu.memory_space<semaphore_mem>>)
      %dma_wait3A_109 = arith.constant 0 : i32
      %dma_wait3A_110 = arith.constant 0 : i32
      %dma_wait3A_111 = tpu.memref_slice %arg2[%dma_wait3A_109, %dma_wait3A_110] : memref<10000x128xf32, #tpu.memory_space<hbm>> -> memref<10000x128xf32, #tpu.memory_space<hbm>>
      tpu.wait_indirect_dma semaphore(%arg28 : memref<!tpu.dma_semaphore, #tpu.memory_space<semaphore_mem>>) src(%dma_wait3A_111 : memref<10000x128xf32, #tpu.memory_space<hbm>>) dst(%arg17 : memref<80x128xf32, #tpu.memory_space<vmem>>)
      %dma_wait3A_112 = arith.constant 0 : i32
      %dma_wait3A_113 = arith.constant 0 : i32
      %dma_wait3A_114 = tpu.memref_slice %arg3[%dma_wait3A_112, %dma_wait3A_113] : memref<10000x128xf32, #tpu.memory_space<hbm>> -> memref<10000x128xf32, #tpu.memory_space<hbm>>
      tpu.wait_indirect_dma semaphore(%arg28 : memref<!tpu.dma_semaphore, #tpu.memory_space<semaphore_mem>>) src(%dma_wait3A_114 : memref<10000x128xf32, #tpu.memory_space<hbm>>) dst(%arg22 : memref<80x128xf32, #tpu.memory_space<vmem>>)
      %scan3A_115 = arith.constant 0 : i32
      %scan3A_116 = arith.constant 0 : i32
      %scan3A_117 = arith.constant 80 : i32
      %scan3A_118 = arith.addi %scan3A_116, %scan3A_117 : i32
      %scan3A_119 = arith.constant 4 : i32
      scf.for %scan3A_230 = %scan3A_116 to %scan3A_118 step %scan3A_119  : i32 {
        %get3A = arith.index_cast %scan3A_230 : i32 to index
        %get3A_231 = arith.constant 0 : index
        %get3A_232 = tpu.vector_load %arg22[%get3A, %get3A_231] {strides = array<i32>} : memref<80x128xf32, #tpu.memory_space<vmem>>, vector<1x16xf32>,
        %get3A_233 = vector.shape_cast %get3A_232 : vector<1x16xf32> to vector<16xf32>
        %swap3A = arith.index_cast %scan3A_230 : i32 to index
        %swap3A_234 = arith.constant 0 : index
        %swap3A_235 = tpu.vector_load %arg17[%swap3A, %swap3A_234] {strides = array<i32>} : memref<80x128xf32, #tpu.memory_space<vmem>>, vector<1x16xf32>,
        %swap3A_236 = vector.shape_cast %swap3A_235 : vector<1x16xf32> to vector<16xf32>
        %swap3A_237 = vector.shape_cast %get3A_233 : vector<16xf32> to vector<1x16xf32>
        tpu.vector_store %arg17[%swap3A, %swap3A_234], %swap3A_237 {add = true, strides = array<i32>} : memref<80x128xf32, #tpu.memory_space<vmem>>, vector<1x16xf32>,
        %get3A_238 = arith.index_cast %scan3A_230 : i32 to index
        %get3A_239 = arith.constant 16 : index
        %get3A_240 = tpu.vector_load %arg22[%get3A_238, %get3A_239] {strides = array<i32>} : memref<80x128xf32, #tpu.memory_space<vmem>>, vector<1x16xf32>,
        %get3A_241 = vector.shape_cast %get3A_240 : vector<1x16xf32> to vector<16xf32>
        %swap3A_242 = arith.index_cast %scan3A_230 : i32 to index
        %swap3A_243 = arith.constant 16 : index
        %swap3A_244 = tpu.vector_load %arg17[%swap3A_242, %swap3A_243] {strides = array<i32>} : memref<80x128xf32, #tpu.memory_space<vmem>>, vector<1x16xf32>,
        %swap3A_245 = vector.shape_cast %swap3A_244 : vector<1x16xf32> to vector<16xf32>
        %swap3A_246 = vector.shape_cast %get3A_241 : vector<16xf32> to vector<1x16xf32>
        tpu.vector_store %arg17[%swap3A_242, %swap3A_243], %swap3A_246 {add = true, strides = array<i32>} : memref<80x128xf32, #tpu.memory_space<vmem>>, vector<1x16xf32>,
        %get3A_247 = arith.index_cast %scan3A_230 : i32 to index
        %get3A_248 = arith.constant 32 : index
        %get3A_249 = tpu.vector_load %arg22[%get3A_247, %get3A_248] {strides = array<i32>} : memref<80x128xf32, #tpu.memory_space<vmem>>, vector<1x16xf32>,
        %get3A_250 = vector.shape_cast %get3A_249 : vector<1x16xf32> to vector<16xf32>
        %swap3A_251 = arith.index_cast %scan3A_230 : i32 to index
        %swap3A_252 = arith.constant 32 : index
        %swap3A_253 = tpu.vector_load %arg17[%swap3A_251, %swap3A_252] {strides = array<i32>} : memref<80x128xf32, #tpu.memory_space<vmem>>, vector<1x16xf32>,
        %swap3A_254 = vector.shape_cast %swap3A_253 : vector<1x16xf32> to vector<16xf32>
        %swap3A_255 = vector.shape_cast %get3A_250 : vector<16xf32> to vector<1x16xf32>
        tpu.vector_store %arg17[%swap3A_251, %swap3A_252], %swap3A_255 {add = true, strides = array<i32>} : memref<80x128xf32, #tpu.memory_space<vmem>>, vector<1x16xf32>,
        %get3A_256 = arith.index_cast %scan3A_230 : i32 to index
        %get3A_257 = arith.constant 48 : index
        %get3A_258 = tpu.vector_load %arg22[%get3A_256, %get3A_257] {strides = array<i32>} : memref<80x128xf32, #tpu.memory_space<vmem>>, vector<1x16xf32>,
        %get3A_259 = vector.shape_cast %get3A_258 : vector<1x16xf32> to vector<16xf32>
        %swap3A_260 = arith.index_cast %scan3A_230 : i32 to index
        %swap3A_261 = arith.constant 48 : index
        %swap3A_262 = tpu.vector_load %arg17[%swap3A_260, %swap3A_261] {strides = array<i32>} : memref<80x128xf32, #tpu.memory_space<vmem>>, vector<1x16xf32>,
        %swap3A_263 = vector.shape_cast %swap3A_262 : vector<1x16xf32> to vector<16xf32>
        %swap3A_264 = vector.shape_cast %get3A_259 : vector<16xf32> to vector<1x16xf32>
        tpu.vector_store %arg17[%swap3A_260, %swap3A_261], %swap3A_264 {add = true, strides = array<i32>} : memref<80x128xf32, #tpu.memory_space<vmem>>, vector<1x16xf32>,
        %get3A_265 = arith.index_cast %scan3A_230 : i32 to index
        %get3A_266 = arith.constant 64 : index
        %get3A_267 = tpu.vector_load %arg22[%get3A_265, %get3A_266] {strides = array<i32>} : memref<80x128xf32, #tpu.memory_space<vmem>>, vector<1x16xf32>,
        %get3A_268 = vector.shape_cast %get3A_267 : vector<1x16xf32> to vector<16xf32>
        %swap3A_269 = arith.index_cast %scan3A_230 : i32 to index
        %swap3A_270 = arith.constant 64 : index
        %swap3A_271 = tpu.vector_load %arg17[%swap3A_269, %swap3A_270] {strides = array<i32>} : memref<80x128xf32, #tpu.memory_space<vmem>>, vector<1x16xf32>,
        %swap3A_272 = vector.shape_cast %swap3A_271 : vector<1x16xf32> to vector<16xf32>
        %swap3A_273 = vector.shape_cast %get3A_268 : vector<16xf32> to vector<1x16xf32>
        tpu.vector_store %arg17[%swap3A_269, %swap3A_270], %swap3A_273 {add = true, strides = array<i32>} : memref<80x128xf32, #tpu.memory_space<vmem>>, vector<1x16xf32>,
        %get3A_274 = arith.index_cast %scan3A_230 : i32 to index
        %get3A_275 = arith.constant 80 : index
        %get3A_276 = tpu.vector_load %arg22[%get3A_274, %get3A_275] {strides = array<i32>} : memref<80x128xf32, #tpu.memory_space<vmem>>, vector<1x16xf32>,
        %get3A_277 = vector.shape_cast %get3A_276 : vector<1x16xf32> to vector<16xf32>
        %swap3A_278 = arith.index_cast %scan3A_230 : i32 to index
        %swap3A_279 = arith.constant 80 : index
        %swap3A_280 = tpu.vector_load %arg17[%swap3A_278, %swap3A_279] {strides = array<i32>} : memref<80x128xf32, #tpu.memory_space<vmem>>, vector<1x16xf32>,
        %swap3A_281 = vector.shape_cast %swap3A_280 : vector<1x16xf32> to vector<16xf32>
        %swap3A_282 = vector.shape_cast %get3A_277 : vector<16xf32> to vector<1x16xf32>
        tpu.vector_store %arg17[%swap3A_278, %swap3A_279], %swap3A_282 {add = true, strides = array<i32>} : memref<80x128xf32, #tpu.memory_space<vmem>>, vector<1x16xf32>,
        %get3A_283 = arith.index_cast %scan3A_230 : i32 to index
        %get3A_284 = arith.constant 96 : index
        %get3A_285 = tpu.vector_load %arg22[%get3A_283, %get3A_284] {strides = array<i32>} : memref<80x128xf32, #tpu.memory_space<vmem>>, vector<1x16xf32>,
        %get3A_286 = vector.shape_cast %get3A_285 : vector<1x16xf32> to vector<16xf32>
        %swap3A_287 = arith.index_cast %scan3A_230 : i32 to index
        %swap3A_288 = arith.constant 96 : index
        %swap3A_289 = tpu.vector_load %arg17[%swap3A_287, %swap3A_288] {strides = array<i32>} : memref<80x128xf32, #tpu.memory_space<vmem>>, vector<1x16xf32>,
        %swap3A_290 = vector.shape_cast %swap3A_289 : vector<1x16xf32> to vector<16xf32>
        %swap3A_291 = vector.shape_cast %get3A_286 : vector<16xf32> to vector<1x16xf32>
        tpu.vector_store %arg17[%swap3A_287, %swap3A_288], %swap3A_291 {add = true, strides = array<i32>} : memref<80x128xf32, #tpu.memory_space<vmem>>, vector<1x16xf32>,
        %get3A_292 = arith.index_cast %scan3A_230 : i32 to index
        %get3A_293 = arith.constant 112 : index
        %get3A_294 = tpu.vector_load %arg22[%get3A_292, %get3A_293] {strides = array<i32>} : memref<80x128xf32, #tpu.memory_space<vmem>>, vector<1x16xf32>,
        %get3A_295 = vector.shape_cast %get3A_294 : vector<1x16xf32> to vector<16xf32>
        %swap3A_296 = arith.index_cast %scan3A_230 : i32 to index
        %swap3A_297 = arith.constant 112 : index
        %swap3A_298 = tpu.vector_load %arg17[%swap3A_296, %swap3A_297] {strides = array<i32>} : memref<80x128xf32, #tpu.memory_space<vmem>>, vector<1x16xf32>,
        %swap3A_299 = vector.shape_cast %swap3A_298 : vector<1x16xf32> to vector<16xf32>
        %swap3A_300 = vector.shape_cast %get3A_295 : vector<16xf32> to vector<1x16xf32>
        tpu.vector_store %arg17[%swap3A_296, %swap3A_297], %swap3A_300 {add = true, strides = array<i32>} : memref<80x128xf32, #tpu.memory_space<vmem>>, vector<1x16xf32>,
        %scan3A_301 = arith.constant 1 : i32
        %scan3A_302 = arith.addi %scan3A_230, %scan3A_301 : i32
        %get3A_303 = arith.index_cast %scan3A_302 : i32 to index
        %get3A_304 = arith.constant 0 : index
        %get3A_305 = tpu.vector_load %arg22[%get3A_303, %get3A_304] {strides = array<i32>} : memref<80x128xf32, #tpu.memory_space<vmem>>, vector<1x16xf32>,
        %get3A_306 = vector.shape_cast %get3A_305 : vector<1x16xf32> to vector<16xf32>
        %swap3A_307 = arith.index_cast %scan3A_302 : i32 to index
        %swap3A_308 = arith.constant 0 : index
        %swap3A_309 = tpu.vector_load %arg17[%swap3A_307, %swap3A_308] {strides = array<i32>} : memref<80x128xf32, #tpu.memory_space<vmem>>, vector<1x16xf32>,
        %swap3A_310 = vector.shape_cast %swap3A_309 : vector<1x16xf32> to vector<16xf32>
        %swap3A_311 = vector.shape_cast %get3A_306 : vector<16xf32> to vector<1x16xf32>
        tpu.vector_store %arg17[%swap3A_307, %swap3A_308], %swap3A_311 {add = true, strides = array<i32>} : memref<80x128xf32, #tpu.memory_space<vmem>>, vector<1x16xf32>,
        %get3A_312 = arith.index_cast %scan3A_302 : i32 to index
        %get3A_313 = arith.constant 16 : index
        %get3A_314 = tpu.vector_load %arg22[%get3A_312, %get3A_313] {strides = array<i32>} : memref<80x128xf32, #tpu.memory_space<vmem>>, vector<1x16xf32>,
        %get3A_315 = vector.shape_cast %get3A_314 : vector<1x16xf32> to vector<16xf32>
        %swap3A_316 = arith.index_cast %scan3A_302 : i32 to index
        %swap3A_317 = arith.constant 16 : index
        %swap3A_318 = tpu.vector_load %arg17[%swap3A_316, %swap3A_317] {strides = array<i32>} : memref<80x128xf32, #tpu.memory_space<vmem>>, vector<1x16xf32>,
        %swap3A_319 = vector.shape_cast %swap3A_318 : vector<1x16xf32> to vector<16xf32>
        %swap3A_320 = vector.shape_cast %get3A_315 : vector<16xf32> to vector<1x16xf32>
        tpu.vector_store %arg17[%swap3A_316, %swap3A_317], %swap3A_320 {add = true, strides = array<i32>} : memref<80x128xf32, #tpu.memory_space<vmem>>, vector<1x16xf32>,
        %get3A_321 = arith.index_cast %scan3A_302 : i32 to index
        %get3A_322 = arith.constant 32 : index
        %get3A_323 = tpu.vector_load %arg22[%get3A_321, %get3A_322] {strides = array<i32>} : memref<80x128xf32, #tpu.memory_space<vmem>>, vector<1x16xf32>,
        %get3A_324 = vector.shape_cast %get3A_323 : vector<1x16xf32> to vector<16xf32>
        %swap3A_325 = arith.index_cast %scan3A_302 : i32 to index
        %swap3A_326 = arith.constant 32 : index
        %swap3A_327 = tpu.vector_load %arg17[%swap3A_325, %swap3A_326] {strides = array<i32>} : memref<80x128xf32, #tpu.memory_space<vmem>>, vector<1x16xf32>,
        %swap3A_328 = vector.shape_cast %swap3A_327 : vector<1x16xf32> to vector<16xf32>
        %swap3A_329 = vector.shape_cast %get3A_324 : vector<16xf32> to vector<1x16xf32>
        tpu.vector_store %arg17[%swap3A_325, %swap3A_326], %swap3A_329 {add = true, strides = array<i32>} : memref<80x128xf32, #tpu.memory_space<vmem>>, vector<1x16xf32>,
        %get3A_330 = arith.index_cast %scan3A_302 : i32 to index
        %get3A_331 = arith.constant 48 : index
        %get3A_332 = tpu.vector_load %arg22[%get3A_330, %get3A_331] {strides = array<i32>} : memref<80x128xf32, #tpu.memory_space<vmem>>, vector<1x16xf32>,
        %get3A_333 = vector.shape_cast %get3A_332 : vector<1x16xf32> to vector<16xf32>
        %swap3A_334 = arith.index_cast %scan3A_302 : i32 to index
        %swap3A_335 = arith.constant 48 : index
        %swap3A_336 = tpu.vector_load %arg17[%swap3A_334, %swap3A_335] {strides = array<i32>} : memref<80x128xf32, #tpu.memory_space<vmem>>, vector<1x16xf32>,
        %swap3A_337 = vector.shape_cast %swap3A_336 : vector<1x16xf32> to vector<16xf32>
        %swap3A_338 = vector.shape_cast %get3A_333 : vector<16xf32> to vector<1x16xf32>
        tpu.vector_store %arg17[%swap3A_334, %swap3A_335], %swap3A_338 {add = true, strides = array<i32>} : memref<80x128xf32, #tpu.memory_space<vmem>>, vector<1x16xf32>,
        %get3A_339 = arith.index_cast %scan3A_302 : i32 to index
        %get3A_340 = arith.constant 64 : index
        %get3A_341 = tpu.vector_load %arg22[%get3A_339, %get3A_340] {strides = array<i32>} : memref<80x128xf32, #tpu.memory_space<vmem>>, vector<1x16xf32>,
        %get3A_342 = vector.shape_cast %get3A_341 : vector<1x16xf32> to vector<16xf32>
        %swap3A_343 = arith.index_cast %scan3A_302 : i32 to index
        %swap3A_344 = arith.constant 64 : index
        %swap3A_345 = tpu.vector_load %arg17[%swap3A_343, %swap3A_344] {strides = array<i32>} : memref<80x128xf32, #tpu.memory_space<vmem>>, vector<1x16xf32>,
        %swap3A_346 = vector.shape_cast %swap3A_345 : vector<1x16xf32> to vector<16xf32>
        %swap3A_347 = vector.shape_cast %get3A_342 : vector<16xf32> to vector<1x16xf32>
        tpu.vector_store %arg17[%swap3A_343, %swap3A_344], %swap3A_347 {add = true, strides = array<i32>} : memref<80x128xf32, #tpu.memory_space<vmem>>, vector<1x16xf32>,
        %get3A_348 = arith.index_cast %scan3A_302 : i32 to index
        %get3A_349 = arith.constant 80 : index
        %get3A_350 = tpu.vector_load %arg22[%get3A_348, %get3A_349] {strides = array<i32>} : memref<80x128xf32, #tpu.memory_space<vmem>>, vector<1x16xf32>,
        %get3A_351 = vector.shape_cast %get3A_350 : vector<1x16xf32> to vector<16xf32>
        %swap3A_352 = arith.index_cast %scan3A_302 : i32 to index
        %swap3A_353 = arith.constant 80 : index
        %swap3A_354 = tpu.vector_load %arg17[%swap3A_352, %swap3A_353] {strides = array<i32>} : memref<80x128xf32, #tpu.memory_space<vmem>>, vector<1x16xf32>,
        %swap3A_355 = vector.shape_cast %swap3A_354 : vector<1x16xf32> to vector<16xf32>
        %swap3A_356 = vector.shape_cast %get3A_351 : vector<16xf32> to vector<1x16xf32>
        tpu.vector_store %arg17[%swap3A_352, %swap3A_353], %swap3A_356 {add = true, strides = array<i32>} : memref<80x128xf32, #tpu.memory_space<vmem>>, vector<1x16xf32>,
        %get3A_357 = arith.index_cast %scan3A_302 : i32 to index
        %get3A_358 = arith.constant 96 : index
        %get3A_359 = tpu.vector_load %arg22[%get3A_357, %get3A_358] {strides = array<i32>} : memref<80x128xf32, #tpu.memory_space<vmem>>, vector<1x16xf32>,
        %get3A_360 = vector.shape_cast %get3A_359 : vector<1x16xf32> to vector<16xf32>
        %swap3A_361 = arith.index_cast %scan3A_302 : i32 to index
        %swap3A_362 = arith.constant 96 : index
        %swap3A_363 = tpu.vector_load %arg17[%swap3A_361, %swap3A_362] {strides = array<i32>} : memref<80x128xf32, #tpu.memory_space<vmem>>, vector<1x16xf32>,
        %swap3A_364 = vector.shape_cast %swap3A_363 : vector<1x16xf32> to vector<16xf32>
        %swap3A_365 = vector.shape_cast %get3A_360 : vector<16xf32> to vector<1x16xf32>
        tpu.vector_store %arg17[%swap3A_361, %swap3A_362], %swap3A_365 {add = true, strides = array<i32>} : memref<80x128xf32, #tpu.memory_space<vmem>>, vector<1x16xf32>,
        %get3A_366 = arith.index_cast %scan3A_302 : i32 to index
        %get3A_367 = arith.constant 112 : index
        %get3A_368 = tpu.vector_load %arg22[%get3A_366, %get3A_367] {strides = array<i32>} : memref<80x128xf32, #tpu.memory_space<vmem>>, vector<1x16xf32>,
        %get3A_369 = vector.shape_cast %get3A_368 : vector<1x16xf32> to vector<16xf32>
        %swap3A_370 = arith.index_cast %scan3A_302 : i32 to index
        %swap3A_371 = arith.constant 112 : index
        %swap3A_372 = tpu.vector_load %arg17[%swap3A_370, %swap3A_371] {strides = array<i32>} : memref<80x128xf32, #tpu.memory_space<vmem>>, vector<1x16xf32>,
        %swap3A_373 = vector.shape_cast %swap3A_372 : vector<1x16xf32> to vector<16xf32>
        %swap3A_374 = vector.shape_cast %get3A_369 : vector<16xf32> to vector<1x16xf32>
        tpu.vector_store %arg17[%swap3A_370, %swap3A_371], %swap3A_374 {add = true, strides = array<i32>} : memref<80x128xf32, #tpu.memory_space<vmem>>, vector<1x16xf32>,
        %scan3A_375 = arith.constant 2 : i32
        %scan3A_376 = arith.addi %scan3A_230, %scan3A_375 : i32
        %get3A_377 = arith.index_cast %scan3A_376 : i32 to index
        %get3A_378 = arith.constant 0 : index
        %get3A_379 = tpu.vector_load %arg22[%get3A_377, %get3A_378] {strides = array<i32>} : memref<80x128xf32, #tpu.memory_space<vmem>>, vector<1x16xf32>,
        %get3A_380 = vector.shape_cast %get3A_379 : vector<1x16xf32> to vector<16xf32>
        %swap3A_381 = arith.index_cast %scan3A_376 : i32 to index
        %swap3A_382 = arith.constant 0 : index
        %swap3A_383 = tpu.vector_load %arg17[%swap3A_381, %swap3A_382] {strides = array<i32>} : memref<80x128xf32, #tpu.memory_space<vmem>>, vector<1x16xf32>,
        %swap3A_384 = vector.shape_cast %swap3A_383 : vector<1x16xf32> to vector<16xf32>
        %swap3A_385 = vector.shape_cast %get3A_380 : vector<16xf32> to vector<1x16xf32>
        tpu.vector_store %arg17[%swap3A_381, %swap3A_382], %swap3A_385 {add = true, strides = array<i32>} : memref<80x128xf32, #tpu.memory_space<vmem>>, vector<1x16xf32>,
        %get3A_386 = arith.index_cast %scan3A_376 : i32 to index
        %get3A_387 = arith.constant 16 : index
        %get3A_388 = tpu.vector_load %arg22[%get3A_386, %get3A_387] {strides = array<i32>} : memref<80x128xf32, #tpu.memory_space<vmem>>, vector<1x16xf32>,
        %get3A_389 = vector.shape_cast %get3A_388 : vector<1x16xf32> to vector<16xf32>
        %swap3A_390 = arith.index_cast %scan3A_376 : i32 to index
        %swap3A_391 = arith.constant 16 : index
        %swap3A_392 = tpu.vector_load %arg17[%swap3A_390, %swap3A_391] {strides = array<i32>} : memref<80x128xf32, #tpu.memory_space<vmem>>, vector<1x16xf32>,
        %swap3A_393 = vector.shape_cast %swap3A_392 : vector<1x16xf32> to vector<16xf32>
        %swap3A_394 = vector.shape_cast %get3A_389 : vector<16xf32> to vector<1x16xf32>
        tpu.vector_store %arg17[%swap3A_390, %swap3A_391], %swap3A_394 {add = true, strides = array<i32>} : memref<80x128xf32, #tpu.memory_space<vmem>>, vector<1x16xf32>,
        %get3A_395 = arith.index_cast %scan3A_376 : i32 to index
        %get3A_396 = arith.constant 32 : index
        %get3A_397 = tpu.vector_load %arg22[%get3A_395, %get3A_396] {strides = array<i32>} : memref<80x128xf32, #tpu.memory_space<vmem>>, vector<1x16xf32>,
        %get3A_398 = vector.shape_cast %get3A_397 : vector<1x16xf32> to vector<16xf32>
        %swap3A_399 = arith.index_cast %scan3A_376 : i32 to index
        %swap3A_400 = arith.constant 32 : index
        %swap3A_401 = tpu.vector_load %arg17[%swap3A_399, %swap3A_400] {strides = array<i32>} : memref<80x128xf32, #tpu.memory_space<vmem>>, vector<1x16xf32>,
        %swap3A_402 = vector.shape_cast %swap3A_401 : vector<1x16xf32> to vector<16xf32>
        %swap3A_403 = vector.shape_cast %get3A_398 : vector<16xf32> to vector<1x16xf32>
        tpu.vector_store %arg17[%swap3A_399, %swap3A_400], %swap3A_403 {add = true, strides = array<i32>} : memref<80x128xf32, #tpu.memory_space<vmem>>, vector<1x16xf32>,
        %get3A_404 = arith.index_cast %scan3A_376 : i32 to index
        %get3A_405 = arith.constant 48 : index
        %get3A_406 = tpu.vector_load %arg22[%get3A_404, %get3A_405] {strides = array<i32>} : memref<80x128xf32, #tpu.memory_space<vmem>>, vector<1x16xf32>,
        %get3A_407 = vector.shape_cast %get3A_406 : vector<1x16xf32> to vector<16xf32>
        %swap3A_408 = arith.index_cast %scan3A_376 : i32 to index
        %swap3A_409 = arith.constant 48 : index
        %swap3A_410 = tpu.vector_load %arg17[%swap3A_408, %swap3A_409] {strides = array<i32>} : memref<80x128xf32, #tpu.memory_space<vmem>>, vector<1x16xf32>,
        %swap3A_411 = vector.shape_cast %swap3A_410 : vector<1x16xf32> to vector<16xf32>
        %swap3A_412 = vector.shape_cast %get3A_407 : vector<16xf32> to vector<1x16xf32>
        tpu.vector_store %arg17[%swap3A_408, %swap3A_409], %swap3A_412 {add = true, strides = array<i32>} : memref<80x128xf32, #tpu.memory_space<vmem>>, vector<1x16xf32>,
        %get3A_413 = arith.index_cast %scan3A_376 : i32 to index
        %get3A_414 = arith.constant 64 : index
        %get3A_415 = tpu.vector_load %arg22[%get3A_413, %get3A_414] {strides = array<i32>} : memref<80x128xf32, #tpu.memory_space<vmem>>, vector<1x16xf32>,
        %get3A_416 = vector.shape_cast %get3A_415 : vector<1x16xf32> to vector<16xf32>
        %swap3A_417 = arith.index_cast %scan3A_376 : i32 to index
        %swap3A_418 = arith.constant 64 : index
        %swap3A_419 = tpu.vector_load %arg17[%swap3A_417, %swap3A_418] {strides = array<i32>} : memref<80x128xf32, #tpu.memory_space<vmem>>, vector<1x16xf32>,
        %swap3A_420 = vector.shape_cast %swap3A_419 : vector<1x16xf32> to vector<16xf32>
        %swap3A_421 = vector.shape_cast %get3A_416 : vector<16xf32> to vector<1x16xf32>
        tpu.vector_store %arg17[%swap3A_417, %swap3A_418], %swap3A_421 {add = true, strides = array<i32>} : memref<80x128xf32, #tpu.memory_space<vmem>>, vector<1x16xf32>,
        %get3A_422 = arith.index_cast %scan3A_376 : i32 to index
        %get3A_423 = arith.constant 80 : index
        %get3A_424 = tpu.vector_load %arg22[%get3A_422, %get3A_423] {strides = array<i32>} : memref<80x128xf32, #tpu.memory_space<vmem>>, vector<1x16xf32>,
        %get3A_425 = vector.shape_cast %get3A_424 : vector<1x16xf32> to vector<16xf32>
        %swap3A_426 = arith.index_cast %scan3A_376 : i32 to index
        %swap3A_427 = arith.constant 80 : index
        %swap3A_428 = tpu.vector_load %arg17[%swap3A_426, %swap3A_427] {strides = array<i32>} : memref<80x128xf32, #tpu.memory_space<vmem>>, vector<1x16xf32>,
        %swap3A_429 = vector.shape_cast %swap3A_428 : vector<1x16xf32> to vector<16xf32>
        %swap3A_430 = vector.shape_cast %get3A_425 : vector<16xf32> to vector<1x16xf32>
        tpu.vector_store %arg17[%swap3A_426, %swap3A_427], %swap3A_430 {add = true, strides = array<i32>} : memref<80x128xf32, #tpu.memory_space<vmem>>, vector<1x16xf32>,
        %get3A_431 = arith.index_cast %scan3A_376 : i32 to index
        %get3A_432 = arith.constant 96 : index
        %get3A_433 = tpu.vector_load %arg22[%get3A_431, %get3A_432] {strides = array<i32>} : memref<80x128xf32, #tpu.memory_space<vmem>>, vector<1x16xf32>,
        %get3A_434 = vector.shape_cast %get3A_433 : vector<1x16xf32> to vector<16xf32>
        %swap3A_435 = arith.index_cast %scan3A_376 : i32 to index
        %swap3A_436 = arith.constant 96 : index
        %swap3A_437 = tpu.vector_load %arg17[%swap3A_435, %swap3A_436] {strides = array<i32>} : memref<80x128xf32, #tpu.memory_space<vmem>>, vector<1x16xf32>,
        %swap3A_438 = vector.shape_cast %swap3A_437 : vector<1x16xf32> to vector<16xf32>
        %swap3A_439 = vector.shape_cast %get3A_434 : vector<16xf32> to vector<1x16xf32>
        tpu.vector_store %arg17[%swap3A_435, %swap3A_436], %swap3A_439 {add = true, strides = array<i32>} : memref<80x128xf32, #tpu.memory_space<vmem>>, vector<1x16xf32>,
        %get3A_440 = arith.index_cast %scan3A_376 : i32 to index
        %get3A_441 = arith.constant 112 : index
        %get3A_442 = tpu.vector_load %arg22[%get3A_440, %get3A_441] {strides = array<i32>} : memref<80x128xf32, #tpu.memory_space<vmem>>, vector<1x16xf32>,
        %get3A_443 = vector.shape_cast %get3A_442 : vector<1x16xf32> to vector<16xf32>
        %swap3A_444 = arith.index_cast %scan3A_376 : i32 to index
        %swap3A_445 = arith.constant 112 : index
        %swap3A_446 = tpu.vector_load %arg17[%swap3A_444, %swap3A_445] {strides = array<i32>} : memref<80x128xf32, #tpu.memory_space<vmem>>, vector<1x16xf32>,
        %swap3A_447 = vector.shape_cast %swap3A_446 : vector<1x16xf32> to vector<16xf32>
        %swap3A_448 = vector.shape_cast %get3A_443 : vector<16xf32> to vector<1x16xf32>
        tpu.vector_store %arg17[%swap3A_444, %swap3A_445], %swap3A_448 {add = true, strides = array<i32>} : memref<80x128xf32, #tpu.memory_space<vmem>>, vector<1x16xf32>,
        %scan3A_449 = arith.constant 3 : i32
        %scan3A_450 = arith.addi %scan3A_230, %scan3A_449 : i32
        %get3A_451 = arith.index_cast %scan3A_450 : i32 to index
        %get3A_452 = arith.constant 0 : index
        %get3A_453 = tpu.vector_load %arg22[%get3A_451, %get3A_452] {strides = array<i32>} : memref<80x128xf32, #tpu.memory_space<vmem>>, vector<1x16xf32>,
        %get3A_454 = vector.shape_cast %get3A_453 : vector<1x16xf32> to vector<16xf32>
        %swap3A_455 = arith.index_cast %scan3A_450 : i32 to index
        %swap3A_456 = arith.constant 0 : index
        %swap3A_457 = tpu.vector_load %arg17[%swap3A_455, %swap3A_456] {strides = array<i32>} : memref<80x128xf32, #tpu.memory_space<vmem>>, vector<1x16xf32>,
        %swap3A_458 = vector.shape_cast %swap3A_457 : vector<1x16xf32> to vector<16xf32>
        %swap3A_459 = vector.shape_cast %get3A_454 : vector<16xf32> to vector<1x16xf32>
        tpu.vector_store %arg17[%swap3A_455, %swap3A_456], %swap3A_459 {add = true, strides = array<i32>} : memref<80x128xf32, #tpu.memory_space<vmem>>, vector<1x16xf32>,
        %get3A_460 = arith.index_cast %scan3A_450 : i32 to index
        %get3A_461 = arith.constant 16 : index
        %get3A_462 = tpu.vector_load %arg22[%get3A_460, %get3A_461] {strides = array<i32>} : memref<80x128xf32, #tpu.memory_space<vmem>>, vector<1x16xf32>,
        %get3A_463 = vector.shape_cast %get3A_462 : vector<1x16xf32> to vector<16xf32>
        %swap3A_464 = arith.index_cast %scan3A_450 : i32 to index
        %swap3A_465 = arith.constant 16 : index
        %swap3A_466 = tpu.vector_load %arg17[%swap3A_464, %swap3A_465] {strides = array<i32>} : memref<80x128xf32, #tpu.memory_space<vmem>>, vector<1x16xf32>,
        %swap3A_467 = vector.shape_cast %swap3A_466 : vector<1x16xf32> to vector<16xf32>
        %swap3A_468 = vector.shape_cast %get3A_463 : vector<16xf32> to vector<1x16xf32>
        tpu.vector_store %arg17[%swap3A_464, %swap3A_465], %swap3A_468 {add = true, strides = array<i32>} : memref<80x128xf32, #tpu.memory_space<vmem>>, vector<1x16xf32>,
        %get3A_469 = arith.index_cast %scan3A_450 : i32 to index
        %get3A_470 = arith.constant 32 : index
        %get3A_471 = tpu.vector_load %arg22[%get3A_469, %get3A_470] {strides = array<i32>} : memref<80x128xf32, #tpu.memory_space<vmem>>, vector<1x16xf32>,
        %get3A_472 = vector.shape_cast %get3A_471 : vector<1x16xf32> to vector<16xf32>
        %swap3A_473 = arith.index_cast %scan3A_450 : i32 to index
        %swap3A_474 = arith.constant 32 : index
        %swap3A_475 = tpu.vector_load %arg17[%swap3A_473, %swap3A_474] {strides = array<i32>} : memref<80x128xf32, #tpu.memory_space<vmem>>, vector<1x16xf32>,
        %swap3A_476 = vector.shape_cast %swap3A_475 : vector<1x16xf32> to vector<16xf32>
        %swap3A_477 = vector.shape_cast %get3A_472 : vector<16xf32> to vector<1x16xf32>
        tpu.vector_store %arg17[%swap3A_473, %swap3A_474], %swap3A_477 {add = true, strides = array<i32>} : memref<80x128xf32, #tpu.memory_space<vmem>>, vector<1x16xf32>,
        %get3A_478 = arith.index_cast %scan3A_450 : i32 to index
        %get3A_479 = arith.constant 48 : index
        %get3A_480 = tpu.vector_load %arg22[%get3A_478, %get3A_479] {strides = array<i32>} : memref<80x128xf32, #tpu.memory_space<vmem>>, vector<1x16xf32>,
        %get3A_481 = vector.shape_cast %get3A_480 : vector<1x16xf32> to vector<16xf32>
        %swap3A_482 = arith.index_cast %scan3A_450 : i32 to index
        %swap3A_483 = arith.constant 48 : index
        %swap3A_484 = tpu.vector_load %arg17[%swap3A_482, %swap3A_483] {strides = array<i32>} : memref<80x128xf32, #tpu.memory_space<vmem>>, vector<1x16xf32>,
        %swap3A_485 = vector.shape_cast %swap3A_484 : vector<1x16xf32> to vector<16xf32>
        %swap3A_486 = vector.shape_cast %get3A_481 : vector<16xf32> to vector<1x16xf32>
        tpu.vector_store %arg17[%swap3A_482, %swap3A_483], %swap3A_486 {add = true, strides = array<i32>} : memref<80x128xf32, #tpu.memory_space<vmem>>, vector<1x16xf32>,
        %get3A_487 = arith.index_cast %scan3A_450 : i32 to index
        %get3A_488 = arith.constant 64 : index
        %get3A_489 = tpu.vector_load %arg22[%get3A_487, %get3A_488] {strides = array<i32>} : memref<80x128xf32, #tpu.memory_space<vmem>>, vector<1x16xf32>,
        %get3A_490 = vector.shape_cast %get3A_489 : vector<1x16xf32> to vector<16xf32>
        %swap3A_491 = arith.index_cast %scan3A_450 : i32 to index
        %swap3A_492 = arith.constant 64 : index
        %swap3A_493 = tpu.vector_load %arg17[%swap3A_491, %swap3A_492] {strides = array<i32>} : memref<80x128xf32, #tpu.memory_space<vmem>>, vector<1x16xf32>,
        %swap3A_494 = vector.shape_cast %swap3A_493 : vector<1x16xf32> to vector<16xf32>
        %swap3A_495 = vector.shape_cast %get3A_490 : vector<16xf32> to vector<1x16xf32>
        tpu.vector_store %arg17[%swap3A_491, %swap3A_492], %swap3A_495 {add = true, strides = array<i32>} : memref<80x128xf32, #tpu.memory_space<vmem>>, vector<1x16xf32>,
        %get3A_496 = arith.index_cast %scan3A_450 : i32 to index
        %get3A_497 = arith.constant 80 : index
        %get3A_498 = tpu.vector_load %arg22[%get3A_496, %get3A_497] {strides = array<i32>} : memref<80x128xf32, #tpu.memory_space<vmem>>, vector<1x16xf32>,
        %get3A_499 = vector.shape_cast %get3A_498 : vector<1x16xf32> to vector<16xf32>
        %swap3A_500 = arith.index_cast %scan3A_450 : i32 to index
        %swap3A_501 = arith.constant 80 : index
        %swap3A_502 = tpu.vector_load %arg17[%swap3A_500, %swap3A_501] {strides = array<i32>} : memref<80x128xf32, #tpu.memory_space<vmem>>, vector<1x16xf32>,
        %swap3A_503 = vector.shape_cast %swap3A_502 : vector<1x16xf32> to vector<16xf32>
        %swap3A_504 = vector.shape_cast %get3A_499 : vector<16xf32> to vector<1x16xf32>
        tpu.vector_store %arg17[%swap3A_500, %swap3A_501], %swap3A_504 {add = true, strides = array<i32>} : memref<80x128xf32, #tpu.memory_space<vmem>>, vector<1x16xf32>,
        %get3A_505 = arith.index_cast %scan3A_450 : i32 to index
        %get3A_506 = arith.constant 96 : index
        %get3A_507 = tpu.vector_load %arg22[%get3A_505, %get3A_506] {strides = array<i32>} : memref<80x128xf32, #tpu.memory_space<vmem>>, vector<1x16xf32>,
        %get3A_508 = vector.shape_cast %get3A_507 : vector<1x16xf32> to vector<16xf32>
        %swap3A_509 = arith.index_cast %scan3A_450 : i32 to index
        %swap3A_510 = arith.constant 96 : index
        %swap3A_511 = tpu.vector_load %arg17[%swap3A_509, %swap3A_510] {strides = array<i32>} : memref<80x128xf32, #tpu.memory_space<vmem>>, vector<1x16xf32>,
        %swap3A_512 = vector.shape_cast %swap3A_511 : vector<1x16xf32> to vector<16xf32>
        %swap3A_513 = vector.shape_cast %get3A_508 : vector<16xf32> to vector<1x16xf32>
        tpu.vector_store %arg17[%swap3A_509, %swap3A_510], %swap3A_513 {add = true, strides = array<i32>} : memref<80x128xf32, #tpu.memory_space<vmem>>, vector<1x16xf32>,
        %get3A_514 = arith.index_cast %scan3A_450 : i32 to index
        %get3A_515 = arith.constant 112 : index
        %get3A_516 = tpu.vector_load %arg22[%get3A_514, %get3A_515] {strides = array<i32>} : memref<80x128xf32, #tpu.memory_space<vmem>>, vector<1x16xf32>,
        %get3A_517 = vector.shape_cast %get3A_516 : vector<1x16xf32> to vector<16xf32>
        %swap3A_518 = arith.index_cast %scan3A_450 : i32 to index
        %swap3A_519 = arith.constant 112 : index
        %swap3A_520 = tpu.vector_load %arg17[%swap3A_518, %swap3A_519] {strides = array<i32>} : memref<80x128xf32, #tpu.memory_space<vmem>>, vector<1x16xf32>,
        %swap3A_521 = vector.shape_cast %swap3A_520 : vector<1x16xf32> to vector<16xf32>
        %swap3A_522 = vector.shape_cast %get3A_517 : vector<16xf32> to vector<1x16xf32>
        tpu.vector_store %arg17[%swap3A_518, %swap3A_519], %swap3A_522 {add = true, strides = array<i32>} : memref<80x128xf32, #tpu.memory_space<vmem>>, vector<1x16xf32>,
      }
      %scan3A_120 = arith.constant 80 : i32
      %mul3A_121 = arith.constant 5 : i32
      %mul3A_122 = arith.muli %scan3A_56, %mul3A_121 : i32
      %add3A_123 = arith.constant 0 : i32
      %add3A_124 = arith.addi %mul3A_122, %add3A_123 : i32
      %mul3A_125 = arith.constant 80 : i32
      %mul3A_126 = arith.muli %add3A_124, %mul3A_125 : i32
      %add3A_127 = arith.addi %mul3A_2, %mul3A_126 : i32
      %dma_start3A_128 = arith.constant 0 : i32
      %dma_start3A_129 = tpu.memref_slice %arg6[%add3A_127, %dma_start3A_128] : memref<320000x128xf32, #tpu.memory_space<hbm>> -> memref<80x128xf32, #tpu.memory_space<hbm>>
      %dma_start3A_130 = arith.constant 0 : i32
      %dma_start3A_131 = tpu.memref_slice %arg6[%add3A_127, %dma_start3A_130] : memref<320000x128xf32, #tpu.memory_space<hbm>> -> memref<80x128xf32, #tpu.memory_space<hbm>>
      tpu.enqueue_dma source(%arg17 : memref<80x128xf32, #tpu.memory_space<vmem>>) target(%dma_start3A_131 : memref<80x128xf32, #tpu.memory_space<hbm>>) target_semaphore(%arg29 : memref<!tpu.dma_semaphore, #tpu.memory_space<semaphore_mem>>)
      %dma_wait3A_132 = arith.constant 0 : i32
      %dma_wait3A_133 = arith.constant 0 : i32
      %dma_wait3A_134 = tpu.memref_slice %arg2[%dma_wait3A_132, %dma_wait3A_133] : memref<10000x128xf32, #tpu.memory_space<hbm>> -> memref<10000x128xf32, #tpu.memory_space<hbm>>
      tpu.wait_indirect_dma semaphore(%arg28 : memref<!tpu.dma_semaphore, #tpu.memory_space<semaphore_mem>>) src(%dma_wait3A_134 : memref<10000x128xf32, #tpu.memory_space<hbm>>) dst(%arg18 : memref<80x128xf32, #tpu.memory_space<vmem>>)
      %dma_wait3A_135 = arith.constant 0 : i32
      %dma_wait3A_136 = arith.constant 0 : i32
      %dma_wait3A_137 = tpu.memref_slice %arg3[%dma_wait3A_135, %dma_wait3A_136] : memref<10000x128xf32, #tpu.memory_space<hbm>> -> memref<10000x128xf32, #tpu.memory_space<hbm>>
      tpu.wait_indirect_dma semaphore(%arg28 : memref<!tpu.dma_semaphore, #tpu.memory_space<semaphore_mem>>) src(%dma_wait3A_137 : memref<10000x128xf32, #tpu.memory_space<hbm>>) dst(%arg23 : memref<80x128xf32, #tpu.memory_space<vmem>>)
      %scan3A_138 = arith.constant 0 : i32
      %scan3A_139 = arith.constant 0 : i32
      %scan3A_140 = arith.constant 80 : i32
      %scan3A_141 = arith.addi %scan3A_139, %scan3A_140 : i32
      %scan3A_142 = arith.constant 4 : i32
      scf.for %scan3A_230 = %scan3A_139 to %scan3A_141 step %scan3A_142  : i32 {
        %get3A = arith.index_cast %scan3A_230 : i32 to index
        %get3A_231 = arith.constant 0 : index
        %get3A_232 = tpu.vector_load %arg23[%get3A, %get3A_231] {strides = array<i32>} : memref<80x128xf32, #tpu.memory_space<vmem>>, vector<1x16xf32>,
        %get3A_233 = vector.shape_cast %get3A_232 : vector<1x16xf32> to vector<16xf32>
        %swap3A = arith.index_cast %scan3A_230 : i32 to index
        %swap3A_234 = arith.constant 0 : index
        %swap3A_235 = tpu.vector_load %arg18[%swap3A, %swap3A_234] {strides = array<i32>} : memref<80x128xf32, #tpu.memory_space<vmem>>, vector<1x16xf32>,
        %swap3A_236 = vector.shape_cast %swap3A_235 : vector<1x16xf32> to vector<16xf32>
        %swap3A_237 = vector.shape_cast %get3A_233 : vector<16xf32> to vector<1x16xf32>
        tpu.vector_store %arg18[%swap3A, %swap3A_234], %swap3A_237 {add = true, strides = array<i32>} : memref<80x128xf32, #tpu.memory_space<vmem>>, vector<1x16xf32>,
        %get3A_238 = arith.index_cast %scan3A_230 : i32 to index
        %get3A_239 = arith.constant 16 : index
        %get3A_240 = tpu.vector_load %arg23[%get3A_238, %get3A_239] {strides = array<i32>} : memref<80x128xf32, #tpu.memory_space<vmem>>, vector<1x16xf32>,
        %get3A_241 = vector.shape_cast %get3A_240 : vector<1x16xf32> to vector<16xf32>
        %swap3A_242 = arith.index_cast %scan3A_230 : i32 to index
        %swap3A_243 = arith.constant 16 : index
        %swap3A_244 = tpu.vector_load %arg18[%swap3A_242, %swap3A_243] {strides = array<i32>} : memref<80x128xf32, #tpu.memory_space<vmem>>, vector<1x16xf32>,
        %swap3A_245 = vector.shape_cast %swap3A_244 : vector<1x16xf32> to vector<16xf32>
        %swap3A_246 = vector.shape_cast %get3A_241 : vector<16xf32> to vector<1x16xf32>
        tpu.vector_store %arg18[%swap3A_242, %swap3A_243], %swap3A_246 {add = true, strides = array<i32>} : memref<80x128xf32, #tpu.memory_space<vmem>>, vector<1x16xf32>,
        %get3A_247 = arith.index_cast %scan3A_230 : i32 to index
        %get3A_248 = arith.constant 32 : index
        %get3A_249 = tpu.vector_load %arg23[%get3A_247, %get3A_248] {strides = array<i32>} : memref<80x128xf32, #tpu.memory_space<vmem>>, vector<1x16xf32>,
        %get3A_250 = vector.shape_cast %get3A_249 : vector<1x16xf32> to vector<16xf32>
        %swap3A_251 = arith.index_cast %scan3A_230 : i32 to index
        %swap3A_252 = arith.constant 32 : index
        %swap3A_253 = tpu.vector_load %arg18[%swap3A_251, %swap3A_252] {strides = array<i32>} : memref<80x128xf32, #tpu.memory_space<vmem>>, vector<1x16xf32>,
        %swap3A_254 = vector.shape_cast %swap3A_253 : vector<1x16xf32> to vector<16xf32>
        %swap3A_255 = vector.shape_cast %get3A_250 : vector<16xf32> to vector<1x16xf32>
        tpu.vector_store %arg18[%swap3A_251, %swap3A_252], %swap3A_255 {add = true, strides = array<i32>} : memref<80x128xf32, #tpu.memory_space<vmem>>, vector<1x16xf32>,
        %get3A_256 = arith.index_cast %scan3A_230 : i32 to index
        %get3A_257 = arith.constant 48 : index
        %get3A_258 = tpu.vector_load %arg23[%get3A_256, %get3A_257] {strides = array<i32>} : memref<80x128xf32, #tpu.memory_space<vmem>>, vector<1x16xf32>,
        %get3A_259 = vector.shape_cast %get3A_258 : vector<1x16xf32> to vector<16xf32>
        %swap3A_260 = arith.index_cast %scan3A_230 : i32 to index
        %swap3A_261 = arith.constant 48 : index
        %swap3A_262 = tpu.vector_load %arg18[%swap3A_260, %swap3A_261] {strides = array<i32>} : memref<80x128xf32, #tpu.memory_space<vmem>>, vector<1x16xf32>,
        %swap3A_263 = vector.shape_cast %swap3A_262 : vector<1x16xf32> to vector<16xf32>
        %swap3A_264 = vector.shape_cast %get3A_259 : vector<16xf32> to vector<1x16xf32>
        tpu.vector_store %arg18[%swap3A_260, %swap3A_261], %swap3A_264 {add = true, strides = array<i32>} : memref<80x128xf32, #tpu.memory_space<vmem>>, vector<1x16xf32>,
        %get3A_265 = arith.index_cast %scan3A_230 : i32 to index
        %get3A_266 = arith.constant 64 : index
        %get3A_267 = tpu.vector_load %arg23[%get3A_265, %get3A_266] {strides = array<i32>} : memref<80x128xf32, #tpu.memory_space<vmem>>, vector<1x16xf32>,
        %get3A_268 = vector.shape_cast %get3A_267 : vector<1x16xf32> to vector<16xf32>
        %swap3A_269 = arith.index_cast %scan3A_230 : i32 to index
        %swap3A_270 = arith.constant 64 : index
        %swap3A_271 = tpu.vector_load %arg18[%swap3A_269, %swap3A_270] {strides = array<i32>} : memref<80x128xf32, #tpu.memory_space<vmem>>, vector<1x16xf32>,
        %swap3A_272 = vector.shape_cast %swap3A_271 : vector<1x16xf32> to vector<16xf32>
        %swap3A_273 = vector.shape_cast %get3A_268 : vector<16xf32> to vector<1x16xf32>
        tpu.vector_store %arg18[%swap3A_269, %swap3A_270], %swap3A_273 {add = true, strides = array<i32>} : memref<80x128xf32, #tpu.memory_space<vmem>>, vector<1x16xf32>,
        %get3A_274 = arith.index_cast %scan3A_230 : i32 to index
        %get3A_275 = arith.constant 80 : index
        %get3A_276 = tpu.vector_load %arg23[%get3A_274, %get3A_275] {strides = array<i32>} : memref<80x128xf32, #tpu.memory_space<vmem>>, vector<1x16xf32>,
        %get3A_277 = vector.shape_cast %get3A_276 : vector<1x16xf32> to vector<16xf32>
        %swap3A_278 = arith.index_cast %scan3A_230 : i32 to index
        %swap3A_279 = arith.constant 80 : index
        %swap3A_280 = tpu.vector_load %arg18[%swap3A_278, %swap3A_279] {strides = array<i32>} : memref<80x128xf32, #tpu.memory_space<vmem>>, vector<1x16xf32>,
        %swap3A_281 = vector.shape_cast %swap3A_280 : vector<1x16xf32> to vector<16xf32>
        %swap3A_282 = vector.shape_cast %get3A_277 : vector<16xf32> to vector<1x16xf32>
        tpu.vector_store %arg18[%swap3A_278, %swap3A_279], %swap3A_282 {add = true, strides = array<i32>} : memref<80x128xf32, #tpu.memory_space<vmem>>, vector<1x16xf32>,
        %get3A_283 = arith.index_cast %scan3A_230 : i32 to index
        %get3A_284 = arith.constant 96 : index
        %get3A_285 = tpu.vector_load %arg23[%get3A_283, %get3A_284] {strides = array<i32>} : memref<80x128xf32, #tpu.memory_space<vmem>>, vector<1x16xf32>,
        %get3A_286 = vector.shape_cast %get3A_285 : vector<1x16xf32> to vector<16xf32>
        %swap3A_287 = arith.index_cast %scan3A_230 : i32 to index
        %swap3A_288 = arith.constant 96 : index
        %swap3A_289 = tpu.vector_load %arg18[%swap3A_287, %swap3A_288] {strides = array<i32>} : memref<80x128xf32, #tpu.memory_space<vmem>>, vector<1x16xf32>,
        %swap3A_290 = vector.shape_cast %swap3A_289 : vector<1x16xf32> to vector<16xf32>
        %swap3A_291 = vector.shape_cast %get3A_286 : vector<16xf32> to vector<1x16xf32>
        tpu.vector_store %arg18[%swap3A_287, %swap3A_288], %swap3A_291 {add = true, strides = array<i32>} : memref<80x128xf32, #tpu.memory_space<vmem>>, vector<1x16xf32>,
        %get3A_292 = arith.index_cast %scan3A_230 : i32 to index
        %get3A_293 = arith.constant 112 : index
        %get3A_294 = tpu.vector_load %arg23[%get3A_292, %get3A_293] {strides = array<i32>} : memref<80x128xf32, #tpu.memory_space<vmem>>, vector<1x16xf32>,
        %get3A_295 = vector.shape_cast %get3A_294 : vector<1x16xf32> to vector<16xf32>
        %swap3A_296 = arith.index_cast %scan3A_230 : i32 to index
        %swap3A_297 = arith.constant 112 : index
        %swap3A_298 = tpu.vector_load %arg18[%swap3A_296, %swap3A_297] {strides = array<i32>} : memref<80x128xf32, #tpu.memory_space<vmem>>, vector<1x16xf32>,
        %swap3A_299 = vector.shape_cast %swap3A_298 : vector<1x16xf32> to vector<16xf32>
        %swap3A_300 = vector.shape_cast %get3A_295 : vector<16xf32> to vector<1x16xf32>
        tpu.vector_store %arg18[%swap3A_296, %swap3A_297], %swap3A_300 {add = true, strides = array<i32>} : memref<80x128xf32, #tpu.memory_space<vmem>>, vector<1x16xf32>,
        %scan3A_301 = arith.constant 1 : i32
        %scan3A_302 = arith.addi %scan3A_230, %scan3A_301 : i32
        %get3A_303 = arith.index_cast %scan3A_302 : i32 to index
        %get3A_304 = arith.constant 0 : index
        %get3A_305 = tpu.vector_load %arg23[%get3A_303, %get3A_304] {strides = array<i32>} : memref<80x128xf32, #tpu.memory_space<vmem>>, vector<1x16xf32>,
        %get3A_306 = vector.shape_cast %get3A_305 : vector<1x16xf32> to vector<16xf32>
        %swap3A_307 = arith.index_cast %scan3A_302 : i32 to index
        %swap3A_308 = arith.constant 0 : index
        %swap3A_309 = tpu.vector_load %arg18[%swap3A_307, %swap3A_308] {strides = array<i32>} : memref<80x128xf32, #tpu.memory_space<vmem>>, vector<1x16xf32>,
        %swap3A_310 = vector.shape_cast %swap3A_309 : vector<1x16xf32> to vector<16xf32>
        %swap3A_311 = vector.shape_cast %get3A_306 : vector<16xf32> to vector<1x16xf32>
        tpu.vector_store %arg18[%swap3A_307, %swap3A_308], %swap3A_311 {add = true, strides = array<i32>} : memref<80x128xf32, #tpu.memory_space<vmem>>, vector<1x16xf32>,
        %get3A_312 = arith.index_cast %scan3A_302 : i32 to index
        %get3A_313 = arith.constant 16 : index
        %get3A_314 = tpu.vector_load %arg23[%get3A_312, %get3A_313] {strides = array<i32>} : memref<80x128xf32, #tpu.memory_space<vmem>>, vector<1x16xf32>,
        %get3A_315 = vector.shape_cast %get3A_314 : vector<1x16xf32> to vector<16xf32>
        %swap3A_316 = arith.index_cast %scan3A_302 : i32 to index
        %swap3A_317 = arith.constant 16 : index
        %swap3A_318 = tpu.vector_load %arg18[%swap3A_316, %swap3A_317] {strides = array<i32>} : memref<80x128xf32, #tpu.memory_space<vmem>>, vector<1x16xf32>,
        %swap3A_319 = vector.shape_cast %swap3A_318 : vector<1x16xf32> to vector<16xf32>
        %swap3A_320 = vector.shape_cast %get3A_315 : vector<16xf32> to vector<1x16xf32>
        tpu.vector_store %arg18[%swap3A_316, %swap3A_317], %swap3A_320 {add = true, strides = array<i32>} : memref<80x128xf32, #tpu.memory_space<vmem>>, vector<1x16xf32>,
        %get3A_321 = arith.index_cast %scan3A_302 : i32 to index
        %get3A_322 = arith.constant 32 : index
        %get3A_323 = tpu.vector_load %arg23[%get3A_321, %get3A_322] {strides = array<i32>} : memref<80x128xf32, #tpu.memory_space<vmem>>, vector<1x16xf32>,
        %get3A_324 = vector.shape_cast %get3A_323 : vector<1x16xf32> to vector<16xf32>
        %swap3A_325 = arith.index_cast %scan3A_302 : i32 to index
        %swap3A_326 = arith.constant 32 : index
        %swap3A_327 = tpu.vector_load %arg18[%swap3A_325, %swap3A_326] {strides = array<i32>} : memref<80x128xf32, #tpu.memory_space<vmem>>, vector<1x16xf32>,
        %swap3A_328 = vector.shape_cast %swap3A_327 : vector<1x16xf32> to vector<16xf32>
        %swap3A_329 = vector.shape_cast %get3A_324 : vector<16xf32> to vector<1x16xf32>
        tpu.vector_store %arg18[%swap3A_325, %swap3A_326], %swap3A_329 {add = true, strides = array<i32>} : memref<80x128xf32, #tpu.memory_space<vmem>>, vector<1x16xf32>,
        %get3A_330 = arith.index_cast %scan3A_302 : i32 to index
        %get3A_331 = arith.constant 48 : index
        %get3A_332 = tpu.vector_load %arg23[%get3A_330, %get3A_331] {strides = array<i32>} : memref<80x128xf32, #tpu.memory_space<vmem>>, vector<1x16xf32>,
        %get3A_333 = vector.shape_cast %get3A_332 : vector<1x16xf32> to vector<16xf32>
        %swap3A_334 = arith.index_cast %scan3A_302 : i32 to index
        %swap3A_335 = arith.constant 48 : index
        %swap3A_336 = tpu.vector_load %arg18[%swap3A_334, %swap3A_335] {strides = array<i32>} : memref<80x128xf32, #tpu.memory_space<vmem>>, vector<1x16xf32>,
        %swap3A_337 = vector.shape_cast %swap3A_336 : vector<1x16xf32> to vector<16xf32>
        %swap3A_338 = vector.shape_cast %get3A_333 : vector<16xf32> to vector<1x16xf32>
        tpu.vector_store %arg18[%swap3A_334, %swap3A_335], %swap3A_338 {add = true, strides = array<i32>} : memref<80x128xf32, #tpu.memory_space<vmem>>, vector<1x16xf32>,
        %get3A_339 = arith.index_cast %scan3A_302 : i32 to index
        %get3A_340 = arith.constant 64 : index
        %get3A_341 = tpu.vector_load %arg23[%get3A_339, %get3A_340] {strides = array<i32>} : memref<80x128xf32, #tpu.memory_space<vmem>>, vector<1x16xf32>,
        %get3A_342 = vector.shape_cast %get3A_341 : vector<1x16xf32> to vector<16xf32>
        %swap3A_343 = arith.index_cast %scan3A_302 : i32 to index
        %swap3A_344 = arith.constant 64 : index
        %swap3A_345 = tpu.vector_load %arg18[%swap3A_343, %swap3A_344] {strides = array<i32>} : memref<80x128xf32, #tpu.memory_space<vmem>>, vector<1x16xf32>,
        %swap3A_346 = vector.shape_cast %swap3A_345 : vector<1x16xf32> to vector<16xf32>
        %swap3A_347 = vector.shape_cast %get3A_342 : vector<16xf32> to vector<1x16xf32>
        tpu.vector_store %arg18[%swap3A_343, %swap3A_344], %swap3A_347 {add = true, strides = array<i32>} : memref<80x128xf32, #tpu.memory_space<vmem>>, vector<1x16xf32>,
        %get3A_348 = arith.index_cast %scan3A_302 : i32 to index
        %get3A_349 = arith.constant 80 : index
        %get3A_350 = tpu.vector_load %arg23[%get3A_348, %get3A_349] {strides = array<i32>} : memref<80x128xf32, #tpu.memory_space<vmem>>, vector<1x16xf32>,
        %get3A_351 = vector.shape_cast %get3A_350 : vector<1x16xf32> to vector<16xf32>
        %swap3A_352 = arith.index_cast %scan3A_302 : i32 to index
        %swap3A_353 = arith.constant 80 : index
        %swap3A_354 = tpu.vector_load %arg18[%swap3A_352, %swap3A_353] {strides = array<i32>} : memref<80x128xf32, #tpu.memory_space<vmem>>, vector<1x16xf32>,
        %swap3A_355 = vector.shape_cast %swap3A_354 : vector<1x16xf32> to vector<16xf32>
        %swap3A_356 = vector.shape_cast %get3A_351 : vector<16xf32> to vector<1x16xf32>
        tpu.vector_store %arg18[%swap3A_352, %swap3A_353], %swap3A_356 {add = true, strides = array<i32>} : memref<80x128xf32, #tpu.memory_space<vmem>>, vector<1x16xf32>,
        %get3A_357 = arith.index_cast %scan3A_302 : i32 to index
        %get3A_358 = arith.constant 96 : index
        %get3A_359 = tpu.vector_load %arg23[%get3A_357, %get3A_358] {strides = array<i32>} : memref<80x128xf32, #tpu.memory_space<vmem>>, vector<1x16xf32>,
        %get3A_360 = vector.shape_cast %get3A_359 : vector<1x16xf32> to vector<16xf32>
        %swap3A_361 = arith.index_cast %scan3A_302 : i32 to index
        %swap3A_362 = arith.constant 96 : index
        %swap3A_363 = tpu.vector_load %arg18[%swap3A_361, %swap3A_362] {strides = array<i32>} : memref<80x128xf32, #tpu.memory_space<vmem>>, vector<1x16xf32>,
        %swap3A_364 = vector.shape_cast %swap3A_363 : vector<1x16xf32> to vector<16xf32>
        %swap3A_365 = vector.shape_cast %get3A_360 : vector<16xf32> to vector<1x16xf32>
        tpu.vector_store %arg18[%swap3A_361, %swap3A_362], %swap3A_365 {add = true, strides = array<i32>} : memref<80x128xf32, #tpu.memory_space<vmem>>, vector<1x16xf32>,
        %get3A_366 = arith.index_cast %scan3A_302 : i32 to index
        %get3A_367 = arith.constant 112 : index
        %get3A_368 = tpu.vector_load %arg23[%get3A_366, %get3A_367] {strides = array<i32>} : memref<80x128xf32, #tpu.memory_space<vmem>>, vector<1x16xf32>,
        %get3A_369 = vector.shape_cast %get3A_368 : vector<1x16xf32> to vector<16xf32>
        %swap3A_370 = arith.index_cast %scan3A_302 : i32 to index
        %swap3A_371 = arith.constant 112 : index
        %swap3A_372 = tpu.vector_load %arg18[%swap3A_370, %swap3A_371] {strides = array<i32>} : memref<80x128xf32, #tpu.memory_space<vmem>>, vector<1x16xf32>,
        %swap3A_373 = vector.shape_cast %swap3A_372 : vector<1x16xf32> to vector<16xf32>
        %swap3A_374 = vector.shape_cast %get3A_369 : vector<16xf32> to vector<1x16xf32>
        tpu.vector_store %arg18[%swap3A_370, %swap3A_371], %swap3A_374 {add = true, strides = array<i32>} : memref<80x128xf32, #tpu.memory_space<vmem>>, vector<1x16xf32>,
        %scan3A_375 = arith.constant 2 : i32
        %scan3A_376 = arith.addi %scan3A_230, %scan3A_375 : i32
        %get3A_377 = arith.index_cast %scan3A_376 : i32 to index
        %get3A_378 = arith.constant 0 : index
        %get3A_379 = tpu.vector_load %arg23[%get3A_377, %get3A_378] {strides = array<i32>} : memref<80x128xf32, #tpu.memory_space<vmem>>, vector<1x16xf32>,
        %get3A_380 = vector.shape_cast %get3A_379 : vector<1x16xf32> to vector<16xf32>
        %swap3A_381 = arith.index_cast %scan3A_376 : i32 to index
        %swap3A_382 = arith.constant 0 : index
        %swap3A_383 = tpu.vector_load %arg18[%swap3A_381, %swap3A_382] {strides = array<i32>} : memref<80x128xf32, #tpu.memory_space<vmem>>, vector<1x16xf32>,
        %swap3A_384 = vector.shape_cast %swap3A_383 : vector<1x16xf32> to vector<16xf32>
        %swap3A_385 = vector.shape_cast %get3A_380 : vector<16xf32> to vector<1x16xf32>
        tpu.vector_store %arg18[%swap3A_381, %swap3A_382], %swap3A_385 {add = true, strides = array<i32>} : memref<80x128xf32, #tpu.memory_space<vmem>>, vector<1x16xf32>,
        %get3A_386 = arith.index_cast %scan3A_376 : i32 to index
        %get3A_387 = arith.constant 16 : index
        %get3A_388 = tpu.vector_load %arg23[%get3A_386, %get3A_387] {strides = array<i32>} : memref<80x128xf32, #tpu.memory_space<vmem>>, vector<1x16xf32>,
        %get3A_389 = vector.shape_cast %get3A_388 : vector<1x16xf32> to vector<16xf32>
        %swap3A_390 = arith.index_cast %scan3A_376 : i32 to index
        %swap3A_391 = arith.constant 16 : index
        %swap3A_392 = tpu.vector_load %arg18[%swap3A_390, %swap3A_391] {strides = array<i32>} : memref<80x128xf32, #tpu.memory_space<vmem>>, vector<1x16xf32>,
        %swap3A_393 = vector.shape_cast %swap3A_392 : vector<1x16xf32> to vector<16xf32>
        %swap3A_394 = vector.shape_cast %get3A_389 : vector<16xf32> to vector<1x16xf32>
        tpu.vector_store %arg18[%swap3A_390, %swap3A_391], %swap3A_394 {add = true, strides = array<i32>} : memref<80x128xf32, #tpu.memory_space<vmem>>, vector<1x16xf32>,
        %get3A_395 = arith.index_cast %scan3A_376 : i32 to index
        %get3A_396 = arith.constant 32 : index
        %get3A_397 = tpu.vector_load %arg23[%get3A_395, %get3A_396] {strides = array<i32>} : memref<80x128xf32, #tpu.memory_space<vmem>>, vector<1x16xf32>,
        %get3A_398 = vector.shape_cast %get3A_397 : vector<1x16xf32> to vector<16xf32>
        %swap3A_399 = arith.index_cast %scan3A_376 : i32 to index
        %swap3A_400 = arith.constant 32 : index
        %swap3A_401 = tpu.vector_load %arg18[%swap3A_399, %swap3A_400] {strides = array<i32>} : memref<80x128xf32, #tpu.memory_space<vmem>>, vector<1x16xf32>,
        %swap3A_402 = vector.shape_cast %swap3A_401 : vector<1x16xf32> to vector<16xf32>
        %swap3A_403 = vector.shape_cast %get3A_398 : vector<16xf32> to vector<1x16xf32>
        tpu.vector_store %arg18[%swap3A_399, %swap3A_400], %swap3A_403 {add = true, strides = array<i32>} : memref<80x128xf32, #tpu.memory_space<vmem>>, vector<1x16xf32>,
        %get3A_404 = arith.index_cast %scan3A_376 : i32 to index
        %get3A_405 = arith.constant 48 : index
        %get3A_406 = tpu.vector_load %arg23[%get3A_404, %get3A_405] {strides = array<i32>} : memref<80x128xf32, #tpu.memory_space<vmem>>, vector<1x16xf32>,
        %get3A_407 = vector.shape_cast %get3A_406 : vector<1x16xf32> to vector<16xf32>
        %swap3A_408 = arith.index_cast %scan3A_376 : i32 to index
        %swap3A_409 = arith.constant 48 : index
        %swap3A_410 = tpu.vector_load %arg18[%swap3A_408, %swap3A_409] {strides = array<i32>} : memref<80x128xf32, #tpu.memory_space<vmem>>, vector<1x16xf32>,
        %swap3A_411 = vector.shape_cast %swap3A_410 : vector<1x16xf32> to vector<16xf32>
        %swap3A_412 = vector.shape_cast %get3A_407 : vector<16xf32> to vector<1x16xf32>
        tpu.vector_store %arg18[%swap3A_408, %swap3A_409], %swap3A_412 {add = true, strides = array<i32>} : memref<80x128xf32, #tpu.memory_space<vmem>>, vector<1x16xf32>,
        %get3A_413 = arith.index_cast %scan3A_376 : i32 to index
        %get3A_414 = arith.constant 64 : index
        %get3A_415 = tpu.vector_load %arg23[%get3A_413, %get3A_414] {strides = array<i32>} : memref<80x128xf32, #tpu.memory_space<vmem>>, vector<1x16xf32>,
        %get3A_416 = vector.shape_cast %get3A_415 : vector<1x16xf32> to vector<16xf32>
        %swap3A_417 = arith.index_cast %scan3A_376 : i32 to index
        %swap3A_418 = arith.constant 64 : index
        %swap3A_419 = tpu.vector_load %arg18[%swap3A_417, %swap3A_418] {strides = array<i32>} : memref<80x128xf32, #tpu.memory_space<vmem>>, vector<1x16xf32>,
        %swap3A_420 = vector.shape_cast %swap3A_419 : vector<1x16xf32> to vector<16xf32>
        %swap3A_421 = vector.shape_cast %get3A_416 : vector<16xf32> to vector<1x16xf32>
        tpu.vector_store %arg18[%swap3A_417, %swap3A_418], %swap3A_421 {add = true, strides = array<i32>} : memref<80x128xf32, #tpu.memory_space<vmem>>, vector<1x16xf32>,
        %get3A_422 = arith.index_cast %scan3A_376 : i32 to index
        %get3A_423 = arith.constant 80 : index
        %get3A_424 = tpu.vector_load %arg23[%get3A_422, %get3A_423] {strides = array<i32>} : memref<80x128xf32, #tpu.memory_space<vmem>>, vector<1x16xf32>,
        %get3A_425 = vector.shape_cast %get3A_424 : vector<1x16xf32> to vector<16xf32>
        %swap3A_426 = arith.index_cast %scan3A_376 : i32 to index
        %swap3A_427 = arith.constant 80 : index
        %swap3A_428 = tpu.vector_load %arg18[%swap3A_426, %swap3A_427] {strides = array<i32>} : memref<80x128xf32, #tpu.memory_space<vmem>>, vector<1x16xf32>,
        %swap3A_429 = vector.shape_cast %swap3A_428 : vector<1x16xf32> to vector<16xf32>
        %swap3A_430 = vector.shape_cast %get3A_425 : vector<16xf32> to vector<1x16xf32>
        tpu.vector_store %arg18[%swap3A_426, %swap3A_427], %swap3A_430 {add = true, strides = array<i32>} : memref<80x128xf32, #tpu.memory_space<vmem>>, vector<1x16xf32>,
        %get3A_431 = arith.index_cast %scan3A_376 : i32 to index
        %get3A_432 = arith.constant 96 : index
        %get3A_433 = tpu.vector_load %arg23[%get3A_431, %get3A_432] {strides = array<i32>} : memref<80x128xf32, #tpu.memory_space<vmem>>, vector<1x16xf32>,
        %get3A_434 = vector.shape_cast %get3A_433 : vector<1x16xf32> to vector<16xf32>
        %swap3A_435 = arith.index_cast %scan3A_376 : i32 to index
        %swap3A_436 = arith.constant 96 : index
        %swap3A_437 = tpu.vector_load %arg18[%swap3A_435, %swap3A_436] {strides = array<i32>} : memref<80x128xf32, #tpu.memory_space<vmem>>, vector<1x16xf32>,
        %swap3A_438 = vector.shape_cast %swap3A_437 : vector<1x16xf32> to vector<16xf32>
        %swap3A_439 = vector.shape_cast %get3A_434 : vector<16xf32> to vector<1x16xf32>
        tpu.vector_store %arg18[%swap3A_435, %swap3A_436], %swap3A_439 {add = true, strides = array<i32>} : memref<80x128xf32, #tpu.memory_space<vmem>>, vector<1x16xf32>,
        %get3A_440 = arith.index_cast %scan3A_376 : i32 to index
        %get3A_441 = arith.constant 112 : index
        %get3A_442 = tpu.vector_load %arg23[%get3A_440, %get3A_441] {strides = array<i32>} : memref<80x128xf32, #tpu.memory_space<vmem>>, vector<1x16xf32>,
        %get3A_443 = vector.shape_cast %get3A_442 : vector<1x16xf32> to vector<16xf32>
        %swap3A_444 = arith.index_cast %scan3A_376 : i32 to index
        %swap3A_445 = arith.constant 112 : index
        %swap3A_446 = tpu.vector_load %arg18[%swap3A_444, %swap3A_445] {strides = array<i32>} : memref<80x128xf32, #tpu.memory_space<vmem>>, vector<1x16xf32>,
        %swap3A_447 = vector.shape_cast %swap3A_446 : vector<1x16xf32> to vector<16xf32>
        %swap3A_448 = vector.shape_cast %get3A_443 : vector<16xf32> to vector<1x16xf32>
        tpu.vector_store %arg18[%swap3A_444, %swap3A_445], %swap3A_448 {add = true, strides = array<i32>} : memref<80x128xf32, #tpu.memory_space<vmem>>, vector<1x16xf32>,
        %scan3A_449 = arith.constant 3 : i32
        %scan3A_450 = arith.addi %scan3A_230, %scan3A_449 : i32
        %get3A_451 = arith.index_cast %scan3A_450 : i32 to index
        %get3A_452 = arith.constant 0 : index
        %get3A_453 = tpu.vector_load %arg23[%get3A_451, %get3A_452] {strides = array<i32>} : memref<80x128xf32, #tpu.memory_space<vmem>>, vector<1x16xf32>,
        %get3A_454 = vector.shape_cast %get3A_453 : vector<1x16xf32> to vector<16xf32>
        %swap3A_455 = arith.index_cast %scan3A_450 : i32 to index
        %swap3A_456 = arith.constant 0 : index
        %swap3A_457 = tpu.vector_load %arg18[%swap3A_455, %swap3A_456] {strides = array<i32>} : memref<80x128xf32, #tpu.memory_space<vmem>>, vector<1x16xf32>,
        %swap3A_458 = vector.shape_cast %swap3A_457 : vector<1x16xf32> to vector<16xf32>
        %swap3A_459 = vector.shape_cast %get3A_454 : vector<16xf32> to vector<1x16xf32>
        tpu.vector_store %arg18[%swap3A_455, %swap3A_456], %swap3A_459 {add = true, strides = array<i32>} : memref<80x128xf32, #tpu.memory_space<vmem>>, vector<1x16xf32>,
        %get3A_460 = arith.index_cast %scan3A_450 : i32 to index
        %get3A_461 = arith.constant 16 : index
        %get3A_462 = tpu.vector_load %arg23[%get3A_460, %get3A_461] {strides = array<i32>} : memref<80x128xf32, #tpu.memory_space<vmem>>, vector<1x16xf32>,
        %get3A_463 = vector.shape_cast %get3A_462 : vector<1x16xf32> to vector<16xf32>
        %swap3A_464 = arith.index_cast %scan3A_450 : i32 to index
        %swap3A_465 = arith.constant 16 : index
        %swap3A_466 = tpu.vector_load %arg18[%swap3A_464, %swap3A_465] {strides = array<i32>} : memref<80x128xf32, #tpu.memory_space<vmem>>, vector<1x16xf32>,
        %swap3A_467 = vector.shape_cast %swap3A_466 : vector<1x16xf32> to vector<16xf32>
        %swap3A_468 = vector.shape_cast %get3A_463 : vector<16xf32> to vector<1x16xf32>
        tpu.vector_store %arg18[%swap3A_464, %swap3A_465], %swap3A_468 {add = true, strides = array<i32>} : memref<80x128xf32, #tpu.memory_space<vmem>>, vector<1x16xf32>,
        %get3A_469 = arith.index_cast %scan3A_450 : i32 to index
        %get3A_470 = arith.constant 32 : index
        %get3A_471 = tpu.vector_load %arg23[%get3A_469, %get3A_470] {strides = array<i32>} : memref<80x128xf32, #tpu.memory_space<vmem>>, vector<1x16xf32>,
        %get3A_472 = vector.shape_cast %get3A_471 : vector<1x16xf32> to vector<16xf32>
        %swap3A_473 = arith.index_cast %scan3A_450 : i32 to index
        %swap3A_474 = arith.constant 32 : index
        %swap3A_475 = tpu.vector_load %arg18[%swap3A_473, %swap3A_474] {strides = array<i32>} : memref<80x128xf32, #tpu.memory_space<vmem>>, vector<1x16xf32>,
        %swap3A_476 = vector.shape_cast %swap3A_475 : vector<1x16xf32> to vector<16xf32>
        %swap3A_477 = vector.shape_cast %get3A_472 : vector<16xf32> to vector<1x16xf32>
        tpu.vector_store %arg18[%swap3A_473, %swap3A_474], %swap3A_477 {add = true, strides = array<i32>} : memref<80x128xf32, #tpu.memory_space<vmem>>, vector<1x16xf32>,
        %get3A_478 = arith.index_cast %scan3A_450 : i32 to index
        %get3A_479 = arith.constant 48 : index
        %get3A_480 = tpu.vector_load %arg23[%get3A_478, %get3A_479] {strides = array<i32>} : memref<80x128xf32, #tpu.memory_space<vmem>>, vector<1x16xf32>,
        %get3A_481 = vector.shape_cast %get3A_480 : vector<1x16xf32> to vector<16xf32>
        %swap3A_482 = arith.index_cast %scan3A_450 : i32 to index
        %swap3A_483 = arith.constant 48 : index
        %swap3A_484 = tpu.vector_load %arg18[%swap3A_482, %swap3A_483] {strides = array<i32>} : memref<80x128xf32, #tpu.memory_space<vmem>>, vector<1x16xf32>,
        %swap3A_485 = vector.shape_cast %swap3A_484 : vector<1x16xf32> to vector<16xf32>
        %swap3A_486 = vector.shape_cast %get3A_481 : vector<16xf32> to vector<1x16xf32>
        tpu.vector_store %arg18[%swap3A_482, %swap3A_483], %swap3A_486 {add = true, strides = array<i32>} : memref<80x128xf32, #tpu.memory_space<vmem>>, vector<1x16xf32>,
        %get3A_487 = arith.index_cast %scan3A_450 : i32 to index
        %get3A_488 = arith.constant 64 : index
        %get3A_489 = tpu.vector_load %arg23[%get3A_487, %get3A_488] {strides = array<i32>} : memref<80x128xf32, #tpu.memory_space<vmem>>, vector<1x16xf32>,
        %get3A_490 = vector.shape_cast %get3A_489 : vector<1x16xf32> to vector<16xf32>
        %swap3A_491 = arith.index_cast %scan3A_450 : i32 to index
        %swap3A_492 = arith.constant 64 : index
        %swap3A_493 = tpu.vector_load %arg18[%swap3A_491, %swap3A_492] {strides = array<i32>} : memref<80x128xf32, #tpu.memory_space<vmem>>, vector<1x16xf32>,
        %swap3A_494 = vector.shape_cast %swap3A_493 : vector<1x16xf32> to vector<16xf32>
        %swap3A_495 = vector.shape_cast %get3A_490 : vector<16xf32> to vector<1x16xf32>
        tpu.vector_store %arg18[%swap3A_491, %swap3A_492], %swap3A_495 {add = true, strides = array<i32>} : memref<80x128xf32, #tpu.memory_space<vmem>>, vector<1x16xf32>,
        %get3A_496 = arith.index_cast %scan3A_450 : i32 to index
        %get3A_497 = arith.constant 80 : index
        %get3A_498 = tpu.vector_load %arg23[%get3A_496, %get3A_497] {strides = array<i32>} : memref<80x128xf32, #tpu.memory_space<vmem>>, vector<1x16xf32>,
        %get3A_499 = vector.shape_cast %get3A_498 : vector<1x16xf32> to vector<16xf32>
        %swap3A_500 = arith.index_cast %scan3A_450 : i32 to index
        %swap3A_501 = arith.constant 80 : index
        %swap3A_502 = tpu.vector_load %arg18[%swap3A_500, %swap3A_501] {strides = array<i32>} : memref<80x128xf32, #tpu.memory_space<vmem>>, vector<1x16xf32>,
        %swap3A_503 = vector.shape_cast %swap3A_502 : vector<1x16xf32> to vector<16xf32>
        %swap3A_504 = vector.shape_cast %get3A_499 : vector<16xf32> to vector<1x16xf32>
        tpu.vector_store %arg18[%swap3A_500, %swap3A_501], %swap3A_504 {add = true, strides = array<i32>} : memref<80x128xf32, #tpu.memory_space<vmem>>, vector<1x16xf32>,
        %get3A_505 = arith.index_cast %scan3A_450 : i32 to index
        %get3A_506 = arith.constant 96 : index
        %get3A_507 = tpu.vector_load %arg23[%get3A_505, %get3A_506] {strides = array<i32>} : memref<80x128xf32, #tpu.memory_space<vmem>>, vector<1x16xf32>,
        %get3A_508 = vector.shape_cast %get3A_507 : vector<1x16xf32> to vector<16xf32>
        %swap3A_509 = arith.index_cast %scan3A_450 : i32 to index
        %swap3A_510 = arith.constant 96 : index
        %swap3A_511 = tpu.vector_load %arg18[%swap3A_509, %swap3A_510] {strides = array<i32>} : memref<80x128xf32, #tpu.memory_space<vmem>>, vector<1x16xf32>,
        %swap3A_512 = vector.shape_cast %swap3A_511 : vector<1x16xf32> to vector<16xf32>
        %swap3A_513 = vector.shape_cast %get3A_508 : vector<16xf32> to vector<1x16xf32>
        tpu.vector_store %arg18[%swap3A_509, %swap3A_510], %swap3A_513 {add = true, strides = array<i32>} : memref<80x128xf32, #tpu.memory_space<vmem>>, vector<1x16xf32>,
        %get3A_514 = arith.index_cast %scan3A_450 : i32 to index
        %get3A_515 = arith.constant 112 : index
        %get3A_516 = tpu.vector_load %arg23[%get3A_514, %get3A_515] {strides = array<i32>} : memref<80x128xf32, #tpu.memory_space<vmem>>, vector<1x16xf32>,
        %get3A_517 = vector.shape_cast %get3A_516 : vector<1x16xf32> to vector<16xf32>
        %swap3A_518 = arith.index_cast %scan3A_450 : i32 to index
        %swap3A_519 = arith.constant 112 : index
        %swap3A_520 = tpu.vector_load %arg18[%swap3A_518, %swap3A_519] {strides = array<i32>} : memref<80x128xf32, #tpu.memory_space<vmem>>, vector<1x16xf32>,
        %swap3A_521 = vector.shape_cast %swap3A_520 : vector<1x16xf32> to vector<16xf32>
        %swap3A_522 = vector.shape_cast %get3A_517 : vector<16xf32> to vector<1x16xf32>
        tpu.vector_store %arg18[%swap3A_518, %swap3A_519], %swap3A_522 {add = true, strides = array<i32>} : memref<80x128xf32, #tpu.memory_space<vmem>>, vector<1x16xf32>,
      }
      %scan3A_143 = arith.constant 80 : i32
      %mul3A_144 = arith.constant 5 : i32
      %mul3A_145 = arith.muli %scan3A_56, %mul3A_144 : i32
      %add3A_146 = arith.constant 1 : i32
      %add3A_147 = arith.addi %mul3A_145, %add3A_146 : i32
      %mul3A_148 = arith.constant 80 : i32
      %mul3A_149 = arith.muli %add3A_147, %mul3A_148 : i32
      %add3A_150 = arith.addi %mul3A_2, %mul3A_149 : i32
      %dma_start3A_151 = arith.constant 0 : i32
      %dma_start3A_152 = tpu.memref_slice %arg6[%add3A_150, %dma_start3A_151] : memref<320000x128xf32, #tpu.memory_space<hbm>> -> memref<80x128xf32, #tpu.memory_space<hbm>>
      %dma_start3A_153 = arith.constant 0 : i32
      %dma_start3A_154 = tpu.memref_slice %arg6[%add3A_150, %dma_start3A_153] : memref<320000x128xf32, #tpu.memory_space<hbm>> -> memref<80x128xf32, #tpu.memory_space<hbm>>
      tpu.enqueue_dma source(%arg18 : memref<80x128xf32, #tpu.memory_space<vmem>>) target(%dma_start3A_154 : memref<80x128xf32, #tpu.memory_space<hbm>>) target_semaphore(%arg29 : memref<!tpu.dma_semaphore, #tpu.memory_space<semaphore_mem>>)
      %dma_wait3A_155 = arith.constant 0 : i32
      %dma_wait3A_156 = arith.constant 0 : i32
      %dma_wait3A_157 = tpu.memref_slice %arg2[%dma_wait3A_155, %dma_wait3A_156] : memref<10000x128xf32, #tpu.memory_space<hbm>> -> memref<10000x128xf32, #tpu.memory_space<hbm>>
      tpu.wait_indirect_dma semaphore(%arg28 : memref<!tpu.dma_semaphore, #tpu.memory_space<semaphore_mem>>) src(%dma_wait3A_157 : memref<10000x128xf32, #tpu.memory_space<hbm>>) dst(%arg19 : memref<80x128xf32, #tpu.memory_space<vmem>>)
      %dma_wait3A_158 = arith.constant 0 : i32
      %dma_wait3A_159 = arith.constant 0 : i32
      %dma_wait3A_160 = tpu.memref_slice %arg3[%dma_wait3A_158, %dma_wait3A_159] : memref<10000x128xf32, #tpu.memory_space<hbm>> -> memref<10000x128xf32, #tpu.memory_space<hbm>>
      tpu.wait_indirect_dma semaphore(%arg28 : memref<!tpu.dma_semaphore, #tpu.memory_space<semaphore_mem>>) src(%dma_wait3A_160 : memref<10000x128xf32, #tpu.memory_space<hbm>>) dst(%arg24 : memref<80x128xf32, #tpu.memory_space<vmem>>)
      %scan3A_161 = arith.constant 0 : i32
      %scan3A_162 = arith.constant 0 : i32
      %scan3A_163 = arith.constant 80 : i32
      %scan3A_164 = arith.addi %scan3A_162, %scan3A_163 : i32
      %scan3A_165 = arith.constant 4 : i32
      scf.for %scan3A_230 = %scan3A_162 to %scan3A_164 step %scan3A_165  : i32 {
        %get3A = arith.index_cast %scan3A_230 : i32 to index
        %get3A_231 = arith.constant 0 : index
        %get3A_232 = tpu.vector_load %arg24[%get3A, %get3A_231] {strides = array<i32>} : memref<80x128xf32, #tpu.memory_space<vmem>>, vector<1x16xf32>,
        %get3A_233 = vector.shape_cast %get3A_232 : vector<1x16xf32> to vector<16xf32>
        %swap3A = arith.index_cast %scan3A_230 : i32 to index
        %swap3A_234 = arith.constant 0 : index
        %swap3A_235 = tpu.vector_load %arg19[%swap3A, %swap3A_234] {strides = array<i32>} : memref<80x128xf32, #tpu.memory_space<vmem>>, vector<1x16xf32>,
        %swap3A_236 = vector.shape_cast %swap3A_235 : vector<1x16xf32> to vector<16xf32>
        %swap3A_237 = vector.shape_cast %get3A_233 : vector<16xf32> to vector<1x16xf32>
        tpu.vector_store %arg19[%swap3A, %swap3A_234], %swap3A_237 {add = true, strides = array<i32>} : memref<80x128xf32, #tpu.memory_space<vmem>>, vector<1x16xf32>,
        %get3A_238 = arith.index_cast %scan3A_230 : i32 to index
        %get3A_239 = arith.constant 16 : index
        %get3A_240 = tpu.vector_load %arg24[%get3A_238, %get3A_239] {strides = array<i32>} : memref<80x128xf32, #tpu.memory_space<vmem>>, vector<1x16xf32>,
        %get3A_241 = vector.shape_cast %get3A_240 : vector<1x16xf32> to vector<16xf32>
        %swap3A_242 = arith.index_cast %scan3A_230 : i32 to index
        %swap3A_243 = arith.constant 16 : index
        %swap3A_244 = tpu.vector_load %arg19[%swap3A_242, %swap3A_243] {strides = array<i32>} : memref<80x128xf32, #tpu.memory_space<vmem>>, vector<1x16xf32>,
        %swap3A_245 = vector.shape_cast %swap3A_244 : vector<1x16xf32> to vector<16xf32>
        %swap3A_246 = vector.shape_cast %get3A_241 : vector<16xf32> to vector<1x16xf32>
        tpu.vector_store %arg19[%swap3A_242, %swap3A_243], %swap3A_246 {add = true, strides = array<i32>} : memref<80x128xf32, #tpu.memory_space<vmem>>, vector<1x16xf32>,
        %get3A_247 = arith.index_cast %scan3A_230 : i32 to index
        %get3A_248 = arith.constant 32 : index
        %get3A_249 = tpu.vector_load %arg24[%get3A_247, %get3A_248] {strides = array<i32>} : memref<80x128xf32, #tpu.memory_space<vmem>>, vector<1x16xf32>,
        %get3A_250 = vector.shape_cast %get3A_249 : vector<1x16xf32> to vector<16xf32>
        %swap3A_251 = arith.index_cast %scan3A_230 : i32 to index
        %swap3A_252 = arith.constant 32 : index
        %swap3A_253 = tpu.vector_load %arg19[%swap3A_251, %swap3A_252] {strides = array<i32>} : memref<80x128xf32, #tpu.memory_space<vmem>>, vector<1x16xf32>,
        %swap3A_254 = vector.shape_cast %swap3A_253 : vector<1x16xf32> to vector<16xf32>
        %swap3A_255 = vector.shape_cast %get3A_250 : vector<16xf32> to vector<1x16xf32>
        tpu.vector_store %arg19[%swap3A_251, %swap3A_252], %swap3A_255 {add = true, strides = array<i32>} : memref<80x128xf32, #tpu.memory_space<vmem>>, vector<1x16xf32>,
        %get3A_256 = arith.index_cast %scan3A_230 : i32 to index
        %get3A_257 = arith.constant 48 : index
        %get3A_258 = tpu.vector_load %arg24[%get3A_256, %get3A_257] {strides = array<i32>} : memref<80x128xf32, #tpu.memory_space<vmem>>, vector<1x16xf32>,
        %get3A_259 = vector.shape_cast %get3A_258 : vector<1x16xf32> to vector<16xf32>
        %swap3A_260 = arith.index_cast %scan3A_230 : i32 to index
        %swap3A_261 = arith.constant 48 : index
        %swap3A_262 = tpu.vector_load %arg19[%swap3A_260, %swap3A_261] {strides = array<i32>} : memref<80x128xf32, #tpu.memory_space<vmem>>, vector<1x16xf32>,
        %swap3A_263 = vector.shape_cast %swap3A_262 : vector<1x16xf32> to vector<16xf32>
        %swap3A_264 = vector.shape_cast %get3A_259 : vector<16xf32> to vector<1x16xf32>
        tpu.vector_store %arg19[%swap3A_260, %swap3A_261], %swap3A_264 {add = true, strides = array<i32>} : memref<80x128xf32, #tpu.memory_space<vmem>>, vector<1x16xf32>,
        %get3A_265 = arith.index_cast %scan3A_230 : i32 to index
        %get3A_266 = arith.constant 64 : index
        %get3A_267 = tpu.vector_load %arg24[%get3A_265, %get3A_266] {strides = array<i32>} : memref<80x128xf32, #tpu.memory_space<vmem>>, vector<1x16xf32>,
        %get3A_268 = vector.shape_cast %get3A_267 : vector<1x16xf32> to vector<16xf32>
        %swap3A_269 = arith.index_cast %scan3A_230 : i32 to index
        %swap3A_270 = arith.constant 64 : index
        %swap3A_271 = tpu.vector_load %arg19[%swap3A_269, %swap3A_270] {strides = array<i32>} : memref<80x128xf32, #tpu.memory_space<vmem>>, vector<1x16xf32>,
        %swap3A_272 = vector.shape_cast %swap3A_271 : vector<1x16xf32> to vector<16xf32>
        %swap3A_273 = vector.shape_cast %get3A_268 : vector<16xf32> to vector<1x16xf32>
        tpu.vector_store %arg19[%swap3A_269, %swap3A_270], %swap3A_273 {add = true, strides = array<i32>} : memref<80x128xf32, #tpu.memory_space<vmem>>, vector<1x16xf32>,
        %get3A_274 = arith.index_cast %scan3A_230 : i32 to index
        %get3A_275 = arith.constant 80 : index
        %get3A_276 = tpu.vector_load %arg24[%get3A_274, %get3A_275] {strides = array<i32>} : memref<80x128xf32, #tpu.memory_space<vmem>>, vector<1x16xf32>,
        %get3A_277 = vector.shape_cast %get3A_276 : vector<1x16xf32> to vector<16xf32>
        %swap3A_278 = arith.index_cast %scan3A_230 : i32 to index
        %swap3A_279 = arith.constant 80 : index
        %swap3A_280 = tpu.vector_load %arg19[%swap3A_278, %swap3A_279] {strides = array<i32>} : memref<80x128xf32, #tpu.memory_space<vmem>>, vector<1x16xf32>,
        %swap3A_281 = vector.shape_cast %swap3A_280 : vector<1x16xf32> to vector<16xf32>
        %swap3A_282 = vector.shape_cast %get3A_277 : vector<16xf32> to vector<1x16xf32>
        tpu.vector_store %arg19[%swap3A_278, %swap3A_279], %swap3A_282 {add = true, strides = array<i32>} : memref<80x128xf32, #tpu.memory_space<vmem>>, vector<1x16xf32>,
        %get3A_283 = arith.index_cast %scan3A_230 : i32 to index
        %get3A_284 = arith.constant 96 : index
        %get3A_285 = tpu.vector_load %arg24[%get3A_283, %get3A_284] {strides = array<i32>} : memref<80x128xf32, #tpu.memory_space<vmem>>, vector<1x16xf32>,
        %get3A_286 = vector.shape_cast %get3A_285 : vector<1x16xf32> to vector<16xf32>
        %swap3A_287 = arith.index_cast %scan3A_230 : i32 to index
        %swap3A_288 = arith.constant 96 : index
        %swap3A_289 = tpu.vector_load %arg19[%swap3A_287, %swap3A_288] {strides = array<i32>} : memref<80x128xf32, #tpu.memory_space<vmem>>, vector<1x16xf32>,
        %swap3A_290 = vector.shape_cast %swap3A_289 : vector<1x16xf32> to vector<16xf32>
        %swap3A_291 = vector.shape_cast %get3A_286 : vector<16xf32> to vector<1x16xf32>
        tpu.vector_store %arg19[%swap3A_287, %swap3A_288], %swap3A_291 {add = true, strides = array<i32>} : memref<80x128xf32, #tpu.memory_space<vmem>>, vector<1x16xf32>,
        %get3A_292 = arith.index_cast %scan3A_230 : i32 to index
        %get3A_293 = arith.constant 112 : index
        %get3A_294 = tpu.vector_load %arg24[%get3A_292, %get3A_293] {strides = array<i32>} : memref<80x128xf32, #tpu.memory_space<vmem>>, vector<1x16xf32>,
        %get3A_295 = vector.shape_cast %get3A_294 : vector<1x16xf32> to vector<16xf32>
        %swap3A_296 = arith.index_cast %scan3A_230 : i32 to index
        %swap3A_297 = arith.constant 112 : index
        %swap3A_298 = tpu.vector_load %arg19[%swap3A_296, %swap3A_297] {strides = array<i32>} : memref<80x128xf32, #tpu.memory_space<vmem>>, vector<1x16xf32>,
        %swap3A_299 = vector.shape_cast %swap3A_298 : vector<1x16xf32> to vector<16xf32>
        %swap3A_300 = vector.shape_cast %get3A_295 : vector<16xf32> to vector<1x16xf32>
        tpu.vector_store %arg19[%swap3A_296, %swap3A_297], %swap3A_300 {add = true, strides = array<i32>} : memref<80x128xf32, #tpu.memory_space<vmem>>, vector<1x16xf32>,
        %scan3A_301 = arith.constant 1 : i32
        %scan3A_302 = arith.addi %scan3A_230, %scan3A_301 : i32
        %get3A_303 = arith.index_cast %scan3A_302 : i32 to index
        %get3A_304 = arith.constant 0 : index
        %get3A_305 = tpu.vector_load %arg24[%get3A_303, %get3A_304] {strides = array<i32>} : memref<80x128xf32, #tpu.memory_space<vmem>>, vector<1x16xf32>,
        %get3A_306 = vector.shape_cast %get3A_305 : vector<1x16xf32> to vector<16xf32>
        %swap3A_307 = arith.index_cast %scan3A_302 : i32 to index
        %swap3A_308 = arith.constant 0 : index
        %swap3A_309 = tpu.vector_load %arg19[%swap3A_307, %swap3A_308] {strides = array<i32>} : memref<80x128xf32, #tpu.memory_space<vmem>>, vector<1x16xf32>,
        %swap3A_310 = vector.shape_cast %swap3A_309 : vector<1x16xf32> to vector<16xf32>
        %swap3A_311 = vector.shape_cast %get3A_306 : vector<16xf32> to vector<1x16xf32>
        tpu.vector_store %arg19[%swap3A_307, %swap3A_308], %swap3A_311 {add = true, strides = array<i32>} : memref<80x128xf32, #tpu.memory_space<vmem>>, vector<1x16xf32>,
        %get3A_312 = arith.index_cast %scan3A_302 : i32 to index
        %get3A_313 = arith.constant 16 : index
        %get3A_314 = tpu.vector_load %arg24[%get3A_312, %get3A_313] {strides = array<i32>} : memref<80x128xf32, #tpu.memory_space<vmem>>, vector<1x16xf32>,
        %get3A_315 = vector.shape_cast %get3A_314 : vector<1x16xf32> to vector<16xf32>
        %swap3A_316 = arith.index_cast %scan3A_302 : i32 to index
        %swap3A_317 = arith.constant 16 : index
        %swap3A_318 = tpu.vector_load %arg19[%swap3A_316, %swap3A_317] {strides = array<i32>} : memref<80x128xf32, #tpu.memory_space<vmem>>, vector<1x16xf32>,
        %swap3A_319 = vector.shape_cast %swap3A_318 : vector<1x16xf32> to vector<16xf32>
        %swap3A_320 = vector.shape_cast %get3A_315 : vector<16xf32> to vector<1x16xf32>
        tpu.vector_store %arg19[%swap3A_316, %swap3A_317], %swap3A_320 {add = true, strides = array<i32>} : memref<80x128xf32, #tpu.memory_space<vmem>>, vector<1x16xf32>,
        %get3A_321 = arith.index_cast %scan3A_302 : i32 to index
        %get3A_322 = arith.constant 32 : index
        %get3A_323 = tpu.vector_load %arg24[%get3A_321, %get3A_322] {strides = array<i32>} : memref<80x128xf32, #tpu.memory_space<vmem>>, vector<1x16xf32>,
        %get3A_324 = vector.shape_cast %get3A_323 : vector<1x16xf32> to vector<16xf32>
        %swap3A_325 = arith.index_cast %scan3A_302 : i32 to index
        %swap3A_326 = arith.constant 32 : index
        %swap3A_327 = tpu.vector_load %arg19[%swap3A_325, %swap3A_326] {strides = array<i32>} : memref<80x128xf32, #tpu.memory_space<vmem>>, vector<1x16xf32>,
        %swap3A_328 = vector.shape_cast %swap3A_327 : vector<1x16xf32> to vector<16xf32>
        %swap3A_329 = vector.shape_cast %get3A_324 : vector<16xf32> to vector<1x16xf32>
        tpu.vector_store %arg19[%swap3A_325, %swap3A_326], %swap3A_329 {add = true, strides = array<i32>} : memref<80x128xf32, #tpu.memory_space<vmem>>, vector<1x16xf32>,
        %get3A_330 = arith.index_cast %scan3A_302 : i32 to index
        %get3A_331 = arith.constant 48 : index
        %get3A_332 = tpu.vector_load %arg24[%get3A_330, %get3A_331] {strides = array<i32>} : memref<80x128xf32, #tpu.memory_space<vmem>>, vector<1x16xf32>,
        %get3A_333 = vector.shape_cast %get3A_332 : vector<1x16xf32> to vector<16xf32>
        %swap3A_334 = arith.index_cast %scan3A_302 : i32 to index
        %swap3A_335 = arith.constant 48 : index
        %swap3A_336 = tpu.vector_load %arg19[%swap3A_334, %swap3A_335] {strides = array<i32>} : memref<80x128xf32, #tpu.memory_space<vmem>>, vector<1x16xf32>,
        %swap3A_337 = vector.shape_cast %swap3A_336 : vector<1x16xf32> to vector<16xf32>
        %swap3A_338 = vector.shape_cast %get3A_333 : vector<16xf32> to vector<1x16xf32>
        tpu.vector_store %arg19[%swap3A_334, %swap3A_335], %swap3A_338 {add = true, strides = array<i32>} : memref<80x128xf32, #tpu.memory_space<vmem>>, vector<1x16xf32>,
        %get3A_339 = arith.index_cast %scan3A_302 : i32 to index
        %get3A_340 = arith.constant 64 : index
        %get3A_341 = tpu.vector_load %arg24[%get3A_339, %get3A_340] {strides = array<i32>} : memref<80x128xf32, #tpu.memory_space<vmem>>, vector<1x16xf32>,
        %get3A_342 = vector.shape_cast %get3A_341 : vector<1x16xf32> to vector<16xf32>
        %swap3A_343 = arith.index_cast %scan3A_302 : i32 to index
        %swap3A_344 = arith.constant 64 : index
        %swap3A_345 = tpu.vector_load %arg19[%swap3A_343, %swap3A_344] {strides = array<i32>} : memref<80x128xf32, #tpu.memory_space<vmem>>, vector<1x16xf32>,
        %swap3A_346 = vector.shape_cast %swap3A_345 : vector<1x16xf32> to vector<16xf32>
        %swap3A_347 = vector.shape_cast %get3A_342 : vector<16xf32> to vector<1x16xf32>
        tpu.vector_store %arg19[%swap3A_343, %swap3A_344], %swap3A_347 {add = true, strides = array<i32>} : memref<80x128xf32, #tpu.memory_space<vmem>>, vector<1x16xf32>,
        %get3A_348 = arith.index_cast %scan3A_302 : i32 to index
        %get3A_349 = arith.constant 80 : index
        %get3A_350 = tpu.vector_load %arg24[%get3A_348, %get3A_349] {strides = array<i32>} : memref<80x128xf32, #tpu.memory_space<vmem>>, vector<1x16xf32>,
        %get3A_351 = vector.shape_cast %get3A_350 : vector<1x16xf32> to vector<16xf32>
        %swap3A_352 = arith.index_cast %scan3A_302 : i32 to index
        %swap3A_353 = arith.constant 80 : index
        %swap3A_354 = tpu.vector_load %arg19[%swap3A_352, %swap3A_353] {strides = array<i32>} : memref<80x128xf32, #tpu.memory_space<vmem>>, vector<1x16xf32>,
        %swap3A_355 = vector.shape_cast %swap3A_354 : vector<1x16xf32> to vector<16xf32>
        %swap3A_356 = vector.shape_cast %get3A_351 : vector<16xf32> to vector<1x16xf32>
        tpu.vector_store %arg19[%swap3A_352, %swap3A_353], %swap3A_356 {add = true, strides = array<i32>} : memref<80x128xf32, #tpu.memory_space<vmem>>, vector<1x16xf32>,
        %get3A_357 = arith.index_cast %scan3A_302 : i32 to index
        %get3A_358 = arith.constant 96 : index
        %get3A_359 = tpu.vector_load %arg24[%get3A_357, %get3A_358] {strides = array<i32>} : memref<80x128xf32, #tpu.memory_space<vmem>>, vector<1x16xf32>,
        %get3A_360 = vector.shape_cast %get3A_359 : vector<1x16xf32> to vector<16xf32>
        %swap3A_361 = arith.index_cast %scan3A_302 : i32 to index
        %swap3A_362 = arith.constant 96 : index
        %swap3A_363 = tpu.vector_load %arg19[%swap3A_361, %swap3A_362] {strides = array<i32>} : memref<80x128xf32, #tpu.memory_space<vmem>>, vector<1x16xf32>,
        %swap3A_364 = vector.shape_cast %swap3A_363 : vector<1x16xf32> to vector<16xf32>
        %swap3A_365 = vector.shape_cast %get3A_360 : vector<16xf32> to vector<1x16xf32>
        tpu.vector_store %arg19[%swap3A_361, %swap3A_362], %swap3A_365 {add = true, strides = array<i32>} : memref<80x128xf32, #tpu.memory_space<vmem>>, vector<1x16xf32>,
        %get3A_366 = arith.index_cast %scan3A_302 : i32 to index
        %get3A_367 = arith.constant 112 : index
        %get3A_368 = tpu.vector_load %arg24[%get3A_366, %get3A_367] {strides = array<i32>} : memref<80x128xf32, #tpu.memory_space<vmem>>, vector<1x16xf32>,
        %get3A_369 = vector.shape_cast %get3A_368 : vector<1x16xf32> to vector<16xf32>
        %swap3A_370 = arith.index_cast %scan3A_302 : i32 to index
        %swap3A_371 = arith.constant 112 : index
        %swap3A_372 = tpu.vector_load %arg19[%swap3A_370, %swap3A_371] {strides = array<i32>} : memref<80x128xf32, #tpu.memory_space<vmem>>, vector<1x16xf32>,
        %swap3A_373 = vector.shape_cast %swap3A_372 : vector<1x16xf32> to vector<16xf32>
        %swap3A_374 = vector.shape_cast %get3A_369 : vector<16xf32> to vector<1x16xf32>
        tpu.vector_store %arg19[%swap3A_370, %swap3A_371], %swap3A_374 {add = true, strides = array<i32>} : memref<80x128xf32, #tpu.memory_space<vmem>>, vector<1x16xf32>,
        %scan3A_375 = arith.constant 2 : i32
        %scan3A_376 = arith.addi %scan3A_230, %scan3A_375 : i32
        %get3A_377 = arith.index_cast %scan3A_376 : i32 to index
        %get3A_378 = arith.constant 0 : index
        %get3A_379 = tpu.vector_load %arg24[%get3A_377, %get3A_378] {strides = array<i32>} : memref<80x128xf32, #tpu.memory_space<vmem>>, vector<1x16xf32>,
        %get3A_380 = vector.shape_cast %get3A_379 : vector<1x16xf32> to vector<16xf32>
        %swap3A_381 = arith.index_cast %scan3A_376 : i32 to index
        %swap3A_382 = arith.constant 0 : index
        %swap3A_383 = tpu.vector_load %arg19[%swap3A_381, %swap3A_382] {strides = array<i32>} : memref<80x128xf32, #tpu.memory_space<vmem>>, vector<1x16xf32>,
        %swap3A_384 = vector.shape_cast %swap3A_383 : vector<1x16xf32> to vector<16xf32>
        %swap3A_385 = vector.shape_cast %get3A_380 : vector<16xf32> to vector<1x16xf32>
        tpu.vector_store %arg19[%swap3A_381, %swap3A_382], %swap3A_385 {add = true, strides = array<i32>} : memref<80x128xf32, #tpu.memory_space<vmem>>, vector<1x16xf32>,
        %get3A_386 = arith.index_cast %scan3A_376 : i32 to index
        %get3A_387 = arith.constant 16 : index
        %get3A_388 = tpu.vector_load %arg24[%get3A_386, %get3A_387] {strides = array<i32>} : memref<80x128xf32, #tpu.memory_space<vmem>>, vector<1x16xf32>,
        %get3A_389 = vector.shape_cast %get3A_388 : vector<1x16xf32> to vector<16xf32>
        %swap3A_390 = arith.index_cast %scan3A_376 : i32 to index
        %swap3A_391 = arith.constant 16 : index
        %swap3A_392 = tpu.vector_load %arg19[%swap3A_390, %swap3A_391] {strides = array<i32>} : memref<80x128xf32, #tpu.memory_space<vmem>>, vector<1x16xf32>,
        %swap3A_393 = vector.shape_cast %swap3A_392 : vector<1x16xf32> to vector<16xf32>
        %swap3A_394 = vector.shape_cast %get3A_389 : vector<16xf32> to vector<1x16xf32>
        tpu.vector_store %arg19[%swap3A_390, %swap3A_391], %swap3A_394 {add = true, strides = array<i32>} : memref<80x128xf32, #tpu.memory_space<vmem>>, vector<1x16xf32>,
        %get3A_395 = arith.index_cast %scan3A_376 : i32 to index
        %get3A_396 = arith.constant 32 : index
        %get3A_397 = tpu.vector_load %arg24[%get3A_395, %get3A_396] {strides = array<i32>} : memref<80x128xf32, #tpu.memory_space<vmem>>, vector<1x16xf32>,
        %get3A_398 = vector.shape_cast %get3A_397 : vector<1x16xf32> to vector<16xf32>
        %swap3A_399 = arith.index_cast %scan3A_376 : i32 to index
        %swap3A_400 = arith.constant 32 : index
        %swap3A_401 = tpu.vector_load %arg19[%swap3A_399, %swap3A_400] {strides = array<i32>} : memref<80x128xf32, #tpu.memory_space<vmem>>, vector<1x16xf32>,
        %swap3A_402 = vector.shape_cast %swap3A_401 : vector<1x16xf32> to vector<16xf32>
        %swap3A_403 = vector.shape_cast %get3A_398 : vector<16xf32> to vector<1x16xf32>
        tpu.vector_store %arg19[%swap3A_399, %swap3A_400], %swap3A_403 {add = true, strides = array<i32>} : memref<80x128xf32, #tpu.memory_space<vmem>>, vector<1x16xf32>,
        %get3A_404 = arith.index_cast %scan3A_376 : i32 to index
        %get3A_405 = arith.constant 48 : index
        %get3A_406 = tpu.vector_load %arg24[%get3A_404, %get3A_405] {strides = array<i32>} : memref<80x128xf32, #tpu.memory_space<vmem>>, vector<1x16xf32>,
        %get3A_407 = vector.shape_cast %get3A_406 : vector<1x16xf32> to vector<16xf32>
        %swap3A_408 = arith.index_cast %scan3A_376 : i32 to index
        %swap3A_409 = arith.constant 48 : index
        %swap3A_410 = tpu.vector_load %arg19[%swap3A_408, %swap3A_409] {strides = array<i32>} : memref<80x128xf32, #tpu.memory_space<vmem>>, vector<1x16xf32>,
        %swap3A_411 = vector.shape_cast %swap3A_410 : vector<1x16xf32> to vector<16xf32>
        %swap3A_412 = vector.shape_cast %get3A_407 : vector<16xf32> to vector<1x16xf32>
        tpu.vector_store %arg19[%swap3A_408, %swap3A_409], %swap3A_412 {add = true, strides = array<i32>} : memref<80x128xf32, #tpu.memory_space<vmem>>, vector<1x16xf32>,
        %get3A_413 = arith.index_cast %scan3A_376 : i32 to index
        %get3A_414 = arith.constant 64 : index
        %get3A_415 = tpu.vector_load %arg24[%get3A_413, %get3A_414] {strides = array<i32>} : memref<80x128xf32, #tpu.memory_space<vmem>>, vector<1x16xf32>,
        %get3A_416 = vector.shape_cast %get3A_415 : vector<1x16xf32> to vector<16xf32>
        %swap3A_417 = arith.index_cast %scan3A_376 : i32 to index
        %swap3A_418 = arith.constant 64 : index
        %swap3A_419 = tpu.vector_load %arg19[%swap3A_417, %swap3A_418] {strides = array<i32>} : memref<80x128xf32, #tpu.memory_space<vmem>>, vector<1x16xf32>,
        %swap3A_420 = vector.shape_cast %swap3A_419 : vector<1x16xf32> to vector<16xf32>
        %swap3A_421 = vector.shape_cast %get3A_416 : vector<16xf32> to vector<1x16xf32>
        tpu.vector_store %arg19[%swap3A_417, %swap3A_418], %swap3A_421 {add = true, strides = array<i32>} : memref<80x128xf32, #tpu.memory_space<vmem>>, vector<1x16xf32>,
        %get3A_422 = arith.index_cast %scan3A_376 : i32 to index
        %get3A_423 = arith.constant 80 : index
        %get3A_424 = tpu.vector_load %arg24[%get3A_422, %get3A_423] {strides = array<i32>} : memref<80x128xf32, #tpu.memory_space<vmem>>, vector<1x16xf32>,
        %get3A_425 = vector.shape_cast %get3A_424 : vector<1x16xf32> to vector<16xf32>
        %swap3A_426 = arith.index_cast %scan3A_376 : i32 to index
        %swap3A_427 = arith.constant 80 : index
        %swap3A_428 = tpu.vector_load %arg19[%swap3A_426, %swap3A_427] {strides = array<i32>} : memref<80x128xf32, #tpu.memory_space<vmem>>, vector<1x16xf32>,
        %swap3A_429 = vector.shape_cast %swap3A_428 : vector<1x16xf32> to vector<16xf32>
        %swap3A_430 = vector.shape_cast %get3A_425 : vector<16xf32> to vector<1x16xf32>
        tpu.vector_store %arg19[%swap3A_426, %swap3A_427], %swap3A_430 {add = true, strides = array<i32>} : memref<80x128xf32, #tpu.memory_space<vmem>>, vector<1x16xf32>,
        %get3A_431 = arith.index_cast %scan3A_376 : i32 to index
        %get3A_432 = arith.constant 96 : index
        %get3A_433 = tpu.vector_load %arg24[%get3A_431, %get3A_432] {strides = array<i32>} : memref<80x128xf32, #tpu.memory_space<vmem>>, vector<1x16xf32>,
        %get3A_434 = vector.shape_cast %get3A_433 : vector<1x16xf32> to vector<16xf32>
        %swap3A_435 = arith.index_cast %scan3A_376 : i32 to index
        %swap3A_436 = arith.constant 96 : index
        %swap3A_437 = tpu.vector_load %arg19[%swap3A_435, %swap3A_436] {strides = array<i32>} : memref<80x128xf32, #tpu.memory_space<vmem>>, vector<1x16xf32>,
        %swap3A_438 = vector.shape_cast %swap3A_437 : vector<1x16xf32> to vector<16xf32>
        %swap3A_439 = vector.shape_cast %get3A_434 : vector<16xf32> to vector<1x16xf32>
        tpu.vector_store %arg19[%swap3A_435, %swap3A_436], %swap3A_439 {add = true, strides = array<i32>} : memref<80x128xf32, #tpu.memory_space<vmem>>, vector<1x16xf32>,
        %get3A_440 = arith.index_cast %scan3A_376 : i32 to index
        %get3A_441 = arith.constant 112 : index
        %get3A_442 = tpu.vector_load %arg24[%get3A_440, %get3A_441] {strides = array<i32>} : memref<80x128xf32, #tpu.memory_space<vmem>>, vector<1x16xf32>,
        %get3A_443 = vector.shape_cast %get3A_442 : vector<1x16xf32> to vector<16xf32>
        %swap3A_444 = arith.index_cast %scan3A_376 : i32 to index
        %swap3A_445 = arith.constant 112 : index
        %swap3A_446 = tpu.vector_load %arg19[%swap3A_444, %swap3A_445] {strides = array<i32>} : memref<80x128xf32, #tpu.memory_space<vmem>>, vector<1x16xf32>,
        %swap3A_447 = vector.shape_cast %swap3A_446 : vector<1x16xf32> to vector<16xf32>
        %swap3A_448 = vector.shape_cast %get3A_443 : vector<16xf32> to vector<1x16xf32>
        tpu.vector_store %arg19[%swap3A_444, %swap3A_445], %swap3A_448 {add = true, strides = array<i32>} : memref<80x128xf32, #tpu.memory_space<vmem>>, vector<1x16xf32>,
        %scan3A_449 = arith.constant 3 : i32
        %scan3A_450 = arith.addi %scan3A_230, %scan3A_449 : i32
        %get3A_451 = arith.index_cast %scan3A_450 : i32 to index
        %get3A_452 = arith.constant 0 : index
        %get3A_453 = tpu.vector_load %arg24[%get3A_451, %get3A_452] {strides = array<i32>} : memref<80x128xf32, #tpu.memory_space<vmem>>, vector<1x16xf32>,
        %get3A_454 = vector.shape_cast %get3A_453 : vector<1x16xf32> to vector<16xf32>
        %swap3A_455 = arith.index_cast %scan3A_450 : i32 to index
        %swap3A_456 = arith.constant 0 : index
        %swap3A_457 = tpu.vector_load %arg19[%swap3A_455, %swap3A_456] {strides = array<i32>} : memref<80x128xf32, #tpu.memory_space<vmem>>, vector<1x16xf32>,
        %swap3A_458 = vector.shape_cast %swap3A_457 : vector<1x16xf32> to vector<16xf32>
        %swap3A_459 = vector.shape_cast %get3A_454 : vector<16xf32> to vector<1x16xf32>
        tpu.vector_store %arg19[%swap3A_455, %swap3A_456], %swap3A_459 {add = true, strides = array<i32>} : memref<80x128xf32, #tpu.memory_space<vmem>>, vector<1x16xf32>,
        %get3A_460 = arith.index_cast %scan3A_450 : i32 to index
        %get3A_461 = arith.constant 16 : index
        %get3A_462 = tpu.vector_load %arg24[%get3A_460, %get3A_461] {strides = array<i32>} : memref<80x128xf32, #tpu.memory_space<vmem>>, vector<1x16xf32>,
        %get3A_463 = vector.shape_cast %get3A_462 : vector<1x16xf32> to vector<16xf32>
        %swap3A_464 = arith.index_cast %scan3A_450 : i32 to index
        %swap3A_465 = arith.constant 16 : index
        %swap3A_466 = tpu.vector_load %arg19[%swap3A_464, %swap3A_465] {strides = array<i32>} : memref<80x128xf32, #tpu.memory_space<vmem>>, vector<1x16xf32>,
        %swap3A_467 = vector.shape_cast %swap3A_466 : vector<1x16xf32> to vector<16xf32>
        %swap3A_468 = vector.shape_cast %get3A_463 : vector<16xf32> to vector<1x16xf32>
        tpu.vector_store %arg19[%swap3A_464, %swap3A_465], %swap3A_468 {add = true, strides = array<i32>} : memref<80x128xf32, #tpu.memory_space<vmem>>, vector<1x16xf32>,
        %get3A_469 = arith.index_cast %scan3A_450 : i32 to index
        %get3A_470 = arith.constant 32 : index
        %get3A_471 = tpu.vector_load %arg24[%get3A_469, %get3A_470] {strides = array<i32>} : memref<80x128xf32, #tpu.memory_space<vmem>>, vector<1x16xf32>,
        %get3A_472 = vector.shape_cast %get3A_471 : vector<1x16xf32> to vector<16xf32>
        %swap3A_473 = arith.index_cast %scan3A_450 : i32 to index
        %swap3A_474 = arith.constant 32 : index
        %swap3A_475 = tpu.vector_load %arg19[%swap3A_473, %swap3A_474] {strides = array<i32>} : memref<80x128xf32, #tpu.memory_space<vmem>>, vector<1x16xf32>,
        %swap3A_476 = vector.shape_cast %swap3A_475 : vector<1x16xf32> to vector<16xf32>
        %swap3A_477 = vector.shape_cast %get3A_472 : vector<16xf32> to vector<1x16xf32>
        tpu.vector_store %arg19[%swap3A_473, %swap3A_474], %swap3A_477 {add = true, strides = array<i32>} : memref<80x128xf32, #tpu.memory_space<vmem>>, vector<1x16xf32>,
        %get3A_478 = arith.index_cast %scan3A_450 : i32 to index
        %get3A_479 = arith.constant 48 : index
        %get3A_480 = tpu.vector_load %arg24[%get3A_478, %get3A_479] {strides = array<i32>} : memref<80x128xf32, #tpu.memory_space<vmem>>, vector<1x16xf32>,
        %get3A_481 = vector.shape_cast %get3A_480 : vector<1x16xf32> to vector<16xf32>
        %swap3A_482 = arith.index_cast %scan3A_450 : i32 to index
        %swap3A_483 = arith.constant 48 : index
        %swap3A_484 = tpu.vector_load %arg19[%swap3A_482, %swap3A_483] {strides = array<i32>} : memref<80x128xf32, #tpu.memory_space<vmem>>, vector<1x16xf32>,
        %swap3A_485 = vector.shape_cast %swap3A_484 : vector<1x16xf32> to vector<16xf32>
        %swap3A_486 = vector.shape_cast %get3A_481 : vector<16xf32> to vector<1x16xf32>
        tpu.vector_store %arg19[%swap3A_482, %swap3A_483], %swap3A_486 {add = true, strides = array<i32>} : memref<80x128xf32, #tpu.memory_space<vmem>>, vector<1x16xf32>,
        %get3A_487 = arith.index_cast %scan3A_450 : i32 to index
        %get3A_488 = arith.constant 64 : index
        %get3A_489 = tpu.vector_load %arg24[%get3A_487, %get3A_488] {strides = array<i32>} : memref<80x128xf32, #tpu.memory_space<vmem>>, vector<1x16xf32>,
        %get3A_490 = vector.shape_cast %get3A_489 : vector<1x16xf32> to vector<16xf32>
        %swap3A_491 = arith.index_cast %scan3A_450 : i32 to index
        %swap3A_492 = arith.constant 64 : index
        %swap3A_493 = tpu.vector_load %arg19[%swap3A_491, %swap3A_492] {strides = array<i32>} : memref<80x128xf32, #tpu.memory_space<vmem>>, vector<1x16xf32>,
        %swap3A_494 = vector.shape_cast %swap3A_493 : vector<1x16xf32> to vector<16xf32>
        %swap3A_495 = vector.shape_cast %get3A_490 : vector<16xf32> to vector<1x16xf32>
        tpu.vector_store %arg19[%swap3A_491, %swap3A_492], %swap3A_495 {add = true, strides = array<i32>} : memref<80x128xf32, #tpu.memory_space<vmem>>, vector<1x16xf32>,
        %get3A_496 = arith.index_cast %scan3A_450 : i32 to index
        %get3A_497 = arith.constant 80 : index
        %get3A_498 = tpu.vector_load %arg24[%get3A_496, %get3A_497] {strides = array<i32>} : memref<80x128xf32, #tpu.memory_space<vmem>>, vector<1x16xf32>,
        %get3A_499 = vector.shape_cast %get3A_498 : vector<1x16xf32> to vector<16xf32>
        %swap3A_500 = arith.index_cast %scan3A_450 : i32 to index
        %swap3A_501 = arith.constant 80 : index
        %swap3A_502 = tpu.vector_load %arg19[%swap3A_500, %swap3A_501] {strides = array<i32>} : memref<80x128xf32, #tpu.memory_space<vmem>>, vector<1x16xf32>,
        %swap3A_503 = vector.shape_cast %swap3A_502 : vector<1x16xf32> to vector<16xf32>
        %swap3A_504 = vector.shape_cast %get3A_499 : vector<16xf32> to vector<1x16xf32>
        tpu.vector_store %arg19[%swap3A_500, %swap3A_501], %swap3A_504 {add = true, strides = array<i32>} : memref<80x128xf32, #tpu.memory_space<vmem>>, vector<1x16xf32>,
        %get3A_505 = arith.index_cast %scan3A_450 : i32 to index
        %get3A_506 = arith.constant 96 : index
        %get3A_507 = tpu.vector_load %arg24[%get3A_505, %get3A_506] {strides = array<i32>} : memref<80x128xf32, #tpu.memory_space<vmem>>, vector<1x16xf32>,
        %get3A_508 = vector.shape_cast %get3A_507 : vector<1x16xf32> to vector<16xf32>
        %swap3A_509 = arith.index_cast %scan3A_450 : i32 to index
        %swap3A_510 = arith.constant 96 : index
        %swap3A_511 = tpu.vector_load %arg19[%swap3A_509, %swap3A_510] {strides = array<i32>} : memref<80x128xf32, #tpu.memory_space<vmem>>, vector<1x16xf32>,
        %swap3A_512 = vector.shape_cast %swap3A_511 : vector<1x16xf32> to vector<16xf32>
        %swap3A_513 = vector.shape_cast %get3A_508 : vector<16xf32> to vector<1x16xf32>
        tpu.vector_store %arg19[%swap3A_509, %swap3A_510], %swap3A_513 {add = true, strides = array<i32>} : memref<80x128xf32, #tpu.memory_space<vmem>>, vector<1x16xf32>,
        %get3A_514 = arith.index_cast %scan3A_450 : i32 to index
        %get3A_515 = arith.constant 112 : index
        %get3A_516 = tpu.vector_load %arg24[%get3A_514, %get3A_515] {strides = array<i32>} : memref<80x128xf32, #tpu.memory_space<vmem>>, vector<1x16xf32>,
        %get3A_517 = vector.shape_cast %get3A_516 : vector<1x16xf32> to vector<16xf32>
        %swap3A_518 = arith.index_cast %scan3A_450 : i32 to index
        %swap3A_519 = arith.constant 112 : index
        %swap3A_520 = tpu.vector_load %arg19[%swap3A_518, %swap3A_519] {strides = array<i32>} : memref<80x128xf32, #tpu.memory_space<vmem>>, vector<1x16xf32>,
        %swap3A_521 = vector.shape_cast %swap3A_520 : vector<1x16xf32> to vector<16xf32>
        %swap3A_522 = vector.shape_cast %get3A_517 : vector<16xf32> to vector<1x16xf32>
        tpu.vector_store %arg19[%swap3A_518, %swap3A_519], %swap3A_522 {add = true, strides = array<i32>} : memref<80x128xf32, #tpu.memory_space<vmem>>, vector<1x16xf32>,
      }
      %scan3A_166 = arith.constant 80 : i32
      %mul3A_167 = arith.constant 5 : i32
      %mul3A_168 = arith.muli %scan3A_56, %mul3A_167 : i32
      %add3A_169 = arith.constant 2 : i32
      %add3A_170 = arith.addi %mul3A_168, %add3A_169 : i32
      %mul3A_171 = arith.constant 80 : i32
      %mul3A_172 = arith.muli %add3A_170, %mul3A_171 : i32
      %add3A_173 = arith.addi %mul3A_2, %mul3A_172 : i32
      %dma_start3A_174 = arith.constant 0 : i32
      %dma_start3A_175 = tpu.memref_slice %arg6[%add3A_173, %dma_start3A_174] : memref<320000x128xf32, #tpu.memory_space<hbm>> -> memref<80x128xf32, #tpu.memory_space<hbm>>
      %dma_start3A_176 = arith.constant 0 : i32
      %dma_start3A_177 = tpu.memref_slice %arg6[%add3A_173, %dma_start3A_176] : memref<320000x128xf32, #tpu.memory_space<hbm>> -> memref<80x128xf32, #tpu.memory_space<hbm>>
      tpu.enqueue_dma source(%arg19 : memref<80x128xf32, #tpu.memory_space<vmem>>) target(%dma_start3A_177 : memref<80x128xf32, #tpu.memory_space<hbm>>) target_semaphore(%arg29 : memref<!tpu.dma_semaphore, #tpu.memory_space<semaphore_mem>>)
      %dma_wait3A_178 = arith.constant 0 : i32
      %dma_wait3A_179 = arith.constant 0 : i32
      %dma_wait3A_180 = tpu.memref_slice %arg2[%dma_wait3A_178, %dma_wait3A_179] : memref<10000x128xf32, #tpu.memory_space<hbm>> -> memref<10000x128xf32, #tpu.memory_space<hbm>>
      tpu.wait_indirect_dma semaphore(%arg28 : memref<!tpu.dma_semaphore, #tpu.memory_space<semaphore_mem>>) src(%dma_wait3A_180 : memref<10000x128xf32, #tpu.memory_space<hbm>>) dst(%arg20 : memref<80x128xf32, #tpu.memory_space<vmem>>)
      %dma_wait3A_181 = arith.constant 0 : i32
      %dma_wait3A_182 = arith.constant 0 : i32
      %dma_wait3A_183 = tpu.memref_slice %arg3[%dma_wait3A_181, %dma_wait3A_182] : memref<10000x128xf32, #tpu.memory_space<hbm>> -> memref<10000x128xf32, #tpu.memory_space<hbm>>
      tpu.wait_indirect_dma semaphore(%arg28 : memref<!tpu.dma_semaphore, #tpu.memory_space<semaphore_mem>>) src(%dma_wait3A_183 : memref<10000x128xf32, #tpu.memory_space<hbm>>) dst(%arg25 : memref<80x128xf32, #tpu.memory_space<vmem>>)
      %scan3A_184 = arith.constant 0 : i32
      %scan3A_185 = arith.constant 0 : i32
      %scan3A_186 = arith.constant 80 : i32
      %scan3A_187 = arith.addi %scan3A_185, %scan3A_186 : i32
      %scan3A_188 = arith.constant 4 : i32
      scf.for %scan3A_230 = %scan3A_185 to %scan3A_187 step %scan3A_188  : i32 {
        %get3A = arith.index_cast %scan3A_230 : i32 to index
        %get3A_231 = arith.constant 0 : index
        %get3A_232 = tpu.vector_load %arg25[%get3A, %get3A_231] {strides = array<i32>} : memref<80x128xf32, #tpu.memory_space<vmem>>, vector<1x16xf32>,
        %get3A_233 = vector.shape_cast %get3A_232 : vector<1x16xf32> to vector<16xf32>
        %swap3A = arith.index_cast %scan3A_230 : i32 to index
        %swap3A_234 = arith.constant 0 : index
        %swap3A_235 = tpu.vector_load %arg20[%swap3A, %swap3A_234] {strides = array<i32>} : memref<80x128xf32, #tpu.memory_space<vmem>>, vector<1x16xf32>,
        %swap3A_236 = vector.shape_cast %swap3A_235 : vector<1x16xf32> to vector<16xf32>
        %swap3A_237 = vector.shape_cast %get3A_233 : vector<16xf32> to vector<1x16xf32>
        tpu.vector_store %arg20[%swap3A, %swap3A_234], %swap3A_237 {add = true, strides = array<i32>} : memref<80x128xf32, #tpu.memory_space<vmem>>, vector<1x16xf32>,
        %get3A_238 = arith.index_cast %scan3A_230 : i32 to index
        %get3A_239 = arith.constant 16 : index
        %get3A_240 = tpu.vector_load %arg25[%get3A_238, %get3A_239] {strides = array<i32>} : memref<80x128xf32, #tpu.memory_space<vmem>>, vector<1x16xf32>,
        %get3A_241 = vector.shape_cast %get3A_240 : vector<1x16xf32> to vector<16xf32>
        %swap3A_242 = arith.index_cast %scan3A_230 : i32 to index
        %swap3A_243 = arith.constant 16 : index
        %swap3A_244 = tpu.vector_load %arg20[%swap3A_242, %swap3A_243] {strides = array<i32>} : memref<80x128xf32, #tpu.memory_space<vmem>>, vector<1x16xf32>,
        %swap3A_245 = vector.shape_cast %swap3A_244 : vector<1x16xf32> to vector<16xf32>
        %swap3A_246 = vector.shape_cast %get3A_241 : vector<16xf32> to vector<1x16xf32>
        tpu.vector_store %arg20[%swap3A_242, %swap3A_243], %swap3A_246 {add = true, strides = array<i32>} : memref<80x128xf32, #tpu.memory_space<vmem>>, vector<1x16xf32>,
        %get3A_247 = arith.index_cast %scan3A_230 : i32 to index
        %get3A_248 = arith.constant 32 : index
        %get3A_249 = tpu.vector_load %arg25[%get3A_247, %get3A_248] {strides = array<i32>} : memref<80x128xf32, #tpu.memory_space<vmem>>, vector<1x16xf32>,
        %get3A_250 = vector.shape_cast %get3A_249 : vector<1x16xf32> to vector<16xf32>
        %swap3A_251 = arith.index_cast %scan3A_230 : i32 to index
        %swap3A_252 = arith.constant 32 : index
        %swap3A_253 = tpu.vector_load %arg20[%swap3A_251, %swap3A_252] {strides = array<i32>} : memref<80x128xf32, #tpu.memory_space<vmem>>, vector<1x16xf32>,
        %swap3A_254 = vector.shape_cast %swap3A_253 : vector<1x16xf32> to vector<16xf32>
        %swap3A_255 = vector.shape_cast %get3A_250 : vector<16xf32> to vector<1x16xf32>
        tpu.vector_store %arg20[%swap3A_251, %swap3A_252], %swap3A_255 {add = true, strides = array<i32>} : memref<80x128xf32, #tpu.memory_space<vmem>>, vector<1x16xf32>,
        %get3A_256 = arith.index_cast %scan3A_230 : i32 to index
        %get3A_257 = arith.constant 48 : index
        %get3A_258 = tpu.vector_load %arg25[%get3A_256, %get3A_257] {strides = array<i32>} : memref<80x128xf32, #tpu.memory_space<vmem>>, vector<1x16xf32>,
        %get3A_259 = vector.shape_cast %get3A_258 : vector<1x16xf32> to vector<16xf32>
        %swap3A_260 = arith.index_cast %scan3A_230 : i32 to index
        %swap3A_261 = arith.constant 48 : index
        %swap3A_262 = tpu.vector_load %arg20[%swap3A_260, %swap3A_261] {strides = array<i32>} : memref<80x128xf32, #tpu.memory_space<vmem>>, vector<1x16xf32>,
        %swap3A_263 = vector.shape_cast %swap3A_262 : vector<1x16xf32> to vector<16xf32>
        %swap3A_264 = vector.shape_cast %get3A_259 : vector<16xf32> to vector<1x16xf32>
        tpu.vector_store %arg20[%swap3A_260, %swap3A_261], %swap3A_264 {add = true, strides = array<i32>} : memref<80x128xf32, #tpu.memory_space<vmem>>, vector<1x16xf32>,
        %get3A_265 = arith.index_cast %scan3A_230 : i32 to index
        %get3A_266 = arith.constant 64 : index
        %get3A_267 = tpu.vector_load %arg25[%get3A_265, %get3A_266] {strides = array<i32>} : memref<80x128xf32, #tpu.memory_space<vmem>>, vector<1x16xf32>,
        %get3A_268 = vector.shape_cast %get3A_267 : vector<1x16xf32> to vector<16xf32>
        %swap3A_269 = arith.index_cast %scan3A_230 : i32 to index
        %swap3A_270 = arith.constant 64 : index
        %swap3A_271 = tpu.vector_load %arg20[%swap3A_269, %swap3A_270] {strides = array<i32>} : memref<80x128xf32, #tpu.memory_space<vmem>>, vector<1x16xf32>,
        %swap3A_272 = vector.shape_cast %swap3A_271 : vector<1x16xf32> to vector<16xf32>
        %swap3A_273 = vector.shape_cast %get3A_268 : vector<16xf32> to vector<1x16xf32>
        tpu.vector_store %arg20[%swap3A_269, %swap3A_270], %swap3A_273 {add = true, strides = array<i32>} : memref<80x128xf32, #tpu.memory_space<vmem>>, vector<1x16xf32>,
        %get3A_274 = arith.index_cast %scan3A_230 : i32 to index
        %get3A_275 = arith.constant 80 : index
        %get3A_276 = tpu.vector_load %arg25[%get3A_274, %get3A_275] {strides = array<i32>} : memref<80x128xf32, #tpu.memory_space<vmem>>, vector<1x16xf32>,
        %get3A_277 = vector.shape_cast %get3A_276 : vector<1x16xf32> to vector<16xf32>
        %swap3A_278 = arith.index_cast %scan3A_230 : i32 to index
        %swap3A_279 = arith.constant 80 : index
        %swap3A_280 = tpu.vector_load %arg20[%swap3A_278, %swap3A_279] {strides = array<i32>} : memref<80x128xf32, #tpu.memory_space<vmem>>, vector<1x16xf32>,
        %swap3A_281 = vector.shape_cast %swap3A_280 : vector<1x16xf32> to vector<16xf32>
        %swap3A_282 = vector.shape_cast %get3A_277 : vector<16xf32> to vector<1x16xf32>
        tpu.vector_store %arg20[%swap3A_278, %swap3A_279], %swap3A_282 {add = true, strides = array<i32>} : memref<80x128xf32, #tpu.memory_space<vmem>>, vector<1x16xf32>,
        %get3A_283 = arith.index_cast %scan3A_230 : i32 to index
        %get3A_284 = arith.constant 96 : index
        %get3A_285 = tpu.vector_load %arg25[%get3A_283, %get3A_284] {strides = array<i32>} : memref<80x128xf32, #tpu.memory_space<vmem>>, vector<1x16xf32>,
        %get3A_286 = vector.shape_cast %get3A_285 : vector<1x16xf32> to vector<16xf32>
        %swap3A_287 = arith.index_cast %scan3A_230 : i32 to index
        %swap3A_288 = arith.constant 96 : index
        %swap3A_289 = tpu.vector_load %arg20[%swap3A_287, %swap3A_288] {strides = array<i32>} : memref<80x128xf32, #tpu.memory_space<vmem>>, vector<1x16xf32>,
        %swap3A_290 = vector.shape_cast %swap3A_289 : vector<1x16xf32> to vector<16xf32>
        %swap3A_291 = vector.shape_cast %get3A_286 : vector<16xf32> to vector<1x16xf32>
        tpu.vector_store %arg20[%swap3A_287, %swap3A_288], %swap3A_291 {add = true, strides = array<i32>} : memref<80x128xf32, #tpu.memory_space<vmem>>, vector<1x16xf32>,
        %get3A_292 = arith.index_cast %scan3A_230 : i32 to index
        %get3A_293 = arith.constant 112 : index
        %get3A_294 = tpu.vector_load %arg25[%get3A_292, %get3A_293] {strides = array<i32>} : memref<80x128xf32, #tpu.memory_space<vmem>>, vector<1x16xf32>,
        %get3A_295 = vector.shape_cast %get3A_294 : vector<1x16xf32> to vector<16xf32>
        %swap3A_296 = arith.index_cast %scan3A_230 : i32 to index
        %swap3A_297 = arith.constant 112 : index
        %swap3A_298 = tpu.vector_load %arg20[%swap3A_296, %swap3A_297] {strides = array<i32>} : memref<80x128xf32, #tpu.memory_space<vmem>>, vector<1x16xf32>,
        %swap3A_299 = vector.shape_cast %swap3A_298 : vector<1x16xf32> to vector<16xf32>
        %swap3A_300 = vector.shape_cast %get3A_295 : vector<16xf32> to vector<1x16xf32>
        tpu.vector_store %arg20[%swap3A_296, %swap3A_297], %swap3A_300 {add = true, strides = array<i32>} : memref<80x128xf32, #tpu.memory_space<vmem>>, vector<1x16xf32>,
        %scan3A_301 = arith.constant 1 : i32
        %scan3A_302 = arith.addi %scan3A_230, %scan3A_301 : i32
        %get3A_303 = arith.index_cast %scan3A_302 : i32 to index
        %get3A_304 = arith.constant 0 : index
        %get3A_305 = tpu.vector_load %arg25[%get3A_303, %get3A_304] {strides = array<i32>} : memref<80x128xf32, #tpu.memory_space<vmem>>, vector<1x16xf32>,
        %get3A_306 = vector.shape_cast %get3A_305 : vector<1x16xf32> to vector<16xf32>
        %swap3A_307 = arith.index_cast %scan3A_302 : i32 to index
        %swap3A_308 = arith.constant 0 : index
        %swap3A_309 = tpu.vector_load %arg20[%swap3A_307, %swap3A_308] {strides = array<i32>} : memref<80x128xf32, #tpu.memory_space<vmem>>, vector<1x16xf32>,
        %swap3A_310 = vector.shape_cast %swap3A_309 : vector<1x16xf32> to vector<16xf32>
        %swap3A_311 = vector.shape_cast %get3A_306 : vector<16xf32> to vector<1x16xf32>
        tpu.vector_store %arg20[%swap3A_307, %swap3A_308], %swap3A_311 {add = true, strides = array<i32>} : memref<80x128xf32, #tpu.memory_space<vmem>>, vector<1x16xf32>,
        %get3A_312 = arith.index_cast %scan3A_302 : i32 to index
        %get3A_313 = arith.constant 16 : index
        %get3A_314 = tpu.vector_load %arg25[%get3A_312, %get3A_313] {strides = array<i32>} : memref<80x128xf32, #tpu.memory_space<vmem>>, vector<1x16xf32>,
        %get3A_315 = vector.shape_cast %get3A_314 : vector<1x16xf32> to vector<16xf32>
        %swap3A_316 = arith.index_cast %scan3A_302 : i32 to index
        %swap3A_317 = arith.constant 16 : index
        %swap3A_318 = tpu.vector_load %arg20[%swap3A_316, %swap3A_317] {strides = array<i32>} : memref<80x128xf32, #tpu.memory_space<vmem>>, vector<1x16xf32>,
        %swap3A_319 = vector.shape_cast %swap3A_318 : vector<1x16xf32> to vector<16xf32>
        %swap3A_320 = vector.shape_cast %get3A_315 : vector<16xf32> to vector<1x16xf32>
        tpu.vector_store %arg20[%swap3A_316, %swap3A_317], %swap3A_320 {add = true, strides = array<i32>} : memref<80x128xf32, #tpu.memory_space<vmem>>, vector<1x16xf32>,
        %get3A_321 = arith.index_cast %scan3A_302 : i32 to index
        %get3A_322 = arith.constant 32 : index
        %get3A_323 = tpu.vector_load %arg25[%get3A_321, %get3A_322] {strides = array<i32>} : memref<80x128xf32, #tpu.memory_space<vmem>>, vector<1x16xf32>,
        %get3A_324 = vector.shape_cast %get3A_323 : vector<1x16xf32> to vector<16xf32>
        %swap3A_325 = arith.index_cast %scan3A_302 : i32 to index
        %swap3A_326 = arith.constant 32 : index
        %swap3A_327 = tpu.vector_load %arg20[%swap3A_325, %swap3A_326] {strides = array<i32>} : memref<80x128xf32, #tpu.memory_space<vmem>>, vector<1x16xf32>,
        %swap3A_328 = vector.shape_cast %swap3A_327 : vector<1x16xf32> to vector<16xf32>
        %swap3A_329 = vector.shape_cast %get3A_324 : vector<16xf32> to vector<1x16xf32>
        tpu.vector_store %arg20[%swap3A_325, %swap3A_326], %swap3A_329 {add = true, strides = array<i32>} : memref<80x128xf32, #tpu.memory_space<vmem>>, vector<1x16xf32>,
        %get3A_330 = arith.index_cast %scan3A_302 : i32 to index
        %get3A_331 = arith.constant 48 : index
        %get3A_332 = tpu.vector_load %arg25[%get3A_330, %get3A_331] {strides = array<i32>} : memref<80x128xf32, #tpu.memory_space<vmem>>, vector<1x16xf32>,
        %get3A_333 = vector.shape_cast %get3A_332 : vector<1x16xf32> to vector<16xf32>
        %swap3A_334 = arith.index_cast %scan3A_302 : i32 to index
        %swap3A_335 = arith.constant 48 : index
        %swap3A_336 = tpu.vector_load %arg20[%swap3A_334, %swap3A_335] {strides = array<i32>} : memref<80x128xf32, #tpu.memory_space<vmem>>, vector<1x16xf32>,
        %swap3A_337 = vector.shape_cast %swap3A_336 : vector<1x16xf32> to vector<16xf32>
        %swap3A_338 = vector.shape_cast %get3A_333 : vector<16xf32> to vector<1x16xf32>
        tpu.vector_store %arg20[%swap3A_334, %swap3A_335], %swap3A_338 {add = true, strides = array<i32>} : memref<80x128xf32, #tpu.memory_space<vmem>>, vector<1x16xf32>,
        %get3A_339 = arith.index_cast %scan3A_302 : i32 to index
        %get3A_340 = arith.constant 64 : index
        %get3A_341 = tpu.vector_load %arg25[%get3A_339, %get3A_340] {strides = array<i32>} : memref<80x128xf32, #tpu.memory_space<vmem>>, vector<1x16xf32>,
        %get3A_342 = vector.shape_cast %get3A_341 : vector<1x16xf32> to vector<16xf32>
        %swap3A_343 = arith.index_cast %scan3A_302 : i32 to index
        %swap3A_344 = arith.constant 64 : index
        %swap3A_345 = tpu.vector_load %arg20[%swap3A_343, %swap3A_344] {strides = array<i32>} : memref<80x128xf32, #tpu.memory_space<vmem>>, vector<1x16xf32>,
        %swap3A_346 = vector.shape_cast %swap3A_345 : vector<1x16xf32> to vector<16xf32>
        %swap3A_347 = vector.shape_cast %get3A_342 : vector<16xf32> to vector<1x16xf32>
        tpu.vector_store %arg20[%swap3A_343, %swap3A_344], %swap3A_347 {add = true, strides = array<i32>} : memref<80x128xf32, #tpu.memory_space<vmem>>, vector<1x16xf32>,
        %get3A_348 = arith.index_cast %scan3A_302 : i32 to index
        %get3A_349 = arith.constant 80 : index
        %get3A_350 = tpu.vector_load %arg25[%get3A_348, %get3A_349] {strides = array<i32>} : memref<80x128xf32, #tpu.memory_space<vmem>>, vector<1x16xf32>,
        %get3A_351 = vector.shape_cast %get3A_350 : vector<1x16xf32> to vector<16xf32>
        %swap3A_352 = arith.index_cast %scan3A_302 : i32 to index
        %swap3A_353 = arith.constant 80 : index
        %swap3A_354 = tpu.vector_load %arg20[%swap3A_352, %swap3A_353] {strides = array<i32>} : memref<80x128xf32, #tpu.memory_space<vmem>>, vector<1x16xf32>,
        %swap3A_355 = vector.shape_cast %swap3A_354 : vector<1x16xf32> to vector<16xf32>
        %swap3A_356 = vector.shape_cast %get3A_351 : vector<16xf32> to vector<1x16xf32>
        tpu.vector_store %arg20[%swap3A_352, %swap3A_353], %swap3A_356 {add = true, strides = array<i32>} : memref<80x128xf32, #tpu.memory_space<vmem>>, vector<1x16xf32>,
        %get3A_357 = arith.index_cast %scan3A_302 : i32 to index
        %get3A_358 = arith.constant 96 : index
        %get3A_359 = tpu.vector_load %arg25[%get3A_357, %get3A_358] {strides = array<i32>} : memref<80x128xf32, #tpu.memory_space<vmem>>, vector<1x16xf32>,
        %get3A_360 = vector.shape_cast %get3A_359 : vector<1x16xf32> to vector<16xf32>
        %swap3A_361 = arith.index_cast %scan3A_302 : i32 to index
        %swap3A_362 = arith.constant 96 : index
        %swap3A_363 = tpu.vector_load %arg20[%swap3A_361, %swap3A_362] {strides = array<i32>} : memref<80x128xf32, #tpu.memory_space<vmem>>, vector<1x16xf32>,
        %swap3A_364 = vector.shape_cast %swap3A_363 : vector<1x16xf32> to vector<16xf32>
        %swap3A_365 = vector.shape_cast %get3A_360 : vector<16xf32> to vector<1x16xf32>
        tpu.vector_store %arg20[%swap3A_361, %swap3A_362], %swap3A_365 {add = true, strides = array<i32>} : memref<80x128xf32, #tpu.memory_space<vmem>>, vector<1x16xf32>,
        %get3A_366 = arith.index_cast %scan3A_302 : i32 to index
        %get3A_367 = arith.constant 112 : index
        %get3A_368 = tpu.vector_load %arg25[%get3A_366, %get3A_367] {strides = array<i32>} : memref<80x128xf32, #tpu.memory_space<vmem>>, vector<1x16xf32>,
        %get3A_369 = vector.shape_cast %get3A_368 : vector<1x16xf32> to vector<16xf32>
        %swap3A_370 = arith.index_cast %scan3A_302 : i32 to index
        %swap3A_371 = arith.constant 112 : index
        %swap3A_372 = tpu.vector_load %arg20[%swap3A_370, %swap3A_371] {strides = array<i32>} : memref<80x128xf32, #tpu.memory_space<vmem>>, vector<1x16xf32>,
        %swap3A_373 = vector.shape_cast %swap3A_372 : vector<1x16xf32> to vector<16xf32>
        %swap3A_374 = vector.shape_cast %get3A_369 : vector<16xf32> to vector<1x16xf32>
        tpu.vector_store %arg20[%swap3A_370, %swap3A_371], %swap3A_374 {add = true, strides = array<i32>} : memref<80x128xf32, #tpu.memory_space<vmem>>, vector<1x16xf32>,
        %scan3A_375 = arith.constant 2 : i32
        %scan3A_376 = arith.addi %scan3A_230, %scan3A_375 : i32
        %get3A_377 = arith.index_cast %scan3A_376 : i32 to index
        %get3A_378 = arith.constant 0 : index
        %get3A_379 = tpu.vector_load %arg25[%get3A_377, %get3A_378] {strides = array<i32>} : memref<80x128xf32, #tpu.memory_space<vmem>>, vector<1x16xf32>,
        %get3A_380 = vector.shape_cast %get3A_379 : vector<1x16xf32> to vector<16xf32>
        %swap3A_381 = arith.index_cast %scan3A_376 : i32 to index
        %swap3A_382 = arith.constant 0 : index
        %swap3A_383 = tpu.vector_load %arg20[%swap3A_381, %swap3A_382] {strides = array<i32>} : memref<80x128xf32, #tpu.memory_space<vmem>>, vector<1x16xf32>,
        %swap3A_384 = vector.shape_cast %swap3A_383 : vector<1x16xf32> to vector<16xf32>
        %swap3A_385 = vector.shape_cast %get3A_380 : vector<16xf32> to vector<1x16xf32>
        tpu.vector_store %arg20[%swap3A_381, %swap3A_382], %swap3A_385 {add = true, strides = array<i32>} : memref<80x128xf32, #tpu.memory_space<vmem>>, vector<1x16xf32>,
        %get3A_386 = arith.index_cast %scan3A_376 : i32 to index
        %get3A_387 = arith.constant 16 : index
        %get3A_388 = tpu.vector_load %arg25[%get3A_386, %get3A_387] {strides = array<i32>} : memref<80x128xf32, #tpu.memory_space<vmem>>, vector<1x16xf32>,
        %get3A_389 = vector.shape_cast %get3A_388 : vector<1x16xf32> to vector<16xf32>
        %swap3A_390 = arith.index_cast %scan3A_376 : i32 to index
        %swap3A_391 = arith.constant 16 : index
        %swap3A_392 = tpu.vector_load %arg20[%swap3A_390, %swap3A_391] {strides = array<i32>} : memref<80x128xf32, #tpu.memory_space<vmem>>, vector<1x16xf32>,
        %swap3A_393 = vector.shape_cast %swap3A_392 : vector<1x16xf32> to vector<16xf32>
        %swap3A_394 = vector.shape_cast %get3A_389 : vector<16xf32> to vector<1x16xf32>
        tpu.vector_store %arg20[%swap3A_390, %swap3A_391], %swap3A_394 {add = true, strides = array<i32>} : memref<80x128xf32, #tpu.memory_space<vmem>>, vector<1x16xf32>,
        %get3A_395 = arith.index_cast %scan3A_376 : i32 to index
        %get3A_396 = arith.constant 32 : index
        %get3A_397 = tpu.vector_load %arg25[%get3A_395, %get3A_396] {strides = array<i32>} : memref<80x128xf32, #tpu.memory_space<vmem>>, vector<1x16xf32>,
        %get3A_398 = vector.shape_cast %get3A_397 : vector<1x16xf32> to vector<16xf32>
        %swap3A_399 = arith.index_cast %scan3A_376 : i32 to index
        %swap3A_400 = arith.constant 32 : index
        %swap3A_401 = tpu.vector_load %arg20[%swap3A_399, %swap3A_400] {strides = array<i32>} : memref<80x128xf32, #tpu.memory_space<vmem>>, vector<1x16xf32>,
        %swap3A_402 = vector.shape_cast %swap3A_401 : vector<1x16xf32> to vector<16xf32>
        %swap3A_403 = vector.shape_cast %get3A_398 : vector<16xf32> to vector<1x16xf32>
        tpu.vector_store %arg20[%swap3A_399, %swap3A_400], %swap3A_403 {add = true, strides = array<i32>} : memref<80x128xf32, #tpu.memory_space<vmem>>, vector<1x16xf32>,
        %get3A_404 = arith.index_cast %scan3A_376 : i32 to index
        %get3A_405 = arith.constant 48 : index
        %get3A_406 = tpu.vector_load %arg25[%get3A_404, %get3A_405] {strides = array<i32>} : memref<80x128xf32, #tpu.memory_space<vmem>>, vector<1x16xf32>,
        %get3A_407 = vector.shape_cast %get3A_406 : vector<1x16xf32> to vector<16xf32>
        %swap3A_408 = arith.index_cast %scan3A_376 : i32 to index
        %swap3A_409 = arith.constant 48 : index
        %swap3A_410 = tpu.vector_load %arg20[%swap3A_408, %swap3A_409] {strides = array<i32>} : memref<80x128xf32, #tpu.memory_space<vmem>>, vector<1x16xf32>,
        %swap3A_411 = vector.shape_cast %swap3A_410 : vector<1x16xf32> to vector<16xf32>
        %swap3A_412 = vector.shape_cast %get3A_407 : vector<16xf32> to vector<1x16xf32>
        tpu.vector_store %arg20[%swap3A_408, %swap3A_409], %swap3A_412 {add = true, strides = array<i32>} : memref<80x128xf32, #tpu.memory_space<vmem>>, vector<1x16xf32>,
        %get3A_413 = arith.index_cast %scan3A_376 : i32 to index
        %get3A_414 = arith.constant 64 : index
        %get3A_415 = tpu.vector_load %arg25[%get3A_413, %get3A_414] {strides = array<i32>} : memref<80x128xf32, #tpu.memory_space<vmem>>, vector<1x16xf32>,
        %get3A_416 = vector.shape_cast %get3A_415 : vector<1x16xf32> to vector<16xf32>
        %swap3A_417 = arith.index_cast %scan3A_376 : i32 to index
        %swap3A_418 = arith.constant 64 : index
        %swap3A_419 = tpu.vector_load %arg20[%swap3A_417, %swap3A_418] {strides = array<i32>} : memref<80x128xf32, #tpu.memory_space<vmem>>, vector<1x16xf32>,
        %swap3A_420 = vector.shape_cast %swap3A_419 : vector<1x16xf32> to vector<16xf32>
        %swap3A_421 = vector.shape_cast %get3A_416 : vector<16xf32> to vector<1x16xf32>
        tpu.vector_store %arg20[%swap3A_417, %swap3A_418], %swap3A_421 {add = true, strides = array<i32>} : memref<80x128xf32, #tpu.memory_space<vmem>>, vector<1x16xf32>,
        %get3A_422 = arith.index_cast %scan3A_376 : i32 to index
        %get3A_423 = arith.constant 80 : index
        %get3A_424 = tpu.vector_load %arg25[%get3A_422, %get3A_423] {strides = array<i32>} : memref<80x128xf32, #tpu.memory_space<vmem>>, vector<1x16xf32>,
        %get3A_425 = vector.shape_cast %get3A_424 : vector<1x16xf32> to vector<16xf32>
        %swap3A_426 = arith.index_cast %scan3A_376 : i32 to index
        %swap3A_427 = arith.constant 80 : index
        %swap3A_428 = tpu.vector_load %arg20[%swap3A_426, %swap3A_427] {strides = array<i32>} : memref<80x128xf32, #tpu.memory_space<vmem>>, vector<1x16xf32>,
        %swap3A_429 = vector.shape_cast %swap3A_428 : vector<1x16xf32> to vector<16xf32>
        %swap3A_430 = vector.shape_cast %get3A_425 : vector<16xf32> to vector<1x16xf32>
        tpu.vector_store %arg20[%swap3A_426, %swap3A_427], %swap3A_430 {add = true, strides = array<i32>} : memref<80x128xf32, #tpu.memory_space<vmem>>, vector<1x16xf32>,
        %get3A_431 = arith.index_cast %scan3A_376 : i32 to index
        %get3A_432 = arith.constant 96 : index
        %get3A_433 = tpu.vector_load %arg25[%get3A_431, %get3A_432] {strides = array<i32>} : memref<80x128xf32, #tpu.memory_space<vmem>>, vector<1x16xf32>,
        %get3A_434 = vector.shape_cast %get3A_433 : vector<1x16xf32> to vector<16xf32>
        %swap3A_435 = arith.index_cast %scan3A_376 : i32 to index
        %swap3A_436 = arith.constant 96 : index
        %swap3A_437 = tpu.vector_load %arg20[%swap3A_435, %swap3A_436] {strides = array<i32>} : memref<80x128xf32, #tpu.memory_space<vmem>>, vector<1x16xf32>,
        %swap3A_438 = vector.shape_cast %swap3A_437 : vector<1x16xf32> to vector<16xf32>
        %swap3A_439 = vector.shape_cast %get3A_434 : vector<16xf32> to vector<1x16xf32>
        tpu.vector_store %arg20[%swap3A_435, %swap3A_436], %swap3A_439 {add = true, strides = array<i32>} : memref<80x128xf32, #tpu.memory_space<vmem>>, vector<1x16xf32>,
        %get3A_440 = arith.index_cast %scan3A_376 : i32 to index
        %get3A_441 = arith.constant 112 : index
        %get3A_442 = tpu.vector_load %arg25[%get3A_440, %get3A_441] {strides = array<i32>} : memref<80x128xf32, #tpu.memory_space<vmem>>, vector<1x16xf32>,
        %get3A_443 = vector.shape_cast %get3A_442 : vector<1x16xf32> to vector<16xf32>
        %swap3A_444 = arith.index_cast %scan3A_376 : i32 to index
        %swap3A_445 = arith.constant 112 : index
        %swap3A_446 = tpu.vector_load %arg20[%swap3A_444, %swap3A_445] {strides = array<i32>} : memref<80x128xf32, #tpu.memory_space<vmem>>, vector<1x16xf32>,
        %swap3A_447 = vector.shape_cast %swap3A_446 : vector<1x16xf32> to vector<16xf32>
        %swap3A_448 = vector.shape_cast %get3A_443 : vector<16xf32> to vector<1x16xf32>
        tpu.vector_store %arg20[%swap3A_444, %swap3A_445], %swap3A_448 {add = true, strides = array<i32>} : memref<80x128xf32, #tpu.memory_space<vmem>>, vector<1x16xf32>,
        %scan3A_449 = arith.constant 3 : i32
        %scan3A_450 = arith.addi %scan3A_230, %scan3A_449 : i32
        %get3A_451 = arith.index_cast %scan3A_450 : i32 to index
        %get3A_452 = arith.constant 0 : index
        %get3A_453 = tpu.vector_load %arg25[%get3A_451, %get3A_452] {strides = array<i32>} : memref<80x128xf32, #tpu.memory_space<vmem>>, vector<1x16xf32>,
        %get3A_454 = vector.shape_cast %get3A_453 : vector<1x16xf32> to vector<16xf32>
        %swap3A_455 = arith.index_cast %scan3A_450 : i32 to index
        %swap3A_456 = arith.constant 0 : index
        %swap3A_457 = tpu.vector_load %arg20[%swap3A_455, %swap3A_456] {strides = array<i32>} : memref<80x128xf32, #tpu.memory_space<vmem>>, vector<1x16xf32>,
        %swap3A_458 = vector.shape_cast %swap3A_457 : vector<1x16xf32> to vector<16xf32>
        %swap3A_459 = vector.shape_cast %get3A_454 : vector<16xf32> to vector<1x16xf32>
        tpu.vector_store %arg20[%swap3A_455, %swap3A_456], %swap3A_459 {add = true, strides = array<i32>} : memref<80x128xf32, #tpu.memory_space<vmem>>, vector<1x16xf32>,
        %get3A_460 = arith.index_cast %scan3A_450 : i32 to index
        %get3A_461 = arith.constant 16 : index
        %get3A_462 = tpu.vector_load %arg25[%get3A_460, %get3A_461] {strides = array<i32>} : memref<80x128xf32, #tpu.memory_space<vmem>>, vector<1x16xf32>,
        %get3A_463 = vector.shape_cast %get3A_462 : vector<1x16xf32> to vector<16xf32>
        %swap3A_464 = arith.index_cast %scan3A_450 : i32 to index
        %swap3A_465 = arith.constant 16 : index
        %swap3A_466 = tpu.vector_load %arg20[%swap3A_464, %swap3A_465] {strides = array<i32>} : memref<80x128xf32, #tpu.memory_space<vmem>>, vector<1x16xf32>,
        %swap3A_467 = vector.shape_cast %swap3A_466 : vector<1x16xf32> to vector<16xf32>
        %swap3A_468 = vector.shape_cast %get3A_463 : vector<16xf32> to vector<1x16xf32>
        tpu.vector_store %arg20[%swap3A_464, %swap3A_465], %swap3A_468 {add = true, strides = array<i32>} : memref<80x128xf32, #tpu.memory_space<vmem>>, vector<1x16xf32>,
        %get3A_469 = arith.index_cast %scan3A_450 : i32 to index
        %get3A_470 = arith.constant 32 : index
        %get3A_471 = tpu.vector_load %arg25[%get3A_469, %get3A_470] {strides = array<i32>} : memref<80x128xf32, #tpu.memory_space<vmem>>, vector<1x16xf32>,
        %get3A_472 = vector.shape_cast %get3A_471 : vector<1x16xf32> to vector<16xf32>
        %swap3A_473 = arith.index_cast %scan3A_450 : i32 to index
        %swap3A_474 = arith.constant 32 : index
        %swap3A_475 = tpu.vector_load %arg20[%swap3A_473, %swap3A_474] {strides = array<i32>} : memref<80x128xf32, #tpu.memory_space<vmem>>, vector<1x16xf32>,
        %swap3A_476 = vector.shape_cast %swap3A_475 : vector<1x16xf32> to vector<16xf32>
        %swap3A_477 = vector.shape_cast %get3A_472 : vector<16xf32> to vector<1x16xf32>
        tpu.vector_store %arg20[%swap3A_473, %swap3A_474], %swap3A_477 {add = true, strides = array<i32>} : memref<80x128xf32, #tpu.memory_space<vmem>>, vector<1x16xf32>,
        %get3A_478 = arith.index_cast %scan3A_450 : i32 to index
        %get3A_479 = arith.constant 48 : index
        %get3A_480 = tpu.vector_load %arg25[%get3A_478, %get3A_479] {strides = array<i32>} : memref<80x128xf32, #tpu.memory_space<vmem>>, vector<1x16xf32>,
        %get3A_481 = vector.shape_cast %get3A_480 : vector<1x16xf32> to vector<16xf32>
        %swap3A_482 = arith.index_cast %scan3A_450 : i32 to index
        %swap3A_483 = arith.constant 48 : index
        %swap3A_484 = tpu.vector_load %arg20[%swap3A_482, %swap3A_483] {strides = array<i32>} : memref<80x128xf32, #tpu.memory_space<vmem>>, vector<1x16xf32>,
        %swap3A_485 = vector.shape_cast %swap3A_484 : vector<1x16xf32> to vector<16xf32>
        %swap3A_486 = vector.shape_cast %get3A_481 : vector<16xf32> to vector<1x16xf32>
        tpu.vector_store %arg20[%swap3A_482, %swap3A_483], %swap3A_486 {add = true, strides = array<i32>} : memref<80x128xf32, #tpu.memory_space<vmem>>, vector<1x16xf32>,
        %get3A_487 = arith.index_cast %scan3A_450 : i32 to index
        %get3A_488 = arith.constant 64 : index
        %get3A_489 = tpu.vector_load %arg25[%get3A_487, %get3A_488] {strides = array<i32>} : memref<80x128xf32, #tpu.memory_space<vmem>>, vector<1x16xf32>,
        %get3A_490 = vector.shape_cast %get3A_489 : vector<1x16xf32> to vector<16xf32>
        %swap3A_491 = arith.index_cast %scan3A_450 : i32 to index
        %swap3A_492 = arith.constant 64 : index
        %swap3A_493 = tpu.vector_load %arg20[%swap3A_491, %swap3A_492] {strides = array<i32>} : memref<80x128xf32, #tpu.memory_space<vmem>>, vector<1x16xf32>,
        %swap3A_494 = vector.shape_cast %swap3A_493 : vector<1x16xf32> to vector<16xf32>
        %swap3A_495 = vector.shape_cast %get3A_490 : vector<16xf32> to vector<1x16xf32>
        tpu.vector_store %arg20[%swap3A_491, %swap3A_492], %swap3A_495 {add = true, strides = array<i32>} : memref<80x128xf32, #tpu.memory_space<vmem>>, vector<1x16xf32>,
        %get3A_496 = arith.index_cast %scan3A_450 : i32 to index
        %get3A_497 = arith.constant 80 : index
        %get3A_498 = tpu.vector_load %arg25[%get3A_496, %get3A_497] {strides = array<i32>} : memref<80x128xf32, #tpu.memory_space<vmem>>, vector<1x16xf32>,
        %get3A_499 = vector.shape_cast %get3A_498 : vector<1x16xf32> to vector<16xf32>
        %swap3A_500 = arith.index_cast %scan3A_450 : i32 to index
        %swap3A_501 = arith.constant 80 : index
        %swap3A_502 = tpu.vector_load %arg20[%swap3A_500, %swap3A_501] {strides = array<i32>} : memref<80x128xf32, #tpu.memory_space<vmem>>, vector<1x16xf32>,
        %swap3A_503 = vector.shape_cast %swap3A_502 : vector<1x16xf32> to vector<16xf32>
        %swap3A_504 = vector.shape_cast %get3A_499 : vector<16xf32> to vector<1x16xf32>
        tpu.vector_store %arg20[%swap3A_500, %swap3A_501], %swap3A_504 {add = true, strides = array<i32>} : memref<80x128xf32, #tpu.memory_space<vmem>>, vector<1x16xf32>,
        %get3A_505 = arith.index_cast %scan3A_450 : i32 to index
        %get3A_506 = arith.constant 96 : index
        %get3A_507 = tpu.vector_load %arg25[%get3A_505, %get3A_506] {strides = array<i32>} : memref<80x128xf32, #tpu.memory_space<vmem>>, vector<1x16xf32>,
        %get3A_508 = vector.shape_cast %get3A_507 : vector<1x16xf32> to vector<16xf32>
        %swap3A_509 = arith.index_cast %scan3A_450 : i32 to index
        %swap3A_510 = arith.constant 96 : index
        %swap3A_511 = tpu.vector_load %arg20[%swap3A_509, %swap3A_510] {strides = array<i32>} : memref<80x128xf32, #tpu.memory_space<vmem>>, vector<1x16xf32>,
        %swap3A_512 = vector.shape_cast %swap3A_511 : vector<1x16xf32> to vector<16xf32>
        %swap3A_513 = vector.shape_cast %get3A_508 : vector<16xf32> to vector<1x16xf32>
        tpu.vector_store %arg20[%swap3A_509, %swap3A_510], %swap3A_513 {add = true, strides = array<i32>} : memref<80x128xf32, #tpu.memory_space<vmem>>, vector<1x16xf32>,
        %get3A_514 = arith.index_cast %scan3A_450 : i32 to index
        %get3A_515 = arith.constant 112 : index
        %get3A_516 = tpu.vector_load %arg25[%get3A_514, %get3A_515] {strides = array<i32>} : memref<80x128xf32, #tpu.memory_space<vmem>>, vector<1x16xf32>,
        %get3A_517 = vector.shape_cast %get3A_516 : vector<1x16xf32> to vector<16xf32>
        %swap3A_518 = arith.index_cast %scan3A_450 : i32 to index
        %swap3A_519 = arith.constant 112 : index
        %swap3A_520 = tpu.vector_load %arg20[%swap3A_518, %swap3A_519] {strides = array<i32>} : memref<80x128xf32, #tpu.memory_space<vmem>>, vector<1x16xf32>,
        %swap3A_521 = vector.shape_cast %swap3A_520 : vector<1x16xf32> to vector<16xf32>
        %swap3A_522 = vector.shape_cast %get3A_517 : vector<16xf32> to vector<1x16xf32>
        tpu.vector_store %arg20[%swap3A_518, %swap3A_519], %swap3A_522 {add = true, strides = array<i32>} : memref<80x128xf32, #tpu.memory_space<vmem>>, vector<1x16xf32>,
      }
      %scan3A_189 = arith.constant 80 : i32
      %mul3A_190 = arith.constant 5 : i32
      %mul3A_191 = arith.muli %scan3A_56, %mul3A_190 : i32
      %add3A_192 = arith.constant 3 : i32
      %add3A_193 = arith.addi %mul3A_191, %add3A_192 : i32
      %mul3A_194 = arith.constant 80 : i32
      %mul3A_195 = arith.muli %add3A_193, %mul3A_194 : i32
      %add3A_196 = arith.addi %mul3A_2, %mul3A_195 : i32
      %dma_start3A_197 = arith.constant 0 : i32
      %dma_start3A_198 = tpu.memref_slice %arg6[%add3A_196, %dma_start3A_197] : memref<320000x128xf32, #tpu.memory_space<hbm>> -> memref<80x128xf32, #tpu.memory_space<hbm>>
      %dma_start3A_199 = arith.constant 0 : i32
      %dma_start3A_200 = tpu.memref_slice %arg6[%add3A_196, %dma_start3A_199] : memref<320000x128xf32, #tpu.memory_space<hbm>> -> memref<80x128xf32, #tpu.memory_space<hbm>>
      tpu.enqueue_dma source(%arg20 : memref<80x128xf32, #tpu.memory_space<vmem>>) target(%dma_start3A_200 : memref<80x128xf32, #tpu.memory_space<hbm>>) target_semaphore(%arg29 : memref<!tpu.dma_semaphore, #tpu.memory_space<semaphore_mem>>)
      %dma_wait3A_201 = arith.constant 0 : i32
      %dma_wait3A_202 = arith.constant 0 : i32
      %dma_wait3A_203 = tpu.memref_slice %arg2[%dma_wait3A_201, %dma_wait3A_202] : memref<10000x128xf32, #tpu.memory_space<hbm>> -> memref<10000x128xf32, #tpu.memory_space<hbm>>
      tpu.wait_indirect_dma semaphore(%arg28 : memref<!tpu.dma_semaphore, #tpu.memory_space<semaphore_mem>>) src(%dma_wait3A_203 : memref<10000x128xf32, #tpu.memory_space<hbm>>) dst(%arg21 : memref<80x128xf32, #tpu.memory_space<vmem>>)
      %dma_wait3A_204 = arith.constant 0 : i32
      %dma_wait3A_205 = arith.constant 0 : i32
      %dma_wait3A_206 = tpu.memref_slice %arg3[%dma_wait3A_204, %dma_wait3A_205] : memref<10000x128xf32, #tpu.memory_space<hbm>> -> memref<10000x128xf32, #tpu.memory_space<hbm>>
      tpu.wait_indirect_dma semaphore(%arg28 : memref<!tpu.dma_semaphore, #tpu.memory_space<semaphore_mem>>) src(%dma_wait3A_206 : memref<10000x128xf32, #tpu.memory_space<hbm>>) dst(%arg26 : memref<80x128xf32, #tpu.memory_space<vmem>>)
      %add3A_207 = arith.constant 1 : i32
      %add3A_208 = arith.addi %scan3A_56, %add3A_207 : i32
      %lt3A = arith.constant 25 : i32
      %lt3A_209 = arith.cmpi slt, %add3A_208, %lt3A : i32
      %convert_element_type3A_210 = arith.extui %lt3A_209 : i1 to i32
      %cond3A_211 = arith.constant 0 : i32
      %cond3A_212 = arith.cmpi ne, %convert_element_type3A_210, %cond3A_211 : i32
      scf.if %cond3A_212 {
        %add3A_230 = arith.constant 1 : i32
        %add3A_231 = arith.addi %scan3A_56, %add3A_230 : i32
        %mul3A_232 = arith.constant 5 : i32
        %mul3A_233 = arith.muli %add3A_231, %mul3A_232 : i32
        %add3A_234 = arith.constant 0 : i32
        %add3A_235 = arith.addi %mul3A_233, %add3A_234 : i32
        %mul3A_236 = arith.constant 80 : i32
        %mul3A_237 = arith.muli %add3A_235, %mul3A_236 : i32
        %add3A_238 = arith.addi %mul3A_2, %mul3A_237 : i32
        %dma_start3A_239 = tpu.memref_slice %arg4[%add3A_238] : memref<320000xi32, #tpu.memory_space<hbm>> -> memref<80xi32, #tpu.memory_space<hbm>>
        %dma_start3A_240 = tpu.memref_slice %arg4[%add3A_238] : memref<320000xi32, #tpu.memory_space<hbm>> -> memref<80xi32, #tpu.memory_space<hbm>>
        tpu.enqueue_dma source(%dma_start3A_240 : memref<80xi32, #tpu.memory_space<hbm>>) target(%arg7 : memref<80xi32, #tpu.memory_space<vmem>>) target_semaphore(%arg27 : memref<!tpu.dma_semaphore, #tpu.memory_space<semaphore_mem>>)
        %dma_start3A_241 = tpu.memref_slice %arg5[%add3A_238] : memref<320000xi32, #tpu.memory_space<hbm>> -> memref<80xi32, #tpu.memory_space<hbm>>
        %dma_start3A_242 = tpu.memref_slice %arg5[%add3A_238] : memref<320000xi32, #tpu.memory_space<hbm>> -> memref<80xi32, #tpu.memory_space<hbm>>
        tpu.enqueue_dma source(%dma_start3A_242 : memref<80xi32, #tpu.memory_space<hbm>>) target(%arg12 : memref<80xi32, #tpu.memory_space<vmem>>) target_semaphore(%arg27 : memref<!tpu.dma_semaphore, #tpu.memory_space<semaphore_mem>>)
        %mul3A_243 = arith.constant 5 : i32
        %mul3A_244 = arith.muli %add3A_231, %mul3A_243 : i32
        %add3A_245 = arith.constant 1 : i32
        %add3A_246 = arith.addi %mul3A_244, %add3A_245 : i32
        %mul3A_247 = arith.constant 80 : i32
        %mul3A_248 = arith.muli %add3A_246, %mul3A_247 : i32
        %add3A_249 = arith.addi %mul3A_2, %mul3A_248 : i32
        %dma_start3A_250 = tpu.memref_slice %arg4[%add3A_249] : memref<320000xi32, #tpu.memory_space<hbm>> -> memref<80xi32, #tpu.memory_space<hbm>>
        %dma_start3A_251 = tpu.memref_slice %arg4[%add3A_249] : memref<320000xi32, #tpu.memory_space<hbm>> -> memref<80xi32, #tpu.memory_space<hbm>>
        tpu.enqueue_dma source(%dma_start3A_251 : memref<80xi32, #tpu.memory_space<hbm>>) target(%arg8 : memref<80xi32, #tpu.memory_space<vmem>>) target_semaphore(%arg27 : memref<!tpu.dma_semaphore, #tpu.memory_space<semaphore_mem>>)
        %dma_start3A_252 = tpu.memref_slice %arg5[%add3A_249] : memref<320000xi32, #tpu.memory_space<hbm>> -> memref<80xi32, #tpu.memory_space<hbm>>
        %dma_start3A_253 = tpu.memref_slice %arg5[%add3A_249] : memref<320000xi32, #tpu.memory_space<hbm>> -> memref<80xi32, #tpu.memory_space<hbm>>
        tpu.enqueue_dma source(%dma_start3A_253 : memref<80xi32, #tpu.memory_space<hbm>>) target(%arg13 : memref<80xi32, #tpu.memory_space<vmem>>) target_semaphore(%arg27 : memref<!tpu.dma_semaphore, #tpu.memory_space<semaphore_mem>>)
        %mul3A_254 = arith.constant 5 : i32
        %mul3A_255 = arith.muli %add3A_231, %mul3A_254 : i32
        %add3A_256 = arith.constant 2 : i32
        %add3A_257 = arith.addi %mul3A_255, %add3A_256 : i32
        %mul3A_258 = arith.constant 80 : i32
        %mul3A_259 = arith.muli %add3A_257, %mul3A_258 : i32
        %add3A_260 = arith.addi %mul3A_2, %mul3A_259 : i32
        %dma_start3A_261 = tpu.memref_slice %arg4[%add3A_260] : memref<320000xi32, #tpu.memory_space<hbm>> -> memref<80xi32, #tpu.memory_space<hbm>>
        %dma_start3A_262 = tpu.memref_slice %arg4[%add3A_260] : memref<320000xi32, #tpu.memory_space<hbm>> -> memref<80xi32, #tpu.memory_space<hbm>>
        tpu.enqueue_dma source(%dma_start3A_262 : memref<80xi32, #tpu.memory_space<hbm>>) target(%arg9 : memref<80xi32, #tpu.memory_space<vmem>>) target_semaphore(%arg27 : memref<!tpu.dma_semaphore, #tpu.memory_space<semaphore_mem>>)
        %dma_start3A_263 = tpu.memref_slice %arg5[%add3A_260] : memref<320000xi32, #tpu.memory_space<hbm>> -> memref<80xi32, #tpu.memory_space<hbm>>
        %dma_start3A_264 = tpu.memref_slice %arg5[%add3A_260] : memref<320000xi32, #tpu.memory_space<hbm>> -> memref<80xi32, #tpu.memory_space<hbm>>
        tpu.enqueue_dma source(%dma_start3A_264 : memref<80xi32, #tpu.memory_space<hbm>>) target(%arg14 : memref<80xi32, #tpu.memory_space<vmem>>) target_semaphore(%arg27 : memref<!tpu.dma_semaphore, #tpu.memory_space<semaphore_mem>>)
        %mul3A_265 = arith.constant 5 : i32
        %mul3A_266 = arith.muli %add3A_231, %mul3A_265 : i32
        %add3A_267 = arith.constant 3 : i32
        %add3A_268 = arith.addi %mul3A_266, %add3A_267 : i32
        %mul3A_269 = arith.constant 80 : i32
        %mul3A_270 = arith.muli %add3A_268, %mul3A_269 : i32
        %add3A_271 = arith.addi %mul3A_2, %mul3A_270 : i32
        %dma_start3A_272 = tpu.memref_slice %arg4[%add3A_271] : memref<320000xi32, #tpu.memory_space<hbm>> -> memref<80xi32, #tpu.memory_space<hbm>>
        %dma_start3A_273 = tpu.memref_slice %arg4[%add3A_271] : memref<320000xi32, #tpu.memory_space<hbm>> -> memref<80xi32, #tpu.memory_space<hbm>>
        tpu.enqueue_dma source(%dma_start3A_273 : memref<80xi32, #tpu.memory_space<hbm>>) target(%arg10 : memref<80xi32, #tpu.memory_space<vmem>>) target_semaphore(%arg27 : memref<!tpu.dma_semaphore, #tpu.memory_space<semaphore_mem>>)
        %dma_start3A_274 = tpu.memref_slice %arg5[%add3A_271] : memref<320000xi32, #tpu.memory_space<hbm>> -> memref<80xi32, #tpu.memory_space<hbm>>
        %dma_start3A_275 = tpu.memref_slice %arg5[%add3A_271] : memref<320000xi32, #tpu.memory_space<hbm>> -> memref<80xi32, #tpu.memory_space<hbm>>
        tpu.enqueue_dma source(%dma_start3A_275 : memref<80xi32, #tpu.memory_space<hbm>>) target(%arg15 : memref<80xi32, #tpu.memory_space<vmem>>) target_semaphore(%arg27 : memref<!tpu.dma_semaphore, #tpu.memory_space<semaphore_mem>>)
        %mul3A_276 = arith.constant 5 : i32
        %mul3A_277 = arith.muli %add3A_231, %mul3A_276 : i32
        %add3A_278 = arith.constant 4 : i32
        %add3A_279 = arith.addi %mul3A_277, %add3A_278 : i32
        %mul3A_280 = arith.constant 80 : i32
        %mul3A_281 = arith.muli %add3A_279, %mul3A_280 : i32
        %add3A_282 = arith.addi %mul3A_2, %mul3A_281 : i32
        %dma_start3A_283 = tpu.memref_slice %arg4[%add3A_282] : memref<320000xi32, #tpu.memory_space<hbm>> -> memref<80xi32, #tpu.memory_space<hbm>>
        %dma_start3A_284 = tpu.memref_slice %arg4[%add3A_282] : memref<320000xi32, #tpu.memory_space<hbm>> -> memref<80xi32, #tpu.memory_space<hbm>>
        tpu.enqueue_dma source(%dma_start3A_284 : memref<80xi32, #tpu.memory_space<hbm>>) target(%arg11 : memref<80xi32, #tpu.memory_space<vmem>>) target_semaphore(%arg27 : memref<!tpu.dma_semaphore, #tpu.memory_space<semaphore_mem>>)
        %dma_start3A_285 = tpu.memref_slice %arg5[%add3A_282] : memref<320000xi32, #tpu.memory_space<hbm>> -> memref<80xi32, #tpu.memory_space<hbm>>
        %dma_start3A_286 = tpu.memref_slice %arg5[%add3A_282] : memref<320000xi32, #tpu.memory_space<hbm>> -> memref<80xi32, #tpu.memory_space<hbm>>
        tpu.enqueue_dma source(%dma_start3A_286 : memref<80xi32, #tpu.memory_space<hbm>>) target(%arg16 : memref<80xi32, #tpu.memory_space<vmem>>) target_semaphore(%arg27 : memref<!tpu.dma_semaphore, #tpu.memory_space<semaphore_mem>>)
      } else {
      }
      %scan3A_213 = arith.constant 0 : i32
      %scan3A_214 = arith.constant 0 : i32
      %scan3A_215 = arith.constant 80 : i32
      %scan3A_216 = arith.addi %scan3A_214, %scan3A_215 : i32
      %scan3A_217 = arith.constant 4 : i32
      scf.for %scan3A_230 = %scan3A_214 to %scan3A_216 step %scan3A_217  : i32 {
        %get3A = arith.index_cast %scan3A_230 : i32 to index
        %get3A_231 = arith.constant 0 : index
        %get3A_232 = tpu.vector_load %arg26[%get3A, %get3A_231] {strides = array<i32>} : memref<80x128xf32, #tpu.memory_space<vmem>>, vector<1x16xf32>,
        %get3A_233 = vector.shape_cast %get3A_232 : vector<1x16xf32> to vector<16xf32>
        %swap3A = arith.index_cast %scan3A_230 : i32 to index
        %swap3A_234 = arith.constant 0 : index
        %swap3A_235 = tpu.vector_load %arg21[%swap3A, %swap3A_234] {strides = array<i32>} : memref<80x128xf32, #tpu.memory_space<vmem>>, vector<1x16xf32>,
        %swap3A_236 = vector.shape_cast %swap3A_235 : vector<1x16xf32> to vector<16xf32>
        %swap3A_237 = vector.shape_cast %get3A_233 : vector<16xf32> to vector<1x16xf32>
        tpu.vector_store %arg21[%swap3A, %swap3A_234], %swap3A_237 {add = true, strides = array<i32>} : memref<80x128xf32, #tpu.memory_space<vmem>>, vector<1x16xf32>,
        %get3A_238 = arith.index_cast %scan3A_230 : i32 to index
        %get3A_239 = arith.constant 16 : index
        %get3A_240 = tpu.vector_load %arg26[%get3A_238, %get3A_239] {strides = array<i32>} : memref<80x128xf32, #tpu.memory_space<vmem>>, vector<1x16xf32>,
        %get3A_241 = vector.shape_cast %get3A_240 : vector<1x16xf32> to vector<16xf32>
        %swap3A_242 = arith.index_cast %scan3A_230 : i32 to index
        %swap3A_243 = arith.constant 16 : index
        %swap3A_244 = tpu.vector_load %arg21[%swap3A_242, %swap3A_243] {strides = array<i32>} : memref<80x128xf32, #tpu.memory_space<vmem>>, vector<1x16xf32>,
        %swap3A_245 = vector.shape_cast %swap3A_244 : vector<1x16xf32> to vector<16xf32>
        %swap3A_246 = vector.shape_cast %get3A_241 : vector<16xf32> to vector<1x16xf32>
        tpu.vector_store %arg21[%swap3A_242, %swap3A_243], %swap3A_246 {add = true, strides = array<i32>} : memref<80x128xf32, #tpu.memory_space<vmem>>, vector<1x16xf32>,
        %get3A_247 = arith.index_cast %scan3A_230 : i32 to index
        %get3A_248 = arith.constant 32 : index
        %get3A_249 = tpu.vector_load %arg26[%get3A_247, %get3A_248] {strides = array<i32>} : memref<80x128xf32, #tpu.memory_space<vmem>>, vector<1x16xf32>,
        %get3A_250 = vector.shape_cast %get3A_249 : vector<1x16xf32> to vector<16xf32>
        %swap3A_251 = arith.index_cast %scan3A_230 : i32 to index
        %swap3A_252 = arith.constant 32 : index
        %swap3A_253 = tpu.vector_load %arg21[%swap3A_251, %swap3A_252] {strides = array<i32>} : memref<80x128xf32, #tpu.memory_space<vmem>>, vector<1x16xf32>,
        %swap3A_254 = vector.shape_cast %swap3A_253 : vector<1x16xf32> to vector<16xf32>
        %swap3A_255 = vector.shape_cast %get3A_250 : vector<16xf32> to vector<1x16xf32>
        tpu.vector_store %arg21[%swap3A_251, %swap3A_252], %swap3A_255 {add = true, strides = array<i32>} : memref<80x128xf32, #tpu.memory_space<vmem>>, vector<1x16xf32>,
        %get3A_256 = arith.index_cast %scan3A_230 : i32 to index
        %get3A_257 = arith.constant 48 : index
        %get3A_258 = tpu.vector_load %arg26[%get3A_256, %get3A_257] {strides = array<i32>} : memref<80x128xf32, #tpu.memory_space<vmem>>, vector<1x16xf32>,
        %get3A_259 = vector.shape_cast %get3A_258 : vector<1x16xf32> to vector<16xf32>
        %swap3A_260 = arith.index_cast %scan3A_230 : i32 to index
        %swap3A_261 = arith.constant 48 : index
        %swap3A_262 = tpu.vector_load %arg21[%swap3A_260, %swap3A_261] {strides = array<i32>} : memref<80x128xf32, #tpu.memory_space<vmem>>, vector<1x16xf32>,
        %swap3A_263 = vector.shape_cast %swap3A_262 : vector<1x16xf32> to vector<16xf32>
        %swap3A_264 = vector.shape_cast %get3A_259 : vector<16xf32> to vector<1x16xf32>
        tpu.vector_store %arg21[%swap3A_260, %swap3A_261], %swap3A_264 {add = true, strides = array<i32>} : memref<80x128xf32, #tpu.memory_space<vmem>>, vector<1x16xf32>,
        %get3A_265 = arith.index_cast %scan3A_230 : i32 to index
        %get3A_266 = arith.constant 64 : index
        %get3A_267 = tpu.vector_load %arg26[%get3A_265, %get3A_266] {strides = array<i32>} : memref<80x128xf32, #tpu.memory_space<vmem>>, vector<1x16xf32>,
        %get3A_268 = vector.shape_cast %get3A_267 : vector<1x16xf32> to vector<16xf32>
        %swap3A_269 = arith.index_cast %scan3A_230 : i32 to index
        %swap3A_270 = arith.constant 64 : index
        %swap3A_271 = tpu.vector_load %arg21[%swap3A_269, %swap3A_270] {strides = array<i32>} : memref<80x128xf32, #tpu.memory_space<vmem>>, vector<1x16xf32>,
        %swap3A_272 = vector.shape_cast %swap3A_271 : vector<1x16xf32> to vector<16xf32>
        %swap3A_273 = vector.shape_cast %get3A_268 : vector<16xf32> to vector<1x16xf32>
        tpu.vector_store %arg21[%swap3A_269, %swap3A_270], %swap3A_273 {add = true, strides = array<i32>} : memref<80x128xf32, #tpu.memory_space<vmem>>, vector<1x16xf32>,
        %get3A_274 = arith.index_cast %scan3A_230 : i32 to index
        %get3A_275 = arith.constant 80 : index
        %get3A_276 = tpu.vector_load %arg26[%get3A_274, %get3A_275] {strides = array<i32>} : memref<80x128xf32, #tpu.memory_space<vmem>>, vector<1x16xf32>,
        %get3A_277 = vector.shape_cast %get3A_276 : vector<1x16xf32> to vector<16xf32>
        %swap3A_278 = arith.index_cast %scan3A_230 : i32 to index
        %swap3A_279 = arith.constant 80 : index
        %swap3A_280 = tpu.vector_load %arg21[%swap3A_278, %swap3A_279] {strides = array<i32>} : memref<80x128xf32, #tpu.memory_space<vmem>>, vector<1x16xf32>,
        %swap3A_281 = vector.shape_cast %swap3A_280 : vector<1x16xf32> to vector<16xf32>
        %swap3A_282 = vector.shape_cast %get3A_277 : vector<16xf32> to vector<1x16xf32>
        tpu.vector_store %arg21[%swap3A_278, %swap3A_279], %swap3A_282 {add = true, strides = array<i32>} : memref<80x128xf32, #tpu.memory_space<vmem>>, vector<1x16xf32>,
        %get3A_283 = arith.index_cast %scan3A_230 : i32 to index
        %get3A_284 = arith.constant 96 : index
        %get3A_285 = tpu.vector_load %arg26[%get3A_283, %get3A_284] {strides = array<i32>} : memref<80x128xf32, #tpu.memory_space<vmem>>, vector<1x16xf32>,
        %get3A_286 = vector.shape_cast %get3A_285 : vector<1x16xf32> to vector<16xf32>
        %swap3A_287 = arith.index_cast %scan3A_230 : i32 to index
        %swap3A_288 = arith.constant 96 : index
        %swap3A_289 = tpu.vector_load %arg21[%swap3A_287, %swap3A_288] {strides = array<i32>} : memref<80x128xf32, #tpu.memory_space<vmem>>, vector<1x16xf32>,
        %swap3A_290 = vector.shape_cast %swap3A_289 : vector<1x16xf32> to vector<16xf32>
        %swap3A_291 = vector.shape_cast %get3A_286 : vector<16xf32> to vector<1x16xf32>
        tpu.vector_store %arg21[%swap3A_287, %swap3A_288], %swap3A_291 {add = true, strides = array<i32>} : memref<80x128xf32, #tpu.memory_space<vmem>>, vector<1x16xf32>,
        %get3A_292 = arith.index_cast %scan3A_230 : i32 to index
        %get3A_293 = arith.constant 112 : index
        %get3A_294 = tpu.vector_load %arg26[%get3A_292, %get3A_293] {strides = array<i32>} : memref<80x128xf32, #tpu.memory_space<vmem>>, vector<1x16xf32>,
        %get3A_295 = vector.shape_cast %get3A_294 : vector<1x16xf32> to vector<16xf32>
        %swap3A_296 = arith.index_cast %scan3A_230 : i32 to index
        %swap3A_297 = arith.constant 112 : index
        %swap3A_298 = tpu.vector_load %arg21[%swap3A_296, %swap3A_297] {strides = array<i32>} : memref<80x128xf32, #tpu.memory_space<vmem>>, vector<1x16xf32>,
        %swap3A_299 = vector.shape_cast %swap3A_298 : vector<1x16xf32> to vector<16xf32>
        %swap3A_300 = vector.shape_cast %get3A_295 : vector<16xf32> to vector<1x16xf32>
        tpu.vector_store %arg21[%swap3A_296, %swap3A_297], %swap3A_300 {add = true, strides = array<i32>} : memref<80x128xf32, #tpu.memory_space<vmem>>, vector<1x16xf32>,
        %scan3A_301 = arith.constant 1 : i32
        %scan3A_302 = arith.addi %scan3A_230, %scan3A_301 : i32
        %get3A_303 = arith.index_cast %scan3A_302 : i32 to index
        %get3A_304 = arith.constant 0 : index
        %get3A_305 = tpu.vector_load %arg26[%get3A_303, %get3A_304] {strides = array<i32>} : memref<80x128xf32, #tpu.memory_space<vmem>>, vector<1x16xf32>,
        %get3A_306 = vector.shape_cast %get3A_305 : vector<1x16xf32> to vector<16xf32>
        %swap3A_307 = arith.index_cast %scan3A_302 : i32 to index
        %swap3A_308 = arith.constant 0 : index
        %swap3A_309 = tpu.vector_load %arg21[%swap3A_307, %swap3A_308] {strides = array<i32>} : memref<80x128xf32, #tpu.memory_space<vmem>>, vector<1x16xf32>,
        %swap3A_310 = vector.shape_cast %swap3A_309 : vector<1x16xf32> to vector<16xf32>
        %swap3A_311 = vector.shape_cast %get3A_306 : vector<16xf32> to vector<1x16xf32>
        tpu.vector_store %arg21[%swap3A_307, %swap3A_308], %swap3A_311 {add = true, strides = array<i32>} : memref<80x128xf32, #tpu.memory_space<vmem>>, vector<1x16xf32>,
        %get3A_312 = arith.index_cast %scan3A_302 : i32 to index
        %get3A_313 = arith.constant 16 : index
        %get3A_314 = tpu.vector_load %arg26[%get3A_312, %get3A_313] {strides = array<i32>} : memref<80x128xf32, #tpu.memory_space<vmem>>, vector<1x16xf32>,
        %get3A_315 = vector.shape_cast %get3A_314 : vector<1x16xf32> to vector<16xf32>
        %swap3A_316 = arith.index_cast %scan3A_302 : i32 to index
        %swap3A_317 = arith.constant 16 : index
        %swap3A_318 = tpu.vector_load %arg21[%swap3A_316, %swap3A_317] {strides = array<i32>} : memref<80x128xf32, #tpu.memory_space<vmem>>, vector<1x16xf32>,
        %swap3A_319 = vector.shape_cast %swap3A_318 : vector<1x16xf32> to vector<16xf32>
        %swap3A_320 = vector.shape_cast %get3A_315 : vector<16xf32> to vector<1x16xf32>
        tpu.vector_store %arg21[%swap3A_316, %swap3A_317], %swap3A_320 {add = true, strides = array<i32>} : memref<80x128xf32, #tpu.memory_space<vmem>>, vector<1x16xf32>,
        %get3A_321 = arith.index_cast %scan3A_302 : i32 to index
        %get3A_322 = arith.constant 32 : index
        %get3A_323 = tpu.vector_load %arg26[%get3A_321, %get3A_322] {strides = array<i32>} : memref<80x128xf32, #tpu.memory_space<vmem>>, vector<1x16xf32>,
        %get3A_324 = vector.shape_cast %get3A_323 : vector<1x16xf32> to vector<16xf32>
        %swap3A_325 = arith.index_cast %scan3A_302 : i32 to index
        %swap3A_326 = arith.constant 32 : index
        %swap3A_327 = tpu.vector_load %arg21[%swap3A_325, %swap3A_326] {strides = array<i32>} : memref<80x128xf32, #tpu.memory_space<vmem>>, vector<1x16xf32>,
        %swap3A_328 = vector.shape_cast %swap3A_327 : vector<1x16xf32> to vector<16xf32>
        %swap3A_329 = vector.shape_cast %get3A_324 : vector<16xf32> to vector<1x16xf32>
        tpu.vector_store %arg21[%swap3A_325, %swap3A_326], %swap3A_329 {add = true, strides = array<i32>} : memref<80x128xf32, #tpu.memory_space<vmem>>, vector<1x16xf32>,
        %get3A_330 = arith.index_cast %scan3A_302 : i32 to index
        %get3A_331 = arith.constant 48 : index
        %get3A_332 = tpu.vector_load %arg26[%get3A_330, %get3A_331] {strides = array<i32>} : memref<80x128xf32, #tpu.memory_space<vmem>>, vector<1x16xf32>,
        %get3A_333 = vector.shape_cast %get3A_332 : vector<1x16xf32> to vector<16xf32>
        %swap3A_334 = arith.index_cast %scan3A_302 : i32 to index
        %swap3A_335 = arith.constant 48 : index
        %swap3A_336 = tpu.vector_load %arg21[%swap3A_334, %swap3A_335] {strides = array<i32>} : memref<80x128xf32, #tpu.memory_space<vmem>>, vector<1x16xf32>,
        %swap3A_337 = vector.shape_cast %swap3A_336 : vector<1x16xf32> to vector<16xf32>
        %swap3A_338 = vector.shape_cast %get3A_333 : vector<16xf32> to vector<1x16xf32>
        tpu.vector_store %arg21[%swap3A_334, %swap3A_335], %swap3A_338 {add = true, strides = array<i32>} : memref<80x128xf32, #tpu.memory_space<vmem>>, vector<1x16xf32>,
        %get3A_339 = arith.index_cast %scan3A_302 : i32 to index
        %get3A_340 = arith.constant 64 : index
        %get3A_341 = tpu.vector_load %arg26[%get3A_339, %get3A_340] {strides = array<i32>} : memref<80x128xf32, #tpu.memory_space<vmem>>, vector<1x16xf32>,
        %get3A_342 = vector.shape_cast %get3A_341 : vector<1x16xf32> to vector<16xf32>
        %swap3A_343 = arith.index_cast %scan3A_302 : i32 to index
        %swap3A_344 = arith.constant 64 : index
        %swap3A_345 = tpu.vector_load %arg21[%swap3A_343, %swap3A_344] {strides = array<i32>} : memref<80x128xf32, #tpu.memory_space<vmem>>, vector<1x16xf32>,
        %swap3A_346 = vector.shape_cast %swap3A_345 : vector<1x16xf32> to vector<16xf32>
        %swap3A_347 = vector.shape_cast %get3A_342 : vector<16xf32> to vector<1x16xf32>
        tpu.vector_store %arg21[%swap3A_343, %swap3A_344], %swap3A_347 {add = true, strides = array<i32>} : memref<80x128xf32, #tpu.memory_space<vmem>>, vector<1x16xf32>,
        %get3A_348 = arith.index_cast %scan3A_302 : i32 to index
        %get3A_349 = arith.constant 80 : index
        %get3A_350 = tpu.vector_load %arg26[%get3A_348, %get3A_349] {strides = array<i32>} : memref<80x128xf32, #tpu.memory_space<vmem>>, vector<1x16xf32>,
        %get3A_351 = vector.shape_cast %get3A_350 : vector<1x16xf32> to vector<16xf32>
        %swap3A_352 = arith.index_cast %scan3A_302 : i32 to index
        %swap3A_353 = arith.constant 80 : index
        %swap3A_354 = tpu.vector_load %arg21[%swap3A_352, %swap3A_353] {strides = array<i32>} : memref<80x128xf32, #tpu.memory_space<vmem>>, vector<1x16xf32>,
        %swap3A_355 = vector.shape_cast %swap3A_354 : vector<1x16xf32> to vector<16xf32>
        %swap3A_356 = vector.shape_cast %get3A_351 : vector<16xf32> to vector<1x16xf32>
        tpu.vector_store %arg21[%swap3A_352, %swap3A_353], %swap3A_356 {add = true, strides = array<i32>} : memref<80x128xf32, #tpu.memory_space<vmem>>, vector<1x16xf32>,
        %get3A_357 = arith.index_cast %scan3A_302 : i32 to index
        %get3A_358 = arith.constant 96 : index
        %get3A_359 = tpu.vector_load %arg26[%get3A_357, %get3A_358] {strides = array<i32>} : memref<80x128xf32, #tpu.memory_space<vmem>>, vector<1x16xf32>,
        %get3A_360 = vector.shape_cast %get3A_359 : vector<1x16xf32> to vector<16xf32>
        %swap3A_361 = arith.index_cast %scan3A_302 : i32 to index
        %swap3A_362 = arith.constant 96 : index
        %swap3A_363 = tpu.vector_load %arg21[%swap3A_361, %swap3A_362] {strides = array<i32>} : memref<80x128xf32, #tpu.memory_space<vmem>>, vector<1x16xf32>,
        %swap3A_364 = vector.shape_cast %swap3A_363 : vector<1x16xf32> to vector<16xf32>
        %swap3A_365 = vector.shape_cast %get3A_360 : vector<16xf32> to vector<1x16xf32>
        tpu.vector_store %arg21[%swap3A_361, %swap3A_362], %swap3A_365 {add = true, strides = array<i32>} : memref<80x128xf32, #tpu.memory_space<vmem>>, vector<1x16xf32>,
        %get3A_366 = arith.index_cast %scan3A_302 : i32 to index
        %get3A_367 = arith.constant 112 : index
        %get3A_368 = tpu.vector_load %arg26[%get3A_366, %get3A_367] {strides = array<i32>} : memref<80x128xf32, #tpu.memory_space<vmem>>, vector<1x16xf32>,
        %get3A_369 = vector.shape_cast %get3A_368 : vector<1x16xf32> to vector<16xf32>
        %swap3A_370 = arith.index_cast %scan3A_302 : i32 to index
        %swap3A_371 = arith.constant 112 : index
        %swap3A_372 = tpu.vector_load %arg21[%swap3A_370, %swap3A_371] {strides = array<i32>} : memref<80x128xf32, #tpu.memory_space<vmem>>, vector<1x16xf32>,
        %swap3A_373 = vector.shape_cast %swap3A_372 : vector<1x16xf32> to vector<16xf32>
        %swap3A_374 = vector.shape_cast %get3A_369 : vector<16xf32> to vector<1x16xf32>
        tpu.vector_store %arg21[%swap3A_370, %swap3A_371], %swap3A_374 {add = true, strides = array<i32>} : memref<80x128xf32, #tpu.memory_space<vmem>>, vector<1x16xf32>,
        %scan3A_375 = arith.constant 2 : i32
        %scan3A_376 = arith.addi %scan3A_230, %scan3A_375 : i32
        %get3A_377 = arith.index_cast %scan3A_376 : i32 to index
        %get3A_378 = arith.constant 0 : index
        %get3A_379 = tpu.vector_load %arg26[%get3A_377, %get3A_378] {strides = array<i32>} : memref<80x128xf32, #tpu.memory_space<vmem>>, vector<1x16xf32>,
        %get3A_380 = vector.shape_cast %get3A_379 : vector<1x16xf32> to vector<16xf32>
        %swap3A_381 = arith.index_cast %scan3A_376 : i32 to index
        %swap3A_382 = arith.constant 0 : index
        %swap3A_383 = tpu.vector_load %arg21[%swap3A_381, %swap3A_382] {strides = array<i32>} : memref<80x128xf32, #tpu.memory_space<vmem>>, vector<1x16xf32>,
        %swap3A_384 = vector.shape_cast %swap3A_383 : vector<1x16xf32> to vector<16xf32>
        %swap3A_385 = vector.shape_cast %get3A_380 : vector<16xf32> to vector<1x16xf32>
        tpu.vector_store %arg21[%swap3A_381, %swap3A_382], %swap3A_385 {add = true, strides = array<i32>} : memref<80x128xf32, #tpu.memory_space<vmem>>, vector<1x16xf32>,
        %get3A_386 = arith.index_cast %scan3A_376 : i32 to index
        %get3A_387 = arith.constant 16 : index
        %get3A_388 = tpu.vector_load %arg26[%get3A_386, %get3A_387] {strides = array<i32>} : memref<80x128xf32, #tpu.memory_space<vmem>>, vector<1x16xf32>,
        %get3A_389 = vector.shape_cast %get3A_388 : vector<1x16xf32> to vector<16xf32>
        %swap3A_390 = arith.index_cast %scan3A_376 : i32 to index
        %swap3A_391 = arith.constant 16 : index
        %swap3A_392 = tpu.vector_load %arg21[%swap3A_390, %swap3A_391] {strides = array<i32>} : memref<80x128xf32, #tpu.memory_space<vmem>>, vector<1x16xf32>,
        %swap3A_393 = vector.shape_cast %swap3A_392 : vector<1x16xf32> to vector<16xf32>
        %swap3A_394 = vector.shape_cast %get3A_389 : vector<16xf32> to vector<1x16xf32>
        tpu.vector_store %arg21[%swap3A_390, %swap3A_391], %swap3A_394 {add = true, strides = array<i32>} : memref<80x128xf32, #tpu.memory_space<vmem>>, vector<1x16xf32>,
        %get3A_395 = arith.index_cast %scan3A_376 : i32 to index
        %get3A_396 = arith.constant 32 : index
        %get3A_397 = tpu.vector_load %arg26[%get3A_395, %get3A_396] {strides = array<i32>} : memref<80x128xf32, #tpu.memory_space<vmem>>, vector<1x16xf32>,
        %get3A_398 = vector.shape_cast %get3A_397 : vector<1x16xf32> to vector<16xf32>
        %swap3A_399 = arith.index_cast %scan3A_376 : i32 to index
        %swap3A_400 = arith.constant 32 : index
        %swap3A_401 = tpu.vector_load %arg21[%swap3A_399, %swap3A_400] {strides = array<i32>} : memref<80x128xf32, #tpu.memory_space<vmem>>, vector<1x16xf32>,
        %swap3A_402 = vector.shape_cast %swap3A_401 : vector<1x16xf32> to vector<16xf32>
        %swap3A_403 = vector.shape_cast %get3A_398 : vector<16xf32> to vector<1x16xf32>
        tpu.vector_store %arg21[%swap3A_399, %swap3A_400], %swap3A_403 {add = true, strides = array<i32>} : memref<80x128xf32, #tpu.memory_space<vmem>>, vector<1x16xf32>,
        %get3A_404 = arith.index_cast %scan3A_376 : i32 to index
        %get3A_405 = arith.constant 48 : index
        %get3A_406 = tpu.vector_load %arg26[%get3A_404, %get3A_405] {strides = array<i32>} : memref<80x128xf32, #tpu.memory_space<vmem>>, vector<1x16xf32>,
        %get3A_407 = vector.shape_cast %get3A_406 : vector<1x16xf32> to vector<16xf32>
        %swap3A_408 = arith.index_cast %scan3A_376 : i32 to index
        %swap3A_409 = arith.constant 48 : index
        %swap3A_410 = tpu.vector_load %arg21[%swap3A_408, %swap3A_409] {strides = array<i32>} : memref<80x128xf32, #tpu.memory_space<vmem>>, vector<1x16xf32>,
        %swap3A_411 = vector.shape_cast %swap3A_410 : vector<1x16xf32> to vector<16xf32>
        %swap3A_412 = vector.shape_cast %get3A_407 : vector<16xf32> to vector<1x16xf32>
        tpu.vector_store %arg21[%swap3A_408, %swap3A_409], %swap3A_412 {add = true, strides = array<i32>} : memref<80x128xf32, #tpu.memory_space<vmem>>, vector<1x16xf32>,
        %get3A_413 = arith.index_cast %scan3A_376 : i32 to index
        %get3A_414 = arith.constant 64 : index
        %get3A_415 = tpu.vector_load %arg26[%get3A_413, %get3A_414] {strides = array<i32>} : memref<80x128xf32, #tpu.memory_space<vmem>>, vector<1x16xf32>,
        %get3A_416 = vector.shape_cast %get3A_415 : vector<1x16xf32> to vector<16xf32>
        %swap3A_417 = arith.index_cast %scan3A_376 : i32 to index
        %swap3A_418 = arith.constant 64 : index
        %swap3A_419 = tpu.vector_load %arg21[%swap3A_417, %swap3A_418] {strides = array<i32>} : memref<80x128xf32, #tpu.memory_space<vmem>>, vector<1x16xf32>,
        %swap3A_420 = vector.shape_cast %swap3A_419 : vector<1x16xf32> to vector<16xf32>
        %swap3A_421 = vector.shape_cast %get3A_416 : vector<16xf32> to vector<1x16xf32>
        tpu.vector_store %arg21[%swap3A_417, %swap3A_418], %swap3A_421 {add = true, strides = array<i32>} : memref<80x128xf32, #tpu.memory_space<vmem>>, vector<1x16xf32>,
        %get3A_422 = arith.index_cast %scan3A_376 : i32 to index
        %get3A_423 = arith.constant 80 : index
        %get3A_424 = tpu.vector_load %arg26[%get3A_422, %get3A_423] {strides = array<i32>} : memref<80x128xf32, #tpu.memory_space<vmem>>, vector<1x16xf32>,
        %get3A_425 = vector.shape_cast %get3A_424 : vector<1x16xf32> to vector<16xf32>
        %swap3A_426 = arith.index_cast %scan3A_376 : i32 to index
        %swap3A_427 = arith.constant 80 : index
        %swap3A_428 = tpu.vector_load %arg21[%swap3A_426, %swap3A_427] {strides = array<i32>} : memref<80x128xf32, #tpu.memory_space<vmem>>, vector<1x16xf32>,
        %swap3A_429 = vector.shape_cast %swap3A_428 : vector<1x16xf32> to vector<16xf32>
        %swap3A_430 = vector.shape_cast %get3A_425 : vector<16xf32> to vector<1x16xf32>
        tpu.vector_store %arg21[%swap3A_426, %swap3A_427], %swap3A_430 {add = true, strides = array<i32>} : memref<80x128xf32, #tpu.memory_space<vmem>>, vector<1x16xf32>,
        %get3A_431 = arith.index_cast %scan3A_376 : i32 to index
        %get3A_432 = arith.constant 96 : index
        %get3A_433 = tpu.vector_load %arg26[%get3A_431, %get3A_432] {strides = array<i32>} : memref<80x128xf32, #tpu.memory_space<vmem>>, vector<1x16xf32>,
        %get3A_434 = vector.shape_cast %get3A_433 : vector<1x16xf32> to vector<16xf32>
        %swap3A_435 = arith.index_cast %scan3A_376 : i32 to index
        %swap3A_436 = arith.constant 96 : index
        %swap3A_437 = tpu.vector_load %arg21[%swap3A_435, %swap3A_436] {strides = array<i32>} : memref<80x128xf32, #tpu.memory_space<vmem>>, vector<1x16xf32>,
        %swap3A_438 = vector.shape_cast %swap3A_437 : vector<1x16xf32> to vector<16xf32>
        %swap3A_439 = vector.shape_cast %get3A_434 : vector<16xf32> to vector<1x16xf32>
        tpu.vector_store %arg21[%swap3A_435, %swap3A_436], %swap3A_439 {add = true, strides = array<i32>} : memref<80x128xf32, #tpu.memory_space<vmem>>, vector<1x16xf32>,
        %get3A_440 = arith.index_cast %scan3A_376 : i32 to index
        %get3A_441 = arith.constant 112 : index
        %get3A_442 = tpu.vector_load %arg26[%get3A_440, %get3A_441] {strides = array<i32>} : memref<80x128xf32, #tpu.memory_space<vmem>>, vector<1x16xf32>,
        %get3A_443 = vector.shape_cast %get3A_442 : vector<1x16xf32> to vector<16xf32>
        %swap3A_444 = arith.index_cast %scan3A_376 : i32 to index
        %swap3A_445 = arith.constant 112 : index
        %swap3A_446 = tpu.vector_load %arg21[%swap3A_444, %swap3A_445] {strides = array<i32>} : memref<80x128xf32, #tpu.memory_space<vmem>>, vector<1x16xf32>,
        %swap3A_447 = vector.shape_cast %swap3A_446 : vector<1x16xf32> to vector<16xf32>
        %swap3A_448 = vector.shape_cast %get3A_443 : vector<16xf32> to vector<1x16xf32>
        tpu.vector_store %arg21[%swap3A_444, %swap3A_445], %swap3A_448 {add = true, strides = array<i32>} : memref<80x128xf32, #tpu.memory_space<vmem>>, vector<1x16xf32>,
        %scan3A_449 = arith.constant 3 : i32
        %scan3A_450 = arith.addi %scan3A_230, %scan3A_449 : i32
        %get3A_451 = arith.index_cast %scan3A_450 : i32 to index
        %get3A_452 = arith.constant 0 : index
        %get3A_453 = tpu.vector_load %arg26[%get3A_451, %get3A_452] {strides = array<i32>} : memref<80x128xf32, #tpu.memory_space<vmem>>, vector<1x16xf32>,
        %get3A_454 = vector.shape_cast %get3A_453 : vector<1x16xf32> to vector<16xf32>
        %swap3A_455 = arith.index_cast %scan3A_450 : i32 to index
        %swap3A_456 = arith.constant 0 : index
        %swap3A_457 = tpu.vector_load %arg21[%swap3A_455, %swap3A_456] {strides = array<i32>} : memref<80x128xf32, #tpu.memory_space<vmem>>, vector<1x16xf32>,
        %swap3A_458 = vector.shape_cast %swap3A_457 : vector<1x16xf32> to vector<16xf32>
        %swap3A_459 = vector.shape_cast %get3A_454 : vector<16xf32> to vector<1x16xf32>
        tpu.vector_store %arg21[%swap3A_455, %swap3A_456], %swap3A_459 {add = true, strides = array<i32>} : memref<80x128xf32, #tpu.memory_space<vmem>>, vector<1x16xf32>,
        %get3A_460 = arith.index_cast %scan3A_450 : i32 to index
        %get3A_461 = arith.constant 16 : index
        %get3A_462 = tpu.vector_load %arg26[%get3A_460, %get3A_461] {strides = array<i32>} : memref<80x128xf32, #tpu.memory_space<vmem>>, vector<1x16xf32>,
        %get3A_463 = vector.shape_cast %get3A_462 : vector<1x16xf32> to vector<16xf32>
        %swap3A_464 = arith.index_cast %scan3A_450 : i32 to index
        %swap3A_465 = arith.constant 16 : index
        %swap3A_466 = tpu.vector_load %arg21[%swap3A_464, %swap3A_465] {strides = array<i32>} : memref<80x128xf32, #tpu.memory_space<vmem>>, vector<1x16xf32>,
        %swap3A_467 = vector.shape_cast %swap3A_466 : vector<1x16xf32> to vector<16xf32>
        %swap3A_468 = vector.shape_cast %get3A_463 : vector<16xf32> to vector<1x16xf32>
        tpu.vector_store %arg21[%swap3A_464, %swap3A_465], %swap3A_468 {add = true, strides = array<i32>} : memref<80x128xf32, #tpu.memory_space<vmem>>, vector<1x16xf32>,
        %get3A_469 = arith.index_cast %scan3A_450 : i32 to index
        %get3A_470 = arith.constant 32 : index
        %get3A_471 = tpu.vector_load %arg26[%get3A_469, %get3A_470] {strides = array<i32>} : memref<80x128xf32, #tpu.memory_space<vmem>>, vector<1x16xf32>,
        %get3A_472 = vector.shape_cast %get3A_471 : vector<1x16xf32> to vector<16xf32>
        %swap3A_473 = arith.index_cast %scan3A_450 : i32 to index
        %swap3A_474 = arith.constant 32 : index
        %swap3A_475 = tpu.vector_load %arg21[%swap3A_473, %swap3A_474] {strides = array<i32>} : memref<80x128xf32, #tpu.memory_space<vmem>>, vector<1x16xf32>,
        %swap3A_476 = vector.shape_cast %swap3A_475 : vector<1x16xf32> to vector<16xf32>
        %swap3A_477 = vector.shape_cast %get3A_472 : vector<16xf32> to vector<1x16xf32>
        tpu.vector_store %arg21[%swap3A_473, %swap3A_474], %swap3A_477 {add = true, strides = array<i32>} : memref<80x128xf32, #tpu.memory_space<vmem>>, vector<1x16xf32>,
        %get3A_478 = arith.index_cast %scan3A_450 : i32 to index
        %get3A_479 = arith.constant 48 : index
        %get3A_480 = tpu.vector_load %arg26[%get3A_478, %get3A_479] {strides = array<i32>} : memref<80x128xf32, #tpu.memory_space<vmem>>, vector<1x16xf32>,
        %get3A_481 = vector.shape_cast %get3A_480 : vector<1x16xf32> to vector<16xf32>
        %swap3A_482 = arith.index_cast %scan3A_450 : i32 to index
        %swap3A_483 = arith.constant 48 : index
        %swap3A_484 = tpu.vector_load %arg21[%swap3A_482, %swap3A_483] {strides = array<i32>} : memref<80x128xf32, #tpu.memory_space<vmem>>, vector<1x16xf32>,
        %swap3A_485 = vector.shape_cast %swap3A_484 : vector<1x16xf32> to vector<16xf32>
        %swap3A_486 = vector.shape_cast %get3A_481 : vector<16xf32> to vector<1x16xf32>
        tpu.vector_store %arg21[%swap3A_482, %swap3A_483], %swap3A_486 {add = true, strides = array<i32>} : memref<80x128xf32, #tpu.memory_space<vmem>>, vector<1x16xf32>,
        %get3A_487 = arith.index_cast %scan3A_450 : i32 to index
        %get3A_488 = arith.constant 64 : index
        %get3A_489 = tpu.vector_load %arg26[%get3A_487, %get3A_488] {strides = array<i32>} : memref<80x128xf32, #tpu.memory_space<vmem>>, vector<1x16xf32>,
        %get3A_490 = vector.shape_cast %get3A_489 : vector<1x16xf32> to vector<16xf32>
        %swap3A_491 = arith.index_cast %scan3A_450 : i32 to index
        %swap3A_492 = arith.constant 64 : index
        %swap3A_493 = tpu.vector_load %arg21[%swap3A_491, %swap3A_492] {strides = array<i32>} : memref<80x128xf32, #tpu.memory_space<vmem>>, vector<1x16xf32>,
        %swap3A_494 = vector.shape_cast %swap3A_493 : vector<1x16xf32> to vector<16xf32>
        %swap3A_495 = vector.shape_cast %get3A_490 : vector<16xf32> to vector<1x16xf32>
        tpu.vector_store %arg21[%swap3A_491, %swap3A_492], %swap3A_495 {add = true, strides = array<i32>} : memref<80x128xf32, #tpu.memory_space<vmem>>, vector<1x16xf32>,
        %get3A_496 = arith.index_cast %scan3A_450 : i32 to index
        %get3A_497 = arith.constant 80 : index
        %get3A_498 = tpu.vector_load %arg26[%get3A_496, %get3A_497] {strides = array<i32>} : memref<80x128xf32, #tpu.memory_space<vmem>>, vector<1x16xf32>,
        %get3A_499 = vector.shape_cast %get3A_498 : vector<1x16xf32> to vector<16xf32>
        %swap3A_500 = arith.index_cast %scan3A_450 : i32 to index
        %swap3A_501 = arith.constant 80 : index
        %swap3A_502 = tpu.vector_load %arg21[%swap3A_500, %swap3A_501] {strides = array<i32>} : memref<80x128xf32, #tpu.memory_space<vmem>>, vector<1x16xf32>,
        %swap3A_503 = vector.shape_cast %swap3A_502 : vector<1x16xf32> to vector<16xf32>
        %swap3A_504 = vector.shape_cast %get3A_499 : vector<16xf32> to vector<1x16xf32>
        tpu.vector_store %arg21[%swap3A_500, %swap3A_501], %swap3A_504 {add = true, strides = array<i32>} : memref<80x128xf32, #tpu.memory_space<vmem>>, vector<1x16xf32>,
        %get3A_505 = arith.index_cast %scan3A_450 : i32 to index
        %get3A_506 = arith.constant 96 : index
        %get3A_507 = tpu.vector_load %arg26[%get3A_505, %get3A_506] {strides = array<i32>} : memref<80x128xf32, #tpu.memory_space<vmem>>, vector<1x16xf32>,
        %get3A_508 = vector.shape_cast %get3A_507 : vector<1x16xf32> to vector<16xf32>
        %swap3A_509 = arith.index_cast %scan3A_450 : i32 to index
        %swap3A_510 = arith.constant 96 : index
        %swap3A_511 = tpu.vector_load %arg21[%swap3A_509, %swap3A_510] {strides = array<i32>} : memref<80x128xf32, #tpu.memory_space<vmem>>, vector<1x16xf32>,
        %swap3A_512 = vector.shape_cast %swap3A_511 : vector<1x16xf32> to vector<16xf32>
        %swap3A_513 = vector.shape_cast %get3A_508 : vector<16xf32> to vector<1x16xf32>
        tpu.vector_store %arg21[%swap3A_509, %swap3A_510], %swap3A_513 {add = true, strides = array<i32>} : memref<80x128xf32, #tpu.memory_space<vmem>>, vector<1x16xf32>,
        %get3A_514 = arith.index_cast %scan3A_450 : i32 to index
        %get3A_515 = arith.constant 112 : index
        %get3A_516 = tpu.vector_load %arg26[%get3A_514, %get3A_515] {strides = array<i32>} : memref<80x128xf32, #tpu.memory_space<vmem>>, vector<1x16xf32>,
        %get3A_517 = vector.shape_cast %get3A_516 : vector<1x16xf32> to vector<16xf32>
        %swap3A_518 = arith.index_cast %scan3A_450 : i32 to index
        %swap3A_519 = arith.constant 112 : index
        %swap3A_520 = tpu.vector_load %arg21[%swap3A_518, %swap3A_519] {strides = array<i32>} : memref<80x128xf32, #tpu.memory_space<vmem>>, vector<1x16xf32>,
        %swap3A_521 = vector.shape_cast %swap3A_520 : vector<1x16xf32> to vector<16xf32>
        %swap3A_522 = vector.shape_cast %get3A_517 : vector<16xf32> to vector<1x16xf32>
        tpu.vector_store %arg21[%swap3A_518, %swap3A_519], %swap3A_522 {add = true, strides = array<i32>} : memref<80x128xf32, #tpu.memory_space<vmem>>, vector<1x16xf32>,
      }
      %scan3A_218 = arith.constant 80 : i32
      %mul3A_219 = arith.constant 5 : i32
      %mul3A_220 = arith.muli %scan3A_56, %mul3A_219 : i32
      %add3A_221 = arith.constant 4 : i32
      %add3A_222 = arith.addi %mul3A_220, %add3A_221 : i32
      %mul3A_223 = arith.constant 80 : i32
      %mul3A_224 = arith.muli %add3A_222, %mul3A_223 : i32
      %add3A_225 = arith.addi %mul3A_2, %mul3A_224 : i32
      %dma_start3A_226 = arith.constant 0 : i32
      %dma_start3A_227 = tpu.memref_slice %arg6[%add3A_225, %dma_start3A_226] : memref<320000x128xf32, #tpu.memory_space<hbm>> -> memref<80x128xf32, #tpu.memory_space<hbm>>
      %dma_start3A_228 = arith.constant 0 : i32
      %dma_start3A_229 = tpu.memref_slice %arg6[%add3A_225, %dma_start3A_228] : memref<320000x128xf32, #tpu.memory_space<hbm>> -> memref<80x128xf32, #tpu.memory_space<hbm>>
      tpu.enqueue_dma source(%arg21 : memref<80x128xf32, #tpu.memory_space<vmem>>) target(%dma_start3A_229 : memref<80x128xf32, #tpu.memory_space<hbm>>) target_semaphore(%arg29 : memref<!tpu.dma_semaphore, #tpu.memory_space<semaphore_mem>>)
    }
    %scan3A_36 = arith.constant 25 : i32
    %dma_wait3A = arith.constant 0 : i32
    %dma_wait3A_37 = tpu.memref_slice %arg6[%mul3A_2, %dma_wait3A] : memref<320000x128xf32, #tpu.memory_space<hbm>> -> memref<80x128xf32, #tpu.memory_space<hbm>>
    %dma_wait3A_38 = arith.constant 0 : i32
    %dma_wait3A_39 = tpu.memref_slice %arg6[%mul3A_2, %dma_wait3A_38] : memref<320000x128xf32, #tpu.memory_space<hbm>> -> memref<80x128xf32, #tpu.memory_space<hbm>>
    tpu.wait_dma2 semaphore(%arg29 : memref<!tpu.dma_semaphore, #tpu.memory_space<semaphore_mem>>) src(%arg17 : memref<80x128xf32, #tpu.memory_space<vmem>>) dst(%dma_wait3A_39 : memref<80x128xf32, #tpu.memory_space<hbm>>)
    %dma_wait3A_40 = arith.constant 0 : i32
    %dma_wait3A_41 = tpu.memref_slice %arg6[%mul3A_2, %dma_wait3A_40] : memref<320000x128xf32, #tpu.memory_space<hbm>> -> memref<80x128xf32, #tpu.memory_space<hbm>>
    %dma_wait3A_42 = arith.constant 0 : i32
    %dma_wait3A_43 = tpu.memref_slice %arg6[%mul3A_2, %dma_wait3A_42] : memref<320000x128xf32, #tpu.memory_space<hbm>> -> memref<80x128xf32, #tpu.memory_space<hbm>>
    tpu.wait_dma2 semaphore(%arg29 : memref<!tpu.dma_semaphore, #tpu.memory_space<semaphore_mem>>) src(%arg18 : memref<80x128xf32, #tpu.memory_space<vmem>>) dst(%dma_wait3A_43 : memref<80x128xf32, #tpu.memory_space<hbm>>)
    %dma_wait3A_44 = arith.constant 0 : i32
    %dma_wait3A_45 = tpu.memref_slice %arg6[%mul3A_2, %dma_wait3A_44] : memref<320000x128xf32, #tpu.memory_space<hbm>> -> memref<80x128xf32, #tpu.memory_space<hbm>>
    %dma_wait3A_46 = arith.constant 0 : i32
    %dma_wait3A_47 = tpu.memref_slice %arg6[%mul3A_2, %dma_wait3A_46] : memref<320000x128xf32, #tpu.memory_space<hbm>> -> memref<80x128xf32, #tpu.memory_space<hbm>>
    tpu.wait_dma2 semaphore(%arg29 : memref<!tpu.dma_semaphore, #tpu.memory_space<semaphore_mem>>) src(%arg19 : memref<80x128xf32, #tpu.memory_space<vmem>>) dst(%dma_wait3A_47 : memref<80x128xf32, #tpu.memory_space<hbm>>)
    %dma_wait3A_48 = arith.constant 0 : i32
    %dma_wait3A_49 = tpu.memref_slice %arg6[%mul3A_2, %dma_wait3A_48] : memref<320000x128xf32, #tpu.memory_space<hbm>> -> memref<80x128xf32, #tpu.memory_space<hbm>>
    %dma_wait3A_50 = arith.constant 0 : i32
    %dma_wait3A_51 = tpu.memref_slice %arg6[%mul3A_2, %dma_wait3A_50] : memref<320000x128xf32, #tpu.memory_space<hbm>> -> memref<80x128xf32, #tpu.memory_space<hbm>>
    tpu.wait_dma2 semaphore(%arg29 : memref<!tpu.dma_semaphore, #tpu.memory_space<semaphore_mem>>) src(%arg20 : memref<80x128xf32, #tpu.memory_space<vmem>>) dst(%dma_wait3A_51 : memref<80x128xf32, #tpu.memory_space<hbm>>)
    %dma_wait3A_52 = arith.constant 0 : i32
    %dma_wait3A_53 = tpu.memref_slice %arg6[%mul3A_2, %dma_wait3A_52] : memref<320000x128xf32, #tpu.memory_space<hbm>> -> memref<80x128xf32, #tpu.memory_space<hbm>>
    %dma_wait3A_54 = arith.constant 0 : i32
    %dma_wait3A_55 = tpu.memref_slice %arg6[%mul3A_2, %dma_wait3A_54] : memref<320000x128xf32, #tpu.memory_space<hbm>> -> memref<80x128xf32, #tpu.memory_space<hbm>>
    tpu.wait_dma2 semaphore(%arg29 : memref<!tpu.dma_semaphore, #tpu.memory_space<semaphore_mem>>) src(%arg21 : memref<80x128xf32, #tpu.memory_space<vmem>>) dst(%dma_wait3A_55 : memref<80x128xf32, #tpu.memory_space<hbm>>)
    return
  }
}

module attributes {stable_mosaic.version = 14 : i64} {
  func.func @_pq_body(%arg0: i32, %arg1: memref<1000x128xf32, #tpu.memory_space<vmem>>, %arg2: memref<128x128xf32, #tpu.memory_space<vmem>>, %arg3: memref<128x128xf32, #tpu.memory_space<vmem>>, %arg4: memref<1000x128xf32, #tpu.memory_space<vmem>>, %arg5: memref<1000x128xf32, #tpu.memory_space<vmem>>) attributes {dimension_semantics = [#tpu.dimension_semantics<arbitrary>], iteration_bounds = array<i64: 10>, scalar_prefetch = 0 : i64, scratch_operands = 0 : i64, tpu.core_type = #tpu.core_type<tc>, window_params = [{transform_indices = @transform_0, window_bounds = array<i64: 1000, 128>}, {pipeline_mode = #tpu.pipeline_mode<synchronous>, transform_indices = @transform_1, window_bounds = array<i64: 128, 128>}, {pipeline_mode = #tpu.pipeline_mode<synchronous>, transform_indices = @transform_2, window_bounds = array<i64: 128, 128>}, {transform_indices = @transform_3, window_bounds = array<i64: 1000, 128>}, {transform_indices = @transform_4, window_bounds = array<i64: 1000, 128>}]} {
    %get3A = arith.constant 0 : index
    %get3A_0 = arith.constant 0 : index
    %get3A_1 = vector.load %arg1[%get3A, %get3A_0] : memref<1000x128xf32, #tpu.memory_space<vmem>>, vector<1000x128xf32>
    %get3A_2 = arith.constant 0 : index
    %get3A_3 = arith.constant 0 : index
    %get3A_4 = vector.load %arg2[%get3A_2, %get3A_3] : memref<128x128xf32, #tpu.memory_space<vmem>>, vector<128x128xf32>
    %dot_general3A = arith.constant dense<0.000000e+00> : vector<1000x128xf32>
    %dot_general3A_5 = tpu.matmul %get3A_1, %get3A_4, %dot_general3A {dimension_numbers = #tpu.dot_dimension_numbers<[1], [0], [0], [1], [0, 0, 1, 1], [], []>, transpose_lhs_hint = false} : vector<1000x128xf32>, vector<128x128xf32>, vector<1000x128xf32> -> vector<1000x128xf32>
    %swap3A = arith.constant 0 : index
    %swap3A_6 = arith.constant 0 : index
    %swap3A_7 = vector.load %arg4[%swap3A, %swap3A_6] : memref<1000x128xf32, #tpu.memory_space<vmem>>, vector<1000x128xf32>
    tpu.vector_store %arg4[%swap3A, %swap3A_6], %dot_general3A_5 {strides = array<i32>} : memref<1000x128xf32, #tpu.memory_space<vmem>>, vector<1000x128xf32>,
    %get3A_8 = arith.constant 0 : index
    %get3A_9 = arith.constant 0 : index
    %get3A_10 = vector.load %arg3[%get3A_8, %get3A_9] : memref<128x128xf32, #tpu.memory_space<vmem>>, vector<128x128xf32>
    %dot_general3A_11 = arith.constant dense<0.000000e+00> : vector<1000x128xf32>
    %dot_general3A_12 = tpu.matmul %get3A_1, %get3A_10, %dot_general3A_11 {dimension_numbers = #tpu.dot_dimension_numbers<[1], [0], [0], [1], [0, 0, 1, 1], [], []>, transpose_lhs_hint = false} : vector<1000x128xf32>, vector<128x128xf32>, vector<1000x128xf32> -> vector<1000x128xf32>
    %swap3A_13 = arith.constant 0 : index
    %swap3A_14 = arith.constant 0 : index
    %swap3A_15 = vector.load %arg5[%swap3A_13, %swap3A_14] : memref<1000x128xf32, #tpu.memory_space<vmem>>, vector<1000x128xf32>
    tpu.vector_store %arg5[%swap3A_13, %swap3A_14], %dot_general3A_12 {strides = array<i32>} : memref<1000x128xf32, #tpu.memory_space<vmem>>, vector<1000x128xf32>,
    return
  }
  func.func @transform_0(%arg0: i32) -> (i32, i32) {
    %c0_i32 = arith.constant 0 : i32
    %c0_i32_0 = arith.constant 0 : i32
    return %arg0, %c0_i32 : i32, i32
  }
  func.func @transform_1(%arg0: i32) -> (i32, i32) {
    %c0_i32 = arith.constant 0 : i32
    %c0_i32_0 = arith.constant 0 : i32
    %c0_i32_1 = arith.constant 0 : i32
    return %c0_i32, %c0_i32_0 : i32, i32
  }
  func.func @transform_2(%arg0: i32) -> (i32, i32) {
    %c0_i32 = arith.constant 0 : i32
    %c0_i32_0 = arith.constant 0 : i32
    %c0_i32_1 = arith.constant 0 : i32
    return %c0_i32, %c0_i32_0 : i32, i32
  }
  func.func @transform_3(%arg0: i32) -> (i32, i32) {
    %c0_i32 = arith.constant 0 : i32
    %c0_i32_0 = arith.constant 0 : i32
    return %arg0, %c0_i32 : i32, i32
  }
  func.func @transform_4(%arg0: i32) -> (i32, i32) {
    %c0_i32 = arith.constant 0 : i32
    %c0_i32_0 = arith.constant 0 : i32
    return %arg0, %c0_i32 : i32, i32
  }
}

module attributes {stable_mosaic.version = 14 : i64} {
  func.func @_fin_body(%arg0: memref<2x10240x128xf32, #tpu.memory_space<vmem>>, %arg1: memref<10000x9xf32, #tpu.memory_space<vmem>>) attributes {dimension_semantics = [], scalar_prefetch = 0 : i64, scratch_operands = 0 : i64, tpu.core_type = #tpu.core_type<tc>} {
    %get3A = arith.constant 0 : index
    %get3A_0 = arith.constant 0 : index
    %get3A_1 = arith.constant 0 : index
    %get3A_2 = vector.load %arg0[%get3A, %get3A_0, %get3A_1] : memref<2x10240x128xf32, #tpu.memory_space<vmem>>, vector<1x10000x16xf32>
    %get3A_3 = vector.shape_cast %get3A_2 : vector<1x10000x16xf32> to vector<10000x16xf32>
    %get3A_4 = arith.constant 1 : index
    %get3A_5 = arith.constant 0 : index
    %get3A_6 = arith.constant 0 : index
    %get3A_7 = vector.load %arg0[%get3A_4, %get3A_5, %get3A_6] : memref<2x10240x128xf32, #tpu.memory_space<vmem>>, vector<1x10000x16xf32>
    %get3A_8 = vector.shape_cast %get3A_7 : vector<1x10000x16xf32> to vector<10000x16xf32>
    %add3A = arith.addf %get3A_3, %get3A_8 : vector<10000x16xf32>
    %slice3A = vector.extract_strided_slice %add3A {offsets = [0, 9], sizes = [10000, 1], strides = [1, 1]} : vector<10000x16xf32> to vector<10000x1xf32>
    %max3A = arith.constant 1.000000e+00 : f32
    %max3A_9 = vector.broadcast %max3A : f32 to vector<10000x1xf32>
    %max3A_10 = arith.maximumf %slice3A, %max3A_9 : vector<10000x1xf32>
    %slice3A_11 = vector.extract_strided_slice %add3A {offsets = [0, 0], sizes = [10000, 9], strides = [1, 1]} : vector<10000x16xf32> to vector<10000x9xf32>
    %div3A = vector.broadcast %max3A_10 : vector<10000x1xf32> to vector<10000x9xf32>
    %div3A_12 = arith.divf %slice3A_11, %div3A : vector<10000x9xf32>
    %swap3A = arith.constant 0 : index
    %swap3A_13 = arith.constant 0 : index
    %swap3A_14 = vector.load %arg1[%swap3A, %swap3A_13] : memref<10000x9xf32, #tpu.memory_space<vmem>>, vector<10000x9xf32>
    tpu.vector_store %arg1[%swap3A, %swap3A_13], %div3A_12 {strides = array<i32>} : memref<10000x9xf32, #tpu.memory_space<vmem>>, vector<10000x9xf32>,
    return
  }
}

module attributes {stable_mosaic.version = 14 : i64} {
  func.func @_edge_body(%arg0: i32, %arg1: memref<2560x128xf32, #tpu.memory_space<vmem>>, %arg2: memref<2560x16xf32, #tpu.memory_space<vmem>>, %arg3: memref<8x2560xf32, #tpu.memory_space<vmem>>, %arg4: memref<16x128xf32, #tpu.memory_space<vmem>>, %arg5: memref<1x128xf32, #tpu.memory_space<vmem>>, %arg6: memref<128x8xf32, #tpu.memory_space<vmem>>, %arg7: memref<8x1xf32, #tpu.memory_space<vmem>>, %arg8: memref<2560x128xf32, #tpu.memory_space<vmem>>) attributes {dimension_semantics = [#tpu.dimension_semantics<arbitrary>], iteration_bounds = array<i64: 125>, scalar_prefetch = 0 : i64, scratch_operands = 0 : i64, tpu.core_type = #tpu.core_type<tc>, window_params = [{transform_indices = @transform_0, window_bounds = array<i64: 2560, 128>}, {transform_indices = @transform_1, window_bounds = array<i64: 2560, 16>}, {transform_indices = @transform_2, window_bounds = array<i64: 8, 2560>}, {pipeline_mode = #tpu.pipeline_mode<synchronous>, transform_indices = @transform_3, window_bounds = array<i64: 16, 128>}, {pipeline_mode = #tpu.pipeline_mode<synchronous>, transform_indices = @transform_4, window_bounds = array<i64: 1, 128>}, {pipeline_mode = #tpu.pipeline_mode<synchronous>, transform_indices = @transform_5, window_bounds = array<i64: 128, 8>}, {pipeline_mode = #tpu.pipeline_mode<synchronous>, transform_indices = @transform_6, window_bounds = array<i64: 8, 1>}, {transform_indices = @transform_7, window_bounds = array<i64: 2560, 128>}]} {
    %get3A = arith.constant 0 : index
    %get3A_0 = arith.constant 0 : index
    %get3A_1 = vector.load %arg1[%get3A, %get3A_0] : memref<2560x128xf32, #tpu.memory_space<vmem>>, vector<2560x128xf32>
    %get3A_2 = arith.constant 0 : index
    %get3A_3 = arith.constant 0 : index
    %get3A_4 = vector.load %arg2[%get3A_2, %get3A_3] : memref<2560x16xf32, #tpu.memory_space<vmem>>, vector<2560x16xf32>
    %get3A_5 = arith.constant 0 : index
    %get3A_6 = arith.constant 0 : index
    %get3A_7 = vector.load %arg4[%get3A_5, %get3A_6] : memref<16x128xf32, #tpu.memory_space<vmem>>, vector<16x128xf32>
    %dot_general3A = arith.constant dense<0.000000e+00> : vector<2560x128xf32>
    %dot_general3A_8 = tpu.matmul %get3A_4, %get3A_7, %dot_general3A {dimension_numbers = #tpu.dot_dimension_numbers<[1], [0], [0], [1], [0, 0, 1, 1], [], []>, transpose_lhs_hint = false} : vector<2560x16xf32>, vector<16x128xf32>, vector<2560x128xf32> -> vector<2560x128xf32>
    %add3A = arith.addf %get3A_1, %dot_general3A_8 : vector<2560x128xf32>
    %get3A_9 = arith.constant 0 : index
    %get3A_10 = arith.constant 0 : index
    %get3A_11 = vector.load %arg5[%get3A_9, %get3A_10] : memref<1x128xf32, #tpu.memory_space<vmem>>, vector<1x128xf32>
    %add3A_12 = vector.broadcast %get3A_11 : vector<1x128xf32> to vector<2560x128xf32>
    %add3A_13 = arith.addf %add3A, %add3A_12 : vector<2560x128xf32>
    %neg3A = arith.constant 0.000000e+00 : f32
    %neg3A_14 = vector.broadcast %neg3A : f32 to vector<2560x128xf32>
    %neg3A_15 = arith.subf %neg3A_14, %add3A_13 : vector<2560x128xf32>
    %exp3A = math.exp %neg3A_15 : vector<2560x128xf32>
    %add3A_16 = arith.constant 1.000000e+00 : f32
    %add3A_17 = vector.broadcast %add3A_16 : f32 to vector<2560x128xf32>
    %add3A_18 = arith.addf %add3A_17, %exp3A : vector<2560x128xf32>
    %div3A = arith.divf %add3A_13, %add3A_18 : vector<2560x128xf32>
    %get3A_19 = arith.constant 0 : index
    %get3A_20 = arith.constant 0 : index
    %get3A_21 = vector.load %arg6[%get3A_19, %get3A_20] : memref<128x8xf32, #tpu.memory_space<vmem>>, vector<128x8xf32>
    %dot_general3A_22 = arith.constant dense<0.000000e+00> : vector<8x2560xf32>
    %dot_general3A_23 = tpu.matmul %get3A_21, %div3A, %dot_general3A_22 {dimension_numbers = #tpu.dot_dimension_numbers<[0], [1], [1], [0], [0, 1, 1, 0], [], []>, transpose_lhs_hint = false} : vector<128x8xf32>, vector<2560x128xf32>, vector<8x2560xf32> -> vector<8x2560xf32>
    %get3A_24 = arith.constant 0 : index
    %get3A_25 = arith.constant 0 : index
    %get3A_26 = vector.load %arg7[%get3A_24, %get3A_25] : memref<8x1xf32, #tpu.memory_space<vmem>>, vector<8x1xf32>
    %add3A_27 = vector.broadcast %get3A_26 : vector<8x1xf32> to vector<8x2560xf32>
    %add3A_28 = arith.addf %dot_general3A_23, %add3A_27 : vector<8x2560xf32>
    %neg3A_29 = arith.constant 0.000000e+00 : f32
    %neg3A_30 = vector.broadcast %neg3A_29 : f32 to vector<8x2560xf32>
    %neg3A_31 = arith.subf %neg3A_30, %add3A_28 : vector<8x2560xf32>
    %exp3A_32 = math.exp %neg3A_31 : vector<8x2560xf32>
    %add3A_33 = arith.constant 1.000000e+00 : f32
    %add3A_34 = vector.broadcast %add3A_33 : f32 to vector<8x2560xf32>
    %add3A_35 = arith.addf %add3A_34, %exp3A_32 : vector<8x2560xf32>
    %div3A_36 = arith.divf %add3A_28, %add3A_35 : vector<8x2560xf32>
    %get3A_37 = arith.constant 0 : index
    %get3A_38 = arith.constant 0 : index
    %get3A_39 = vector.load %arg3[%get3A_37, %get3A_38] : memref<8x2560xf32, #tpu.memory_space<vmem>>, vector<8x2560xf32>
    %mul3A = arith.mulf %get3A_39, %get3A_39 : vector<8x2560xf32>
    %reduce_sum3A = arith.constant dense<0.000000e+00> : vector<2560xf32>
    %reduce_sum3A_40 = vector.multi_reduction <add>, %mul3A, %reduce_sum3A [0] : vector<8x2560xf32> to vector<2560xf32>
    %broadcast_in_dim3A = vector.shape_cast %reduce_sum3A_40 : vector<2560xf32> to vector<1x2560xf32>
    %rsqrt3A = math.rsqrt %broadcast_in_dim3A : vector<1x2560xf32>
    %mul3A_41 = vector.broadcast %rsqrt3A : vector<1x2560xf32> to vector<8x2560xf32>
    %mul3A_42 = arith.mulf %get3A_39, %mul3A_41 : vector<8x2560xf32>
    %slice3A = vector.extract_strided_slice %mul3A_42 {offsets = [0, 0], sizes = [1, 2560], strides = [1, 1]} : vector<8x2560xf32> to vector<1x2560xf32>
    %slice3A_43 = vector.extract_strided_slice %mul3A_42 {offsets = [1, 0], sizes = [1, 2560], strides = [1, 1]} : vector<8x2560xf32> to vector<1x2560xf32>
    %slice3A_44 = vector.extract_strided_slice %mul3A_42 {offsets = [2, 0], sizes = [1, 2560], strides = [1, 1]} : vector<8x2560xf32> to vector<1x2560xf32>
    %slice3A_45 = vector.extract_strided_slice %div3A_36 {offsets = [0, 0], sizes = [1, 2560], strides = [1, 1]} : vector<8x2560xf32> to vector<1x2560xf32>
    %slice3A_46 = vector.extract_strided_slice %div3A_36 {offsets = [1, 0], sizes = [1, 2560], strides = [1, 1]} : vector<8x2560xf32> to vector<1x2560xf32>
    %slice3A_47 = vector.extract_strided_slice %div3A_36 {offsets = [2, 0], sizes = [1, 2560], strides = [1, 1]} : vector<8x2560xf32> to vector<1x2560xf32>
    %broadcast_in_dim3A_48 = arith.constant 1.000000e+00 : f32
    %broadcast_in_dim3A_49 = vector.broadcast %broadcast_in_dim3A_48 : f32 to vector<1x2560xf32>
    %broadcast_in_dim3A_50 = arith.constant 0.000000e+00 : f32
    %broadcast_in_dim3A_51 = vector.broadcast %broadcast_in_dim3A_50 : f32 to vector<1x2560xf32>
    %mul3A_52 = arith.mulf %slice3A_46, %slice3A : vector<1x2560xf32>
    %mul3A_53 = arith.mulf %slice3A_46, %slice3A_43 : vector<1x2560xf32>
    %mul3A_54 = arith.mulf %slice3A_46, %slice3A_44 : vector<1x2560xf32>
    %mul3A_55 = arith.constant 1.73205078 : f32
    %mul3A_56 = vector.broadcast %mul3A_55 : f32 to vector<1x2560xf32>
    %mul3A_57 = arith.mulf %mul3A_56, %slice3A : vector<1x2560xf32>
    %mul3A_58 = arith.mulf %mul3A_57, %slice3A_44 : vector<1x2560xf32>
    %mul3A_59 = arith.mulf %slice3A_47, %mul3A_58 : vector<1x2560xf32>
    %mul3A_60 = arith.constant 1.73205078 : f32
    %mul3A_61 = vector.broadcast %mul3A_60 : f32 to vector<1x2560xf32>
    %mul3A_62 = arith.mulf %mul3A_61, %slice3A : vector<1x2560xf32>
    %mul3A_63 = arith.mulf %mul3A_62, %slice3A_43 : vector<1x2560xf32>
    %mul3A_64 = arith.mulf %slice3A_47, %mul3A_63 : vector<1x2560xf32>
    %mul3A_65 = arith.mulf %slice3A_43, %slice3A_43 : vector<1x2560xf32>
    %mul3A_66 = arith.mulf %slice3A, %slice3A : vector<1x2560xf32>
    %mul3A_67 = arith.mulf %slice3A_44, %slice3A_44 : vector<1x2560xf32>
    %add3A_68 = arith.addf %mul3A_66, %mul3A_67 : vector<1x2560xf32>
    %mul3A_69 = arith.constant 5.000000e-01 : f32
    %mul3A_70 = vector.broadcast %mul3A_69 : f32 to vector<1x2560xf32>
    %mul3A_71 = arith.mulf %mul3A_70, %add3A_68 : vector<1x2560xf32>
    %sub3A = arith.subf %mul3A_65, %mul3A_71 : vector<1x2560xf32>
    %mul3A_72 = arith.mulf %slice3A_47, %sub3A : vector<1x2560xf32>
    %mul3A_73 = arith.constant 1.73205078 : f32
    %mul3A_74 = vector.broadcast %mul3A_73 : f32 to vector<1x2560xf32>
    %mul3A_75 = arith.mulf %mul3A_74, %slice3A_43 : vector<1x2560xf32>
    %mul3A_76 = arith.mulf %mul3A_75, %slice3A_44 : vector<1x2560xf32>
    %mul3A_77 = arith.mulf %slice3A_47, %mul3A_76 : vector<1x2560xf32>
    %mul3A_78 = arith.mulf %slice3A_44, %slice3A_44 : vector<1x2560xf32>
    %mul3A_79 = arith.mulf %slice3A, %slice3A : vector<1x2560xf32>
    %sub3A_80 = arith.subf %mul3A_78, %mul3A_79 : vector<1x2560xf32>
    %mul3A_81 = arith.constant 0.866025388 : f32
    %mul3A_82 = vector.broadcast %mul3A_81 : f32 to vector<1x2560xf32>
    %mul3A_83 = arith.mulf %mul3A_82, %sub3A_80 : vector<1x2560xf32>
    %mul3A_84 = arith.mulf %slice3A_47, %mul3A_83 : vector<1x2560xf32>
    %concatenate3A = tpu.concatenate %slice3A_45, %mul3A_52, %mul3A_53, %mul3A_54, %mul3A_59, %mul3A_64, %mul3A_72, %mul3A_77, %mul3A_84, %broadcast_in_dim3A_49, %broadcast_in_dim3A_51, %broadcast_in_dim3A_51, %broadcast_in_dim3A_51, %broadcast_in_dim3A_51, %broadcast_in_dim3A_51, %broadcast_in_dim3A_51 in 0 : vector<1x2560xf32>, vector<1x2560xf32>, vector<1x2560xf32>, vector<1x2560xf32>, vector<1x2560xf32>, vector<1x2560xf32>, vector<1x2560xf32>, vector<1x2560xf32>, vector<1x2560xf32>, vector<1x2560xf32>, vector<1x2560xf32>, vector<1x2560xf32>, vector<1x2560xf32>, vector<1x2560xf32>, vector<1x2560xf32>, vector<1x2560xf32> -> vector<16x2560xf32>
    %iota3A = tpu.iota {dimensions = array<i32: 0>} : vector<16x128xi32>
    %iota3A_85 = tpu.iota {dimensions = array<i32: 1>} : vector<16x128xi32>
    %add3A_86 = arith.constant 0 : i32
    %add3A_87 = vector.broadcast %add3A_86 : i32 to vector<16x128xi32>
    %add3A_88 = arith.addi %iota3A, %add3A_87 : vector<16x128xi32>
    %eq3A = arith.cmpi eq, %add3A_88, %iota3A_85 : vector<16x128xi32>
    %convert_element_type3A = arith.extui %eq3A : vector<16x128xi1> to vector<16x128xi32>
    %convert_element_type3A_89 = arith.sitofp %convert_element_type3A : vector<16x128xi32> to vector<16x128xf32>
    %dot_general3A_90 = arith.constant dense<0.000000e+00> : vector<2560x128xf32>
    %dot_general3A_91 = tpu.matmul %concatenate3A, %convert_element_type3A_89, %dot_general3A_90 {dimension_numbers = #tpu.dot_dimension_numbers<[0], [0], [1], [1], [0, 1, 1, 1], [], []>, transpose_lhs_hint = false} : vector<16x2560xf32>, vector<16x128xf32>, vector<2560x128xf32> -> vector<2560x128xf32>
    %swap3A = arith.constant 0 : index
    %swap3A_92 = arith.constant 0 : index
    %swap3A_93 = vector.load %arg8[%swap3A, %swap3A_92] : memref<2560x128xf32, #tpu.memory_space<vmem>>, vector<2560x128xf32>
    tpu.vector_store %arg8[%swap3A, %swap3A_92], %dot_general3A_91 {strides = array<i32>} : memref<2560x128xf32, #tpu.memory_space<vmem>>, vector<2560x128xf32>,
    return
  }
  func.func @transform_0(%arg0: i32) -> (i32, i32) {
    %c0_i32 = arith.constant 0 : i32
    %c0_i32_0 = arith.constant 0 : i32
    return %arg0, %c0_i32 : i32, i32
  }
  func.func @transform_1(%arg0: i32) -> (i32, i32) {
    %c0_i32 = arith.constant 0 : i32
    %c0_i32_0 = arith.constant 0 : i32
    return %arg0, %c0_i32 : i32, i32
  }
  func.func @transform_2(%arg0: i32) -> (i32, i32) {
    %c0_i32 = arith.constant 0 : i32
    %c0_i32_0 = arith.constant 0 : i32
    return %c0_i32, %arg0 : i32, i32
  }
  func.func @transform_3(%arg0: i32) -> (i32, i32) {
    %c0_i32 = arith.constant 0 : i32
    %c0_i32_0 = arith.constant 0 : i32
    %c0_i32_1 = arith.constant 0 : i32
    return %c0_i32, %c0_i32_0 : i32, i32
  }
  func.func @transform_4(%arg0: i32) -> (i32, i32) {
    %c0_i32 = arith.constant 0 : i32
    %c0_i32_0 = arith.constant 0 : i32
    %c0_i32_1 = arith.constant 0 : i32
    return %c0_i32, %c0_i32_0 : i32, i32
  }
  func.func @transform_5(%arg0: i32) -> (i32, i32) {
    %c0_i32 = arith.constant 0 : i32
    %c0_i32_0 = arith.constant 0 : i32
    %c0_i32_1 = arith.constant 0 : i32
    return %c0_i32, %c0_i32_0 : i32, i32
  }
  func.func @transform_6(%arg0: i32) -> (i32, i32) {
    %c0_i32 = arith.constant 0 : i32
    %c0_i32_0 = arith.constant 0 : i32
    %c0_i32_1 = arith.constant 0 : i32
    return %c0_i32, %c0_i32_0 : i32, i32
  }
  func.func @transform_7(%arg0: i32) -> (i32, i32) {
    %c0_i32 = arith.constant 0 : i32
    %c0_i32_0 = arith.constant 0 : i32
    return %arg0, %c0_i32 : i32, i32
  }
}

</mosaic_0001>

<sc_bundles>
// kernel: kernel.10.cloned.1.call-start
scs
__scs_entry_jumppad:
0x0: {  	(pc) =	sbr.rel $0x88, $3  }
0x1: {  	(tag) =	ssettag $0x0;
	lr =	simm.s32 $0x1  }
0x2: {  	[smem:$0x3F99] =	sst lr;
	_ =	strace $0xD0000000  }
0x3: {  	_ = 	snop  }
0x4: {  	_ = 	snop  }
0x5: {  	_ = 	snop  }
0x6: {  	_ = 	snop  }
0x7: {  	_ = 	snop  }
__scs_overlays_trampoline_lowered:
0x8: {  	[smem:$0x3FA8] =	sst s0  }
0x9: {  	[smem:$0x3FA9] =	sst s1  }
0xa: {  	[smem:$0x3FAA] =	sst s2  }
0xb: {  	[smem:$0x3FAB] =	sst s3  }
0xc: {  	[smem:$0x3FAC] =	sst s4  }
0xd: {  	[smem:$0x3FAD] =	sst s5  }
0xe: {  	[smem:$0x3FAE] =	sst s6  }
0xf: {  	[smem:$0x3FAF] =	sst s7  }
0x10: {  	[smem:$0x3FB0] =	sst s8  }
0x11: {  	[smem:$0x3FB1] =	sst s9;
	s0 =	simm.s32 @!p0 $0x0  }
0x12: {  	s1 =	sld [smem:$0x3F97];
	s0 =	simm.s32 @p0 $0x1  }
0x13: {  	[smem:$0x3FB2] =	sst s0;
	s0 =	simm.s32 @!p1 $0x0  }
0x14: {  	s2 =	sld [smem:$0x3F96];
	s0 =	simm.s32 @p1 $0x1  }
0x15: {  	[smem:$0x3FB3] =	sst s0;
	s0 =	simm.s32 @!p2 $0x0  }
0x16: {  	s3 =	sld [smem:$0x3FDB];
	s0 =	simm.s32 @p2 $0x1  }
0x17: {  	s4 =	simm.s32 $0x1BF5;
	[smem:$0x3FB5] =	sst s0  }
0x18: {  	s0 =	sld [smem:$0x3F98];
	_ =	swait.ge [sflag:s4], $0x0  }
0x19: {  	s7 =	sld [smem:$0x3F99]  }
0x1a: {  	s8 =	sadd.s32 $0xFFFFE003, lr  }
0x1b: {  	s9 =	sadd.s32 $0xFFFFFEF7, lr;
	s5 =	simm.s32 $0xFFFFFFFF;
	p2 =	slt.u32 s8, $0xFFFFF086  }
0x1c: {  	p1 =	slt.u32 s9, $0xF7A;
	s5 =	simm.s32 @!p2 $0x0  }
0x1d: {  	s5 =	simm.s32 @p1 $0x1;
	p0 =	seq.s32 s7, s2  }
0x1e: {  	s7 =	smul.u32 @!p0 $0xF7A, s2;
	p2 =	seq.s32 @!p0 s5, $0x0  }
0x1f: {  	s9 =	smul.u32 $0xF7A, s1;
	s8 =	simm.s32 @!p0 $0x1BF5;
	p2 =	por !p2, p0  }
0x20: {  	[sflag:s8] =	ssyncset.s32 @!p0 $0xFFFFF086;
	s6 =	sadd.s32 @!p0 s3, s7;
	s7 =	simm.s32 @!p0 $0x108  }
0x21: {  	s3 =	sadd.s32 s3, s9;
	s6 =	sadd.s32 @!p0 $0x88, s6;
	s7 =	simm.s32 @p2 $0x1082  }
0x22: {  	[simem:s7], [sflag:s8] =	dma.local @!p0 [hbm:s6], $0xF7A  }
0x23: {  	s9 =	sor.u32 $0xD0000000, s2;
	s6 =	simm.s32 $0x108;
	_ =	swait.ge @!p0 [sflag:s8], $0x0  }
0x24: {  	s3 =	sadd.s32 $0x88, s3;
	s6 =	simm.s32 @!p1 $0x1082;
	[sflag:s4] =	ssyncset.s32 $0xFFFFF086  }
0x25: {  	[simem:s6], [sflag:s4] =	dma.local [hbm:s3], $0xF7A  }
0x26: {  	[smem:$0x3F99] =	sst s1;
	(tag) =	ssettag s2;
	_ =	strace s9  }
0x27: {  	s1 =	sld [smem:$0x3FA9]  }
0x28: {  	s2 =	sld [smem:$0x3FAA]  }
0x29: {  	s4 =	sld [smem:$0x3FAC]  }
0x2a: {  	p0 =	seq.s32 s5, $0x0;
	s5 =	sld [smem:$0x3FAD]  }
0x2b: {  	s6 =	sld [smem:$0x3FAE]  }
0x2c: {  	s7 =	sld [smem:$0x3FAF]  }
0x2d: {  	s3 =	simm.s32 $0x108;
	s8 =	sld [smem:$0x3FB0]  }
0x2e: {  	s3 =	simm.s32 @!p0 $0x1082;
	s9 =	sld [smem:$0x3FB1]  }
0x2f: {  	lr =	sadd.s32 s0, s3;
	s0 =	sld [smem:$0x3FA8]  }
0x30: {  	s3 =	sld [smem:$0x3FAB]  }
0x31: {  	[smem:$0x3FB4] =	sst s10  }
0x32: {  	s10 =	sld [smem:$0x3FB2];
	_ =	sdelay $0x3  }
0x33: {  	p0 =	seq.s32 s10, $0x1;
	s10 =	sld [smem:$0x3FB4];
	_ =	sdelay $0x3  }
0x34: {  	[smem:$0x3FB4] =	sst s10  }
0x35: {  	s10 =	sld [smem:$0x3FB3];
	_ =	sdelay $0x3  }
0x36: {  	p1 =	seq.s32 s10, $0x1;
	s10 =	sld [smem:$0x3FB4];
	_ =	sdelay $0x3  }
0x37: {  	[smem:$0x3FB4] =	sst s10  }
0x38: {  	s10 =	sld [smem:$0x3FB5]  }
0x39: {  	_ = 	snop;
	(pc) =	sbr.ind lr, $3  }
0x3a: {  	_ = 	snop  }
0x3b: {  	_ = 	snop  }
0x3c: {  	p2 =	seq.s32 s10, $0x1;
	s10 =	sld [smem:$0x3FB4]  }
0x3d: {  	_ =	shalt  }
0x3e: {  	_ =	shalt  }
0x3f: {  	_ =	shalt  }
0x40: {  	_ =	shalt  }
0x41: {  	_ =	shalt  }
0x42: {  	_ =	shalt  }
0x43: {  	_ =	shalt  }
0x44: {  	_ =	shalt  }
0x45: {  	_ =	shalt  }
0x46: {  	_ =	shalt  }
0x47: {  	_ =	shalt  }
0x48: {  	_ =	shalt  }
0x49: {  	_ =	shalt  }
0x4a: {  	_ =	shalt  }
0x4b: {  	_ =	shalt  }
0x4c: {  	_ =	shalt  }
0x4d: {  	_ =	shalt  }
0x4e: {  	_ =	shalt  }
0x4f: {  	_ =	shalt  }
0x50: {  	_ =	shalt  }
0x51: {  	_ =	shalt  }
0x52: {  	_ =	shalt  }
0x53: {  	_ =	shalt  }
0x54: {  	_ =	shalt  }
0x55: {  	_ =	shalt  }
0x56: {  	_ =	shalt  }
0x57: {  	_ =	shalt  }
0x58: {  	_ =	shalt  }
0x59: {  	_ =	shalt  }
0x5a: {  	_ =	shalt  }
0x5b: {  	_ =	shalt  }
0x5c: {  	_ =	shalt  }
0x5d: {  	_ =	shalt  }
0x5e: {  	_ =	shalt  }
0x5f: {  	_ =	shalt  }
0x60: {  	_ =	shalt  }
0x61: {  	_ =	shalt  }
0x62: {  	_ =	shalt  }
0x63: {  	_ =	shalt  }
0x64: {  	_ =	shalt  }
0x65: {  	_ =	shalt  }
0x66: {  	_ =	shalt  }
0x67: {  	_ =	shalt  }
0x68: {  	_ =	shalt  }
0x69: {  	_ =	shalt  }
0x6a: {  	_ =	shalt  }
0x6b: {  	_ =	shalt  }
0x6c: {  	_ =	shalt  }
0x6d: {  	_ =	shalt  }
0x6e: {  	_ =	shalt  }
0x6f: {  	_ =	shalt  }
0x70: {  	_ =	shalt  }
0x71: {  	_ =	shalt  }
0x72: {  	_ =	shalt  }
0x73: {  	_ =	shalt  }
0x74: {  	_ =	shalt  }
0x75: {  	_ =	shalt  }
0x76: {  	_ =	shalt  }
0x77: {  	_ =	shalt  }
0x78: {  	_ =	shalt  }
0x79: {  	_ =	shalt  }
0x7a: {  	_ =	shalt  }
0x7b: {  	_ =	shalt  }
0x7c: {  	_ =	shalt  }
0x7d: {  	_ =	shalt  }
0x7e: {  	_ =	shalt  }
0x7f: {  	_ =	shalt  }
0x80: {  	_ =	shalt  }
0x81: {  	_ =	shalt  }
0x82: {  	_ =	shalt  }
0x83: {  	_ =	shalt  }
0x84: {  	_ =	shalt  }
0x85: {  	_ =	shalt  }
0x86: {  	_ =	shalt  }
0x87: {  	_ =	shalt  }
.Lfunc_end0:
.L_simem_size_0:
called_computation.1_lowered:
.L_overlay_start_0:
0x88: {  	s2 =	sld [smem:$0x3FD9]  }
0x89: {  	s3 =	sld [smem:$0x3FFE];
	_ =	sdelay $0x1  }
0x8a: {  	s1 =	srdreg.scid  }
0x8b: {  	s0 =	sand.u32 $0x1, s1  }
0x8c: {  	s16 =	sshll.u32 s0, $0xA;
	s2 =	sadd.s32 s3, s2  }
0x8d: {  	s2 =	sadd.s32 s2, s16  }
0x8e: {  	[smem:$0x3FC0] =	sst s2  }
0x8f: {  	_ = 	snop  }
0x90: {  	(tm) =	ssettm $0x1  }
0x91: {  	s17 =	sld [smem:$0x3FFB];
	_ =	sdelay $0x3  }
0x92: {  	_ =	strace s17  }
0x93: {  	s2 =	sld [smem:$0x3FFC];
	_ =	sdelay $0x3  }
0x94: {  	_ =	strace s2  }
0x95: {  	s2 =	sld [smem:$0x3FFD];
	_ =	sdelay $0x3  }
0x96: {  	_ =	strace s2  }
0x97: {  	_ =	strace $0x8FFFFFFF  }
0x98: {  	s18 =	sld [smem:$0x3FDB];
	_ =	sdelay $0x1  }
0x99: {  	s19 =	simm.s32 $_scs_section_size  }
0x9a: {  	s4 =	simm.s32 $_size__tile_overlayer_lowered;
	s5 =	simm.s32 $_tile_overlayer_lowered  }
0x9b: {  	s22 =	simm.s32 $0x1BFF;
	s21 =	sshll.u32 s5, $0x1;
	s2 =	sadd.s32 s19, s18  }
0x9c: {  	s6 =	simm.s32 $0x0;
	s20 =	sshll.u32 s4, $0x1;
	s4 =	sadd.s32 s21, s2  }
0x9d: {  	[timem:s6], [sflag:s22] =	dma.local [hbm:s4], s20  }
0x9e: {  	_ =	swait.ge [sflag:s22], s20  }
0x9f: {  	s3 =	ssub.s32 $0x0, s20;
	[sflag:s22] =	ssyncset.done $0x0  }
0xa0: {  	[sflag:s22] =	ssyncadd.s32 s3;
	_ =	sdelay $0x1  }
0xa1: {  	s23 =	simm.s32 $0x1B8B  }
0xa2: {  	_ =	swait.ge [sflag:s23], $0x1  }
0xa3: {  	[sflag:s23] =	ssyncset.done $0x0  }
0xa4: {  	s25 =	simm.s32 $0x1B8E;
	s24 =	sld [smem:$0x3FFE];
	[sflag:s23] =	ssyncadd.s32 $0xFFFFFFFF  }
0xa5: {  	s26 =	simm.s32 $execute0_lowered;
	[smem:$0x3FD2] =	sst s25  }
0xa6: {  	s4 =	sshll.u32 s26, $0x1;
	_ =	strace $0x80000049;
	[dreg:$0x1] =	wrdreg $0xFFFFFFFF  }
0xa7: {  	s28 =	simm.s32 $_size_execute0_lowered;
	s2 =	sadd.s32 s2, s4;
	[dreg:$0x0] =	wrdreg $0x0  }
0xa8: {  	s4 =	sshll.u32 s28, $0x1;
	[dreg:$0x2] =	wrdreg s2  }
0xa9: {  	[dreg:$0x3] =	wrdreg s4  }
0xaa: {  	[dreg:$0x4] =	wrdreg $0xC0  }
0xab: {  	_ =	task [dreg:s6], $0x5FFFF  }
0xac: {  	[dreg:$0x1] =	wrdreg $0xFFFFFFFF  }
0xad: {  	[dreg:$0x0] =	wrdreg $0x60  }
0xae: {  	[dreg:$0x2] =	wrdreg s24  }
0xaf: {  	[dreg:$0x3] =	wrdreg $0x79000  }
0xb0: {  	[dreg:$0x4] =	wrdreg $0x9  }
0xb1: {  	_ =	task.clear_ibuf [dreg:s6], $0x5FFFF;
	_ =	strace $0x90000049  }
0xb2: {  	s29 =	simm.s32 $0x9;
	_ =	strace $0x8000004B  }
0xb3: {  	_ =	swait.ge [sflag:s29], $0x1  }
0xb4: {  	[sflag:s29] =	ssyncadd.s32 $0xFFFFFFFF  }
0xb5: {  	_ =	strace $0x9000004B  }
0xb6: {  	_ =	sfence  }
0xb7: {  	s30 =	sld [smem:$0x0];
	_ =	sdelay $0x2  }
0xb8: {  	s31 =	sshll.u32 s1, $0xD;
	s1 =	sshrl.u32 s1, $0x2  }
0xb9: {  	s3 =	sand.u32 $0x4000, s31;
	s1 =	sadd.s32 s1, s30  }
0xba: {  	s0 =	sor.u32 s3, s0;
	s1 =	sshll.u32 s1, $0x11  }
0xbb: {  	s0 =	sor.u32 s1, s0  }
0xbc: {  	s0 =	sadd.s32 $0x8F2B, s0  }
0xbd: {  	[sflag:s0] =	ssyncadd.remote.s32 $0x1  }
0xbe: {  	_ =	sfence.sel $0xFFFF  }
0xbf: {  	[dreg:$0x0] =	wrdreg $0xFFFFFFFF;
	(pc) =	sbr.abs _section_cstart, $3  }
0xc0: {  	[dreg:$0x1] =	wrdreg $0xFFFFFFFF  }
0xc1: {  	_ =	task.clear_ibuf [dreg:s6], $0x2FFFF;
	_ =	strace $0x9FFFFFFF  }
0xc2: {  	(tm) =	ssettm $0x7FFFFFFF  }
0xc3: {  	_ =	shalt  }
tec
execute0_lowered:
.L_overlay_start_1:
0x0: {  	(tag) =	ssettag $0x1  }
0x1: {  	s18 =	stileid.u32  }
0x2: {  	s17 =	smul.u32 $0x280, s18  }
0x3: {  	s0 =	rddreg [dreg:$0x0];
	s22 =	smul.u32 $0x2800, s18  }
0x4: {  	s2 =	srdreg.scid;
	s13 =	smul.u32 $0x4E20, s18  }
0x5: {  	s1 =	simm.s32 $0x0;
	s2 =	sand.u32 $0x1, s2;
	s25 =	smul.u32 $0x4E200, s18  }
0x6: {  	s31 =	simm.s32 $0x5100;
	s3 =	sshll.u32 s18, $0x1;
	s4 =	smul.u32 $0x28000, s2  }
0x7: {  	[smem:$0x7FF] =	sst s1;
	s5 =	sadd.s32 $0xA27400, s0;
	s24 =	smul.u32 $0x2710, s2  }
0x8: {  	s3 =	sor.u32 s2, s3;
	s6 =	ssub.s32 $0x2, s2;
	s2 =	smul.u32 $0x27100, s2  }
0x9: {  	s9 =	sadd.s32 $0xB200, s0;
	s7 =	smul.u32 $0x2710, s3;
	s8 =	sshrl.u32 s6, $0x1  }
0xa: {  	s3 =	smul.u32 $0x27100, s3;
	s10 =	sadd.s32 $0xA0, s17;
	s11 =	sadd.s32 $0xF0, s17  }
0xb: {  	s12 =	sadd.s32 $0x140, s17;
	s28 =	sadd.s32 $0x1E0, s17;
	s29 =	sadd.s32 $0x230, s17  }
0xc: {  	s0 =	sadd.s32 s4, s0;
	s4 =	ssub.s32 s6, s8;
	s15 =	sshll.u32 s10, $0x4  }
0xd: {  	s26 =	sshll.u32 s11, $0x4;
	s16 =	sshrl.u32 s7, $0x3;
	s3 =	sadd.s32 s5, s3  }
0xe: {  	s19 =	sadd.s32 $0x50, s7;
	s20 =	sadd.s32 $0xA0, s7;
	s0 =	sadd.s32 $0x15000, s0  }
0xf: {  	s7 =	sor.u32 $0x50, s17;
	s6 =	sadd.s32 s9, s16;
	[dreg:$0x4] =	wrdreg s3  }
0x10: {  	s16 =	sadd.s32 $0x190, s17;
	s21 =	sshrl.u32 s19, $0x3;
	s3 =	sshll.u32 s19, $0x4  }
0x11: {  	s23 =	sshrl.u32 s20, $0x3;
	s14 =	sshll.u32 s7, $0x4;
	[dreg:$0x3] =	wrdreg s6  }
0x12: {  	s8 =	sadd.s32 s9, s21;
	s3 =	sadd.s32 s5, s3;
	s6 =	sshll.u32 s20, $0x4  }
0x13: {  	s20 =	sshll.u32 s16, $0x4;
	s21 =	sadd.s32 s14, s0;
	[dreg:$0x5] =	wrdreg s8  }
0x14: {  	[dreg:$0x6] =	wrdreg s3;
	s8 =	sadd.s32 s9, s23;
	s6 =	sadd.s32 s5, s6  }
0x15: {  	s5 =	sadd.s32 s25, s5;
	s3 =	sadd.s32 s22, s0;
	[dreg:$0xa] =	wrdreg s21  }
0x16: {  	s22 =	sadd.s32 s15, s0;
	s23 =	sadd.s32 s26, s0;
	[dreg:$0x7] =	wrdreg s8  }
0x17: {  	s15 =	sadd.s32 s20, s0;
	s25 =	sshll.u32 s28, $0x4;
	[dreg:$0x8] =	wrdreg s6  }
0x18: {  	s26 =	sshll.u32 s29, $0x4;
	s21 =	smax.u32 s4, $0x1;
	[dreg:$0x9] =	wrdreg s3  }
0x19: {  	s4 =	simm.s32 $0x1;
	s6 =	sadd.s32 s24, s13;
	[dreg:$0xb] =	wrdreg s22  }
0x1a: {  	s2 =	sadd.s32 s2, s5;
	[dreg:$0xc] =	wrdreg s23;
	s24 =	smul.u32 $0x50000, s18  }
0x1b: {  	s18 =	rddreg [dreg:$0x1];
	s13 =	sshll.u32 s28, $0x7;
	s3 =	simm.s32 $0x2900  }
0x1c: {  	s17 =	sadd.s32 $0x140, s6;
	s6 =	sadd.s32 $0xF0, s6;
	_ =	strace $0x8000004A  }
0x1d: {  	s28 =	sadd.s32 s13, s18;
	s30 =	sadd.s32 $0x1400, s2;
	s2 =	simm.s32 $0x80  }
0x1e: {  	s19 =	sshrl.u32 s17, $0x3;
	s6 =	sshrl.u32 s6, $0x3;
	s17 =	sshll.u32 s12, $0x4  }
0x1f: {  	s5 =	sshrl.u32 s24, $0x2;
	s8 =	sadd.s32 s19, s9;
	s9 =	sadd.s32 s6, s9  }
0x20: {  	s14 =	sadd.s32 s17, s0;
	s17 =	sadd.s32 s25, s0;
	s19 =	sadd.s32 s26, s0  }
0x21: {  	s20 =	sadd.s32 s5, s18;
	s6 =	sshll.u32 s7, $0x7;
	s7 =	sshll.u32 s10, $0x7  }
0x22: {  	s10 =	sshll.u32 s11, $0x7;
	s11 =	sshll.u32 s12, $0x7;
	s12 =	sshll.u32 s16, $0x7  }
0x23: {  	s16 =	sshll.u32 s29, $0x7;
	s0 =	simm.s32 $0x100;
	s5 =	simm.s32 $0x50  }
0x24: {  	s22 =	sadd.s32 s6, s18;
	s23 =	sadd.s32 s7, s18;
	s24 =	sadd.s32 s10, s18  }
0x25: {  	s25 =	sadd.s32 s11, s18;
	s26 =	sadd.s32 s12, s18;
	s29 =	sadd.s32 s16, s18  }
0x26: {  	v0 =	vimm.f32 $0.0e+00;
	s16 =	simm.s32 $0x3;
	s6 =	simm.s32 $0x2;
	s7 =	simm.s32 $0x0  }
.LBB2_1:
0x27: {  	s10 =	sand.u32 $0xFE00, s1  }
0x28: {  	s11 =	sand.u32 $0x70, s1;
	s12 =	sshrl.u32 s10, $0x2  }
0x29: {  	s10 =	simm.s32 $0x40;
	s12 =	sor.u32 s11, s12;
	s11 =	simm.s32 $0x0  }
.LBB2_2:
0x2a: {  	p0 =	sne.s32 s10, $0x9FC0  }
0x2b: {  	[tilespmem:s12+$0x5100] =	vst v0;
	s11 =	sadd.s32 $0x10, s11;
	s12 =	smov.u32 s10;
	s10 =	sadd.s32 $0x40, s10  }
.Ltmp0:
0x2c: {  	(pc) =	sbr.rel @p0 .LBB2_2-.Ltmp0, $4  }
0x2d: {  	_ = 	snop  }
0x2e: {  	s12 =	sand.u32 $0xFE00, s12  }
0x2f: {  	s13 =	sand.u32 $0x70, s11;
	s12 =	sshrl.u32 s12, $0x2  }
0x30: {  	s12 =	sor.u32 s13, s12  }
0x31: {  	[tilespmem:s12+$0x5100] =	vst v0  }
0x32: {  	[spmem:s20] =	stream.linear.scatter [tilespmem:s31], [sflag:$0x3], $0x2800, $0x38;
	[tilespmem:$0x1B900] =	vst v63  }
0x33: {  	_ =	swait.ge [sflag:s16], $0x2800  }
0x34: {  	[sflag:s16] =	ssyncset.done $0x0  }
0x35: {  	[sflag:s16] =	ssyncadd.s32 $0xFFFFD800  }
0x36: {  	[spmem:s22] =	stream.linear.scatter [tilespmem:s31], [sflag:$0x3], $0x2800, $0x38;
	[tilespmem:$0x1B900] =	vst v63  }
0x37: {  	_ =	swait.ge [sflag:s16], $0x2800  }
0x38: {  	[sflag:s16] =	ssyncset.done $0x0  }
0x39: {  	[sflag:s16] =	ssyncadd.s32 $0xFFFFD800  }
0x3a: {  	[spmem:s23] =	stream.linear.scatter [tilespmem:s31], [sflag:$0x3], $0x2800, $0x38;
	[tilespmem:$0x1B900] =	vst v63  }
0x3b: {  	_ =	swait.ge [sflag:s16], $0x2800  }
0x3c: {  	[sflag:s16] =	ssyncset.done $0x0  }
0x3d: {  	[sflag:s16] =	ssyncadd.s32 $0xFFFFD800  }
0x3e: {  	[spmem:s24] =	stream.linear.scatter [tilespmem:s31], [sflag:$0x3], $0x2800, $0x38;
	[tilespmem:$0x1B900] =	vst v63  }
0x3f: {  	_ =	swait.ge [sflag:s16], $0x2800  }
0x40: {  	[sflag:s16] =	ssyncset.done $0x0  }
0x41: {  	[sflag:s16] =	ssyncadd.s32 $0xFFFFD800  }
0x42: {  	[spmem:s25] =	stream.linear.scatter [tilespmem:s31], [sflag:$0x3], $0x2800, $0x38;
	[tilespmem:$0x1B900] =	vst v63  }
0x43: {  	_ =	swait.ge [sflag:s16], $0x2800  }
0x44: {  	[sflag:s16] =	ssyncset.done $0x0  }
0x45: {  	[sflag:s16] =	ssyncadd.s32 $0xFFFFD800  }
0x46: {  	[spmem:s26] =	stream.linear.scatter [tilespmem:s31], [sflag:$0x3], $0x2800, $0x38;
	[tilespmem:$0x1B900] =	vst v63  }
0x47: {  	_ =	swait.ge [sflag:s16], $0x2800  }
0x48: {  	[sflag:s16] =	ssyncset.done $0x0  }
0x49: {  	[sflag:s16] =	ssyncadd.s32 $0xFFFFD800  }
0x4a: {  	[spmem:s28] =	stream.linear.scatter [tilespmem:s31], [sflag:$0x3], $0x2800, $0x38;
	[tilespmem:$0x1B900] =	vst v63  }
0x4b: {  	_ =	swait.ge [sflag:s16], $0x2800  }
0x4c: {  	[sflag:s16] =	ssyncset.done $0x0  }
0x4d: {  	[sflag:s16] =	ssyncadd.s32 $0xFFFFD800  }
0x4e: {  	[spmem:s29] =	stream.linear.scatter [tilespmem:s31], [sflag:$0x3], $0x2800, $0x38;
	[tilespmem:$0x1B900] =	vst v63  }
0x4f: {  	_ =	swait.ge [sflag:s16], $0x2800  }
0x50: {  	[sflag:s16] =	ssyncset.done $0x0  }
0x51: {  	[sflag:s16] =	ssyncadd.s32 $0xFFFFD800  }
0x52: {  	[bflag:$0x0] =	sbarrier.arrive $0xFFFF  }
0x53: {  	s10 =	simm.s32 $0x0;
	s11 =	rddreg [dreg:$0x3]  }
0x54: {  	[tilespmem:s10], [sflag:$0x1] =	stream.linear.gather [hbm4b:s11+s10], $0x50, $0x38;
	[tilespmem:$0x1B900] =	vst v63  }
0x55: {  	s13 =	rddreg [dreg:$0x4]  }
0x56: {  	[tilespmem:s0], [sflag:$0x1] =	stream.linear.gather [hbm4b:s13+s10], $0x2800, $0x38;
	[tilespmem:$0x1B900] =	vst v63  }
0x57: {  	s12 =	rddreg [dreg:$0x5]  }
0x58: {  	[tilespmem:s2], [sflag:$0x1] =	stream.linear.gather [hbm4b:s12+s10], $0x50, $0x38;
	[tilespmem:$0x1B900] =	vst v63  }
0x59: {  	s13 =	rddreg [dreg:$0x6]  }
0x5a: {  	[tilespmem:s3], [sflag:$0x1] =	stream.linear.gather [hbm4b:s13+s10], $0x2800, $0x38;
	[tilespmem:$0x1B900] =	vst v63  }
0x5b: {  	_ =	swait.ge [sflag:s4], $0x50  }
0x5c: {  	[sflag:s4] =	ssyncset.done $0x0  }
0x5d: {  	[sflag:s4] =	ssyncadd.s32 $0xFFFFFFB0  }
0x5e: {  	_ =	swait.ge [sflag:s4], $0x2800  }
0x5f: {  	[sflag:s4] =	ssyncset.done $0x0  }
0x60: {  	[sflag:s4] =	ssyncadd.s32 $0xFFFFD800  }
0x61: {  	[spmem:s18] =	stream.indirect.scatter.add.f32 [tilespmem:s0], [sflag:$0x2], $0x80, s10, s5, $0xb8;
	[tilespmem:$0x1B900] =	vst v63  }
0x62: {  	_ =	swait.ge [sflag:s6], $0x2800  }
0x63: {  	[sflag:s6] =	ssyncset.done $0x0  }
0x64: {  	s12 =	rddreg [dreg:$0x7];
	[sflag:s6] =	ssyncadd.s32 $0xFFFFD800  }
0x65: {  	[tilespmem:s10], [sflag:$0x1] =	stream.linear.gather [hbm4b:s12+s10], $0x50, $0x38;
	[tilespmem:$0x1B900] =	vst v63  }
0x66: {  	s13 =	rddreg [dreg:$0x8]  }
0x67: {  	[tilespmem:s0], [sflag:$0x1] =	stream.linear.gather [hbm4b:s13+s10], $0x2800, $0x38;
	[tilespmem:$0x1B900] =	vst v63  }
0x68: {  	_ =	swait.ge [sflag:s4], $0x50  }
0x69: {  	[sflag:s4] =	ssyncset.done $0x0  }
0x6a: {  	[sflag:s4] =	ssyncadd.s32 $0xFFFFFFB0  }
0x6b: {  	_ =	swait.ge [sflag:s4], $0x2800  }
0x6c: {  	[sflag:s4] =	ssyncset.done $0x0  }
0x6d: {  	[sflag:s4] =	ssyncadd.s32 $0xFFFFD800  }
0x6e: {  	[spmem:s18] =	stream.indirect.scatter.add.f32 [tilespmem:s3], [sflag:$0x2], $0x80, s2, s5, $0xb8;
	[tilespmem:$0x1B900] =	vst v63  }
0x6f: {  	_ =	swait.ge [sflag:s6], $0x2800  }
0x70: {  	[sflag:s6] =	ssyncset.done $0x0  }
0x71: {  	s11 =	sadd.s32 $0x0, s9;
	[sflag:s6] =	ssyncadd.s32 $0xFFFFD800  }
0x72: {  	[tilespmem:s2], [sflag:$0x1] =	stream.linear.gather [hbm4b:s11+s1], $0x50, $0x38;
	[tilespmem:$0x1B900] =	vst v63  }
0x73: {  	s12 =	sadd.s32 $0xFFFFFB00, s30  }
0x74: {  	[tilespmem:s3], [sflag:$0x1] =	stream.linear.gather [hbm4b:s12+s1], $0x2800, $0x38;
	[tilespmem:$0x1B900] =	vst v63  }
0x75: {  	_ =	swait.ge [sflag:s4], $0x50  }
0x76: {  	[sflag:s4] =	ssyncset.done $0x0  }
0x77: {  	[sflag:s4] =	ssyncadd.s32 $0xFFFFFFB0  }
0x78: {  	_ =	swait.ge [sflag:s4], $0x2800  }
0x79: {  	[sflag:s4] =	ssyncset.done $0x0  }
0x7a: {  	[sflag:s4] =	ssyncadd.s32 $0xFFFFD800  }
0x7b: {  	[spmem:s18] =	stream.indirect.scatter.add.f32 [tilespmem:s0], [sflag:$0x2], $0x80, s1, s5, $0xb8;
	[tilespmem:$0x1B900] =	vst v63  }
0x7c: {  	_ =	swait.ge [sflag:s6], $0x2800  }
0x7d: {  	[sflag:s6] =	ssyncset.done $0x0  }
0x7e: {  	s13 =	sadd.s32 $0x0, s8;
	[sflag:s6] =	ssyncadd.s32 $0xFFFFD800  }
0x7f: {  	[tilespmem:s1], [sflag:$0x1] =	stream.linear.gather [hbm4b:s13+s1], $0x50, $0x38;
	[tilespmem:$0x1B900] =	vst v63  }
0x80: {  	_ = 	snop  }
0x81: {  	[tilespmem:s0], [sflag:$0x1] =	stream.linear.gather [hbm4b:s30+s1], $0x2800, $0x38;
	[tilespmem:$0x1B900] =	vst v63  }
0x82: {  	_ =	swait.ge [sflag:s4], $0x50  }
0x83: {  	[sflag:s4] =	ssyncset.done $0x0  }
0x84: {  	[sflag:s4] =	ssyncadd.s32 $0xFFFFFFB0  }
0x85: {  	_ =	swait.ge [sflag:s4], $0x2800  }
0x86: {  	[sflag:s4] =	ssyncset.done $0x0  }
0x87: {  	s10 =	simm.s32 $0x14;
	s11 =	sadd.s32 $0xA00, s30;
	[sflag:s4] =	ssyncadd.s32 $0xFFFFD800  }
.LBB2_4:
0x88: {  	[spmem:s18] =	stream.indirect.scatter.add.f32 [tilespmem:s3], [sflag:$0x2], $0x80, s2, s5, $0xb8;
	[tilespmem:$0x1B900] =	vst v63  }
0x89: {  	s12 =	smov.u32 s10  }
0x8a: {  	p0 =	sne.s32 s10, $0x4B0;
	s10 =	sadd.s32 $0x14, s10;
	_ =	swait.ge [sflag:s6], $0x2800  }
0x8b: {  	[sflag:s6] =	ssyncset.done $0x0  }
0x8c: {  	s13 =	sadd.s32 s12, s9;
	[sflag:s6] =	ssyncadd.s32 $0xFFFFD800  }
0x8d: {  	[tilespmem:s2], [sflag:$0x1] =	stream.linear.gather [hbm4b:s13+s1], $0x50, $0x38;
	[tilespmem:$0x1B900] =	vst v63  }
0x8e: {  	s13 =	sadd.s32 $0xFFFFFB00, s11  }
0x8f: {  	[tilespmem:s3], [sflag:$0x1] =	stream.linear.gather [hbm4b:s13+s1], $0x2800, $0x38;
	[tilespmem:$0x1B900] =	vst v63  }
0x90: {  	_ =	swait.ge [sflag:s4], $0x50  }
0x91: {  	[sflag:s4] =	ssyncset.done $0x0  }
0x92: {  	[sflag:s4] =	ssyncadd.s32 $0xFFFFFFB0  }
0x93: {  	_ =	swait.ge [sflag:s4], $0x2800  }
0x94: {  	[sflag:s4] =	ssyncset.done $0x0  }
0x95: {  	[sflag:s4] =	ssyncadd.s32 $0xFFFFD800  }
0x96: {  	[spmem:s18] =	stream.indirect.scatter.add.f32 [tilespmem:s0], [sflag:$0x2], $0x80, s1, s5, $0xb8;
	[tilespmem:$0x1B900] =	vst v63  }
0x97: {  	_ =	swait.ge [sflag:s6], $0x2800  }
0x98: {  	[sflag:s6] =	ssyncset.done $0x0  }
0x99: {  	s12 =	sadd.s32 s12, s8;
	[sflag:s6] =	ssyncadd.s32 $0xFFFFD800  }
0x9a: {  	[tilespmem:s1], [sflag:$0x1] =	stream.linear.gather [hbm4b:s12+s1], $0x50, $0x38;
	[tilespmem:$0x1B900] =	vst v63  }
0x9b: {  	_ = 	snop  }
0x9c: {  	[tilespmem:s0], [sflag:$0x1] =	stream.linear.gather [hbm4b:s11+s1], $0x2800, $0x38;
	[tilespmem:$0x1B900] =	vst v63  }
0x9d: {  	_ =	swait.ge [sflag:s4], $0x50  }
.Ltmp1:
0x9e: {  	[sflag:s4] =	ssyncset.done $0x0;
	(pc) =	sbr.rel @p0 .LBB2_4-.Ltmp1, $4  }
0x9f: {  	[sflag:s4] =	ssyncadd.s32 $0xFFFFFFB0  }
0xa0: {  	_ =	swait.ge [sflag:s4], $0x2800  }
0xa1: {  	[sflag:s4] =	ssyncset.done $0x0  }
0xa2: {  	s11 =	sadd.s32 $0xA00, s11;
	[sflag:s4] =	ssyncadd.s32 $0xFFFFD800  }
0xa3: {  	[spmem:s18] =	stream.indirect.scatter.add.f32 [tilespmem:s3], [sflag:$0x2], $0x80, s2, s5, $0xb8;
	[tilespmem:$0x1B900] =	vst v63  }
0xa4: {  	_ =	swait.ge [sflag:s6], $0x2800  }
0xa5: {  	[sflag:s6] =	ssyncset.done $0x0  }
0xa6: {  	[sflag:s6] =	ssyncadd.s32 $0xFFFFD800  }
0xa7: {  	_ =	swait.ge [sflag:s4], $0x50  }
0xa8: {  	[sflag:s4] =	ssyncset.done $0x0  }
0xa9: {  	[sflag:s4] =	ssyncadd.s32 $0xFFFFFFB0  }
0xaa: {  	_ =	swait.ge [sflag:s4], $0x2800  }
0xab: {  	[sflag:s4] =	ssyncset.done $0x0  }
0xac: {  	[sflag:s4] =	ssyncadd.s32 $0xFFFFD800  }
0xad: {  	[spmem:s18] =	stream.indirect.scatter.add.f32 [tilespmem:s0], [sflag:$0x2], $0x80, s1, s5, $0xb8;
	[tilespmem:$0x1B900] =	vst v63  }
0xae: {  	_ =	swait.ge [sflag:s6], $0x2800  }
0xaf: {  	[sflag:s6] =	ssyncset.done $0x0  }
0xb0: {  	[sflag:s6] =	ssyncadd.s32 $0xFFFFD800  }
0xb1: {  	[bflag:$0x0] =	sbarrier.arrive $0xFFFF  }
0xb2: {  	[tilespmem:s31], [sflag:$0x3] =	stream.linear.gather [spmem:s20], $0x2800, $0x38;
	[tilespmem:$0x1B900] =	vst v63  }
0xb3: {  	_ =	swait.ge [sflag:s16], $0x2800  }
0xb4: {  	[sflag:s16] =	ssyncset.done $0x0  }
0xb5: {  	s10 =	rddreg [dreg:$0x9];
	[sflag:s16] =	ssyncadd.s32 $0xFFFFD800  }
0xb6: {  	[hbm4b:s10+s1] =	stream.linear.scatter [tilespmem:s31], [sflag:$0x3], $0x2800, $0x38;
	[tilespmem:$0x1B900] =	vst v63  }
0xb7: {  	_ =	swait.ge [sflag:s16], $0x2800  }
0xb8: {  	[sflag:s16] =	ssyncset.done $0x0  }
0xb9: {  	[sflag:s16] =	ssyncadd.s32 $0xFFFFD800  }
0xba: {  	[tilespmem:s31], [sflag:$0x3] =	stream.linear.gather [spmem:s22], $0x2800, $0x38;
	[tilespmem:$0x1B900] =	vst v63  }
0xbb: {  	_ =	swait.ge [sflag:s16], $0x2800  }
0xbc: {  	[sflag:s16] =	ssyncset.done $0x0  }
0xbd: {  	s11 =	rddreg [dreg:$0xa];
	[sflag:s16] =	ssyncadd.s32 $0xFFFFD800  }
0xbe: {  	[hbm4b:s11+s1] =	stream.linear.scatter [tilespmem:s31], [sflag:$0x3], $0x2800, $0x38;
	[tilespmem:$0x1B900] =	vst v63  }
0xbf: {  	_ =	swait.ge [sflag:s16], $0x2800  }
0xc0: {  	[sflag:s16] =	ssyncset.done $0x0  }
0xc1: {  	[sflag:s16] =	ssyncadd.s32 $0xFFFFD800  }
0xc2: {  	[tilespmem:s31], [sflag:$0x3] =	stream.linear.gather [spmem:s23], $0x2800, $0x38;
	[tilespmem:$0x1B900] =	vst v63  }
0xc3: {  	_ =	swait.ge [sflag:s16], $0x2800  }
0xc4: {  	[sflag:s16] =	ssyncset.done $0x0  }
0xc5: {  	s12 =	rddreg [dreg:$0xb];
	[sflag:s16] =	ssyncadd.s32 $0xFFFFD800  }
0xc6: {  	[hbm4b:s12+s1] =	stream.linear.scatter [tilespmem:s31], [sflag:$0x3], $0x2800, $0x38;
	[tilespmem:$0x1B900] =	vst v63  }
0xc7: {  	_ =	swait.ge [sflag:s16], $0x2800  }
0xc8: {  	[sflag:s16] =	ssyncset.done $0x0  }
0xc9: {  	[sflag:s16] =	ssyncadd.s32 $0xFFFFD800  }
0xca: {  	[tilespmem:s31], [sflag:$0x3] =	stream.linear.gather [spmem:s24], $0x2800, $0x38;
	[tilespmem:$0x1B900] =	vst v63  }
0xcb: {  	_ =	swait.ge [sflag:s16], $0x2800  }
0xcc: {  	[sflag:s16] =	ssyncset.done $0x0  }
0xcd: {  	s13 =	rddreg [dreg:$0xc];
	[sflag:s16] =	ssyncadd.s32 $0xFFFFD800  }
0xce: {  	[hbm4b:s13+s1] =	stream.linear.scatter [tilespmem:s31], [sflag:$0x3], $0x2800, $0x38;
	[tilespmem:$0x1B900] =	vst v63  }
0xcf: {  	_ =	swait.ge [sflag:s16], $0x2800  }
0xd0: {  	[sflag:s16] =	ssyncset.done $0x0  }
0xd1: {  	[sflag:s16] =	ssyncadd.s32 $0xFFFFD800  }
0xd2: {  	[tilespmem:s31], [sflag:$0x3] =	stream.linear.gather [spmem:s25], $0x2800, $0x38;
	[tilespmem:$0x1B900] =	vst v63  }
0xd3: {  	_ =	swait.ge [sflag:s16], $0x2800  }
0xd4: {  	[sflag:s16] =	ssyncset.done $0x0  }
0xd5: {  	[sflag:s16] =	ssyncadd.s32 $0xFFFFD800  }
0xd6: {  	[hbm4b:s14+s1] =	stream.linear.scatter [tilespmem:s31], [sflag:$0x3], $0x2800, $0x38;
	[tilespmem:$0x1B900] =	vst v63  }
0xd7: {  	_ =	swait.ge [sflag:s16], $0x2800  }
0xd8: {  	[sflag:s16] =	ssyncset.done $0x0  }
0xd9: {  	[sflag:s16] =	ssyncadd.s32 $0xFFFFD800  }
0xda: {  	[tilespmem:s31], [sflag:$0x3] =	stream.linear.gather [spmem:s26], $0x2800, $0x38;
	[tilespmem:$0x1B900] =	vst v63  }
0xdb: {  	_ =	swait.ge [sflag:s16], $0x2800  }
0xdc: {  	[sflag:s16] =	ssyncset.done $0x0  }
0xdd: {  	[sflag:s16] =	ssyncadd.s32 $0xFFFFD800  }
0xde: {  	[hbm4b:s15+s1] =	stream.linear.scatter [tilespmem:s31], [sflag:$0x3], $0x2800, $0x38;
	[tilespmem:$0x1B900] =	vst v63  }
0xdf: {  	_ =	swait.ge [sflag:s16], $0x2800  }
0xe0: {  	[sflag:s16] =	ssyncset.done $0x0  }
0xe1: {  	[sflag:s16] =	ssyncadd.s32 $0xFFFFD800  }
0xe2: {  	[tilespmem:s31], [sflag:$0x3] =	stream.linear.gather [spmem:s28], $0x2800, $0x38;
	[tilespmem:$0x1B900] =	vst v63  }
0xe3: {  	_ =	swait.ge [sflag:s16], $0x2800  }
0xe4: {  	[sflag:s16] =	ssyncset.done $0x0  }
0xe5: {  	[sflag:s16] =	ssyncadd.s32 $0xFFFFD800  }
0xe6: {  	[hbm4b:s17+s1] =	stream.linear.scatter [tilespmem:s31], [sflag:$0x3], $0x2800, $0x38;
	[tilespmem:$0x1B900] =	vst v63  }
0xe7: {  	_ =	swait.ge [sflag:s16], $0x2800  }
0xe8: {  	[sflag:s16] =	ssyncset.done $0x0  }
0xe9: {  	[sflag:s16] =	ssyncadd.s32 $0xFFFFD800  }
0xea: {  	[tilespmem:s31], [sflag:$0x3] =	stream.linear.gather [spmem:s29], $0x2800, $0x38;
	[tilespmem:$0x1B900] =	vst v63  }
0xeb: {  	s7 =	sadd.s32 $0x1, s7;
	_ =	swait.ge [sflag:s16], $0x2800  }
0xec: {  	p0 =	sne.s32 s7, s21;
	[sflag:s16] =	ssyncset.done $0x0  }
.Ltmp2:
0xed: {  	[sflag:s16] =	ssyncadd.s32 $0xFFFFD800;
	(pc) =	sbr.rel @p0 .LBB2_1-.Ltmp2, $4  }
0xee: {  	[hbm4b:s19+s1] =	stream.linear.scatter [tilespmem:s31], [sflag:$0x3], $0x2800, $0x38;
	[tilespmem:$0x1B900] =	vst v63  }
0xef: {  	_ =	swait.ge [sflag:s16], $0x2800  }
0xf0: {  	[sflag:s16] =	ssyncset.done $0x0  }
0xf1: {  	[sflag:s16] =	ssyncadd.s32 $0xFFFFD800  }
0xf2: {  	_ =	sfence.sel $0x180000  }
0xf3: {  	[bflag:$0x0] =	sbarrier.arrive $0xFFFF  }
0xf4: {  	_ =	strace $0x9000004A  }
0xf5: {  	s0 =	stileid.u32;
	[bflag:$0x2] =	sbarrier.arrive $0xFFFF  }
0xf6: {  	p0 =	sne.s32 s0, $0x0;
	s0 =	rddreg [dreg:$0x2]  }
0xf7: {  	s0 =	sadd.s32 @!p0 $0x100000, s0  }
0xf8: {  	[sflag:s0] =	ssyncadd.tile.s32 @!p0 $0x1;
	_ =	shalt  }
.Lfunc_end2:
_tile_overlayer_lowered:
.L_overlay_start_2:
0xf9: {  	(tag) =	ssettag $0x2  }
0xfa: {  	s0 =	rddreg [dreg:$0x0];
	s2 =	stileid.u32  }
0xfb: {  	s1 =	rddreg [dreg:$0x1];
	p0 =	sne.s32 s2, $0x0  }
0xfc: {  	s3 =	rddreg [dreg:$0x2];
	[bflag:$0x3] =	sbarrier.arrive $0xFFFF;
	s2 =	simm.s32 @!p0 $0x1C03  }
0xfd: {  	[timem:s3], [sflag:s2] =	dma.local @!p0 [hbm:s0], s1  }
0xfe: {  	s0 =	simm.s32 @!p0 $0x3  }
0xff: {  	_ =	swait.ge @!p0 [sflag:s0], s1  }
0x100: {  	s1 =	ssub.s32 @!p0 $0x0, s1;
	[sflag:s0] =	ssyncset.done @!p0 $0x0  }
0x101: {  	[sflag:s0] =	ssyncadd.s32 @!p0 s1  }
0x102: {  	[bflag:$0x3] =	sbarrier.arrive $0xFFFF  }
0x103: {  	_ =	shalt  }

// kernel: kernel.7.cloned.1.call-start
scs
__scs_entry_jumppad:
0x0: {  	(pc) =	sbr.rel $0x88, $3  }
0x1: {  	(tag) =	ssettag $0x0;
	lr =	simm.s32 $0x1  }
0x2: {  	[smem:$0x3F99] =	sst lr;
	_ =	strace $0xD0000000  }
0x3: {  	_ = 	snop  }
0x4: {  	_ = 	snop  }
0x5: {  	_ = 	snop  }
0x6: {  	_ = 	snop  }
0x7: {  	_ = 	snop  }
__scs_overlays_trampoline_lowered:
0x8: {  	[smem:$0x3FA8] =	sst s0  }
0x9: {  	[smem:$0x3FA9] =	sst s1  }
0xa: {  	[smem:$0x3FAA] =	sst s2  }
0xb: {  	[smem:$0x3FAB] =	sst s3  }
0xc: {  	[smem:$0x3FAC] =	sst s4  }
0xd: {  	[smem:$0x3FAD] =	sst s5  }
0xe: {  	[smem:$0x3FAE] =	sst s6  }
0xf: {  	[smem:$0x3FAF] =	sst s7  }
0x10: {  	[smem:$0x3FB0] =	sst s8  }
0x11: {  	[smem:$0x3FB1] =	sst s9;
	s0 =	simm.s32 @!p0 $0x0  }
0x12: {  	s1 =	sld [smem:$0x3F97];
	s0 =	simm.s32 @p0 $0x1  }
0x13: {  	[smem:$0x3FB2] =	sst s0;
	s0 =	simm.s32 @!p1 $0x0  }
0x14: {  	s2 =	sld [smem:$0x3F96];
	s0 =	simm.s32 @p1 $0x1  }
0x15: {  	[smem:$0x3FB3] =	sst s0;
	s0 =	simm.s32 @!p2 $0x0  }
0x16: {  	s3 =	sld [smem:$0x3FDB];
	s0 =	simm.s32 @p2 $0x1  }
0x17: {  	s4 =	simm.s32 $0x1BF5;
	[smem:$0x3FB5] =	sst s0  }
0x18: {  	s0 =	sld [smem:$0x3F98];
	_ =	swait.ge [sflag:s4], $0x0  }
0x19: {  	s7 =	sld [smem:$0x3F99]  }
0x1a: {  	s8 =	sadd.s32 $0xFFFFE003, lr  }
0x1b: {  	s9 =	sadd.s32 $0xFFFFFEF7, lr;
	s5 =	simm.s32 $0xFFFFFFFF;
	p2 =	slt.u32 s8, $0xFFFFF086  }
0x1c: {  	p1 =	slt.u32 s9, $0xF7A;
	s5 =	simm.s32 @!p2 $0x0  }
0x1d: {  	s5 =	simm.s32 @p1 $0x1;
	p0 =	seq.s32 s7, s2  }
0x1e: {  	s7 =	smul.u32 @!p0 $0xF7A, s2;
	p2 =	seq.s32 @!p0 s5, $0x0  }
0x1f: {  	s9 =	smul.u32 $0xF7A, s1;
	s8 =	simm.s32 @!p0 $0x1BF5;
	p2 =	por !p2, p0  }
0x20: {  	[sflag:s8] =	ssyncset.s32 @!p0 $0xFFFFF086;
	s6 =	sadd.s32 @!p0 s3, s7;
	s7 =	simm.s32 @!p0 $0x108  }
0x21: {  	s3 =	sadd.s32 s3, s9;
	s6 =	sadd.s32 @!p0 $0x88, s6;
	s7 =	simm.s32 @p2 $0x1082  }
0x22: {  	[simem:s7], [sflag:s8] =	dma.local @!p0 [hbm:s6], $0xF7A  }
0x23: {  	s9 =	sor.u32 $0xD0000000, s2;
	s6 =	simm.s32 $0x108;
	_ =	swait.ge @!p0 [sflag:s8], $0x0  }
0x24: {  	s3 =	sadd.s32 $0x88, s3;
	s6 =	simm.s32 @!p1 $0x1082;
	[sflag:s4] =	ssyncset.s32 $0xFFFFF086  }
0x25: {  	[simem:s6], [sflag:s4] =	dma.local [hbm:s3], $0xF7A  }
0x26: {  	[smem:$0x3F99] =	sst s1;
	(tag) =	ssettag s2;
	_ =	strace s9  }
0x27: {  	s1 =	sld [smem:$0x3FA9]  }
0x28: {  	s2 =	sld [smem:$0x3FAA]  }
0x29: {  	s4 =	sld [smem:$0x3FAC]  }
0x2a: {  	p0 =	seq.s32 s5, $0x0;
	s5 =	sld [smem:$0x3FAD]  }
0x2b: {  	s6 =	sld [smem:$0x3FAE]  }
0x2c: {  	s7 =	sld [smem:$0x3FAF]  }
0x2d: {  	s3 =	simm.s32 $0x108;
	s8 =	sld [smem:$0x3FB0]  }
0x2e: {  	s3 =	simm.s32 @!p0 $0x1082;
	s9 =	sld [smem:$0x3FB1]  }
0x2f: {  	lr =	sadd.s32 s0, s3;
	s0 =	sld [smem:$0x3FA8]  }
0x30: {  	s3 =	sld [smem:$0x3FAB]  }
0x31: {  	[smem:$0x3FB4] =	sst s10  }
0x32: {  	s10 =	sld [smem:$0x3FB2];
	_ =	sdelay $0x3  }
0x33: {  	p0 =	seq.s32 s10, $0x1;
	s10 =	sld [smem:$0x3FB4];
	_ =	sdelay $0x3  }
0x34: {  	[smem:$0x3FB4] =	sst s10  }
0x35: {  	s10 =	sld [smem:$0x3FB3];
	_ =	sdelay $0x3  }
0x36: {  	p1 =	seq.s32 s10, $0x1;
	s10 =	sld [smem:$0x3FB4];
	_ =	sdelay $0x3  }
0x37: {  	[smem:$0x3FB4] =	sst s10  }
0x38: {  	s10 =	sld [smem:$0x3FB5]  }
0x39: {  	_ = 	snop;
	(pc) =	sbr.ind lr, $3  }
0x3a: {  	_ = 	snop  }
0x3b: {  	_ = 	snop  }
0x3c: {  	p2 =	seq.s32 s10, $0x1;
	s10 =	sld [smem:$0x3FB4]  }
0x3d: {  	_ =	shalt  }
0x3e: {  	_ =	shalt  }
0x3f: {  	_ =	shalt  }
0x40: {  	_ =	shalt  }
0x41: {  	_ =	shalt  }
0x42: {  	_ =	shalt  }
0x43: {  	_ =	shalt  }
0x44: {  	_ =	shalt  }
0x45: {  	_ =	shalt  }
0x46: {  	_ =	shalt  }
0x47: {  	_ =	shalt  }
0x48: {  	_ =	shalt  }
0x49: {  	_ =	shalt  }
0x4a: {  	_ =	shalt  }
0x4b: {  	_ =	shalt  }
0x4c: {  	_ =	shalt  }
0x4d: {  	_ =	shalt  }
0x4e: {  	_ =	shalt  }
0x4f: {  	_ =	shalt  }
0x50: {  	_ =	shalt  }
0x51: {  	_ =	shalt  }
0x52: {  	_ =	shalt  }
0x53: {  	_ =	shalt  }
0x54: {  	_ =	shalt  }
0x55: {  	_ =	shalt  }
0x56: {  	_ =	shalt  }
0x57: {  	_ =	shalt  }
0x58: {  	_ =	shalt  }
0x59: {  	_ =	shalt  }
0x5a: {  	_ =	shalt  }
0x5b: {  	_ =	shalt  }
0x5c: {  	_ =	shalt  }
0x5d: {  	_ =	shalt  }
0x5e: {  	_ =	shalt  }
0x5f: {  	_ =	shalt  }
0x60: {  	_ =	shalt  }
0x61: {  	_ =	shalt  }
0x62: {  	_ =	shalt  }
0x63: {  	_ =	shalt  }
0x64: {  	_ =	shalt  }
0x65: {  	_ =	shalt  }
0x66: {  	_ =	shalt  }
0x67: {  	_ =	shalt  }
0x68: {  	_ =	shalt  }
0x69: {  	_ =	shalt  }
0x6a: {  	_ =	shalt  }
0x6b: {  	_ =	shalt  }
0x6c: {  	_ =	shalt  }
0x6d: {  	_ =	shalt  }
0x6e: {  	_ =	shalt  }
0x6f: {  	_ =	shalt  }
0x70: {  	_ =	shalt  }
0x71: {  	_ =	shalt  }
0x72: {  	_ =	shalt  }
0x73: {  	_ =	shalt  }
0x74: {  	_ =	shalt  }
0x75: {  	_ =	shalt  }
0x76: {  	_ =	shalt  }
0x77: {  	_ =	shalt  }
0x78: {  	_ =	shalt  }
0x79: {  	_ =	shalt  }
0x7a: {  	_ =	shalt  }
0x7b: {  	_ =	shalt  }
0x7c: {  	_ =	shalt  }
0x7d: {  	_ =	shalt  }
0x7e: {  	_ =	shalt  }
0x7f: {  	_ =	shalt  }
0x80: {  	_ =	shalt  }
0x81: {  	_ =	shalt  }
0x82: {  	_ =	shalt  }
0x83: {  	_ =	shalt  }
0x84: {  	_ =	shalt  }
0x85: {  	_ =	shalt  }
0x86: {  	_ =	shalt  }
0x87: {  	_ =	shalt  }
.Lfunc_end0:
.L_simem_size_0:
called_computation_lowered:
.L_overlay_start_0:
0x88: {  	s2 =	sld [smem:$0x3FD9]  }
0x89: {  	s3 =	sld [smem:$0x3FFE];
	_ =	sdelay $0x1  }
0x8a: {  	s1 =	srdreg.scid  }
0x8b: {  	s0 =	sand.u32 $0x1, s1  }
0x8c: {  	s16 =	sshll.u32 s0, $0xA;
	s2 =	sadd.s32 s3, s2  }
0x8d: {  	s2 =	sadd.s32 s2, s16  }
0x8e: {  	[smem:$0x3FC0] =	sst s2  }
0x8f: {  	_ = 	snop  }
0x90: {  	(tm) =	ssettm $0x1  }
0x91: {  	s17 =	sld [smem:$0x3FFB];
	_ =	sdelay $0x3  }
0x92: {  	_ =	strace s17  }
0x93: {  	s2 =	sld [smem:$0x3FFC];
	_ =	sdelay $0x3  }
0x94: {  	_ =	strace s2  }
0x95: {  	s2 =	sld [smem:$0x3FFD];
	_ =	sdelay $0x3  }
0x96: {  	_ =	strace s2  }
0x97: {  	_ =	strace $0x8FFFFFFF  }
0x98: {  	s18 =	sld [smem:$0x3FDB];
	_ =	sdelay $0x1  }
0x99: {  	s19 =	simm.s32 $_scs_section_size  }
0x9a: {  	s4 =	simm.s32 $_size__tile_overlayer_lowered;
	s5 =	simm.s32 $_tile_overlayer_lowered  }
0x9b: {  	s22 =	simm.s32 $0x1BFF;
	s21 =	sshll.u32 s5, $0x1;
	s2 =	sadd.s32 s19, s18  }
0x9c: {  	s6 =	simm.s32 $0x0;
	s20 =	sshll.u32 s4, $0x1;
	s4 =	sadd.s32 s21, s2  }
0x9d: {  	[timem:s6], [sflag:s22] =	dma.local [hbm:s4], s20  }
0x9e: {  	_ =	swait.ge [sflag:s22], s20  }
0x9f: {  	s3 =	ssub.s32 $0x0, s20;
	[sflag:s22] =	ssyncset.done $0x0  }
0xa0: {  	[sflag:s22] =	ssyncadd.s32 s3;
	_ =	sdelay $0x1  }
0xa1: {  	s23 =	simm.s32 $0x1B8B  }
0xa2: {  	_ =	swait.ge [sflag:s23], $0x1  }
0xa3: {  	[sflag:s23] =	ssyncset.done $0x0  }
0xa4: {  	s25 =	simm.s32 $0x1B8E;
	s24 =	sld [smem:$0x3FFE];
	[sflag:s23] =	ssyncadd.s32 $0xFFFFFFFF  }
0xa5: {  	s26 =	simm.s32 $execute0_lowered;
	[smem:$0x3FD2] =	sst s25  }
0xa6: {  	s4 =	sshll.u32 s26, $0x1;
	_ =	strace $0x80000046;
	[dreg:$0x1] =	wrdreg $0xFFFFFFFF  }
0xa7: {  	s28 =	simm.s32 $_size_execute0_lowered;
	s2 =	sadd.s32 s2, s4;
	[dreg:$0x0] =	wrdreg $0x0  }
0xa8: {  	s4 =	sshll.u32 s28, $0x1;
	[dreg:$0x2] =	wrdreg s2  }
0xa9: {  	[dreg:$0x3] =	wrdreg s4  }
0xaa: {  	[dreg:$0x4] =	wrdreg $0xC0  }
0xab: {  	_ =	task [dreg:s6], $0x5FFFF  }
0xac: {  	[dreg:$0x1] =	wrdreg $0xFFFFFFFF  }
0xad: {  	[dreg:$0x0] =	wrdreg $0x60  }
0xae: {  	[dreg:$0x2] =	wrdreg s24  }
0xaf: {  	[dreg:$0x3] =	wrdreg $0x9  }
0xb0: {  	_ =	task.clear_ibuf [dreg:s6], $0x4FFFF;
	_ =	strace $0x90000046  }
0xb1: {  	s29 =	simm.s32 $0x9;
	_ =	strace $0x80000048  }
0xb2: {  	_ =	swait.ge [sflag:s29], $0x1  }
0xb3: {  	[sflag:s29] =	ssyncadd.s32 $0xFFFFFFFF  }
0xb4: {  	_ =	strace $0x90000048  }
0xb5: {  	_ =	sfence  }
0xb6: {  	s30 =	sld [smem:$0x0];
	_ =	sdelay $0x2  }
0xb7: {  	s31 =	sshll.u32 s1, $0xD;
	s1 =	sshrl.u32 s1, $0x2  }
0xb8: {  	s3 =	sand.u32 $0x4000, s31;
	s1 =	sadd.s32 s1, s30  }
0xb9: {  	s0 =	sor.u32 s3, s0;
	s1 =	sshll.u32 s1, $0x11  }
0xba: {  	s0 =	sor.u32 s1, s0  }
0xbb: {  	s0 =	sadd.s32 $0x8F2B, s0  }
0xbc: {  	[sflag:s0] =	ssyncadd.remote.s32 $0x1  }
0xbd: {  	_ =	sfence.sel $0xFFFF  }
0xbe: {  	[dreg:$0x0] =	wrdreg $0xFFFFFFFF;
	(pc) =	sbr.abs _section_cstart, $3  }
0xbf: {  	[dreg:$0x1] =	wrdreg $0xFFFFFFFF  }
0xc0: {  	_ =	task.clear_ibuf [dreg:s6], $0x2FFFF;
	_ =	strace $0x9FFFFFFF  }
0xc1: {  	(tm) =	ssettm $0x7FFFFFFF  }
tec
execute0_lowered:
.L_overlay_start_1:
0x0: {  	(tag) =	ssettag $0x1  }
0x1: {  	s0 =	rddreg [dreg:$0x0];
	s2 =	simm.s32 $0x0;
	s1 =	srdreg.scid  }
0x2: {  	s3 =	stileid.u32;
	s29 =	simm.s32 $0x380;
	s30 =	simm.s32 $0x180  }
0x3: {  	s31 =	simm.s32 $0x400;
	s12 =	simm.s32 $0x50;
	s13 =	simm.s32 $0x500  }
0x4: {  	s15 =	simm.s32 $0x2D00;
	s17 =	simm.s32 $0x2;
	[smem:$0x7FF] =	sst s2  }
0x5: {  	s1 =	sand.u32 $0x1, s1;
	s5 =	sshll.u32 s3, $0x1;
	s3 =	sadd.s32 $0x15000, s0  }
0x6: {  	s4 =	sadd.s32 $0x3C200, s0;
	s7 =	sadd.s32 $0x1400, s0;
	s6 =	sor.u32 s1, s5  }
0x7: {  	s8 =	sadd.s32 $0x63400, s0;
	s1 =	ssub.s32 $0x2, s1;
	s6 =	smul.u32 $0x2710, s6  }
0x8: {  	_ =	strace $0x80000047;
	s5 =	sadd.s32 $0xB200, s0;
	s18 =	sshrl.u32 s1, $0x1  }
0x9: {  	s0 =	ssub.s32 s1, s18;
	s19 =	sshrl.u32 s6, $0x3;
	s9 =	sadd.s32 $0x50, s6  }
0xa: {  	s11 =	sadd.s32 $0xA0, s6;
	s16 =	sadd.s32 $0xF0, s6;
	s0 =	smax.u32 s0, $0x1  }
0xb: {  	s18 =	sadd.s32 $0x140, s6;
	s10 =	sadd.s32 s5, s19;
	[dreg:$0xc] =	wrdreg s0  }
0xc: {  	s20 =	sshrl.u32 s9, $0x3;
	s1 =	sadd.s32 s7, s19;
	[dreg:$0x2] =	wrdreg s10  }
0xd: {  	s22 =	sshrl.u32 s11, $0x3;
	[dreg:$0x3] =	wrdreg s1;
	s21 =	sadd.s32 s5, s20  }
0xe: {  	s24 =	sshrl.u32 s16, $0x3;
	s10 =	sadd.s32 s7, s20;
	[dreg:$0x4] =	wrdreg s21  }
0xf: {  	s26 =	sshrl.u32 s18, $0x3;
	s23 =	sadd.s32 s5, s22;
	[dreg:$0x5] =	wrdreg s10  }
0x10: {  	s0 =	simm.s32 $0x200;
	s1 =	sadd.s32 s7, s22;
	[dreg:$0x6] =	wrdreg s23  }
0x11: {  	s19 =	simm.s32 $0x5500;
	s25 =	sadd.s32 s5, s24;
	[dreg:$0x7] =	wrdreg s1  }
0x12: {  	s28 =	sadd.s32 s5, s26;
	s22 =	simm.s32 $0x0;
	[dreg:$0x8] =	wrdreg s25  }
0x13: {  	s1 =	sadd.s32 s7, s24;
	[dreg:$0xa] =	wrdreg s28;
	s10 =	simm.s32 $0x1  }
0x14: {  	s21 =	simm.s32 $0x7D00;
	[dreg:$0x9] =	wrdreg s1;
	s1 =	sadd.s32 s7, s26  }
0x15: {  	s23 =	simm.s32 $0xA500;
	[dreg:$0xb] =	wrdreg s1;
	s1 =	simm.s32 $0x480  }
.LBB2_1:
0x16: {  	[dreg:$0xd] =	wrdreg s22  }
0x17: {  	s14 =	rddreg [dreg:$0x2]  }
0x18: {  	[tilespmem:s2], [sflag:$0x1] =	stream.linear.gather [hbm4b:s14+s2], $0x50, $0x38;
	[tilespmem:$0x19500] =	vst v63  }
0x19: {  	s28 =	rddreg [dreg:$0x3];
	s20 =	simm.s32 $0x280  }
0x1a: {  	[tilespmem:s20], [sflag:$0x1] =	stream.linear.gather [hbm4b:s28+s2], $0x50, $0x38;
	[tilespmem:$0x19500] =	vst v63  }
0x1b: {  	s22 =	simm.s32 $0x80;
	s20 =	rddreg [dreg:$0x4]  }
0x1c: {  	[tilespmem:s22], [sflag:$0x1] =	stream.linear.gather [hbm4b:s20+s2], $0x50, $0x38;
	[tilespmem:$0x19500] =	vst v63  }
0x1d: {  	s24 =	rddreg [dreg:$0x5];
	s25 =	simm.s32 $0x300  }
0x1e: {  	[tilespmem:s25], [sflag:$0x1] =	stream.linear.gather [hbm4b:s24+s2], $0x50, $0x38;
	[tilespmem:$0x19500] =	vst v63  }
0x1f: {  	s26 =	rddreg [dreg:$0x6];
	s28 =	simm.s32 $0x100  }
0x20: {  	[tilespmem:s28], [sflag:$0x1] =	stream.linear.gather [hbm4b:s26+s2], $0x50, $0x38;
	[tilespmem:$0x19500] =	vst v63  }
0x21: {  	s22 =	rddreg [dreg:$0x7]  }
0x22: {  	[tilespmem:s29], [sflag:$0x1] =	stream.linear.gather [hbm4b:s22+s2], $0x50, $0x38;
	[tilespmem:$0x19500] =	vst v63  }
0x23: {  	s24 =	rddreg [dreg:$0x8]  }
0x24: {  	[tilespmem:s30], [sflag:$0x1] =	stream.linear.gather [hbm4b:s24+s2], $0x50, $0x38;
	[tilespmem:$0x19500] =	vst v63  }
0x25: {  	s25 =	rddreg [dreg:$0x9]  }
0x26: {  	[tilespmem:s31], [sflag:$0x1] =	stream.linear.gather [hbm4b:s25+s2], $0x50, $0x38;
	[tilespmem:$0x19500] =	vst v63  }
0x27: {  	s26 =	rddreg [dreg:$0xa]  }
0x28: {  	[tilespmem:s0], [sflag:$0x1] =	stream.linear.gather [hbm4b:s26+s2], $0x50, $0x38;
	[tilespmem:$0x19500] =	vst v63  }
0x29: {  	s14 =	simm.s32 $0x0;
	s28 =	rddreg [dreg:$0xb]  }
0x2a: {  	[tilespmem:s1], [sflag:$0x1] =	stream.linear.gather [hbm4b:s28+s2], $0x50, $0x38;
	[tilespmem:$0x19500] =	vst v63  }
.LBB2_2:
0x2b: {  	_ =	swait.ge [sflag:s10], $0x50  }
0x2c: {  	[sflag:s10] =	ssyncset.done $0x0  }
0x2d: {  	[sflag:s10] =	ssyncadd.s32 $0xFFFFFFB0  }
0x2e: {  	_ =	swait.ge [sflag:s10], $0x50  }
0x2f: {  	[sflag:s10] =	ssyncset.done $0x0  }
0x30: {  	[sflag:s10] =	ssyncadd.s32 $0xFFFFFFB0  }
0x31: {  	_ =	swait.ge [sflag:s10], $0x50  }
0x32: {  	[sflag:s10] =	ssyncset.done $0x0  }
0x33: {  	[sflag:s10] =	ssyncadd.s32 $0xFFFFFFB0  }
0x34: {  	_ =	swait.ge [sflag:s10], $0x50  }
0x35: {  	[sflag:s10] =	ssyncset.done $0x0  }
0x36: {  	[sflag:s10] =	ssyncadd.s32 $0xFFFFFFB0  }
0x37: {  	_ =	swait.ge [sflag:s10], $0x50  }
0x38: {  	[sflag:s10] =	ssyncset.done $0x0  }
0x39: {  	[sflag:s10] =	ssyncadd.s32 $0xFFFFFFB0  }
0x3a: {  	_ =	swait.ge [sflag:s10], $0x50  }
0x3b: {  	[sflag:s10] =	ssyncset.done $0x0  }
0x3c: {  	[sflag:s10] =	ssyncadd.s32 $0xFFFFFFB0  }
0x3d: {  	_ =	swait.ge [sflag:s10], $0x50  }
0x3e: {  	[sflag:s10] =	ssyncset.done $0x0  }
0x3f: {  	[sflag:s10] =	ssyncadd.s32 $0xFFFFFFB0  }
0x40: {  	_ =	swait.ge [sflag:s10], $0x50  }
0x41: {  	[sflag:s10] =	ssyncset.done $0x0  }
0x42: {  	[sflag:s10] =	ssyncadd.s32 $0xFFFFFFB0  }
0x43: {  	_ =	swait.ge [sflag:s10], $0x50  }
0x44: {  	[sflag:s10] =	ssyncset.done $0x0  }
0x45: {  	[sflag:s10] =	ssyncadd.s32 $0xFFFFFFB0  }
0x46: {  	_ =	swait.ge [sflag:s10], $0x50  }
0x47: {  	p0 =	seq.s32 s14, $0x0;
	[sflag:s10] =	ssyncset.done $0x0  }
0x48: {  	s20 =	simm.s32 @!p0 $0x3;
	[sflag:s10] =	ssyncadd.s32 $0xFFFFFFB0  }
0x49: {  	_ =	swait.ge @!p0 [sflag:s20], $0x2800  }
0x4a: {  	[sflag:s20] =	ssyncset.done @!p0 $0x0  }
0x4b: {  	[sflag:s20] =	ssyncadd.s32 @!p0 $0xFFFFD800  }
0x4c: {  	_ =	swait.ge @!p0 [sflag:s20], $0x2800  }
0x4d: {  	[sflag:s20] =	ssyncset.done @!p0 $0x0  }
0x4e: {  	[sflag:s20] =	ssyncadd.s32 @!p0 $0xFFFFD800  }
0x4f: {  	_ =	swait.ge @!p0 [sflag:s20], $0x2800  }
0x50: {  	[sflag:s20] =	ssyncset.done @!p0 $0x0  }
0x51: {  	[sflag:s20] =	ssyncadd.s32 @!p0 $0xFFFFD800  }
0x52: {  	_ =	swait.ge @!p0 [sflag:s20], $0x2800  }
0x53: {  	[sflag:s20] =	ssyncset.done @!p0 $0x0  }
0x54: {  	[sflag:s20] =	ssyncadd.s32 @!p0 $0xFFFFD800  }
0x55: {  	_ =	swait.ge @!p0 [sflag:s20], $0x2800  }
0x56: {  	[sflag:s20] =	ssyncset.done @!p0 $0x0  }
0x57: {  	s22 =	simm.s32 $0x0;
	[sflag:s20] =	ssyncadd.s32 @!p0 $0xFFFFD800  }
0x58: {  	[tilespmem:s13], [sflag:$0x2] =	stream.indirect.gather [hbm4b:s3+s12], $0x80, s22, s12, $0xb8;
	[tilespmem:$0x19500] =	vst v63  }
0x59: {  	s24 =	simm.s32 $0x280;
	s22 =	simm.s32 $0xCD00  }
0x5a: {  	[tilespmem:s22], [sflag:$0x2] =	stream.indirect.gather [hbm4b:s4+s12], $0x80, s24, s12, $0xb8;
	[tilespmem:$0x19500] =	vst v63  }
0x5b: {  	s25 =	simm.s32 $0x80  }
0x5c: {  	[tilespmem:s15], [sflag:$0x2] =	stream.indirect.gather [hbm4b:s3+s12], $0x80, s25, s12, $0xb8;
	[tilespmem:$0x19500] =	vst v63  }
0x5d: {  	s26 =	simm.s32 $0x300;
	s28 =	simm.s32 $0xF500  }
0x5e: {  	[tilespmem:s28], [sflag:$0x2] =	stream.indirect.gather [hbm4b:s4+s12], $0x80, s26, s12, $0xb8;
	[tilespmem:$0x19500] =	vst v63  }
0x5f: {  	s24 =	simm.s32 $0x100  }
0x60: {  	[tilespmem:s19], [sflag:$0x2] =	stream.indirect.gather [hbm4b:s3+s12], $0x80, s24, s12, $0xb8;
	[tilespmem:$0x19500] =	vst v63  }
0x61: {  	s25 =	simm.s32 $0x11D00  }
0x62: {  	[tilespmem:s25], [sflag:$0x2] =	stream.indirect.gather [hbm4b:s4+s12], $0x80, s29, s12, $0xb8;
	[tilespmem:$0x19500] =	vst v63  }
0x63: {  	_ = 	snop  }
0x64: {  	[tilespmem:s21], [sflag:$0x2] =	stream.indirect.gather [hbm4b:s3+s12], $0x80, s30, s12, $0xb8;
	[tilespmem:$0x19500] =	vst v63  }
0x65: {  	s26 =	simm.s32 $0x14500  }
0x66: {  	[tilespmem:s26], [sflag:$0x2] =	stream.indirect.gather [hbm4b:s4+s12], $0x80, s31, s12, $0xb8;
	[tilespmem:$0x19500] =	vst v63  }
0x67: {  	_ = 	snop  }
0x68: {  	[tilespmem:s23], [sflag:$0x2] =	stream.indirect.gather [hbm4b:s3+s12], $0x80, s0, s12, $0xb8;
	[tilespmem:$0x19500] =	vst v63  }
0x69: {  	s28 =	simm.s32 $0x16D00  }
0x6a: {  	[tilespmem:s28], [sflag:$0x2] =	stream.indirect.gather [hbm4b:s4+s12], $0x80, s1, s12, $0xb8;
	[tilespmem:$0x19500] =	vst v63  }
0x6b: {  	_ =	swait.ge [sflag:s17], $0x2800  }
0x6c: {  	[sflag:s17] =	ssyncset.done $0x0  }
0x6d: {  	[sflag:s17] =	ssyncadd.s32 $0xFFFFD800  }
0x6e: {  	_ =	swait.ge [sflag:s17], $0x2800  }
0x6f: {  	[sflag:s17] =	ssyncset.done $0x0  }
0x70: {  	s20 =	simm.s32 $0x0;
	[sflag:s17] =	ssyncadd.s32 $0xFFFFD800  }
0x71: {  	v0 =	vld [tilespmem:s20+$0xCEF0]  }
0x72: {  	v1 =	vld [tilespmem:s20+$0xCD00]  }
0x73: {  	v2 =	vld [tilespmem:s20+$0xCD10]  }
0x74: {  	v3 =	vld [tilespmem:s20+$0xCD20]  }
0x75: {  	v4 =	vld [tilespmem:s20+$0xCD30]  }
0x76: {  	v5 =	vld [tilespmem:s20+$0xCD40]  }
0x77: {  	v6 =	vld [tilespmem:s20+$0xCD50]  }
0x78: {  	v7 =	vld [tilespmem:s20+$0xCD60]  }
0x79: {  	v8 =	vld [tilespmem:s20+$0xCD70]  }
0x7a: {  	v9 =	vld [tilespmem:s20+$0xCD80]  }
0x7b: {  	v10 =	vld [tilespmem:s20+$0xCD90]  }
0x7c: {  	v11 =	vld [tilespmem:s20+$0xCDA0]  }
0x7d: {  	v12 =	vld [tilespmem:s20+$0xCDB0]  }
0x7e: {  	v13 =	vld [tilespmem:s20+$0xCDC0]  }
0x7f: {  	v14 =	vld [tilespmem:s20+$0xCDD0]  }
0x80: {  	v15 =	vld [tilespmem:s20+$0xCDE0]  }
0x81: {  	v16 =	vld [tilespmem:s20+$0xCDF0]  }
0x82: {  	v17 =	vld [tilespmem:s20+$0xCE00]  }
0x83: {  	v18 =	vld [tilespmem:s20+$0xCE10]  }
0x84: {  	v19 =	vld [tilespmem:s20+$0xCE20]  }
0x85: {  	v20 =	vld [tilespmem:s20+$0xCE30]  }
0x86: {  	v21 =	vld [tilespmem:s20+$0xCE40]  }
0x87: {  	v22 =	vld [tilespmem:s20+$0xCE50]  }
0x88: {  	v23 =	vld [tilespmem:s20+$0xCE60]  }
0x89: {  	v24 =	vld [tilespmem:s20+$0xCE70]  }
0x8a: {  	v25 =	vld [tilespmem:s20+$0xCE80]  }
0x8b: {  	v26 =	vld [tilespmem:s20+$0xCE90]  }
0x8c: {  	v27 =	vld [tilespmem:s20+$0xCEA0]  }
0x8d: {  	v28 =	vld [tilespmem:s20+$0xCEB0]  }
0x8e: {  	v29 =	vld [tilespmem:s20+$0xCEC0]  }
0x8f: {  	v30 =	vld [tilespmem:s20+$0xCED0]  }
0x90: {  	[tilespmem:s20+$0x6F0] =	vst.add.f32.msk $0xffff, v0  }
0x91: {  	v0 =	vld [tilespmem:s20+$0xCEE0]  }
0x92: {  	[tilespmem:s20+$0x500] =	vst.add.f32.msk $0xffff, v1  }
0x93: {  	[tilespmem:s20+$0x510] =	vst.add.f32.msk $0xffff, v2  }
0x94: {  	[tilespmem:s20+$0x520] =	vst.add.f32.msk $0xffff, v3  }
0x95: {  	[tilespmem:s20+$0x530] =	vst.add.f32.msk $0xffff, v4  }
0x96: {  	[tilespmem:s20+$0x540] =	vst.add.f32.msk $0xffff, v5  }
0x97: {  	[tilespmem:s20+$0x550] =	vst.add.f32.msk $0xffff, v6  }
0x98: {  	[tilespmem:s20+$0x560] =	vst.add.f32.msk $0xffff, v7  }
0x99: {  	[tilespmem:s20+$0x570] =	vst.add.f32.msk $0xffff, v8  }
0x9a: {  	[tilespmem:s20+$0x580] =	vst.add.f32.msk $0xffff, v9  }
0x9b: {  	[tilespmem:s20+$0x590] =	vst.add.f32.msk $0xffff, v10  }
0x9c: {  	[tilespmem:s20+$0x5A0] =	vst.add.f32.msk $0xffff, v11  }
0x9d: {  	[tilespmem:s20+$0x5B0] =	vst.add.f32.msk $0xffff, v12  }
0x9e: {  	[tilespmem:s20+$0x5C0] =	vst.add.f32.msk $0xffff, v13  }
0x9f: {  	[tilespmem:s20+$0x5D0] =	vst.add.f32.msk $0xffff, v14  }
0xa0: {  	[tilespmem:s20+$0x5E0] =	vst.add.f32.msk $0xffff, v15  }
0xa1: {  	[tilespmem:s20+$0x5F0] =	vst.add.f32.msk $0xffff, v16  }
0xa2: {  	[tilespmem:s20+$0x600] =	vst.add.f32.msk $0xffff, v17  }
0xa3: {  	[tilespmem:s20+$0x610] =	vst.add.f32.msk $0xffff, v18  }
0xa4: {  	[tilespmem:s20+$0x620] =	vst.add.f32.msk $0xffff, v19  }
0xa5: {  	[tilespmem:s20+$0x630] =	vst.add.f32.msk $0xffff, v20  }
0xa6: {  	[tilespmem:s20+$0x640] =	vst.add.f32.msk $0xffff, v21  }
0xa7: {  	[tilespmem:s20+$0x650] =	vst.add.f32.msk $0xffff, v22  }
0xa8: {  	[tilespmem:s20+$0x660] =	vst.add.f32.msk $0xffff, v23  }
0xa9: {  	[tilespmem:s20+$0x670] =	vst.add.f32.msk $0xffff, v24  }
0xaa: {  	[tilespmem:s20+$0x680] =	vst.add.f32.msk $0xffff, v25  }
0xab: {  	[tilespmem:s20+$0x690] =	vst.add.f32.msk $0xffff, v26  }
0xac: {  	[tilespmem:s20+$0x6A0] =	vst.add.f32.msk $0xffff, v27  }
0xad: {  	[tilespmem:s20+$0x6B0] =	vst.add.f32.msk $0xffff, v28  }
0xae: {  	[tilespmem:s20+$0x6C0] =	vst.add.f32.msk $0xffff, v29  }
0xaf: {  	s22 =	simm.s32 $0x0;
	s24 =	simm.s32 $0x800;
	[tilespmem:s20+$0x6D0] =	vst.add.f32.msk $0xffff, v30  }
.LBB2_3:
0xb0: {  	s22 =	sadd.s32 $0x4, s22;
	[tilespmem:s20+$0x6E0] =	vst.add.f32.msk $0xffff, v0;
	s20 =	sshra.s32 s24, $0x2  }
0xb1: {  	v0 =	vld [tilespmem:s20+$0xCEF0];
	p0 =	slt.u32 s22, $0x4C  }
0xb2: {  	v1 =	vld [tilespmem:s20+$0xCD00]  }
0xb3: {  	v2 =	vld [tilespmem:s20+$0xCD10]  }
0xb4: {  	v3 =	vld [tilespmem:s20+$0xCD20]  }
0xb5: {  	v4 =	vld [tilespmem:s20+$0xCD30]  }
0xb6: {  	[tilespmem:s20+$0x6F0] =	vst.add.f32.msk $0xffff, v0  }
0xb7: {  	v5 =	vld [tilespmem:s20+$0xCD40]  }
0xb8: {  	v6 =	vld [tilespmem:s20+$0xCD50]  }
0xb9: {  	v7 =	vld [tilespmem:s20+$0xCD60]  }
0xba: {  	v8 =	vld [tilespmem:s20+$0xCD70]  }
0xbb: {  	v9 =	vld [tilespmem:s20+$0xCD80]  }
0xbc: {  	v10 =	vld [tilespmem:s20+$0xCD90]  }
0xbd: {  	v11 =	vld [tilespmem:s20+$0xCDA0]  }
0xbe: {  	v12 =	vld [tilespmem:s20+$0xCDB0]  }
0xbf: {  	v13 =	vld [tilespmem:s20+$0xCDC0]  }
0xc0: {  	v14 =	vld [tilespmem:s20+$0xCDD0]  }
0xc1: {  	v15 =	vld [tilespmem:s20+$0xCDE0]  }
0xc2: {  	v16 =	vld [tilespmem:s20+$0xCDF0]  }
0xc3: {  	v17 =	vld [tilespmem:s20+$0xCE00]  }
0xc4: {  	v18 =	vld [tilespmem:s20+$0xCE10]  }
0xc5: {  	v19 =	vld [tilespmem:s20+$0xCE20]  }
0xc6: {  	v20 =	vld [tilespmem:s20+$0xCE30]  }
0xc7: {  	v21 =	vld [tilespmem:s20+$0xCE40]  }
0xc8: {  	v22 =	vld [tilespmem:s20+$0xCE50]  }
0xc9: {  	v23 =	vld [tilespmem:s20+$0xCE60]  }
0xca: {  	v24 =	vld [tilespmem:s20+$0xCE70]  }
0xcb: {  	v25 =	vld [tilespmem:s20+$0xCE80]  }
0xcc: {  	v26 =	vld [tilespmem:s20+$0xCE90]  }
0xcd: {  	v27 =	vld [tilespmem:s20+$0xCEA0]  }
0xce: {  	v28 =	vld [tilespmem:s20+$0xCEB0]  }
0xcf: {  	v29 =	vld [tilespmem:s20+$0xCEC0]  }
0xd0: {  	v30 =	vld [tilespmem:s20+$0xCED0]  }
0xd1: {  	v0 =	vld [tilespmem:s20+$0xCEE0]  }
0xd2: {  	[tilespmem:s20+$0x500] =	vst.add.f32.msk $0xffff, v1  }
0xd3: {  	[tilespmem:s20+$0x510] =	vst.add.f32.msk $0xffff, v2  }
0xd4: {  	[tilespmem:s20+$0x520] =	vst.add.f32.msk $0xffff, v3  }
0xd5: {  	[tilespmem:s20+$0x530] =	vst.add.f32.msk $0xffff, v4  }
0xd6: {  	[tilespmem:s20+$0x540] =	vst.add.f32.msk $0xffff, v5  }
0xd7: {  	[tilespmem:s20+$0x550] =	vst.add.f32.msk $0xffff, v6  }
0xd8: {  	[tilespmem:s20+$0x560] =	vst.add.f32.msk $0xffff, v7  }
0xd9: {  	[tilespmem:s20+$0x570] =	vst.add.f32.msk $0xffff, v8  }
0xda: {  	[tilespmem:s20+$0x580] =	vst.add.f32.msk $0xffff, v9  }
0xdb: {  	[tilespmem:s20+$0x590] =	vst.add.f32.msk $0xffff, v10  }
0xdc: {  	[tilespmem:s20+$0x5A0] =	vst.add.f32.msk $0xffff, v11  }
0xdd: {  	[tilespmem:s20+$0x5B0] =	vst.add.f32.msk $0xffff, v12  }
0xde: {  	[tilespmem:s20+$0x5C0] =	vst.add.f32.msk $0xffff, v13  }
0xdf: {  	[tilespmem:s20+$0x5D0] =	vst.add.f32.msk $0xffff, v14  }
0xe0: {  	[tilespmem:s20+$0x5E0] =	vst.add.f32.msk $0xffff, v15  }
0xe1: {  	[tilespmem:s20+$0x5F0] =	vst.add.f32.msk $0xffff, v16  }
0xe2: {  	[tilespmem:s20+$0x600] =	vst.add.f32.msk $0xffff, v17  }
0xe3: {  	[tilespmem:s20+$0x610] =	vst.add.f32.msk $0xffff, v18  }
0xe4: {  	[tilespmem:s20+$0x620] =	vst.add.f32.msk $0xffff, v19  }
0xe5: {  	[tilespmem:s20+$0x630] =	vst.add.f32.msk $0xffff, v20  }
0xe6: {  	[tilespmem:s20+$0x640] =	vst.add.f32.msk $0xffff, v21  }
0xe7: {  	[tilespmem:s20+$0x650] =	vst.add.f32.msk $0xffff, v22  }
0xe8: {  	[tilespmem:s20+$0x660] =	vst.add.f32.msk $0xffff, v23  }
0xe9: {  	[tilespmem:s20+$0x670] =	vst.add.f32.msk $0xffff, v24  }
0xea: {  	[tilespmem:s20+$0x680] =	vst.add.f32.msk $0xffff, v25  }
.Ltmp0:
0xeb: {  	[tilespmem:s20+$0x690] =	vst.add.f32.msk $0xffff, v26;
	(pc) =	sbr.rel @p0 .LBB2_3-.Ltmp0, $4  }
0xec: {  	[tilespmem:s20+$0x6A0] =	vst.add.f32.msk $0xffff, v27  }
0xed: {  	[tilespmem:s20+$0x6B0] =	vst.add.f32.msk $0xffff, v28  }
0xee: {  	[tilespmem:s20+$0x6C0] =	vst.add.f32.msk $0xffff, v29  }
0xef: {  	s24 =	sadd.s32 $0x800, s24;
	[tilespmem:s20+$0x6D0] =	vst.add.f32.msk $0xffff, v30  }
0xf0: {  	s22 =	smul.u32 $0x190, s14;
	_ =	sdelay $0x1  }
0xf1: {  	s24 =	sadd.s32 s6, s22  }
0xf2: {  	s24 =	sshll.u32 s24, $0x4  }
0xf3: {  	[tilespmem:s20+$0x6E0] =	vst.add.f32.msk $0xffff, v0;
	s28 =	simm.s32 $0x0;
	s26 =	sadd.s32 s8, s24  }
0xf4: {  	[hbm4b:s26+s28] =	stream.linear.scatter [tilespmem:s13], [sflag:$0x3], $0x2800, $0x38;
	[tilespmem:$0x19500] =	vst v63  }
0xf5: {  	_ =	swait.ge [sflag:s17], $0x2800  }
0xf6: {  	[sflag:s17] =	ssyncset.done $0x0  }
0xf7: {  	[sflag:s17] =	ssyncadd.s32 $0xFFFFD800  }
0xf8: {  	_ =	swait.ge [sflag:s17], $0x2800  }
0xf9: {  	[sflag:s17] =	ssyncset.done $0x0  }
0xfa: {  	s20 =	simm.s32 $0x0;
	[sflag:s17] =	ssyncadd.s32 $0xFFFFD800  }
0xfb: {  	v0 =	vld [tilespmem:s20+$0xF6F0]  }
0xfc: {  	v1 =	vld [tilespmem:s20+$0xF500]  }
0xfd: {  	v2 =	vld [tilespmem:s20+$0xF510]  }
0xfe: {  	v3 =	vld [tilespmem:s20+$0xF520]  }
0xff: {  	v4 =	vld [tilespmem:s20+$0xF530]  }
0x100: {  	v5 =	vld [tilespmem:s20+$0xF540]  }
0x101: {  	v6 =	vld [tilespmem:s20+$0xF550]  }
0x102: {  	v7 =	vld [tilespmem:s20+$0xF560]  }
0x103: {  	v8 =	vld [tilespmem:s20+$0xF570]  }
0x104: {  	v9 =	vld [tilespmem:s20+$0xF580]  }
0x105: {  	v10 =	vld [tilespmem:s20+$0xF590]  }
0x106: {  	v11 =	vld [tilespmem:s20+$0xF5A0]  }
0x107: {  	v12 =	vld [tilespmem:s20+$0xF5B0]  }
0x108: {  	v13 =	vld [tilespmem:s20+$0xF5C0]  }
0x109: {  	v14 =	vld [tilespmem:s20+$0xF5D0]  }
0x10a: {  	v15 =	vld [tilespmem:s20+$0xF5E0]  }
0x10b: {  	v16 =	vld [tilespmem:s20+$0xF5F0]  }
0x10c: {  	v17 =	vld [tilespmem:s20+$0xF600]  }
0x10d: {  	v18 =	vld [tilespmem:s20+$0xF610]  }
0x10e: {  	v19 =	vld [tilespmem:s20+$0xF620]  }
0x10f: {  	v20 =	vld [tilespmem:s20+$0xF630]  }
0x110: {  	v21 =	vld [tilespmem:s20+$0xF640]  }
0x111: {  	v22 =	vld [tilespmem:s20+$0xF650]  }
0x112: {  	v23 =	vld [tilespmem:s20+$0xF660]  }
0x113: {  	v24 =	vld [tilespmem:s20+$0xF670]  }
0x114: {  	v25 =	vld [tilespmem:s20+$0xF680]  }
0x115: {  	v26 =	vld [tilespmem:s20+$0xF690]  }
0x116: {  	v27 =	vld [tilespmem:s20+$0xF6A0]  }
0x117: {  	v28 =	vld [tilespmem:s20+$0xF6B0]  }
0x118: {  	v29 =	vld [tilespmem:s20+$0xF6C0]  }
0x119: {  	v30 =	vld [tilespmem:s20+$0xF6D0]  }
0x11a: {  	[tilespmem:s20+$0x2EF0] =	vst.add.f32.msk $0xffff, v0  }
0x11b: {  	v0 =	vld [tilespmem:s20+$0xF6E0]  }
0x11c: {  	[tilespmem:s20+$0x2D00] =	vst.add.f32.msk $0xffff, v1  }
0x11d: {  	[tilespmem:s20+$0x2D10] =	vst.add.f32.msk $0xffff, v2  }
0x11e: {  	[tilespmem:s20+$0x2D20] =	vst.add.f32.msk $0xffff, v3  }
0x11f: {  	[tilespmem:s20+$0x2D30] =	vst.add.f32.msk $0xffff, v4  }
0x120: {  	[tilespmem:s20+$0x2D40] =	vst.add.f32.msk $0xffff, v5  }
0x121: {  	[tilespmem:s20+$0x2D50] =	vst.add.f32.msk $0xffff, v6  }
0x122: {  	[tilespmem:s20+$0x2D60] =	vst.add.f32.msk $0xffff, v7  }
0x123: {  	[tilespmem:s20+$0x2D70] =	vst.add.f32.msk $0xffff, v8  }
0x124: {  	[tilespmem:s20+$0x2D80] =	vst.add.f32.msk $0xffff, v9  }
0x125: {  	[tilespmem:s20+$0x2D90] =	vst.add.f32.msk $0xffff, v10  }
0x126: {  	[tilespmem:s20+$0x2DA0] =	vst.add.f32.msk $0xffff, v11  }
0x127: {  	[tilespmem:s20+$0x2DB0] =	vst.add.f32.msk $0xffff, v12  }
0x128: {  	[tilespmem:s20+$0x2DC0] =	vst.add.f32.msk $0xffff, v13  }
0x129: {  	[tilespmem:s20+$0x2DD0] =	vst.add.f32.msk $0xffff, v14  }
0x12a: {  	[tilespmem:s20+$0x2DE0] =	vst.add.f32.msk $0xffff, v15  }
0x12b: {  	[tilespmem:s20+$0x2DF0] =	vst.add.f32.msk $0xffff, v16  }
0x12c: {  	[tilespmem:s20+$0x2E00] =	vst.add.f32.msk $0xffff, v17  }
0x12d: {  	[tilespmem:s20+$0x2E10] =	vst.add.f32.msk $0xffff, v18  }
0x12e: {  	[tilespmem:s20+$0x2E20] =	vst.add.f32.msk $0xffff, v19  }
0x12f: {  	[tilespmem:s20+$0x2E30] =	vst.add.f32.msk $0xffff, v20  }
0x130: {  	[tilespmem:s20+$0x2E40] =	vst.add.f32.msk $0xffff, v21  }
0x131: {  	[tilespmem:s20+$0x2E50] =	vst.add.f32.msk $0xffff, v22  }
0x132: {  	[tilespmem:s20+$0x2E60] =	vst.add.f32.msk $0xffff, v23  }
0x133: {  	[tilespmem:s20+$0x2E70] =	vst.add.f32.msk $0xffff, v24  }
0x134: {  	[tilespmem:s20+$0x2E80] =	vst.add.f32.msk $0xffff, v25  }
0x135: {  	[tilespmem:s20+$0x2E90] =	vst.add.f32.msk $0xffff, v26  }
0x136: {  	[tilespmem:s20+$0x2EA0] =	vst.add.f32.msk $0xffff, v27  }
0x137: {  	[tilespmem:s20+$0x2EB0] =	vst.add.f32.msk $0xffff, v28  }
0x138: {  	[tilespmem:s20+$0x2EC0] =	vst.add.f32.msk $0xffff, v29  }
0x139: {  	s25 =	simm.s32 $0x800;
	s24 =	simm.s32 $0x0;
	[tilespmem:s20+$0x2ED0] =	vst.add.f32.msk $0xffff, v30  }
.LBB2_5:
0x13a: {  	s24 =	sadd.s32 $0x4, s24;
	[tilespmem:s20+$0x2EE0] =	vst.add.f32.msk $0xffff, v0;
	s20 =	sshra.s32 s25, $0x2  }
0x13b: {  	v0 =	vld [tilespmem:s20+$0xF6F0];
	p0 =	slt.u32 s24, $0x4C  }
0x13c: {  	v1 =	vld [tilespmem:s20+$0xF500]  }
0x13d: {  	v2 =	vld [tilespmem:s20+$0xF510]  }
0x13e: {  	v3 =	vld [tilespmem:s20+$0xF520]  }
0x13f: {  	v4 =	vld [tilespmem:s20+$0xF530]  }
0x140: {  	[tilespmem:s20+$0x2EF0] =	vst.add.f32.msk $0xffff, v0  }
0x141: {  	v5 =	vld [tilespmem:s20+$0xF540]  }
0x142: {  	v6 =	vld [tilespmem:s20+$0xF550]  }
0x143: {  	v7 =	vld [tilespmem:s20+$0xF560]  }
0x144: {  	v8 =	vld [tilespmem:s20+$0xF570]  }
0x145: {  	v9 =	vld [tilespmem:s20+$0xF580]  }
0x146: {  	v10 =	vld [tilespmem:s20+$0xF590]  }
0x147: {  	v11 =	vld [tilespmem:s20+$0xF5A0]  }
0x148: {  	v12 =	vld [tilespmem:s20+$0xF5B0]  }
0x149: {  	v13 =	vld [tilespmem:s20+$0xF5C0]  }
0x14a: {  	v14 =	vld [tilespmem:s20+$0xF5D0]  }
0x14b: {  	v15 =	vld [tilespmem:s20+$0xF5E0]  }
0x14c: {  	v16 =	vld [tilespmem:s20+$0xF5F0]  }
0x14d: {  	v17 =	vld [tilespmem:s20+$0xF600]  }
0x14e: {  	v18 =	vld [tilespmem:s20+$0xF610]  }
0x14f: {  	v19 =	vld [tilespmem:s20+$0xF620]  }
0x150: {  	v20 =	vld [tilespmem:s20+$0xF630]  }
0x151: {  	v21 =	vld [tilespmem:s20+$0xF640]  }
0x152: {  	v22 =	vld [tilespmem:s20+$0xF650]  }
0x153: {  	v23 =	vld [tilespmem:s20+$0xF660]  }
0x154: {  	v24 =	vld [tilespmem:s20+$0xF670]  }
0x155: {  	v25 =	vld [tilespmem:s20+$0xF680]  }
0x156: {  	v26 =	vld [tilespmem:s20+$0xF690]  }
0x157: {  	v27 =	vld [tilespmem:s20+$0xF6A0]  }
0x158: {  	v28 =	vld [tilespmem:s20+$0xF6B0]  }
0x159: {  	v29 =	vld [tilespmem:s20+$0xF6C0]  }
0x15a: {  	v30 =	vld [tilespmem:s20+$0xF6D0]  }
0x15b: {  	v0 =	vld [tilespmem:s20+$0xF6E0]  }
0x15c: {  	[tilespmem:s20+$0x2D00] =	vst.add.f32.msk $0xffff, v1  }
0x15d: {  	[tilespmem:s20+$0x2D10] =	vst.add.f32.msk $0xffff, v2  }
0x15e: {  	[tilespmem:s20+$0x2D20] =	vst.add.f32.msk $0xffff, v3  }
0x15f: {  	[tilespmem:s20+$0x2D30] =	vst.add.f32.msk $0xffff, v4  }
0x160: {  	[tilespmem:s20+$0x2D40] =	vst.add.f32.msk $0xffff, v5  }
0x161: {  	[tilespmem:s20+$0x2D50] =	vst.add.f32.msk $0xffff, v6  }
0x162: {  	[tilespmem:s20+$0x2D60] =	vst.add.f32.msk $0xffff, v7  }
0x163: {  	[tilespmem:s20+$0x2D70] =	vst.add.f32.msk $0xffff, v8  }
0x164: {  	[tilespmem:s20+$0x2D80] =	vst.add.f32.msk $0xffff, v9  }
0x165: {  	[tilespmem:s20+$0x2D90] =	vst.add.f32.msk $0xffff, v10  }
0x166: {  	[tilespmem:s20+$0x2DA0] =	vst.add.f32.msk $0xffff, v11  }
0x167: {  	[tilespmem:s20+$0x2DB0] =	vst.add.f32.msk $0xffff, v12  }
0x168: {  	[tilespmem:s20+$0x2DC0] =	vst.add.f32.msk $0xffff, v13  }
0x169: {  	[tilespmem:s20+$0x2DD0] =	vst.add.f32.msk $0xffff, v14  }
0x16a: {  	[tilespmem:s20+$0x2DE0] =	vst.add.f32.msk $0xffff, v15  }
0x16b: {  	[tilespmem:s20+$0x2DF0] =	vst.add.f32.msk $0xffff, v16  }
0x16c: {  	[tilespmem:s20+$0x2E00] =	vst.add.f32.msk $0xffff, v17  }
0x16d: {  	[tilespmem:s20+$0x2E10] =	vst.add.f32.msk $0xffff, v18  }
0x16e: {  	[tilespmem:s20+$0x2E20] =	vst.add.f32.msk $0xffff, v19  }
0x16f: {  	[tilespmem:s20+$0x2E30] =	vst.add.f32.msk $0xffff, v20  }
0x170: {  	[tilespmem:s20+$0x2E40] =	vst.add.f32.msk $0xffff, v21  }
0x171: {  	[tilespmem:s20+$0x2E50] =	vst.add.f32.msk $0xffff, v22  }
0x172: {  	[tilespmem:s20+$0x2E60] =	vst.add.f32.msk $0xffff, v23  }
0x173: {  	[tilespmem:s20+$0x2E70] =	vst.add.f32.msk $0xffff, v24  }
0x174: {  	[tilespmem:s20+$0x2E80] =	vst.add.f32.msk $0xffff, v25  }
.Ltmp1:
0x175: {  	[tilespmem:s20+$0x2E90] =	vst.add.f32.msk $0xffff, v26;
	(pc) =	sbr.rel @p0 .LBB2_5-.Ltmp1, $4  }
0x176: {  	[tilespmem:s20+$0x2EA0] =	vst.add.f32.msk $0xffff, v27  }
0x177: {  	[tilespmem:s20+$0x2EB0] =	vst.add.f32.msk $0xffff, v28  }
0x178: {  	[tilespmem:s20+$0x2EC0] =	vst.add.f32.msk $0xffff, v29  }
0x179: {  	s25 =	sadd.s32 $0x800, s25;
	[tilespmem:s20+$0x2ED0] =	vst.add.f32.msk $0xffff, v30  }
0x17a: {  	s24 =	sadd.s32 s22, s9  }
0x17b: {  	s24 =	sshll.u32 s24, $0x4  }
0x17c: {  	[tilespmem:s20+$0x2EE0] =	vst.add.f32.msk $0xffff, v0;
	s28 =	simm.s32 $0x0;
	s26 =	sadd.s32 s8, s24  }
0x17d: {  	[hbm4b:s26+s28] =	stream.linear.scatter [tilespmem:s15], [sflag:$0x3], $0x2800, $0x38;
	[tilespmem:$0x19500] =	vst v63  }
0x17e: {  	_ =	swait.ge [sflag:s17], $0x2800  }
0x17f: {  	[sflag:s17] =	ssyncset.done $0x0  }
0x180: {  	[sflag:s17] =	ssyncadd.s32 $0xFFFFD800  }
0x181: {  	_ =	swait.ge [sflag:s17], $0x2800  }
0x182: {  	[sflag:s17] =	ssyncset.done $0x0  }
0x183: {  	s20 =	simm.s32 $0x0;
	[sflag:s17] =	ssyncadd.s32 $0xFFFFD800  }
0x184: {  	v0 =	vld [tilespmem:s20+$0x11EF0]  }
0x185: {  	v1 =	vld [tilespmem:s20+$0x11D00]  }
0x186: {  	v2 =	vld [tilespmem:s20+$0x11D10]  }
0x187: {  	v3 =	vld [tilespmem:s20+$0x11D20]  }
0x188: {  	v4 =	vld [tilespmem:s20+$0x11D30]  }
0x189: {  	v5 =	vld [tilespmem:s20+$0x11D40]  }
0x18a: {  	v6 =	vld [tilespmem:s20+$0x11D50]  }
0x18b: {  	v7 =	vld [tilespmem:s20+$0x11D60]  }
0x18c: {  	v8 =	vld [tilespmem:s20+$0x11D70]  }
0x18d: {  	v9 =	vld [tilespmem:s20+$0x11D80]  }
0x18e: {  	v10 =	vld [tilespmem:s20+$0x11D90]  }
0x18f: {  	v11 =	vld [tilespmem:s20+$0x11DA0]  }
0x190: {  	v12 =	vld [tilespmem:s20+$0x11DB0]  }
0x191: {  	v13 =	vld [tilespmem:s20+$0x11DC0]  }
0x192: {  	v14 =	vld [tilespmem:s20+$0x11DD0]  }
0x193: {  	v15 =	vld [tilespmem:s20+$0x11DE0]  }
0x194: {  	v16 =	vld [tilespmem:s20+$0x11DF0]  }
0x195: {  	v17 =	vld [tilespmem:s20+$0x11E00]  }
0x196: {  	v18 =	vld [tilespmem:s20+$0x11E10]  }
0x197: {  	v19 =	vld [tilespmem:s20+$0x11E20]  }
0x198: {  	v20 =	vld [tilespmem:s20+$0x11E30]  }
0x199: {  	v21 =	vld [tilespmem:s20+$0x11E40]  }
0x19a: {  	v22 =	vld [tilespmem:s20+$0x11E50]  }
0x19b: {  	v23 =	vld [tilespmem:s20+$0x11E60]  }
0x19c: {  	v24 =	vld [tilespmem:s20+$0x11E70]  }
0x19d: {  	v25 =	vld [tilespmem:s20+$0x11E80]  }
0x19e: {  	v26 =	vld [tilespmem:s20+$0x11E90]  }
0x19f: {  	v27 =	vld [tilespmem:s20+$0x11EA0]  }
0x1a0: {  	v28 =	vld [tilespmem:s20+$0x11EB0]  }
0x1a1: {  	v29 =	vld [tilespmem:s20+$0x11EC0]  }
0x1a2: {  	v30 =	vld [tilespmem:s20+$0x11ED0]  }
0x1a3: {  	[tilespmem:s20+$0x56F0] =	vst.add.f32.msk $0xffff, v0  }
0x1a4: {  	v0 =	vld [tilespmem:s20+$0x11EE0]  }
0x1a5: {  	[tilespmem:s20+$0x5500] =	vst.add.f32.msk $0xffff, v1  }
0x1a6: {  	[tilespmem:s20+$0x5510] =	vst.add.f32.msk $0xffff, v2  }
0x1a7: {  	[tilespmem:s20+$0x5520] =	vst.add.f32.msk $0xffff, v3  }
0x1a8: {  	[tilespmem:s20+$0x5530] =	vst.add.f32.msk $0xffff, v4  }
0x1a9: {  	[tilespmem:s20+$0x5540] =	vst.add.f32.msk $0xffff, v5  }
0x1aa: {  	[tilespmem:s20+$0x5550] =	vst.add.f32.msk $0xffff, v6  }
0x1ab: {  	[tilespmem:s20+$0x5560] =	vst.add.f32.msk $0xffff, v7  }
0x1ac: {  	[tilespmem:s20+$0x5570] =	vst.add.f32.msk $0xffff, v8  }
0x1ad: {  	[tilespmem:s20+$0x5580] =	vst.add.f32.msk $0xffff, v9  }
0x1ae: {  	[tilespmem:s20+$0x5590] =	vst.add.f32.msk $0xffff, v10  }
0x1af: {  	[tilespmem:s20+$0x55A0] =	vst.add.f32.msk $0xffff, v11  }
0x1b0: {  	[tilespmem:s20+$0x55B0] =	vst.add.f32.msk $0xffff, v12  }
0x1b1: {  	[tilespmem:s20+$0x55C0] =	vst.add.f32.msk $0xffff, v13  }
0x1b2: {  	[tilespmem:s20+$0x55D0] =	vst.add.f32.msk $0xffff, v14  }
0x1b3: {  	[tilespmem:s20+$0x55E0] =	vst.add.f32.msk $0xffff, v15  }
0x1b4: {  	[tilespmem:s20+$0x55F0] =	vst.add.f32.msk $0xffff, v16  }
0x1b5: {  	[tilespmem:s20+$0x5600] =	vst.add.f32.msk $0xffff, v17  }
0x1b6: {  	[tilespmem:s20+$0x5610] =	vst.add.f32.msk $0xffff, v18  }
0x1b7: {  	[tilespmem:s20+$0x5620] =	vst.add.f32.msk $0xffff, v19  }
0x1b8: {  	[tilespmem:s20+$0x5630] =	vst.add.f32.msk $0xffff, v20  }
0x1b9: {  	[tilespmem:s20+$0x5640] =	vst.add.f32.msk $0xffff, v21  }
0x1ba: {  	[tilespmem:s20+$0x5650] =	vst.add.f32.msk $0xffff, v22  }
0x1bb: {  	[tilespmem:s20+$0x5660] =	vst.add.f32.msk $0xffff, v23  }
0x1bc: {  	[tilespmem:s20+$0x5670] =	vst.add.f32.msk $0xffff, v24  }
0x1bd: {  	[tilespmem:s20+$0x5680] =	vst.add.f32.msk $0xffff, v25  }
0x1be: {  	[tilespmem:s20+$0x5690] =	vst.add.f32.msk $0xffff, v26  }
0x1bf: {  	[tilespmem:s20+$0x56A0] =	vst.add.f32.msk $0xffff, v27  }
0x1c0: {  	[tilespmem:s20+$0x56B0] =	vst.add.f32.msk $0xffff, v28  }
0x1c1: {  	[tilespmem:s20+$0x56C0] =	vst.add.f32.msk $0xffff, v29  }
0x1c2: {  	s25 =	simm.s32 $0x800;
	s24 =	simm.s32 $0x0;
	[tilespmem:s20+$0x56D0] =	vst.add.f32.msk $0xffff, v30  }
.LBB2_7:
0x1c3: {  	s24 =	sadd.s32 $0x4, s24;
	[tilespmem:s20+$0x56E0] =	vst.add.f32.msk $0xffff, v0;
	s20 =	sshra.s32 s25, $0x2  }
0x1c4: {  	v0 =	vld [tilespmem:s20+$0x11EF0];
	p0 =	slt.u32 s24, $0x4C  }
0x1c5: {  	v1 =	vld [tilespmem:s20+$0x11D00]  }
0x1c6: {  	v2 =	vld [tilespmem:s20+$0x11D10]  }
0x1c7: {  	v3 =	vld [tilespmem:s20+$0x11D20]  }
0x1c8: {  	v4 =	vld [tilespmem:s20+$0x11D30]  }
0x1c9: {  	[tilespmem:s20+$0x56F0] =	vst.add.f32.msk $0xffff, v0  }
0x1ca: {  	v5 =	vld [tilespmem:s20+$0x11D40]  }
0x1cb: {  	v6 =	vld [tilespmem:s20+$0x11D50]  }
0x1cc: {  	v7 =	vld [tilespmem:s20+$0x11D60]  }
0x1cd: {  	v8 =	vld [tilespmem:s20+$0x11D70]  }
0x1ce: {  	v9 =	vld [tilespmem:s20+$0x11D80]  }
0x1cf: {  	v10 =	vld [tilespmem:s20+$0x11D90]  }
0x1d0: {  	v11 =	vld [tilespmem:s20+$0x11DA0]  }
0x1d1: {  	v12 =	vld [tilespmem:s20+$0x11DB0]  }
0x1d2: {  	v13 =	vld [tilespmem:s20+$0x11DC0]  }
0x1d3: {  	v14 =	vld [tilespmem:s20+$0x11DD0]  }
0x1d4: {  	v15 =	vld [tilespmem:s20+$0x11DE0]  }
0x1d5: {  	v16 =	vld [tilespmem:s20+$0x11DF0]  }
0x1d6: {  	v17 =	vld [tilespmem:s20+$0x11E00]  }
0x1d7: {  	v18 =	vld [tilespmem:s20+$0x11E10]  }
0x1d8: {  	v19 =	vld [tilespmem:s20+$0x11E20]  }
0x1d9: {  	v20 =	vld [tilespmem:s20+$0x11E30]  }
0x1da: {  	v21 =	vld [tilespmem:s20+$0x11E40]  }
0x1db: {  	v22 =	vld [tilespmem:s20+$0x11E50]  }
0x1dc: {  	v23 =	vld [tilespmem:s20+$0x11E60]  }
0x1dd: {  	v24 =	vld [tilespmem:s20+$0x11E70]  }
0x1de: {  	v25 =	vld [tilespmem:s20+$0x11E80]  }
0x1df: {  	v26 =	vld [tilespmem:s20+$0x11E90]  }
0x1e0: {  	v27 =	vld [tilespmem:s20+$0x11EA0]  }
0x1e1: {  	v28 =	vld [tilespmem:s20+$0x11EB0]  }
0x1e2: {  	v29 =	vld [tilespmem:s20+$0x11EC0]  }
0x1e3: {  	v30 =	vld [tilespmem:s20+$0x11ED0]  }
0x1e4: {  	v0 =	vld [tilespmem:s20+$0x11EE0]  }
0x1e5: {  	[tilespmem:s20+$0x5500] =	vst.add.f32.msk $0xffff, v1  }
0x1e6: {  	[tilespmem:s20+$0x5510] =	vst.add.f32.msk $0xffff, v2  }
0x1e7: {  	[tilespmem:s20+$0x5520] =	vst.add.f32.msk $0xffff, v3  }
0x1e8: {  	[tilespmem:s20+$0x5530] =	vst.add.f32.msk $0xffff, v4  }
0x1e9: {  	[tilespmem:s20+$0x5540] =	vst.add.f32.msk $0xffff, v5  }
0x1ea: {  	[tilespmem:s20+$0x5550] =	vst.add.f32.msk $0xffff, v6  }
0x1eb: {  	[tilespmem:s20+$0x5560] =	vst.add.f32.msk $0xffff, v7  }
0x1ec: {  	[tilespmem:s20+$0x5570] =	vst.add.f32.msk $0xffff, v8  }
0x1ed: {  	[tilespmem:s20+$0x5580] =	vst.add.f32.msk $0xffff, v9  }
0x1ee: {  	[tilespmem:s20+$0x5590] =	vst.add.f32.msk $0xffff, v10  }
0x1ef: {  	[tilespmem:s20+$0x55A0] =	vst.add.f32.msk $0xffff, v11  }
0x1f0: {  	[tilespmem:s20+$0x55B0] =	vst.add.f32.msk $0xffff, v12  }
0x1f1: {  	[tilespmem:s20+$0x55C0] =	vst.add.f32.msk $0xffff, v13  }
0x1f2: {  	[tilespmem:s20+$0x55D0] =	vst.add.f32.msk $0xffff, v14  }
0x1f3: {  	[tilespmem:s20+$0x55E0] =	vst.add.f32.msk $0xffff, v15  }
0x1f4: {  	[tilespmem:s20+$0x55F0] =	vst.add.f32.msk $0xffff, v16  }
0x1f5: {  	[tilespmem:s20+$0x5600] =	vst.add.f32.msk $0xffff, v17  }
0x1f6: {  	[tilespmem:s20+$0x5610] =	vst.add.f32.msk $0xffff, v18  }
0x1f7: {  	[tilespmem:s20+$0x5620] =	vst.add.f32.msk $0xffff, v19  }
0x1f8: {  	[tilespmem:s20+$0x5630] =	vst.add.f32.msk $0xffff, v20  }
0x1f9: {  	[tilespmem:s20+$0x5640] =	vst.add.f32.msk $0xffff, v21  }
0x1fa: {  	[tilespmem:s20+$0x5650] =	vst.add.f32.msk $0xffff, v22  }
0x1fb: {  	[tilespmem:s20+$0x5660] =	vst.add.f32.msk $0xffff, v23  }
0x1fc: {  	[tilespmem:s20+$0x5670] =	vst.add.f32.msk $0xffff, v24  }
0x1fd: {  	[tilespmem:s20+$0x5680] =	vst.add.f32.msk $0xffff, v25  }
.Ltmp2:
0x1fe: {  	[tilespmem:s20+$0x5690] =	vst.add.f32.msk $0xffff, v26;
	(pc) =	sbr.rel @p0 .LBB2_7-.Ltmp2, $4  }
0x1ff: {  	[tilespmem:s20+$0x56A0] =	vst.add.f32.msk $0xffff, v27  }
0x200: {  	[tilespmem:s20+$0x56B0] =	vst.add.f32.msk $0xffff, v28  }
0x201: {  	[tilespmem:s20+$0x56C0] =	vst.add.f32.msk $0xffff, v29  }
0x202: {  	s25 =	sadd.s32 $0x800, s25;
	[tilespmem:s20+$0x56D0] =	vst.add.f32.msk $0xffff, v30  }
0x203: {  	s24 =	sadd.s32 s22, s11  }
0x204: {  	s24 =	sshll.u32 s24, $0x4  }
0x205: {  	[tilespmem:s20+$0x56E0] =	vst.add.f32.msk $0xffff, v0;
	s28 =	simm.s32 $0x0;
	s26 =	sadd.s32 s8, s24  }
0x206: {  	[hbm4b:s26+s28] =	stream.linear.scatter [tilespmem:s19], [sflag:$0x3], $0x2800, $0x38;
	[tilespmem:$0x19500] =	vst v63  }
0x207: {  	_ =	swait.ge [sflag:s17], $0x2800  }
0x208: {  	[sflag:s17] =	ssyncset.done $0x0  }
0x209: {  	[sflag:s17] =	ssyncadd.s32 $0xFFFFD800  }
0x20a: {  	_ =	swait.ge [sflag:s17], $0x2800  }
0x20b: {  	[sflag:s17] =	ssyncset.done $0x0  }
0x20c: {  	s20 =	simm.s32 $0x0;
	[sflag:s17] =	ssyncadd.s32 $0xFFFFD800  }
0x20d: {  	v0 =	vld [tilespmem:s20+$0x146F0]  }
0x20e: {  	v1 =	vld [tilespmem:s20+$0x14500]  }
0x20f: {  	v2 =	vld [tilespmem:s20+$0x14510]  }
0x210: {  	v3 =	vld [tilespmem:s20+$0x14520]  }
0x211: {  	v4 =	vld [tilespmem:s20+$0x14530]  }
0x212: {  	v5 =	vld [tilespmem:s20+$0x14540]  }
0x213: {  	v6 =	vld [tilespmem:s20+$0x14550]  }
0x214: {  	v7 =	vld [tilespmem:s20+$0x14560]  }
0x215: {  	v8 =	vld [tilespmem:s20+$0x14570]  }
0x216: {  	v9 =	vld [tilespmem:s20+$0x14580]  }
0x217: {  	v10 =	vld [tilespmem:s20+$0x14590]  }
0x218: {  	v11 =	vld [tilespmem:s20+$0x145A0]  }
0x219: {  	v12 =	vld [tilespmem:s20+$0x145B0]  }
0x21a: {  	v13 =	vld [tilespmem:s20+$0x145C0]  }
0x21b: {  	v14 =	vld [tilespmem:s20+$0x145D0]  }
0x21c: {  	v15 =	vld [tilespmem:s20+$0x145E0]  }
0x21d: {  	v16 =	vld [tilespmem:s20+$0x145F0]  }
0x21e: {  	v17 =	vld [tilespmem:s20+$0x14600]  }
0x21f: {  	v18 =	vld [tilespmem:s20+$0x14610]  }
0x220: {  	v19 =	vld [tilespmem:s20+$0x14620]  }
0x221: {  	v20 =	vld [tilespmem:s20+$0x14630]  }
0x222: {  	v21 =	vld [tilespmem:s20+$0x14640]  }
0x223: {  	v22 =	vld [tilespmem:s20+$0x14650]  }
0x224: {  	v23 =	vld [tilespmem:s20+$0x14660]  }
0x225: {  	v24 =	vld [tilespmem:s20+$0x14670]  }
0x226: {  	v25 =	vld [tilespmem:s20+$0x14680]  }
0x227: {  	v26 =	vld [tilespmem:s20+$0x14690]  }
0x228: {  	v27 =	vld [tilespmem:s20+$0x146A0]  }
0x229: {  	v28 =	vld [tilespmem:s20+$0x146B0]  }
0x22a: {  	v29 =	vld [tilespmem:s20+$0x146C0]  }
0x22b: {  	v30 =	vld [tilespmem:s20+$0x146D0]  }
0x22c: {  	[tilespmem:s20+$0x7EF0] =	vst.add.f32.msk $0xffff, v0  }
0x22d: {  	v0 =	vld [tilespmem:s20+$0x146E0]  }
0x22e: {  	[tilespmem:s20+$0x7D00] =	vst.add.f32.msk $0xffff, v1  }
0x22f: {  	[tilespmem:s20+$0x7D10] =	vst.add.f32.msk $0xffff, v2  }
0x230: {  	[tilespmem:s20+$0x7D20] =	vst.add.f32.msk $0xffff, v3  }
0x231: {  	[tilespmem:s20+$0x7D30] =	vst.add.f32.msk $0xffff, v4  }
0x232: {  	[tilespmem:s20+$0x7D40] =	vst.add.f32.msk $0xffff, v5  }
0x233: {  	[tilespmem:s20+$0x7D50] =	vst.add.f32.msk $0xffff, v6  }
0x234: {  	[tilespmem:s20+$0x7D60] =	vst.add.f32.msk $0xffff, v7  }
0x235: {  	[tilespmem:s20+$0x7D70] =	vst.add.f32.msk $0xffff, v8  }
0x236: {  	[tilespmem:s20+$0x7D80] =	vst.add.f32.msk $0xffff, v9  }
0x237: {  	[tilespmem:s20+$0x7D90] =	vst.add.f32.msk $0xffff, v10  }
0x238: {  	[tilespmem:s20+$0x7DA0] =	vst.add.f32.msk $0xffff, v11  }
0x239: {  	[tilespmem:s20+$0x7DB0] =	vst.add.f32.msk $0xffff, v12  }
0x23a: {  	[tilespmem:s20+$0x7DC0] =	vst.add.f32.msk $0xffff, v13  }
0x23b: {  	[tilespmem:s20+$0x7DD0] =	vst.add.f32.msk $0xffff, v14  }
0x23c: {  	[tilespmem:s20+$0x7DE0] =	vst.add.f32.msk $0xffff, v15  }
0x23d: {  	[tilespmem:s20+$0x7DF0] =	vst.add.f32.msk $0xffff, v16  }
0x23e: {  	[tilespmem:s20+$0x7E00] =	vst.add.f32.msk $0xffff, v17  }
0x23f: {  	[tilespmem:s20+$0x7E10] =	vst.add.f32.msk $0xffff, v18  }
0x240: {  	[tilespmem:s20+$0x7E20] =	vst.add.f32.msk $0xffff, v19  }
0x241: {  	[tilespmem:s20+$0x7E30] =	vst.add.f32.msk $0xffff, v20  }
0x242: {  	[tilespmem:s20+$0x7E40] =	vst.add.f32.msk $0xffff, v21  }
0x243: {  	[tilespmem:s20+$0x7E50] =	vst.add.f32.msk $0xffff, v22  }
0x244: {  	[tilespmem:s20+$0x7E60] =	vst.add.f32.msk $0xffff, v23  }
0x245: {  	[tilespmem:s20+$0x7E70] =	vst.add.f32.msk $0xffff, v24  }
0x246: {  	[tilespmem:s20+$0x7E80] =	vst.add.f32.msk $0xffff, v25  }
0x247: {  	[tilespmem:s20+$0x7E90] =	vst.add.f32.msk $0xffff, v26  }
0x248: {  	[tilespmem:s20+$0x7EA0] =	vst.add.f32.msk $0xffff, v27  }
0x249: {  	[tilespmem:s20+$0x7EB0] =	vst.add.f32.msk $0xffff, v28  }
0x24a: {  	[tilespmem:s20+$0x7EC0] =	vst.add.f32.msk $0xffff, v29  }
0x24b: {  	s25 =	simm.s32 $0x800;
	s24 =	simm.s32 $0x0;
	[tilespmem:s20+$0x7ED0] =	vst.add.f32.msk $0xffff, v30  }
.LBB2_9:
0x24c: {  	s24 =	sadd.s32 $0x4, s24;
	[tilespmem:s20+$0x7EE0] =	vst.add.f32.msk $0xffff, v0;
	s20 =	sshra.s32 s25, $0x2  }
0x24d: {  	v0 =	vld [tilespmem:s20+$0x146F0];
	p0 =	slt.u32 s24, $0x4C  }
0x24e: {  	v1 =	vld [tilespmem:s20+$0x14500]  }
0x24f: {  	v2 =	vld [tilespmem:s20+$0x14510]  }
0x250: {  	v3 =	vld [tilespmem:s20+$0x14520]  }
0x251: {  	v4 =	vld [tilespmem:s20+$0x14530]  }
0x252: {  	[tilespmem:s20+$0x7EF0] =	vst.add.f32.msk $0xffff, v0  }
0x253: {  	v5 =	vld [tilespmem:s20+$0x14540]  }
0x254: {  	v6 =	vld [tilespmem:s20+$0x14550]  }
0x255: {  	v7 =	vld [tilespmem:s20+$0x14560]  }
0x256: {  	v8 =	vld [tilespmem:s20+$0x14570]  }
0x257: {  	v9 =	vld [tilespmem:s20+$0x14580]  }
0x258: {  	v10 =	vld [tilespmem:s20+$0x14590]  }
0x259: {  	v11 =	vld [tilespmem:s20+$0x145A0]  }
0x25a: {  	v12 =	vld [tilespmem:s20+$0x145B0]  }
0x25b: {  	v13 =	vld [tilespmem:s20+$0x145C0]  }
0x25c: {  	v14 =	vld [tilespmem:s20+$0x145D0]  }
0x25d: {  	v15 =	vld [tilespmem:s20+$0x145E0]  }
0x25e: {  	v16 =	vld [tilespmem:s20+$0x145F0]  }
0x25f: {  	v17 =	vld [tilespmem:s20+$0x14600]  }
0x260: {  	v18 =	vld [tilespmem:s20+$0x14610]  }
0x261: {  	v19 =	vld [tilespmem:s20+$0x14620]  }
0x262: {  	v20 =	vld [tilespmem:s20+$0x14630]  }
0x263: {  	v21 =	vld [tilespmem:s20+$0x14640]  }
0x264: {  	v22 =	vld [tilespmem:s20+$0x14650]  }
0x265: {  	v23 =	vld [tilespmem:s20+$0x14660]  }
0x266: {  	v24 =	vld [tilespmem:s20+$0x14670]  }
0x267: {  	v25 =	vld [tilespmem:s20+$0x14680]  }
0x268: {  	v26 =	vld [tilespmem:s20+$0x14690]  }
0x269: {  	v27 =	vld [tilespmem:s20+$0x146A0]  }
0x26a: {  	v28 =	vld [tilespmem:s20+$0x146B0]  }
0x26b: {  	v29 =	vld [tilespmem:s20+$0x146C0]  }
0x26c: {  	v30 =	vld [tilespmem:s20+$0x146D0]  }
0x26d: {  	v0 =	vld [tilespmem:s20+$0x146E0]  }
0x26e: {  	[tilespmem:s20+$0x7D00] =	vst.add.f32.msk $0xffff, v1  }
0x26f: {  	[tilespmem:s20+$0x7D10] =	vst.add.f32.msk $0xffff, v2  }
0x270: {  	[tilespmem:s20+$0x7D20] =	vst.add.f32.msk $0xffff, v3  }
0x271: {  	[tilespmem:s20+$0x7D30] =	vst.add.f32.msk $0xffff, v4  }
0x272: {  	[tilespmem:s20+$0x7D40] =	vst.add.f32.msk $0xffff, v5  }
0x273: {  	[tilespmem:s20+$0x7D50] =	vst.add.f32.msk $0xffff, v6  }
0x274: {  	[tilespmem:s20+$0x7D60] =	vst.add.f32.msk $0xffff, v7  }
0x275: {  	[tilespmem:s20+$0x7D70] =	vst.add.f32.msk $0xffff, v8  }
0x276: {  	[tilespmem:s20+$0x7D80] =	vst.add.f32.msk $0xffff, v9  }
0x277: {  	[tilespmem:s20+$0x7D90] =	vst.add.f32.msk $0xffff, v10  }
0x278: {  	[tilespmem:s20+$0x7DA0] =	vst.add.f32.msk $0xffff, v11  }
0x279: {  	[tilespmem:s20+$0x7DB0] =	vst.add.f32.msk $0xffff, v12  }
0x27a: {  	[tilespmem:s20+$0x7DC0] =	vst.add.f32.msk $0xffff, v13  }
0x27b: {  	[tilespmem:s20+$0x7DD0] =	vst.add.f32.msk $0xffff, v14  }
0x27c: {  	[tilespmem:s20+$0x7DE0] =	vst.add.f32.msk $0xffff, v15  }
0x27d: {  	[tilespmem:s20+$0x7DF0] =	vst.add.f32.msk $0xffff, v16  }
0x27e: {  	[tilespmem:s20+$0x7E00] =	vst.add.f32.msk $0xffff, v17  }
0x27f: {  	[tilespmem:s20+$0x7E10] =	vst.add.f32.msk $0xffff, v18  }
0x280: {  	[tilespmem:s20+$0x7E20] =	vst.add.f32.msk $0xffff, v19  }
0x281: {  	[tilespmem:s20+$0x7E30] =	vst.add.f32.msk $0xffff, v20  }
0x282: {  	[tilespmem:s20+$0x7E40] =	vst.add.f32.msk $0xffff, v21  }
0x283: {  	[tilespmem:s20+$0x7E50] =	vst.add.f32.msk $0xffff, v22  }
0x284: {  	[tilespmem:s20+$0x7E60] =	vst.add.f32.msk $0xffff, v23  }
0x285: {  	[tilespmem:s20+$0x7E70] =	vst.add.f32.msk $0xffff, v24  }
0x286: {  	[tilespmem:s20+$0x7E80] =	vst.add.f32.msk $0xffff, v25  }
.Ltmp3:
0x287: {  	[tilespmem:s20+$0x7E90] =	vst.add.f32.msk $0xffff, v26;
	(pc) =	sbr.rel @p0 .LBB2_9-.Ltmp3, $4  }
0x288: {  	[tilespmem:s20+$0x7EA0] =	vst.add.f32.msk $0xffff, v27  }
0x289: {  	[tilespmem:s20+$0x7EB0] =	vst.add.f32.msk $0xffff, v28  }
0x28a: {  	[tilespmem:s20+$0x7EC0] =	vst.add.f32.msk $0xffff, v29  }
0x28b: {  	s25 =	sadd.s32 $0x800, s25;
	[tilespmem:s20+$0x7ED0] =	vst.add.f32.msk $0xffff, v30  }
0x28c: {  	s24 =	sadd.s32 s22, s16  }
0x28d: {  	s24 =	sshll.u32 s24, $0x4  }
0x28e: {  	[tilespmem:s20+$0x7EE0] =	vst.add.f32.msk $0xffff, v0;
	s28 =	sadd.s32 s8, s24  }
0x28f: {  	[hbm4b:s28+s2] =	stream.linear.scatter [tilespmem:s21], [sflag:$0x3], $0x2800, $0x38;
	[tilespmem:$0x19500] =	vst v63  }
0x290: {  	s20 =	sadd.s32 $0x1, s14;
	p0 =	seq.s32 s14, $0x18;
	_ =	swait.ge [sflag:s17], $0x2800  }
0x291: {  	s14 =	smul.u32 @!p0 $0x190, s20;
	[sflag:s17] =	ssyncset.done $0x0  }
0x292: {  	[sflag:s17] =	ssyncadd.s32 $0xFFFFD800  }
0x293: {  	s24 =	sadd.s32 @!p0 s6, s14;
	_ =	swait.ge [sflag:s17], $0x2800  }
0x294: {  	s24 =	sshrl.u32 @!p0 s24, $0x3;
	[sflag:s17] =	ssyncset.done $0x0  }
0x295: {  	s26 =	simm.s32 @!p0 $0x0;
	s25 =	sadd.s32 @!p0 s5, s24;
	[sflag:s17] =	ssyncadd.s32 $0xFFFFD800  }
0x296: {  	[tilespmem:s26], [sflag:$0x1] =	stream.linear.gather @!p0 [hbm4b:s25+s26], $0x50, $0x38;
	[tilespmem:$0x19500] =	vst v63  }
0x297: {  	s24 =	sadd.s32 @!p0 s7, s24;
	s25 =	simm.s32 @!p0 $0x280  }
0x298: {  	[tilespmem:s25], [sflag:$0x1] =	stream.linear.gather @!p0 [hbm4b:s24+s26], $0x50, $0x38;
	[tilespmem:$0x19500] =	vst v63  }
0x299: {  	s24 =	sadd.s32 @!p0 s14, s9  }
0x29a: {  	s24 =	sshrl.u32 @!p0 s24, $0x3  }
0x29b: {  	s28 =	simm.s32 @!p0 $0x80;
	s25 =	sadd.s32 @!p0 s5, s24  }
0x29c: {  	[tilespmem:s28], [sflag:$0x1] =	stream.linear.gather @!p0 [hbm4b:s25+s26], $0x50, $0x38;
	[tilespmem:$0x19500] =	vst v63  }
0x29d: {  	s24 =	sadd.s32 @!p0 s7, s24;
	s25 =	simm.s32 @!p0 $0x300  }
0x29e: {  	[tilespmem:s25], [sflag:$0x1] =	stream.linear.gather @!p0 [hbm4b:s24+s26], $0x50, $0x38;
	[tilespmem:$0x19500] =	vst v63  }
0x29f: {  	s24 =	sadd.s32 @!p0 s14, s11  }
0x2a0: {  	s24 =	sshrl.u32 @!p0 s24, $0x3  }
0x2a1: {  	s28 =	simm.s32 @!p0 $0x100;
	s25 =	sadd.s32 @!p0 s5, s24  }
0x2a2: {  	[tilespmem:s28], [sflag:$0x1] =	stream.linear.gather @!p0 [hbm4b:s25+s26], $0x50, $0x38;
	[tilespmem:$0x19500] =	vst v63  }
0x2a3: {  	s24 =	sadd.s32 @!p0 s7, s24;
	s25 =	simm.s32 @!p0 $0x380  }
0x2a4: {  	[tilespmem:s25], [sflag:$0x1] =	stream.linear.gather @!p0 [hbm4b:s24+s26], $0x50, $0x38;
	[tilespmem:$0x19500] =	vst v63  }
0x2a5: {  	s24 =	sadd.s32 @!p0 s14, s16  }
0x2a6: {  	s24 =	sshrl.u32 @!p0 s24, $0x3  }
0x2a7: {  	s28 =	simm.s32 @!p0 $0x180;
	s14 =	sadd.s32 @!p0 s14, s18;
	s25 =	sadd.s32 @!p0 s5, s24  }
0x2a8: {  	[tilespmem:s28], [sflag:$0x1] =	stream.linear.gather @!p0 [hbm4b:s25+s26], $0x50, $0x38;
	[tilespmem:$0x19500] =	vst v63  }
0x2a9: {  	s14 =	sshrl.u32 @!p0 s14, $0x3;
	s24 =	sadd.s32 @!p0 s7, s24;
	s25 =	simm.s32 @!p0 $0x400  }
0x2aa: {  	[tilespmem:s25], [sflag:$0x1] =	stream.linear.gather @!p0 [hbm4b:s24+s26], $0x50, $0x38;
	[tilespmem:$0x19500] =	vst v63  }
0x2ab: {  	s24 =	sadd.s32 @!p0 s5, s14;
	s25 =	simm.s32 @!p0 $0x200  }
0x2ac: {  	[tilespmem:s25], [sflag:$0x1] =	stream.linear.gather @!p0 [hbm4b:s24+s26], $0x50, $0x38;
	[tilespmem:$0x19500] =	vst v63  }
0x2ad: {  	s14 =	sadd.s32 @!p0 s7, s14;
	s24 =	simm.s32 @!p0 $0x480  }
0x2ae: {  	[tilespmem:s24], [sflag:$0x1] =	stream.linear.gather @!p0 [hbm4b:s14+s26], $0x50, $0x38;
	[tilespmem:$0x19500] =	vst v63  }
0x2af: {  	s14 =	simm.s32 $0x0  }
0x2b0: {  	v0 =	vld [tilespmem:s14+$0x16EF0]  }
0x2b1: {  	v1 =	vld [tilespmem:s14+$0x16D00]  }
0x2b2: {  	v2 =	vld [tilespmem:s14+$0x16D10]  }
0x2b3: {  	v3 =	vld [tilespmem:s14+$0x16D20]  }
0x2b4: {  	v4 =	vld [tilespmem:s14+$0x16D30]  }
0x2b5: {  	v5 =	vld [tilespmem:s14+$0x16D40]  }
0x2b6: {  	v6 =	vld [tilespmem:s14+$0x16D50]  }
0x2b7: {  	v7 =	vld [tilespmem:s14+$0x16D60]  }
0x2b8: {  	v8 =	vld [tilespmem:s14+$0x16D70]  }
0x2b9: {  	v9 =	vld [tilespmem:s14+$0x16D80]  }
0x2ba: {  	v10 =	vld [tilespmem:s14+$0x16D90]  }
0x2bb: {  	v11 =	vld [tilespmem:s14+$0x16DA0]  }
0x2bc: {  	v12 =	vld [tilespmem:s14+$0x16DB0]  }
0x2bd: {  	v13 =	vld [tilespmem:s14+$0x16DC0]  }
0x2be: {  	v14 =	vld [tilespmem:s14+$0x16DD0]  }
0x2bf: {  	v15 =	vld [tilespmem:s14+$0x16DE0]  }
0x2c0: {  	v16 =	vld [tilespmem:s14+$0x16DF0]  }
0x2c1: {  	v17 =	vld [tilespmem:s14+$0x16E00]  }
0x2c2: {  	v18 =	vld [tilespmem:s14+$0x16E10]  }
0x2c3: {  	v19 =	vld [tilespmem:s14+$0x16E20]  }
0x2c4: {  	v20 =	vld [tilespmem:s14+$0x16E30]  }
0x2c5: {  	v21 =	vld [tilespmem:s14+$0x16E40]  }
0x2c6: {  	v22 =	vld [tilespmem:s14+$0x16E50]  }
0x2c7: {  	v23 =	vld [tilespmem:s14+$0x16E60]  }
0x2c8: {  	v24 =	vld [tilespmem:s14+$0x16E70]  }
0x2c9: {  	v25 =	vld [tilespmem:s14+$0x16E80]  }
0x2ca: {  	v26 =	vld [tilespmem:s14+$0x16E90]  }
0x2cb: {  	v27 =	vld [tilespmem:s14+$0x16EA0]  }
0x2cc: {  	v28 =	vld [tilespmem:s14+$0x16EB0]  }
0x2cd: {  	v29 =	vld [tilespmem:s14+$0x16EC0]  }
0x2ce: {  	v30 =	vld [tilespmem:s14+$0x16ED0]  }
0x2cf: {  	[tilespmem:s14+$0xA6F0] =	vst.add.f32.msk $0xffff, v0  }
0x2d0: {  	v0 =	vld [tilespmem:s14+$0x16EE0]  }
0x2d1: {  	[tilespmem:s14+$0xA500] =	vst.add.f32.msk $0xffff, v1  }
0x2d2: {  	[tilespmem:s14+$0xA510] =	vst.add.f32.msk $0xffff, v2  }
0x2d3: {  	[tilespmem:s14+$0xA520] =	vst.add.f32.msk $0xffff, v3  }
0x2d4: {  	[tilespmem:s14+$0xA530] =	vst.add.f32.msk $0xffff, v4  }
0x2d5: {  	[tilespmem:s14+$0xA540] =	vst.add.f32.msk $0xffff, v5  }
0x2d6: {  	[tilespmem:s14+$0xA550] =	vst.add.f32.msk $0xffff, v6  }
0x2d7: {  	[tilespmem:s14+$0xA560] =	vst.add.f32.msk $0xffff, v7  }
0x2d8: {  	[tilespmem:s14+$0xA570] =	vst.add.f32.msk $0xffff, v8  }
0x2d9: {  	[tilespmem:s14+$0xA580] =	vst.add.f32.msk $0xffff, v9  }
0x2da: {  	[tilespmem:s14+$0xA590] =	vst.add.f32.msk $0xffff, v10  }
0x2db: {  	[tilespmem:s14+$0xA5A0] =	vst.add.f32.msk $0xffff, v11  }
0x2dc: {  	[tilespmem:s14+$0xA5B0] =	vst.add.f32.msk $0xffff, v12  }
0x2dd: {  	[tilespmem:s14+$0xA5C0] =	vst.add.f32.msk $0xffff, v13  }
0x2de: {  	[tilespmem:s14+$0xA5D0] =	vst.add.f32.msk $0xffff, v14  }
0x2df: {  	[tilespmem:s14+$0xA5E0] =	vst.add.f32.msk $0xffff, v15  }
0x2e0: {  	[tilespmem:s14+$0xA5F0] =	vst.add.f32.msk $0xffff, v16  }
0x2e1: {  	[tilespmem:s14+$0xA600] =	vst.add.f32.msk $0xffff, v17  }
0x2e2: {  	[tilespmem:s14+$0xA610] =	vst.add.f32.msk $0xffff, v18  }
0x2e3: {  	[tilespmem:s14+$0xA620] =	vst.add.f32.msk $0xffff, v19  }
0x2e4: {  	[tilespmem:s14+$0xA630] =	vst.add.f32.msk $0xffff, v20  }
0x2e5: {  	[tilespmem:s14+$0xA640] =	vst.add.f32.msk $0xffff, v21  }
0x2e6: {  	[tilespmem:s14+$0xA650] =	vst.add.f32.msk $0xffff, v22  }
0x2e7: {  	[tilespmem:s14+$0xA660] =	vst.add.f32.msk $0xffff, v23  }
0x2e8: {  	[tilespmem:s14+$0xA670] =	vst.add.f32.msk $0xffff, v24  }
0x2e9: {  	[tilespmem:s14+$0xA680] =	vst.add.f32.msk $0xffff, v25  }
0x2ea: {  	[tilespmem:s14+$0xA690] =	vst.add.f32.msk $0xffff, v26  }
0x2eb: {  	[tilespmem:s14+$0xA6A0] =	vst.add.f32.msk $0xffff, v27  }
0x2ec: {  	[tilespmem:s14+$0xA6B0] =	vst.add.f32.msk $0xffff, v28  }
0x2ed: {  	[tilespmem:s14+$0xA6C0] =	vst.add.f32.msk $0xffff, v29  }
0x2ee: {  	s25 =	simm.s32 $0x800;
	s24 =	simm.s32 $0x0;
	[tilespmem:s14+$0xA6D0] =	vst.add.f32.msk $0xffff, v30  }
.LBB2_11:
0x2ef: {  	s24 =	sadd.s32 $0x4, s24;
	[tilespmem:s14+$0xA6E0] =	vst.add.f32.msk $0xffff, v0;
	s14 =	sshra.s32 s25, $0x2  }
0x2f0: {  	v0 =	vld [tilespmem:s14+$0x16EF0];
	p0 =	slt.u32 s24, $0x4C  }
0x2f1: {  	v1 =	vld [tilespmem:s14+$0x16D00]  }
0x2f2: {  	v2 =	vld [tilespmem:s14+$0x16D10]  }
0x2f3: {  	v3 =	vld [tilespmem:s14+$0x16D20]  }
0x2f4: {  	v4 =	vld [tilespmem:s14+$0x16D30]  }
0x2f5: {  	[tilespmem:s14+$0xA6F0] =	vst.add.f32.msk $0xffff, v0  }
0x2f6: {  	v5 =	vld [tilespmem:s14+$0x16D40]  }
0x2f7: {  	v6 =	vld [tilespmem:s14+$0x16D50]  }
0x2f8: {  	v7 =	vld [tilespmem:s14+$0x16D60]  }
0x2f9: {  	v8 =	vld [tilespmem:s14+$0x16D70]  }
0x2fa: {  	v9 =	vld [tilespmem:s14+$0x16D80]  }
0x2fb: {  	v10 =	vld [tilespmem:s14+$0x16D90]  }
0x2fc: {  	v11 =	vld [tilespmem:s14+$0x16DA0]  }
0x2fd: {  	v12 =	vld [tilespmem:s14+$0x16DB0]  }
0x2fe: {  	v13 =	vld [tilespmem:s14+$0x16DC0]  }
0x2ff: {  	v14 =	vld [tilespmem:s14+$0x16DD0]  }
0x300: {  	v15 =	vld [tilespmem:s14+$0x16DE0]  }
0x301: {  	v16 =	vld [tilespmem:s14+$0x16DF0]  }
0x302: {  	v17 =	vld [tilespmem:s14+$0x16E00]  }
0x303: {  	v18 =	vld [tilespmem:s14+$0x16E10]  }
0x304: {  	v19 =	vld [tilespmem:s14+$0x16E20]  }
0x305: {  	v20 =	vld [tilespmem:s14+$0x16E30]  }
0x306: {  	v21 =	vld [tilespmem:s14+$0x16E40]  }
0x307: {  	v22 =	vld [tilespmem:s14+$0x16E50]  }
0x308: {  	v23 =	vld [tilespmem:s14+$0x16E60]  }
0x309: {  	v24 =	vld [tilespmem:s14+$0x16E70]  }
0x30a: {  	v25 =	vld [tilespmem:s14+$0x16E80]  }
0x30b: {  	v26 =	vld [tilespmem:s14+$0x16E90]  }
0x30c: {  	v27 =	vld [tilespmem:s14+$0x16EA0]  }
0x30d: {  	v28 =	vld [tilespmem:s14+$0x16EB0]  }
0x30e: {  	v29 =	vld [tilespmem:s14+$0x16EC0]  }
0x30f: {  	v30 =	vld [tilespmem:s14+$0x16ED0]  }
0x310: {  	v0 =	vld [tilespmem:s14+$0x16EE0]  }
0x311: {  	[tilespmem:s14+$0xA500] =	vst.add.f32.msk $0xffff, v1  }
0x312: {  	[tilespmem:s14+$0xA510] =	vst.add.f32.msk $0xffff, v2  }
0x313: {  	[tilespmem:s14+$0xA520] =	vst.add.f32.msk $0xffff, v3  }
0x314: {  	[tilespmem:s14+$0xA530] =	vst.add.f32.msk $0xffff, v4  }
0x315: {  	[tilespmem:s14+$0xA540] =	vst.add.f32.msk $0xffff, v5  }
0x316: {  	[tilespmem:s14+$0xA550] =	vst.add.f32.msk $0xffff, v6  }
0x317: {  	[tilespmem:s14+$0xA560] =	vst.add.f32.msk $0xffff, v7  }
0x318: {  	[tilespmem:s14+$0xA570] =	vst.add.f32.msk $0xffff, v8  }
0x319: {  	[tilespmem:s14+$0xA580] =	vst.add.f32.msk $0xffff, v9  }
0x31a: {  	[tilespmem:s14+$0xA590] =	vst.add.f32.msk $0xffff, v10  }
0x31b: {  	[tilespmem:s14+$0xA5A0] =	vst.add.f32.msk $0xffff, v11  }
0x31c: {  	[tilespmem:s14+$0xA5B0] =	vst.add.f32.msk $0xffff, v12  }
0x31d: {  	[tilespmem:s14+$0xA5C0] =	vst.add.f32.msk $0xffff, v13  }
0x31e: {  	[tilespmem:s14+$0xA5D0] =	vst.add.f32.msk $0xffff, v14  }
0x31f: {  	[tilespmem:s14+$0xA5E0] =	vst.add.f32.msk $0xffff, v15  }
0x320: {  	[tilespmem:s14+$0xA5F0] =	vst.add.f32.msk $0xffff, v16  }
0x321: {  	[tilespmem:s14+$0xA600] =	vst.add.f32.msk $0xffff, v17  }
0x322: {  	[tilespmem:s14+$0xA610] =	vst.add.f32.msk $0xffff, v18  }
0x323: {  	[tilespmem:s14+$0xA620] =	vst.add.f32.msk $0xffff, v19  }
0x324: {  	[tilespmem:s14+$0xA630] =	vst.add.f32.msk $0xffff, v20  }
0x325: {  	[tilespmem:s14+$0xA640] =	vst.add.f32.msk $0xffff, v21  }
0x326: {  	[tilespmem:s14+$0xA650] =	vst.add.f32.msk $0xffff, v22  }
0x327: {  	[tilespmem:s14+$0xA660] =	vst.add.f32.msk $0xffff, v23  }
0x328: {  	[tilespmem:s14+$0xA670] =	vst.add.f32.msk $0xffff, v24  }
0x329: {  	[tilespmem:s14+$0xA680] =	vst.add.f32.msk $0xffff, v25  }
.Ltmp4:
0x32a: {  	[tilespmem:s14+$0xA690] =	vst.add.f32.msk $0xffff, v26;
	(pc) =	sbr.rel @p0 .LBB2_11-.Ltmp4, $4  }
0x32b: {  	[tilespmem:s14+$0xA6A0] =	vst.add.f32.msk $0xffff, v27  }
0x32c: {  	[tilespmem:s14+$0xA6B0] =	vst.add.f32.msk $0xffff, v28  }
0x32d: {  	[tilespmem:s14+$0xA6C0] =	vst.add.f32.msk $0xffff, v29  }
0x32e: {  	s25 =	sadd.s32 $0x800, s25;
	[tilespmem:s14+$0xA6D0] =	vst.add.f32.msk $0xffff, v30  }
0x32f: {  	p0 =	sne.s32 s20, $0x19  }
.Ltmp5:
0x330: {  	_ = 	snop;
	(pc) =	sbr.rel @p0 .LBB2_2-.Ltmp5, $4  }
0x331: {  	s22 =	sadd.s32 s22, s18  }
0x332: {  	s22 =	sshll.u32 s22, $0x4  }
0x333: {  	[tilespmem:s14+$0xA6E0] =	vst.add.f32.msk $0xffff, v0;
	s14 =	smov.u32 s20;
	s28 =	sadd.s32 s8, s22  }
0x334: {  	[hbm4b:s28+s2] =	stream.linear.scatter [tilespmem:s23], [sflag:$0x3], $0x2800, $0x38;
	[tilespmem:$0x19500] =	vst v63  }
0x335: {  	s20 =	simm.s32 $0x3  }
0x336: {  	_ =	swait.ge [sflag:s20], $0x2800  }
0x337: {  	[sflag:s20] =	ssyncset.done $0x0  }
0x338: {  	[sflag:s20] =	ssyncadd.s32 $0xFFFFD800  }
0x339: {  	_ =	swait.ge [sflag:s20], $0x2800  }
0x33a: {  	[sflag:s20] =	ssyncset.done $0x0  }
0x33b: {  	[sflag:s20] =	ssyncadd.s32 $0xFFFFD800  }
0x33c: {  	_ =	swait.ge [sflag:s20], $0x2800  }
0x33d: {  	[sflag:s20] =	ssyncset.done $0x0  }
0x33e: {  	[sflag:s20] =	ssyncadd.s32 $0xFFFFD800  }
0x33f: {  	_ =	swait.ge [sflag:s20], $0x2800  }
0x340: {  	[sflag:s20] =	ssyncset.done $0x0  }
0x341: {  	[sflag:s20] =	ssyncadd.s32 $0xFFFFD800  }
0x342: {  	_ =	swait.ge [sflag:s20], $0x2800  }
0x343: {  	s22 =	rddreg [dreg:$0xd]  }
0x344: {  	s14 =	rddreg [dreg:$0xc];
	s22 =	sadd.s32 $0x1, s22  }
0x345: {  	p0 =	sne.s32 s22, s14  }
.Ltmp6:
0x346: {  	_ = 	snop;
	(pc) =	sbr.rel @p0 .LBB2_1-.Ltmp6, $3  }
0x347: {  	_ =	sdelay $0x1  }
0x348: {  	[sflag:s20] =	ssyncset.done $0x0  }
0x349: {  	[sflag:s20] =	ssyncadd.s32 $0xFFFFD800  }
0x34a: {  	_ =	sfence.sel $0x180000  }
0x34b: {  	[bflag:$0x0] =	sbarrier.arrive $0xFFFF  }
0x34c: {  	_ =	strace $0x90000047  }
0x34d: {  	s0 =	stileid.u32;
	[bflag:$0x2] =	sbarrier.arrive $0xFFFF  }
0x34e: {  	p0 =	sne.s32 s0, $0x0;
	s0 =	rddreg [dreg:$0x1]  }
0x34f: {  	s0 =	sadd.s32 @!p0 $0x100000, s0  }
0x350: {  	[sflag:s0] =	ssyncadd.tile.s32 @!p0 $0x1;
	_ =	shalt  }
.Lfunc_end2:
_tile_overlayer_lowered:
.L_overlay_start_2:
0x351: {  	(tag) =	ssettag $0x2  }
0x352: {  	s0 =	rddreg [dreg:$0x0];
	s2 =	stileid.u32  }
0x353: {  	s1 =	rddreg [dreg:$0x1];
	p0 =	sne.s32 s2, $0x0  }
0x354: {  	s3 =	rddreg [dreg:$0x2];
	[bflag:$0x3] =	sbarrier.arrive $0xFFFF;
	s2 =	simm.s32 @!p0 $0x1C04  }
0x355: {  	[timem:s3], [sflag:s2] =	dma.local @!p0 [hbm:s0], s1  }
0x356: {  	s0 =	simm.s32 @!p0 $0x4  }
0x357: {  	_ =	swait.ge @!p0 [sflag:s0], s1  }
0x358: {  	s1 =	ssub.s32 @!p0 $0x0, s1;
	[sflag:s0] =	ssyncset.done @!p0 $0x0  }
0x359: {  	[sflag:s0] =	ssyncadd.s32 @!p0 s1  }
0x35a: {  	[bflag:$0x3] =	sbarrier.arrive $0xFFFF  }
0x35b: {  	_ =	shalt  }

</sc_bundles>
